<compile_context>
chip_gen: v7x
topology: tpu7x:2x2x1
jax: 0.10.2.dev20260603
libtpu: 0.0.44.dev20260713+nightly
codegen_flags: <defaults>
</compile_context>

<pallas_src>
import functools

import jax
import jax.numpy as jnp
from jax import lax
from jax.experimental import pallas as pl
from jax.experimental.pallas import tpu as pltpu
from jax.experimental.pallas import tpu_sc as plsc

_NWORDS = 1000000
_EMB = 64
_CTX = 200
_LANES = 16
_CHUNK = 128
_NCHUNK = 2
_TAIL = _CTX - _CHUNK

_BLK = 8192



_GROUPS = 12
_TAIL8 = 8


def _pick(vec_i32, j):
    return vec_i32[j]


def _sc_body(words_hbm, table_hbm, out_hbm,
             wa, wb, slab_all, row_all, slabs_v, acc_v, *sems):
    cid = lax.axis_index("c")
    sid = lax.axis_index("s")

    @pl.when(jnp.logical_and(cid == 0, sid == 0))
    def _():
        pltpu.sync_copy(words_hbm.at[pl.ds(0, _CHUNK)], wa)
        pltpu.sync_copy(words_hbm.at[pl.ds(_CHUNK, _TAIL)], wb)
        for j in range(_CHUNK // _LANES):
            v = wa[pl.ds(j * _LANES, _LANES)]
            slab_all[pl.ds(j * _LANES, _LANES)] = lax.bitwise_and(v, -8)
            row_all[pl.ds(j * _LANES, _LANES)] = lax.bitwise_and(v, 7)
        for s in (0, 16, 32, 48, 56):
            v = wb[pl.ds(s, _LANES)]
            slab_all[pl.ds(_CHUNK + s, _LANES)] = lax.bitwise_and(v, -8)
            row_all[pl.ds(_CHUNK + s, _LANES)] = lax.bitwise_and(v, 7)

        def fire(slab_chunk, j):
            pltpu.async_copy(table_hbm.at[pl.ds(pl.multiple_of(_pick(slab_chunk, j), 8), 8)],
                             slabs_v.at[j], sems[j])

        def drain_acc(row_chunk, j, accs):
            pltpu.make_async_copy(
                table_hbm.at[pl.ds(0, 8)], slabs_v.at[j], sems[j]).wait()
            row = _pick(row_chunk, j)
            return [accs[c] + slabs_v[j, row, pl.ds(c * _LANES, _LANES)]
                    for c in range(_EMB // _LANES)]

        sl0 = slab_all[pl.ds(0, _LANES)]
        for j in range(_LANES):
            fire(sl0, j)

        def round_body(g, accs):
            row_chunk = row_all[pl.ds((g - 1) * _LANES, _LANES)]
            slab_chunk = slab_all[pl.ds(g * _LANES, _LANES)]
            accs = list(accs)
            for j in range(_LANES):
                accs = drain_acc(row_chunk, j, accs)
                fire(slab_chunk, j)
            return tuple(accs)

        accs = tuple(jnp.zeros((_LANES,), jnp.float32)
                     for _ in range(_EMB // _LANES))
        accs = lax.fori_loop(1, _GROUPS, round_body, accs)
        accs = list(accs)
        row_chunk = row_all[pl.ds((_GROUPS - 1) * _LANES, _LANES)]
        for j in range(_LANES):
            accs = drain_acc(row_chunk, j, accs)
        tail_slab = slab_all[pl.ds(_CTX - _LANES, _LANES)]
        tail_row = row_all[pl.ds(_CTX - _LANES, _LANES)]
        for j in range(_LANES - _TAIL8, _LANES):
            fire(tail_slab, j)
        for j in range(_LANES - _TAIL8, _LANES):
            accs = drain_acc(tail_row, j, accs)
        for c in range(_EMB // _LANES):
            acc_v[pl.ds(c * _LANES, _LANES)] = accs[c]
        pltpu.sync_copy(acc_v, out_hbm)


@functools.cache
def _emb_sum_sc():
    return pl.kernel(
        _sc_body,
        out_type=jax.ShapeDtypeStruct((_EMB,), jnp.float32),
        mesh=plsc.VectorSubcoreMesh(core_axis_name="c", subcore_axis_name="s"),
        scratch_types=[
            pltpu.VMEM((_CHUNK,), jnp.int32),
            pltpu.VMEM((_TAIL,), jnp.int32),
            pltpu.VMEM((_CTX,), jnp.int32),
            pltpu.VMEM((_CTX,), jnp.int32),
            pltpu.VMEM((_LANES, 8, _EMB), jnp.float32),
            pltpu.VMEM((_EMB,), jnp.float32),
        ] + [pltpu.SemaphoreType.DMA] * _LANES,
    )



def _proj_body(emb_ref, w_ref, b_ref, o_ref):
    o_ref[...] = lax.dot_general(
        emb_ref[...], w_ref[...],
        dimension_numbers=(((1,), (1,)), ((), ())),
        preferred_element_type=jnp.float32,
    ) + b_ref[...][None, :]


def _proj(emb_row, proj_weight, proj_bias):
    grid = pl.cdiv(_NWORDS, _BLK)
    return pl.pallas_call(
        _proj_body,
        grid=(grid,),
        in_specs=[
            pl.BlockSpec((1, _EMB), lambda i: (0, 0)),
            pl.BlockSpec((_BLK, _EMB), lambda i: (i, 0)),
            pl.BlockSpec((_BLK,), lambda i: (i,)),
        ],
        out_specs=pl.BlockSpec((1, _BLK), lambda i: (0, i)),
        out_shape=jax.ShapeDtypeStruct((1, _NWORDS), jnp.float32),
        compiler_params=pltpu.CompilerParams(
            dimension_semantics=("arbitrary",)),
    )(emb_row, proj_weight, proj_bias)


def kernel(words, emb_weight, proj_weight, proj_bias):
    emb_row = _emb_sum_sc()(words.astype(jnp.int32), emb_weight)
    return _proj(emb_row.reshape(1, _EMB), proj_weight, proj_bias)

# --- scband reference (transcript-rebuilt; emitter-appended) ---
"""Pipeline reference for scband-cbow-20633022890524 (READ-ONLY COPY).

The authoritative reference and input builder live on the scoring server;
editing this copy changes nothing except your own understanding.
"""

import jax, jax.numpy as jnp
import numpy as np

NWORDS = 1000000
EMB = 64
CTX = 200

def setup_inputs(seed: int = 0) -> dict:
    key = jax.random.key(seed)
    k1, k2, k3, k4 = jax.random.split(key, 4)
    words = jax.random.randint(k1, (CTX,), 0, NWORDS, dtype=jnp.int64 if jax.config.jax_enable_x64 else jnp.int32)
    emb_weight = jax.random.uniform(k2, (NWORDS, EMB), minval=-0.25, maxval=0.25, dtype=jnp.float32)
    proj_weight = jax.random.uniform(k3, (NWORDS, EMB), minval=-0.25, maxval=0.25, dtype=jnp.float32)
    bound = 1.0 / np.sqrt(EMB)
    proj_bias = jax.random.uniform(k4, (NWORDS,), minval=-bound, maxval=bound, dtype=jnp.float32)
    return {"words": words, "emb_weight": emb_weight, "proj_weight": proj_weight, "proj_bias": proj_bias}

def reference(words, emb_weight, proj_weight, proj_bias):
    # emb = self.emb(words)
    emb = jnp.take(emb_weight, words, axis=0)            # [CTX, EMB]
    # emb_sum = torch.sum(emb, dim=0)
    emb_sum = jnp.sum(emb, axis=0)                       # [EMB]
    # emb_sum = emb_sum.view(1, -1)
    emb_sum = emb_sum.reshape(1, -1)                     # [1, EMB]
    # out = self.projection(emb_sum)  (torch Linear: x @ W.T + b)
    out = emb_sum @ proj_weight.T + proj_bias            # [1, NWORDS]
    return out

if __name__ == "__main__":
    import jax
    _d = setup_inputs()
    print(jax.jit(kernel)(*tuple(_d.values())))

</pallas_src>

<mosaic_0001>
#map = affine_map<(d0, d1) -> (0)>
#map1 = affine_map<(d0, d1) -> (0, 0)>
module attributes {stable_mosaic.version = 14 : i64} {
  func.func @_sc_body(%arg0: i32, %arg1: i32, %arg2: memref<200xi32, #tpu.memory_space<hbm>>, %arg3: memref<1000000x64xf32, #tpu.memory_space<hbm>>, %arg4: memref<64xf32, #tpu.memory_space<hbm>>, %arg5: memref<128xi32, #tpu.memory_space<vmem>>, %arg6: memref<72xi32, #tpu.memory_space<vmem>>, %arg7: memref<200xi32, #tpu.memory_space<vmem>>, %arg8: memref<200xi32, #tpu.memory_space<vmem>>, %arg9: memref<16x8x64xf32, #tpu.memory_space<vmem>>, %arg10: memref<64xf32, #tpu.memory_space<vmem>>, %arg11: memref<!tpu.dma_semaphore, #tpu.memory_space<semaphore_mem>>, %arg12: memref<!tpu.dma_semaphore, #tpu.memory_space<semaphore_mem>>, %arg13: memref<!tpu.dma_semaphore, #tpu.memory_space<semaphore_mem>>, %arg14: memref<!tpu.dma_semaphore, #tpu.memory_space<semaphore_mem>>, %arg15: memref<!tpu.dma_semaphore, #tpu.memory_space<semaphore_mem>>, %arg16: memref<!tpu.dma_semaphore, #tpu.memory_space<semaphore_mem>>, %arg17: memref<!tpu.dma_semaphore, #tpu.memory_space<semaphore_mem>>, %arg18: memref<!tpu.dma_semaphore, #tpu.memory_space<semaphore_mem>>, %arg19: memref<!tpu.dma_semaphore, #tpu.memory_space<semaphore_mem>>, %arg20: memref<!tpu.dma_semaphore, #tpu.memory_space<semaphore_mem>>, %arg21: memref<!tpu.dma_semaphore, #tpu.memory_space<semaphore_mem>>, %arg22: memref<!tpu.dma_semaphore, #tpu.memory_space<semaphore_mem>>, %arg23: memref<!tpu.dma_semaphore, #tpu.memory_space<semaphore_mem>>, %arg24: memref<!tpu.dma_semaphore, #tpu.memory_space<semaphore_mem>>, %arg25: memref<!tpu.dma_semaphore, #tpu.memory_space<semaphore_mem>>, %arg26: memref<!tpu.dma_semaphore, #tpu.memory_space<semaphore_mem>>) attributes {dimension_semantics = [#tpu.dimension_semantics<core_parallel>, #tpu.dimension_semantics<subcore_parallel>], iteration_bounds = array<i64: 2, 16>, scalar_prefetch = 0 : i64, scratch_operands = 22 : i64, tpu.core_type = #tpu.core_type<sc_vector_subcore>, window_params = [{transform_indices = #map}, {transform_indices = #map1}, {transform_indices = #map}]} {
    %eq3A = arith.constant 0 : i32
    %eq3A_0 = arith.cmpi eq, %arg0, %eq3A : i32
    %eq3A_1 = arith.constant 0 : i32
    %eq3A_2 = arith.cmpi eq, %arg1, %eq3A_1 : i32
    %and3A = arith.andi %eq3A_0, %eq3A_2 : i1
    %convert_element_type3A = arith.extui %and3A : i1 to i32
    %cond3A = arith.constant 0 : i32
    %cond3A_3 = arith.cmpi ne, %convert_element_type3A, %cond3A : i32
    scf.if %cond3A_3 {
      "tpu.region"() ({
        %run_scoped3A = tpu.sem_alloc : memref<!tpu.dma_semaphore, #tpu.memory_space<semaphore_mem>>
        %dma_start3A_1721 = arith.constant 0 : i32
        %dma_start3A_1722 = tpu.memref_slice %arg2[%dma_start3A_1721] : memref<200xi32, #tpu.memory_space<hbm>> -> memref<128xi32, #tpu.memory_space<hbm>>
        %dma_start3A_1723 = arith.constant 0 : i32
        %dma_start3A_1724 = tpu.memref_slice %arg2[%dma_start3A_1723] : memref<200xi32, #tpu.memory_space<hbm>> -> memref<128xi32, #tpu.memory_space<hbm>>
        tpu.enqueue_dma source(%dma_start3A_1724 : memref<128xi32, #tpu.memory_space<hbm>>) target(%arg5 : memref<128xi32, #tpu.memory_space<vmem>>) target_semaphore(%run_scoped3A : memref<!tpu.dma_semaphore, #tpu.memory_space<semaphore_mem>>)
        %dma_wait3A_1725 = arith.constant 0 : i32
        %dma_wait3A_1726 = tpu.memref_slice %arg2[%dma_wait3A_1725] : memref<200xi32, #tpu.memory_space<hbm>> -> memref<128xi32, #tpu.memory_space<hbm>>
        %dma_wait3A_1727 = arith.constant 0 : i32
        %dma_wait3A_1728 = tpu.memref_slice %arg2[%dma_wait3A_1727] : memref<200xi32, #tpu.memory_space<hbm>> -> memref<128xi32, #tpu.memory_space<hbm>>
        tpu.wait_dma2 semaphore(%run_scoped3A : memref<!tpu.dma_semaphore, #tpu.memory_space<semaphore_mem>>) src(%dma_wait3A_1728 : memref<128xi32, #tpu.memory_space<hbm>>) dst(%arg5 : memref<128xi32, #tpu.memory_space<vmem>>)
        tpu.yield
      }) : () -> ()
      "tpu.region"() ({
        %run_scoped3A = tpu.sem_alloc : memref<!tpu.dma_semaphore, #tpu.memory_space<semaphore_mem>>
        %dma_start3A_1721 = arith.constant 128 : i32
        %dma_start3A_1722 = tpu.memref_slice %arg2[%dma_start3A_1721] : memref<200xi32, #tpu.memory_space<hbm>> -> memref<72xi32, #tpu.memory_space<hbm>>
        %dma_start3A_1723 = arith.constant 128 : i32
        %dma_start3A_1724 = tpu.memref_slice %arg2[%dma_start3A_1723] : memref<200xi32, #tpu.memory_space<hbm>> -> memref<72xi32, #tpu.memory_space<hbm>>
        tpu.enqueue_dma source(%dma_start3A_1724 : memref<72xi32, #tpu.memory_space<hbm>>) target(%arg6 : memref<72xi32, #tpu.memory_space<vmem>>) target_semaphore(%run_scoped3A : memref<!tpu.dma_semaphore, #tpu.memory_space<semaphore_mem>>)
        %dma_wait3A_1725 = arith.constant 128 : i32
        %dma_wait3A_1726 = tpu.memref_slice %arg2[%dma_wait3A_1725] : memref<200xi32, #tpu.memory_space<hbm>> -> memref<72xi32, #tpu.memory_space<hbm>>
        %dma_wait3A_1727 = arith.constant 128 : i32
        %dma_wait3A_1728 = tpu.memref_slice %arg2[%dma_wait3A_1727] : memref<200xi32, #tpu.memory_space<hbm>> -> memref<72xi32, #tpu.memory_space<hbm>>
        tpu.wait_dma2 semaphore(%run_scoped3A : memref<!tpu.dma_semaphore, #tpu.memory_space<semaphore_mem>>) src(%dma_wait3A_1728 : memref<72xi32, #tpu.memory_space<hbm>>) dst(%arg6 : memref<72xi32, #tpu.memory_space<vmem>>)
        tpu.yield
      }) : () -> ()
      %get3A = arith.constant 0 : index
      %get3A_4 = tpu.vector_load %arg5[%get3A] {strides = array<i32>} : memref<128xi32, #tpu.memory_space<vmem>>, vector<16xi32>,
      %get3A_5 = vector.shape_cast %get3A_4 : vector<16xi32> to vector<16xi32>
      %and3A_6 = arith.constant -8 : i32
      %and3A_7 = vector.broadcast %and3A_6 : i32 to vector<16xi32>
      %and3A_8 = arith.andi %get3A_5, %and3A_7 : vector<16xi32>
      %swap3A = arith.constant 0 : index
      %swap3A_9 = tpu.vector_load %arg7[%swap3A] {strides = array<i32>} : memref<200xi32, #tpu.memory_space<vmem>>, vector<16xi32>,
      %swap3A_10 = vector.shape_cast %swap3A_9 : vector<16xi32> to vector<16xi32>
      %swap3A_11 = vector.shape_cast %and3A_8 : vector<16xi32> to vector<16xi32>
      tpu.vector_store %arg7[%swap3A], %swap3A_11 {strides = array<i32>} : memref<200xi32, #tpu.memory_space<vmem>>, vector<16xi32>,
      %and3A_12 = arith.constant 7 : i32
      %and3A_13 = vector.broadcast %and3A_12 : i32 to vector<16xi32>
      %and3A_14 = arith.andi %get3A_5, %and3A_13 : vector<16xi32>
      %swap3A_15 = arith.constant 0 : index
      %swap3A_16 = tpu.vector_load %arg8[%swap3A_15] {strides = array<i32>} : memref<200xi32, #tpu.memory_space<vmem>>, vector<16xi32>,
      %swap3A_17 = vector.shape_cast %swap3A_16 : vector<16xi32> to vector<16xi32>
      %swap3A_18 = vector.shape_cast %and3A_14 : vector<16xi32> to vector<16xi32>
      tpu.vector_store %arg8[%swap3A_15], %swap3A_18 {strides = array<i32>} : memref<200xi32, #tpu.memory_space<vmem>>, vector<16xi32>,
      %get3A_19 = arith.constant 16 : index
      %get3A_20 = tpu.vector_load %arg5[%get3A_19] {strides = array<i32>} : memref<128xi32, #tpu.memory_space<vmem>>, vector<16xi32>,
      %get3A_21 = vector.shape_cast %get3A_20 : vector<16xi32> to vector<16xi32>
      %and3A_22 = arith.constant -8 : i32
      %and3A_23 = vector.broadcast %and3A_22 : i32 to vector<16xi32>
      %and3A_24 = arith.andi %get3A_21, %and3A_23 : vector<16xi32>
      %swap3A_25 = arith.constant 16 : index
      %swap3A_26 = tpu.vector_load %arg7[%swap3A_25] {strides = array<i32>} : memref<200xi32, #tpu.memory_space<vmem>>, vector<16xi32>,
      %swap3A_27 = vector.shape_cast %swap3A_26 : vector<16xi32> to vector<16xi32>
      %swap3A_28 = vector.shape_cast %and3A_24 : vector<16xi32> to vector<16xi32>
      tpu.vector_store %arg7[%swap3A_25], %swap3A_28 {strides = array<i32>} : memref<200xi32, #tpu.memory_space<vmem>>, vector<16xi32>,
      %and3A_29 = arith.constant 7 : i32
      %and3A_30 = vector.broadcast %and3A_29 : i32 to vector<16xi32>
      %and3A_31 = arith.andi %get3A_21, %and3A_30 : vector<16xi32>
      %swap3A_32 = arith.constant 16 : index
      %swap3A_33 = tpu.vector_load %arg8[%swap3A_32] {strides = array<i32>} : memref<200xi32, #tpu.memory_space<vmem>>, vector<16xi32>,
      %swap3A_34 = vector.shape_cast %swap3A_33 : vector<16xi32> to vector<16xi32>
      %swap3A_35 = vector.shape_cast %and3A_31 : vector<16xi32> to vector<16xi32>
      tpu.vector_store %arg8[%swap3A_32], %swap3A_35 {strides = array<i32>} : memref<200xi32, #tpu.memory_space<vmem>>, vector<16xi32>,
      %get3A_36 = arith.constant 32 : index
      %get3A_37 = tpu.vector_load %arg5[%get3A_36] {strides = array<i32>} : memref<128xi32, #tpu.memory_space<vmem>>, vector<16xi32>,
      %get3A_38 = vector.shape_cast %get3A_37 : vector<16xi32> to vector<16xi32>
      %and3A_39 = arith.constant -8 : i32
      %and3A_40 = vector.broadcast %and3A_39 : i32 to vector<16xi32>
      %and3A_41 = arith.andi %get3A_38, %and3A_40 : vector<16xi32>
      %swap3A_42 = arith.constant 32 : index
      %swap3A_43 = tpu.vector_load %arg7[%swap3A_42] {strides = array<i32>} : memref<200xi32, #tpu.memory_space<vmem>>, vector<16xi32>,
      %swap3A_44 = vector.shape_cast %swap3A_43 : vector<16xi32> to vector<16xi32>
      %swap3A_45 = vector.shape_cast %and3A_41 : vector<16xi32> to vector<16xi32>
      tpu.vector_store %arg7[%swap3A_42], %swap3A_45 {strides = array<i32>} : memref<200xi32, #tpu.memory_space<vmem>>, vector<16xi32>,
      %and3A_46 = arith.constant 7 : i32
      %and3A_47 = vector.broadcast %and3A_46 : i32 to vector<16xi32>
      %and3A_48 = arith.andi %get3A_38, %and3A_47 : vector<16xi32>
      %swap3A_49 = arith.constant 32 : index
      %swap3A_50 = tpu.vector_load %arg8[%swap3A_49] {strides = array<i32>} : memref<200xi32, #tpu.memory_space<vmem>>, vector<16xi32>,
      %swap3A_51 = vector.shape_cast %swap3A_50 : vector<16xi32> to vector<16xi32>
      %swap3A_52 = vector.shape_cast %and3A_48 : vector<16xi32> to vector<16xi32>
      tpu.vector_store %arg8[%swap3A_49], %swap3A_52 {strides = array<i32>} : memref<200xi32, #tpu.memory_space<vmem>>, vector<16xi32>,
      %get3A_53 = arith.constant 48 : index
      %get3A_54 = tpu.vector_load %arg5[%get3A_53] {strides = array<i32>} : memref<128xi32, #tpu.memory_space<vmem>>, vector<16xi32>,
      %get3A_55 = vector.shape_cast %get3A_54 : vector<16xi32> to vector<16xi32>
      %and3A_56 = arith.constant -8 : i32
      %and3A_57 = vector.broadcast %and3A_56 : i32 to vector<16xi32>
      %and3A_58 = arith.andi %get3A_55, %and3A_57 : vector<16xi32>
      %swap3A_59 = arith.constant 48 : index
      %swap3A_60 = tpu.vector_load %arg7[%swap3A_59] {strides = array<i32>} : memref<200xi32, #tpu.memory_space<vmem>>, vector<16xi32>,
      %swap3A_61 = vector.shape_cast %swap3A_60 : vector<16xi32> to vector<16xi32>
      %swap3A_62 = vector.shape_cast %and3A_58 : vector<16xi32> to vector<16xi32>
      tpu.vector_store %arg7[%swap3A_59], %swap3A_62 {strides = array<i32>} : memref<200xi32, #tpu.memory_space<vmem>>, vector<16xi32>,
      %and3A_63 = arith.constant 7 : i32
      %and3A_64 = vector.broadcast %and3A_63 : i32 to vector<16xi32>
      %and3A_65 = arith.andi %get3A_55, %and3A_64 : vector<16xi32>
      %swap3A_66 = arith.constant 48 : index
      %swap3A_67 = tpu.vector_load %arg8[%swap3A_66] {strides = array<i32>} : memref<200xi32, #tpu.memory_space<vmem>>, vector<16xi32>,
      %swap3A_68 = vector.shape_cast %swap3A_67 : vector<16xi32> to vector<16xi32>
      %swap3A_69 = vector.shape_cast %and3A_65 : vector<16xi32> to vector<16xi32>
      tpu.vector_store %arg8[%swap3A_66], %swap3A_69 {strides = array<i32>} : memref<200xi32, #tpu.memory_space<vmem>>, vector<16xi32>,
      %get3A_70 = arith.constant 64 : index
      %get3A_71 = tpu.vector_load %arg5[%get3A_70] {strides = array<i32>} : memref<128xi32, #tpu.memory_space<vmem>>, vector<16xi32>,
      %get3A_72 = vector.shape_cast %get3A_71 : vector<16xi32> to vector<16xi32>
      %and3A_73 = arith.constant -8 : i32
      %and3A_74 = vector.broadcast %and3A_73 : i32 to vector<16xi32>
      %and3A_75 = arith.andi %get3A_72, %and3A_74 : vector<16xi32>
      %swap3A_76 = arith.constant 64 : index
      %swap3A_77 = tpu.vector_load %arg7[%swap3A_76] {strides = array<i32>} : memref<200xi32, #tpu.memory_space<vmem>>, vector<16xi32>,
      %swap3A_78 = vector.shape_cast %swap3A_77 : vector<16xi32> to vector<16xi32>
      %swap3A_79 = vector.shape_cast %and3A_75 : vector<16xi32> to vector<16xi32>
      tpu.vector_store %arg7[%swap3A_76], %swap3A_79 {strides = array<i32>} : memref<200xi32, #tpu.memory_space<vmem>>, vector<16xi32>,
      %and3A_80 = arith.constant 7 : i32
      %and3A_81 = vector.broadcast %and3A_80 : i32 to vector<16xi32>
      %and3A_82 = arith.andi %get3A_72, %and3A_81 : vector<16xi32>
      %swap3A_83 = arith.constant 64 : index
      %swap3A_84 = tpu.vector_load %arg8[%swap3A_83] {strides = array<i32>} : memref<200xi32, #tpu.memory_space<vmem>>, vector<16xi32>,
      %swap3A_85 = vector.shape_cast %swap3A_84 : vector<16xi32> to vector<16xi32>
      %swap3A_86 = vector.shape_cast %and3A_82 : vector<16xi32> to vector<16xi32>
      tpu.vector_store %arg8[%swap3A_83], %swap3A_86 {strides = array<i32>} : memref<200xi32, #tpu.memory_space<vmem>>, vector<16xi32>,
      %get3A_87 = arith.constant 80 : index
      %get3A_88 = tpu.vector_load %arg5[%get3A_87] {strides = array<i32>} : memref<128xi32, #tpu.memory_space<vmem>>, vector<16xi32>,
      %get3A_89 = vector.shape_cast %get3A_88 : vector<16xi32> to vector<16xi32>
      %and3A_90 = arith.constant -8 : i32
      %and3A_91 = vector.broadcast %and3A_90 : i32 to vector<16xi32>
      %and3A_92 = arith.andi %get3A_89, %and3A_91 : vector<16xi32>
      %swap3A_93 = arith.constant 80 : index
      %swap3A_94 = tpu.vector_load %arg7[%swap3A_93] {strides = array<i32>} : memref<200xi32, #tpu.memory_space<vmem>>, vector<16xi32>,
      %swap3A_95 = vector.shape_cast %swap3A_94 : vector<16xi32> to vector<16xi32>
      %swap3A_96 = vector.shape_cast %and3A_92 : vector<16xi32> to vector<16xi32>
      tpu.vector_store %arg7[%swap3A_93], %swap3A_96 {strides = array<i32>} : memref<200xi32, #tpu.memory_space<vmem>>, vector<16xi32>,
      %and3A_97 = arith.constant 7 : i32
      %and3A_98 = vector.broadcast %and3A_97 : i32 to vector<16xi32>
      %and3A_99 = arith.andi %get3A_89, %and3A_98 : vector<16xi32>
      %swap3A_100 = arith.constant 80 : index
      %swap3A_101 = tpu.vector_load %arg8[%swap3A_100] {strides = array<i32>} : memref<200xi32, #tpu.memory_space<vmem>>, vector<16xi32>,
      %swap3A_102 = vector.shape_cast %swap3A_101 : vector<16xi32> to vector<16xi32>
      %swap3A_103 = vector.shape_cast %and3A_99 : vector<16xi32> to vector<16xi32>
      tpu.vector_store %arg8[%swap3A_100], %swap3A_103 {strides = array<i32>} : memref<200xi32, #tpu.memory_space<vmem>>, vector<16xi32>,
      %get3A_104 = arith.constant 96 : index
      %get3A_105 = tpu.vector_load %arg5[%get3A_104] {strides = array<i32>} : memref<128xi32, #tpu.memory_space<vmem>>, vector<16xi32>,
      %get3A_106 = vector.shape_cast %get3A_105 : vector<16xi32> to vector<16xi32>
      %and3A_107 = arith.constant -8 : i32
      %and3A_108 = vector.broadcast %and3A_107 : i32 to vector<16xi32>
      %and3A_109 = arith.andi %get3A_106, %and3A_108 : vector<16xi32>
      %swap3A_110 = arith.constant 96 : index
      %swap3A_111 = tpu.vector_load %arg7[%swap3A_110] {strides = array<i32>} : memref<200xi32, #tpu.memory_space<vmem>>, vector<16xi32>,
      %swap3A_112 = vector.shape_cast %swap3A_111 : vector<16xi32> to vector<16xi32>
      %swap3A_113 = vector.shape_cast %and3A_109 : vector<16xi32> to vector<16xi32>
      tpu.vector_store %arg7[%swap3A_110], %swap3A_113 {strides = array<i32>} : memref<200xi32, #tpu.memory_space<vmem>>, vector<16xi32>,
      %and3A_114 = arith.constant 7 : i32
      %and3A_115 = vector.broadcast %and3A_114 : i32 to vector<16xi32>
      %and3A_116 = arith.andi %get3A_106, %and3A_115 : vector<16xi32>
      %swap3A_117 = arith.constant 96 : index
      %swap3A_118 = tpu.vector_load %arg8[%swap3A_117] {strides = array<i32>} : memref<200xi32, #tpu.memory_space<vmem>>, vector<16xi32>,
      %swap3A_119 = vector.shape_cast %swap3A_118 : vector<16xi32> to vector<16xi32>
      %swap3A_120 = vector.shape_cast %and3A_116 : vector<16xi32> to vector<16xi32>
      tpu.vector_store %arg8[%swap3A_117], %swap3A_120 {strides = array<i32>} : memref<200xi32, #tpu.memory_space<vmem>>, vector<16xi32>,
      %get3A_121 = arith.constant 112 : index
      %get3A_122 = tpu.vector_load %arg5[%get3A_121] {strides = array<i32>} : memref<128xi32, #tpu.memory_space<vmem>>, vector<16xi32>,
      %get3A_123 = vector.shape_cast %get3A_122 : vector<16xi32> to vector<16xi32>
      %and3A_124 = arith.constant -8 : i32
      %and3A_125 = vector.broadcast %and3A_124 : i32 to vector<16xi32>
      %and3A_126 = arith.andi %get3A_123, %and3A_125 : vector<16xi32>
      %swap3A_127 = arith.constant 112 : index
      %swap3A_128 = tpu.vector_load %arg7[%swap3A_127] {strides = array<i32>} : memref<200xi32, #tpu.memory_space<vmem>>, vector<16xi32>,
      %swap3A_129 = vector.shape_cast %swap3A_128 : vector<16xi32> to vector<16xi32>
      %swap3A_130 = vector.shape_cast %and3A_126 : vector<16xi32> to vector<16xi32>
      tpu.vector_store %arg7[%swap3A_127], %swap3A_130 {strides = array<i32>} : memref<200xi32, #tpu.memory_space<vmem>>, vector<16xi32>,
      %and3A_131 = arith.constant 7 : i32
      %and3A_132 = vector.broadcast %and3A_131 : i32 to vector<16xi32>
      %and3A_133 = arith.andi %get3A_123, %and3A_132 : vector<16xi32>
      %swap3A_134 = arith.constant 112 : index
      %swap3A_135 = tpu.vector_load %arg8[%swap3A_134] {strides = array<i32>} : memref<200xi32, #tpu.memory_space<vmem>>, vector<16xi32>,
      %swap3A_136 = vector.shape_cast %swap3A_135 : vector<16xi32> to vector<16xi32>
      %swap3A_137 = vector.shape_cast %and3A_133 : vector<16xi32> to vector<16xi32>
      tpu.vector_store %arg8[%swap3A_134], %swap3A_137 {strides = array<i32>} : memref<200xi32, #tpu.memory_space<vmem>>, vector<16xi32>,
      %get3A_138 = arith.constant 0 : index
      %get3A_139 = tpu.vector_load %arg6[%get3A_138] {strides = array<i32>} : memref<72xi32, #tpu.memory_space<vmem>>, vector<16xi32>,
      %get3A_140 = vector.shape_cast %get3A_139 : vector<16xi32> to vector<16xi32>
      %and3A_141 = arith.constant -8 : i32
      %and3A_142 = vector.broadcast %and3A_141 : i32 to vector<16xi32>
      %and3A_143 = arith.andi %get3A_140, %and3A_142 : vector<16xi32>
      %swap3A_144 = arith.constant 128 : index
      %swap3A_145 = tpu.vector_load %arg7[%swap3A_144] {strides = array<i32>} : memref<200xi32, #tpu.memory_space<vmem>>, vector<16xi32>,
      %swap3A_146 = vector.shape_cast %swap3A_145 : vector<16xi32> to vector<16xi32>
      %swap3A_147 = vector.shape_cast %and3A_143 : vector<16xi32> to vector<16xi32>
      tpu.vector_store %arg7[%swap3A_144], %swap3A_147 {strides = array<i32>} : memref<200xi32, #tpu.memory_space<vmem>>, vector<16xi32>,
      %and3A_148 = arith.constant 7 : i32
      %and3A_149 = vector.broadcast %and3A_148 : i32 to vector<16xi32>
      %and3A_150 = arith.andi %get3A_140, %and3A_149 : vector<16xi32>
      %swap3A_151 = arith.constant 128 : index
      %swap3A_152 = tpu.vector_load %arg8[%swap3A_151] {strides = array<i32>} : memref<200xi32, #tpu.memory_space<vmem>>, vector<16xi32>,
      %swap3A_153 = vector.shape_cast %swap3A_152 : vector<16xi32> to vector<16xi32>
      %swap3A_154 = vector.shape_cast %and3A_150 : vector<16xi32> to vector<16xi32>
      tpu.vector_store %arg8[%swap3A_151], %swap3A_154 {strides = array<i32>} : memref<200xi32, #tpu.memory_space<vmem>>, vector<16xi32>,
      %get3A_155 = arith.constant 16 : index
      %get3A_156 = tpu.vector_load %arg6[%get3A_155] {strides = array<i32>} : memref<72xi32, #tpu.memory_space<vmem>>, vector<16xi32>,
      %get3A_157 = vector.shape_cast %get3A_156 : vector<16xi32> to vector<16xi32>
      %and3A_158 = arith.constant -8 : i32
      %and3A_159 = vector.broadcast %and3A_158 : i32 to vector<16xi32>
      %and3A_160 = arith.andi %get3A_157, %and3A_159 : vector<16xi32>
      %swap3A_161 = arith.constant 144 : index
      %swap3A_162 = tpu.vector_load %arg7[%swap3A_161] {strides = array<i32>} : memref<200xi32, #tpu.memory_space<vmem>>, vector<16xi32>,
      %swap3A_163 = vector.shape_cast %swap3A_162 : vector<16xi32> to vector<16xi32>
      %swap3A_164 = vector.shape_cast %and3A_160 : vector<16xi32> to vector<16xi32>
      tpu.vector_store %arg7[%swap3A_161], %swap3A_164 {strides = array<i32>} : memref<200xi32, #tpu.memory_space<vmem>>, vector<16xi32>,
      %and3A_165 = arith.constant 7 : i32
      %and3A_166 = vector.broadcast %and3A_165 : i32 to vector<16xi32>
      %and3A_167 = arith.andi %get3A_157, %and3A_166 : vector<16xi32>
      %swap3A_168 = arith.constant 144 : index
      %swap3A_169 = tpu.vector_load %arg8[%swap3A_168] {strides = array<i32>} : memref<200xi32, #tpu.memory_space<vmem>>, vector<16xi32>,
      %swap3A_170 = vector.shape_cast %swap3A_169 : vector<16xi32> to vector<16xi32>
      %swap3A_171 = vector.shape_cast %and3A_167 : vector<16xi32> to vector<16xi32>
      tpu.vector_store %arg8[%swap3A_168], %swap3A_171 {strides = array<i32>} : memref<200xi32, #tpu.memory_space<vmem>>, vector<16xi32>,
      %get3A_172 = arith.constant 32 : index
      %get3A_173 = tpu.vector_load %arg6[%get3A_172] {strides = array<i32>} : memref<72xi32, #tpu.memory_space<vmem>>, vector<16xi32>,
      %get3A_174 = vector.shape_cast %get3A_173 : vector<16xi32> to vector<16xi32>
      %and3A_175 = arith.constant -8 : i32
      %and3A_176 = vector.broadcast %and3A_175 : i32 to vector<16xi32>
      %and3A_177 = arith.andi %get3A_174, %and3A_176 : vector<16xi32>
      %swap3A_178 = arith.constant 160 : index
      %swap3A_179 = tpu.vector_load %arg7[%swap3A_178] {strides = array<i32>} : memref<200xi32, #tpu.memory_space<vmem>>, vector<16xi32>,
      %swap3A_180 = vector.shape_cast %swap3A_179 : vector<16xi32> to vector<16xi32>
      %swap3A_181 = vector.shape_cast %and3A_177 : vector<16xi32> to vector<16xi32>
      tpu.vector_store %arg7[%swap3A_178], %swap3A_181 {strides = array<i32>} : memref<200xi32, #tpu.memory_space<vmem>>, vector<16xi32>,
      %and3A_182 = arith.constant 7 : i32
      %and3A_183 = vector.broadcast %and3A_182 : i32 to vector<16xi32>
      %and3A_184 = arith.andi %get3A_174, %and3A_183 : vector<16xi32>
      %swap3A_185 = arith.constant 160 : index
      %swap3A_186 = tpu.vector_load %arg8[%swap3A_185] {strides = array<i32>} : memref<200xi32, #tpu.memory_space<vmem>>, vector<16xi32>,
      %swap3A_187 = vector.shape_cast %swap3A_186 : vector<16xi32> to vector<16xi32>
      %swap3A_188 = vector.shape_cast %and3A_184 : vector<16xi32> to vector<16xi32>
      tpu.vector_store %arg8[%swap3A_185], %swap3A_188 {strides = array<i32>} : memref<200xi32, #tpu.memory_space<vmem>>, vector<16xi32>,
      %get3A_189 = arith.constant 48 : index
      %get3A_190 = tpu.vector_load %arg6[%get3A_189] {strides = array<i32>} : memref<72xi32, #tpu.memory_space<vmem>>, vector<16xi32>,
      %get3A_191 = vector.shape_cast %get3A_190 : vector<16xi32> to vector<16xi32>
      %and3A_192 = arith.constant -8 : i32
      %and3A_193 = vector.broadcast %and3A_192 : i32 to vector<16xi32>
      %and3A_194 = arith.andi %get3A_191, %and3A_193 : vector<16xi32>
      %swap3A_195 = arith.constant 176 : index
      %swap3A_196 = tpu.vector_load %arg7[%swap3A_195] {strides = array<i32>} : memref<200xi32, #tpu.memory_space<vmem>>, vector<16xi32>,
      %swap3A_197 = vector.shape_cast %swap3A_196 : vector<16xi32> to vector<16xi32>
      %swap3A_198 = vector.shape_cast %and3A_194 : vector<16xi32> to vector<16xi32>
      tpu.vector_store %arg7[%swap3A_195], %swap3A_198 {strides = array<i32>} : memref<200xi32, #tpu.memory_space<vmem>>, vector<16xi32>,
      %and3A_199 = arith.constant 7 : i32
      %and3A_200 = vector.broadcast %and3A_199 : i32 to vector<16xi32>
      %and3A_201 = arith.andi %get3A_191, %and3A_200 : vector<16xi32>
      %swap3A_202 = arith.constant 176 : index
      %swap3A_203 = tpu.vector_load %arg8[%swap3A_202] {strides = array<i32>} : memref<200xi32, #tpu.memory_space<vmem>>, vector<16xi32>,
      %swap3A_204 = vector.shape_cast %swap3A_203 : vector<16xi32> to vector<16xi32>
      %swap3A_205 = vector.shape_cast %and3A_201 : vector<16xi32> to vector<16xi32>
      tpu.vector_store %arg8[%swap3A_202], %swap3A_205 {strides = array<i32>} : memref<200xi32, #tpu.memory_space<vmem>>, vector<16xi32>,
      %get3A_206 = arith.constant 56 : index
      %get3A_207 = tpu.vector_load %arg6[%get3A_206] {strides = array<i32>} : memref<72xi32, #tpu.memory_space<vmem>>, vector<16xi32>,
      %get3A_208 = vector.shape_cast %get3A_207 : vector<16xi32> to vector<16xi32>
      %and3A_209 = arith.constant -8 : i32
      %and3A_210 = vector.broadcast %and3A_209 : i32 to vector<16xi32>
      %and3A_211 = arith.andi %get3A_208, %and3A_210 : vector<16xi32>
      %swap3A_212 = arith.constant 184 : index
      %swap3A_213 = tpu.vector_load %arg7[%swap3A_212] {strides = array<i32>} : memref<200xi32, #tpu.memory_space<vmem>>, vector<16xi32>,
      %swap3A_214 = vector.shape_cast %swap3A_213 : vector<16xi32> to vector<16xi32>
      %swap3A_215 = vector.shape_cast %and3A_211 : vector<16xi32> to vector<16xi32>
      tpu.vector_store %arg7[%swap3A_212], %swap3A_215 {strides = array<i32>} : memref<200xi32, #tpu.memory_space<vmem>>, vector<16xi32>,
      %and3A_216 = arith.constant 7 : i32
      %and3A_217 = vector.broadcast %and3A_216 : i32 to vector<16xi32>
      %and3A_218 = arith.andi %get3A_208, %and3A_217 : vector<16xi32>
      %swap3A_219 = arith.constant 184 : index
      %swap3A_220 = tpu.vector_load %arg8[%swap3A_219] {strides = array<i32>} : memref<200xi32, #tpu.memory_space<vmem>>, vector<16xi32>,
      %swap3A_221 = vector.shape_cast %swap3A_220 : vector<16xi32> to vector<16xi32>
      %swap3A_222 = vector.shape_cast %and3A_218 : vector<16xi32> to vector<16xi32>
      tpu.vector_store %arg8[%swap3A_219], %swap3A_222 {strides = array<i32>} : memref<200xi32, #tpu.memory_space<vmem>>, vector<16xi32>,
      %get3A_223 = arith.constant 0 : index
      %get3A_224 = tpu.vector_load %arg7[%get3A_223] {strides = array<i32>} : memref<200xi32, #tpu.memory_space<vmem>>, vector<16xi32>,
      %get3A_225 = vector.shape_cast %get3A_224 : vector<16xi32> to vector<16xi32>
      %slice3A = vector.extract_strided_slice %get3A_225 {offsets = [0], sizes = [1], strides = [1]} : vector<16xi32> to vector<1xi32>
      %squeeze3A = vector.extract %slice3A[0] : i32 from vector<1xi32>
      %multiple_of3A = tpu.assume_multiple %squeeze3A, 8 : i32
      %dma_start3A = arith.constant 0 : i32
      %dma_start3A_226 = arith.constant 0 : i32
      %dma_start3A_227 = arith.constant 0 : i32
      %dma_start3A_228 = tpu.memref_slice %arg9[%dma_start3A, %dma_start3A_226, %dma_start3A_227] : memref<16x8x64xf32, #tpu.memory_space<vmem>> -> memref<1x8x64xf32, #tpu.memory_space<vmem>>
      %dma_start3A_229 = tpu.memref_squeeze %dma_start3A_228 : memref<1x8x64xf32, #tpu.memory_space<vmem>> -> memref<8x64xf32, #tpu.memory_space<vmem>>
      %dma_start3A_230 = arith.constant 0 : i32
      %dma_start3A_231 = tpu.memref_slice %arg3[%multiple_of3A, %dma_start3A_230] : memref<1000000x64xf32, #tpu.memory_space<hbm>> -> memref<8x64xf32, #tpu.memory_space<hbm>>
      %dma_start3A_232 = arith.constant 0 : i32
      %dma_start3A_233 = arith.constant 0 : i32
      %dma_start3A_234 = tpu.memref_slice %arg9[%dma_start3A, %dma_start3A_232, %dma_start3A_233] : memref<16x8x64xf32, #tpu.memory_space<vmem>> -> memref<1x8x64xf32, #tpu.memory_space<vmem>>
      %dma_start3A_235 = tpu.memref_squeeze %dma_start3A_234 : memref<1x8x64xf32, #tpu.memory_space<vmem>> -> memref<8x64xf32, #tpu.memory_space<vmem>>
      %dma_start3A_236 = arith.constant 0 : i32
      %dma_start3A_237 = tpu.memref_slice %arg3[%multiple_of3A, %dma_start3A_236] : memref<1000000x64xf32, #tpu.memory_space<hbm>> -> memref<8x64xf32, #tpu.memory_space<hbm>>
      tpu.enqueue_dma source(%dma_start3A_237 : memref<8x64xf32, #tpu.memory_space<hbm>>) target(%dma_start3A_235 : memref<8x64xf32, #tpu.memory_space<vmem>>) target_semaphore(%arg11 : memref<!tpu.dma_semaphore, #tpu.memory_space<semaphore_mem>>)
      %slice3A_238 = vector.extract_strided_slice %get3A_225 {offsets = [1], sizes = [1], strides = [1]} : vector<16xi32> to vector<1xi32>
      %squeeze3A_239 = vector.extract %slice3A_238[0] : i32 from vector<1xi32>
      %multiple_of3A_240 = tpu.assume_multiple %squeeze3A_239, 8 : i32
      %dma_start3A_241 = arith.constant 1 : i32
      %dma_start3A_242 = arith.constant 0 : i32
      %dma_start3A_243 = arith.constant 0 : i32
      %dma_start3A_244 = tpu.memref_slice %arg9[%dma_start3A_241, %dma_start3A_242, %dma_start3A_243] : memref<16x8x64xf32, #tpu.memory_space<vmem>> -> memref<1x8x64xf32, #tpu.memory_space<vmem>>
      %dma_start3A_245 = tpu.memref_squeeze %dma_start3A_244 : memref<1x8x64xf32, #tpu.memory_space<vmem>> -> memref<8x64xf32, #tpu.memory_space<vmem>>
      %dma_start3A_246 = arith.constant 0 : i32
      %dma_start3A_247 = tpu.memref_slice %arg3[%multiple_of3A_240, %dma_start3A_246] : memref<1000000x64xf32, #tpu.memory_space<hbm>> -> memref<8x64xf32, #tpu.memory_space<hbm>>
      %dma_start3A_248 = arith.constant 0 : i32
      %dma_start3A_249 = arith.constant 0 : i32
      %dma_start3A_250 = tpu.memref_slice %arg9[%dma_start3A_241, %dma_start3A_248, %dma_start3A_249] : memref<16x8x64xf32, #tpu.memory_space<vmem>> -> memref<1x8x64xf32, #tpu.memory_space<vmem>>
      %dma_start3A_251 = tpu.memref_squeeze %dma_start3A_250 : memref<1x8x64xf32, #tpu.memory_space<vmem>> -> memref<8x64xf32, #tpu.memory_space<vmem>>
      %dma_start3A_252 = arith.constant 0 : i32
      %dma_start3A_253 = tpu.memref_slice %arg3[%multiple_of3A_240, %dma_start3A_252] : memref<1000000x64xf32, #tpu.memory_space<hbm>> -> memref<8x64xf32, #tpu.memory_space<hbm>>
      tpu.enqueue_dma source(%dma_start3A_253 : memref<8x64xf32, #tpu.memory_space<hbm>>) target(%dma_start3A_251 : memref<8x64xf32, #tpu.memory_space<vmem>>) target_semaphore(%arg12 : memref<!tpu.dma_semaphore, #tpu.memory_space<semaphore_mem>>)
      %slice3A_254 = vector.extract_strided_slice %get3A_225 {offsets = [2], sizes = [1], strides = [1]} : vector<16xi32> to vector<1xi32>
      %squeeze3A_255 = vector.extract %slice3A_254[0] : i32 from vector<1xi32>
      %multiple_of3A_256 = tpu.assume_multiple %squeeze3A_255, 8 : i32
      %dma_start3A_257 = arith.constant 2 : i32
      %dma_start3A_258 = arith.constant 0 : i32
      %dma_start3A_259 = arith.constant 0 : i32
      %dma_start3A_260 = tpu.memref_slice %arg9[%dma_start3A_257, %dma_start3A_258, %dma_start3A_259] : memref<16x8x64xf32, #tpu.memory_space<vmem>> -> memref<1x8x64xf32, #tpu.memory_space<vmem>>
      %dma_start3A_261 = tpu.memref_squeeze %dma_start3A_260 : memref<1x8x64xf32, #tpu.memory_space<vmem>> -> memref<8x64xf32, #tpu.memory_space<vmem>>
      %dma_start3A_262 = arith.constant 0 : i32
      %dma_start3A_263 = tpu.memref_slice %arg3[%multiple_of3A_256, %dma_start3A_262] : memref<1000000x64xf32, #tpu.memory_space<hbm>> -> memref<8x64xf32, #tpu.memory_space<hbm>>
      %dma_start3A_264 = arith.constant 0 : i32
      %dma_start3A_265 = arith.constant 0 : i32
      %dma_start3A_266 = tpu.memref_slice %arg9[%dma_start3A_257, %dma_start3A_264, %dma_start3A_265] : memref<16x8x64xf32, #tpu.memory_space<vmem>> -> memref<1x8x64xf32, #tpu.memory_space<vmem>>
      %dma_start3A_267 = tpu.memref_squeeze %dma_start3A_266 : memref<1x8x64xf32, #tpu.memory_space<vmem>> -> memref<8x64xf32, #tpu.memory_space<vmem>>
      %dma_start3A_268 = arith.constant 0 : i32
      %dma_start3A_269 = tpu.memref_slice %arg3[%multiple_of3A_256, %dma_start3A_268] : memref<1000000x64xf32, #tpu.memory_space<hbm>> -> memref<8x64xf32, #tpu.memory_space<hbm>>
      tpu.enqueue_dma source(%dma_start3A_269 : memref<8x64xf32, #tpu.memory_space<hbm>>) target(%dma_start3A_267 : memref<8x64xf32, #tpu.memory_space<vmem>>) target_semaphore(%arg13 : memref<!tpu.dma_semaphore, #tpu.memory_space<semaphore_mem>>)
      %slice3A_270 = vector.extract_strided_slice %get3A_225 {offsets = [3], sizes = [1], strides = [1]} : vector<16xi32> to vector<1xi32>
      %squeeze3A_271 = vector.extract %slice3A_270[0] : i32 from vector<1xi32>
      %multiple_of3A_272 = tpu.assume_multiple %squeeze3A_271, 8 : i32
      %dma_start3A_273 = arith.constant 3 : i32
      %dma_start3A_274 = arith.constant 0 : i32
      %dma_start3A_275 = arith.constant 0 : i32
      %dma_start3A_276 = tpu.memref_slice %arg9[%dma_start3A_273, %dma_start3A_274, %dma_start3A_275] : memref<16x8x64xf32, #tpu.memory_space<vmem>> -> memref<1x8x64xf32, #tpu.memory_space<vmem>>
      %dma_start3A_277 = tpu.memref_squeeze %dma_start3A_276 : memref<1x8x64xf32, #tpu.memory_space<vmem>> -> memref<8x64xf32, #tpu.memory_space<vmem>>
      %dma_start3A_278 = arith.constant 0 : i32
      %dma_start3A_279 = tpu.memref_slice %arg3[%multiple_of3A_272, %dma_start3A_278] : memref<1000000x64xf32, #tpu.memory_space<hbm>> -> memref<8x64xf32, #tpu.memory_space<hbm>>
      %dma_start3A_280 = arith.constant 0 : i32
      %dma_start3A_281 = arith.constant 0 : i32
      %dma_start3A_282 = tpu.memref_slice %arg9[%dma_start3A_273, %dma_start3A_280, %dma_start3A_281] : memref<16x8x64xf32, #tpu.memory_space<vmem>> -> memref<1x8x64xf32, #tpu.memory_space<vmem>>
      %dma_start3A_283 = tpu.memref_squeeze %dma_start3A_282 : memref<1x8x64xf32, #tpu.memory_space<vmem>> -> memref<8x64xf32, #tpu.memory_space<vmem>>
      %dma_start3A_284 = arith.constant 0 : i32
      %dma_start3A_285 = tpu.memref_slice %arg3[%multiple_of3A_272, %dma_start3A_284] : memref<1000000x64xf32, #tpu.memory_space<hbm>> -> memref<8x64xf32, #tpu.memory_space<hbm>>
      tpu.enqueue_dma source(%dma_start3A_285 : memref<8x64xf32, #tpu.memory_space<hbm>>) target(%dma_start3A_283 : memref<8x64xf32, #tpu.memory_space<vmem>>) target_semaphore(%arg14 : memref<!tpu.dma_semaphore, #tpu.memory_space<semaphore_mem>>)
      %slice3A_286 = vector.extract_strided_slice %get3A_225 {offsets = [4], sizes = [1], strides = [1]} : vector<16xi32> to vector<1xi32>
      %squeeze3A_287 = vector.extract %slice3A_286[0] : i32 from vector<1xi32>
      %multiple_of3A_288 = tpu.assume_multiple %squeeze3A_287, 8 : i32
      %dma_start3A_289 = arith.constant 4 : i32
      %dma_start3A_290 = arith.constant 0 : i32
      %dma_start3A_291 = arith.constant 0 : i32
      %dma_start3A_292 = tpu.memref_slice %arg9[%dma_start3A_289, %dma_start3A_290, %dma_start3A_291] : memref<16x8x64xf32, #tpu.memory_space<vmem>> -> memref<1x8x64xf32, #tpu.memory_space<vmem>>
      %dma_start3A_293 = tpu.memref_squeeze %dma_start3A_292 : memref<1x8x64xf32, #tpu.memory_space<vmem>> -> memref<8x64xf32, #tpu.memory_space<vmem>>
      %dma_start3A_294 = arith.constant 0 : i32
      %dma_start3A_295 = tpu.memref_slice %arg3[%multiple_of3A_288, %dma_start3A_294] : memref<1000000x64xf32, #tpu.memory_space<hbm>> -> memref<8x64xf32, #tpu.memory_space<hbm>>
      %dma_start3A_296 = arith.constant 0 : i32
      %dma_start3A_297 = arith.constant 0 : i32
      %dma_start3A_298 = tpu.memref_slice %arg9[%dma_start3A_289, %dma_start3A_296, %dma_start3A_297] : memref<16x8x64xf32, #tpu.memory_space<vmem>> -> memref<1x8x64xf32, #tpu.memory_space<vmem>>
      %dma_start3A_299 = tpu.memref_squeeze %dma_start3A_298 : memref<1x8x64xf32, #tpu.memory_space<vmem>> -> memref<8x64xf32, #tpu.memory_space<vmem>>
      %dma_start3A_300 = arith.constant 0 : i32
      %dma_start3A_301 = tpu.memref_slice %arg3[%multiple_of3A_288, %dma_start3A_300] : memref<1000000x64xf32, #tpu.memory_space<hbm>> -> memref<8x64xf32, #tpu.memory_space<hbm>>
      tpu.enqueue_dma source(%dma_start3A_301 : memref<8x64xf32, #tpu.memory_space<hbm>>) target(%dma_start3A_299 : memref<8x64xf32, #tpu.memory_space<vmem>>) target_semaphore(%arg15 : memref<!tpu.dma_semaphore, #tpu.memory_space<semaphore_mem>>)
      %slice3A_302 = vector.extract_strided_slice %get3A_225 {offsets = [5], sizes = [1], strides = [1]} : vector<16xi32> to vector<1xi32>
      %squeeze3A_303 = vector.extract %slice3A_302[0] : i32 from vector<1xi32>
      %multiple_of3A_304 = tpu.assume_multiple %squeeze3A_303, 8 : i32
      %dma_start3A_305 = arith.constant 5 : i32
      %dma_start3A_306 = arith.constant 0 : i32
      %dma_start3A_307 = arith.constant 0 : i32
      %dma_start3A_308 = tpu.memref_slice %arg9[%dma_start3A_305, %dma_start3A_306, %dma_start3A_307] : memref<16x8x64xf32, #tpu.memory_space<vmem>> -> memref<1x8x64xf32, #tpu.memory_space<vmem>>
      %dma_start3A_309 = tpu.memref_squeeze %dma_start3A_308 : memref<1x8x64xf32, #tpu.memory_space<vmem>> -> memref<8x64xf32, #tpu.memory_space<vmem>>
      %dma_start3A_310 = arith.constant 0 : i32
      %dma_start3A_311 = tpu.memref_slice %arg3[%multiple_of3A_304, %dma_start3A_310] : memref<1000000x64xf32, #tpu.memory_space<hbm>> -> memref<8x64xf32, #tpu.memory_space<hbm>>
      %dma_start3A_312 = arith.constant 0 : i32
      %dma_start3A_313 = arith.constant 0 : i32
      %dma_start3A_314 = tpu.memref_slice %arg9[%dma_start3A_305, %dma_start3A_312, %dma_start3A_313] : memref<16x8x64xf32, #tpu.memory_space<vmem>> -> memref<1x8x64xf32, #tpu.memory_space<vmem>>
      %dma_start3A_315 = tpu.memref_squeeze %dma_start3A_314 : memref<1x8x64xf32, #tpu.memory_space<vmem>> -> memref<8x64xf32, #tpu.memory_space<vmem>>
      %dma_start3A_316 = arith.constant 0 : i32
      %dma_start3A_317 = tpu.memref_slice %arg3[%multiple_of3A_304, %dma_start3A_316] : memref<1000000x64xf32, #tpu.memory_space<hbm>> -> memref<8x64xf32, #tpu.memory_space<hbm>>
      tpu.enqueue_dma source(%dma_start3A_317 : memref<8x64xf32, #tpu.memory_space<hbm>>) target(%dma_start3A_315 : memref<8x64xf32, #tpu.memory_space<vmem>>) target_semaphore(%arg16 : memref<!tpu.dma_semaphore, #tpu.memory_space<semaphore_mem>>)
      %slice3A_318 = vector.extract_strided_slice %get3A_225 {offsets = [6], sizes = [1], strides = [1]} : vector<16xi32> to vector<1xi32>
      %squeeze3A_319 = vector.extract %slice3A_318[0] : i32 from vector<1xi32>
      %multiple_of3A_320 = tpu.assume_multiple %squeeze3A_319, 8 : i32
      %dma_start3A_321 = arith.constant 6 : i32
      %dma_start3A_322 = arith.constant 0 : i32
      %dma_start3A_323 = arith.constant 0 : i32
      %dma_start3A_324 = tpu.memref_slice %arg9[%dma_start3A_321, %dma_start3A_322, %dma_start3A_323] : memref<16x8x64xf32, #tpu.memory_space<vmem>> -> memref<1x8x64xf32, #tpu.memory_space<vmem>>
      %dma_start3A_325 = tpu.memref_squeeze %dma_start3A_324 : memref<1x8x64xf32, #tpu.memory_space<vmem>> -> memref<8x64xf32, #tpu.memory_space<vmem>>
      %dma_start3A_326 = arith.constant 0 : i32
      %dma_start3A_327 = tpu.memref_slice %arg3[%multiple_of3A_320, %dma_start3A_326] : memref<1000000x64xf32, #tpu.memory_space<hbm>> -> memref<8x64xf32, #tpu.memory_space<hbm>>
      %dma_start3A_328 = arith.constant 0 : i32
      %dma_start3A_329 = arith.constant 0 : i32
      %dma_start3A_330 = tpu.memref_slice %arg9[%dma_start3A_321, %dma_start3A_328, %dma_start3A_329] : memref<16x8x64xf32, #tpu.memory_space<vmem>> -> memref<1x8x64xf32, #tpu.memory_space<vmem>>
      %dma_start3A_331 = tpu.memref_squeeze %dma_start3A_330 : memref<1x8x64xf32, #tpu.memory_space<vmem>> -> memref<8x64xf32, #tpu.memory_space<vmem>>
      %dma_start3A_332 = arith.constant 0 : i32
      %dma_start3A_333 = tpu.memref_slice %arg3[%multiple_of3A_320, %dma_start3A_332] : memref<1000000x64xf32, #tpu.memory_space<hbm>> -> memref<8x64xf32, #tpu.memory_space<hbm>>
      tpu.enqueue_dma source(%dma_start3A_333 : memref<8x64xf32, #tpu.memory_space<hbm>>) target(%dma_start3A_331 : memref<8x64xf32, #tpu.memory_space<vmem>>) target_semaphore(%arg17 : memref<!tpu.dma_semaphore, #tpu.memory_space<semaphore_mem>>)
      %slice3A_334 = vector.extract_strided_slice %get3A_225 {offsets = [7], sizes = [1], strides = [1]} : vector<16xi32> to vector<1xi32>
      %squeeze3A_335 = vector.extract %slice3A_334[0] : i32 from vector<1xi32>
      %multiple_of3A_336 = tpu.assume_multiple %squeeze3A_335, 8 : i32
      %dma_start3A_337 = arith.constant 7 : i32
      %dma_start3A_338 = arith.constant 0 : i32
      %dma_start3A_339 = arith.constant 0 : i32
      %dma_start3A_340 = tpu.memref_slice %arg9[%dma_start3A_337, %dma_start3A_338, %dma_start3A_339] : memref<16x8x64xf32, #tpu.memory_space<vmem>> -> memref<1x8x64xf32, #tpu.memory_space<vmem>>
      %dma_start3A_341 = tpu.memref_squeeze %dma_start3A_340 : memref<1x8x64xf32, #tpu.memory_space<vmem>> -> memref<8x64xf32, #tpu.memory_space<vmem>>
      %dma_start3A_342 = arith.constant 0 : i32
      %dma_start3A_343 = tpu.memref_slice %arg3[%multiple_of3A_336, %dma_start3A_342] : memref<1000000x64xf32, #tpu.memory_space<hbm>> -> memref<8x64xf32, #tpu.memory_space<hbm>>
      %dma_start3A_344 = arith.constant 0 : i32
      %dma_start3A_345 = arith.constant 0 : i32
      %dma_start3A_346 = tpu.memref_slice %arg9[%dma_start3A_337, %dma_start3A_344, %dma_start3A_345] : memref<16x8x64xf32, #tpu.memory_space<vmem>> -> memref<1x8x64xf32, #tpu.memory_space<vmem>>
      %dma_start3A_347 = tpu.memref_squeeze %dma_start3A_346 : memref<1x8x64xf32, #tpu.memory_space<vmem>> -> memref<8x64xf32, #tpu.memory_space<vmem>>
      %dma_start3A_348 = arith.constant 0 : i32
      %dma_start3A_349 = tpu.memref_slice %arg3[%multiple_of3A_336, %dma_start3A_348] : memref<1000000x64xf32, #tpu.memory_space<hbm>> -> memref<8x64xf32, #tpu.memory_space<hbm>>
      tpu.enqueue_dma source(%dma_start3A_349 : memref<8x64xf32, #tpu.memory_space<hbm>>) target(%dma_start3A_347 : memref<8x64xf32, #tpu.memory_space<vmem>>) target_semaphore(%arg18 : memref<!tpu.dma_semaphore, #tpu.memory_space<semaphore_mem>>)
      %slice3A_350 = vector.extract_strided_slice %get3A_225 {offsets = [8], sizes = [1], strides = [1]} : vector<16xi32> to vector<1xi32>
      %squeeze3A_351 = vector.extract %slice3A_350[0] : i32 from vector<1xi32>
      %multiple_of3A_352 = tpu.assume_multiple %squeeze3A_351, 8 : i32
      %dma_start3A_353 = arith.constant 8 : i32
      %dma_start3A_354 = arith.constant 0 : i32
      %dma_start3A_355 = arith.constant 0 : i32
      %dma_start3A_356 = tpu.memref_slice %arg9[%dma_start3A_353, %dma_start3A_354, %dma_start3A_355] : memref<16x8x64xf32, #tpu.memory_space<vmem>> -> memref<1x8x64xf32, #tpu.memory_space<vmem>>
      %dma_start3A_357 = tpu.memref_squeeze %dma_start3A_356 : memref<1x8x64xf32, #tpu.memory_space<vmem>> -> memref<8x64xf32, #tpu.memory_space<vmem>>
      %dma_start3A_358 = arith.constant 0 : i32
      %dma_start3A_359 = tpu.memref_slice %arg3[%multiple_of3A_352, %dma_start3A_358] : memref<1000000x64xf32, #tpu.memory_space<hbm>> -> memref<8x64xf32, #tpu.memory_space<hbm>>
      %dma_start3A_360 = arith.constant 0 : i32
      %dma_start3A_361 = arith.constant 0 : i32
      %dma_start3A_362 = tpu.memref_slice %arg9[%dma_start3A_353, %dma_start3A_360, %dma_start3A_361] : memref<16x8x64xf32, #tpu.memory_space<vmem>> -> memref<1x8x64xf32, #tpu.memory_space<vmem>>
      %dma_start3A_363 = tpu.memref_squeeze %dma_start3A_362 : memref<1x8x64xf32, #tpu.memory_space<vmem>> -> memref<8x64xf32, #tpu.memory_space<vmem>>
      %dma_start3A_364 = arith.constant 0 : i32
      %dma_start3A_365 = tpu.memref_slice %arg3[%multiple_of3A_352, %dma_start3A_364] : memref<1000000x64xf32, #tpu.memory_space<hbm>> -> memref<8x64xf32, #tpu.memory_space<hbm>>
      tpu.enqueue_dma source(%dma_start3A_365 : memref<8x64xf32, #tpu.memory_space<hbm>>) target(%dma_start3A_363 : memref<8x64xf32, #tpu.memory_space<vmem>>) target_semaphore(%arg19 : memref<!tpu.dma_semaphore, #tpu.memory_space<semaphore_mem>>)
      %slice3A_366 = vector.extract_strided_slice %get3A_225 {offsets = [9], sizes = [1], strides = [1]} : vector<16xi32> to vector<1xi32>
      %squeeze3A_367 = vector.extract %slice3A_366[0] : i32 from vector<1xi32>
      %multiple_of3A_368 = tpu.assume_multiple %squeeze3A_367, 8 : i32
      %dma_start3A_369 = arith.constant 9 : i32
      %dma_start3A_370 = arith.constant 0 : i32
      %dma_start3A_371 = arith.constant 0 : i32
      %dma_start3A_372 = tpu.memref_slice %arg9[%dma_start3A_369, %dma_start3A_370, %dma_start3A_371] : memref<16x8x64xf32, #tpu.memory_space<vmem>> -> memref<1x8x64xf32, #tpu.memory_space<vmem>>
      %dma_start3A_373 = tpu.memref_squeeze %dma_start3A_372 : memref<1x8x64xf32, #tpu.memory_space<vmem>> -> memref<8x64xf32, #tpu.memory_space<vmem>>
      %dma_start3A_374 = arith.constant 0 : i32
      %dma_start3A_375 = tpu.memref_slice %arg3[%multiple_of3A_368, %dma_start3A_374] : memref<1000000x64xf32, #tpu.memory_space<hbm>> -> memref<8x64xf32, #tpu.memory_space<hbm>>
      %dma_start3A_376 = arith.constant 0 : i32
      %dma_start3A_377 = arith.constant 0 : i32
      %dma_start3A_378 = tpu.memref_slice %arg9[%dma_start3A_369, %dma_start3A_376, %dma_start3A_377] : memref<16x8x64xf32, #tpu.memory_space<vmem>> -> memref<1x8x64xf32, #tpu.memory_space<vmem>>
      %dma_start3A_379 = tpu.memref_squeeze %dma_start3A_378 : memref<1x8x64xf32, #tpu.memory_space<vmem>> -> memref<8x64xf32, #tpu.memory_space<vmem>>
      %dma_start3A_380 = arith.constant 0 : i32
      %dma_start3A_381 = tpu.memref_slice %arg3[%multiple_of3A_368, %dma_start3A_380] : memref<1000000x64xf32, #tpu.memory_space<hbm>> -> memref<8x64xf32, #tpu.memory_space<hbm>>
      tpu.enqueue_dma source(%dma_start3A_381 : memref<8x64xf32, #tpu.memory_space<hbm>>) target(%dma_start3A_379 : memref<8x64xf32, #tpu.memory_space<vmem>>) target_semaphore(%arg20 : memref<!tpu.dma_semaphore, #tpu.memory_space<semaphore_mem>>)
      %slice3A_382 = vector.extract_strided_slice %get3A_225 {offsets = [10], sizes = [1], strides = [1]} : vector<16xi32> to vector<1xi32>
      %squeeze3A_383 = vector.extract %slice3A_382[0] : i32 from vector<1xi32>
      %multiple_of3A_384 = tpu.assume_multiple %squeeze3A_383, 8 : i32
      %dma_start3A_385 = arith.constant 10 : i32
      %dma_start3A_386 = arith.constant 0 : i32
      %dma_start3A_387 = arith.constant 0 : i32
      %dma_start3A_388 = tpu.memref_slice %arg9[%dma_start3A_385, %dma_start3A_386, %dma_start3A_387] : memref<16x8x64xf32, #tpu.memory_space<vmem>> -> memref<1x8x64xf32, #tpu.memory_space<vmem>>
      %dma_start3A_389 = tpu.memref_squeeze %dma_start3A_388 : memref<1x8x64xf32, #tpu.memory_space<vmem>> -> memref<8x64xf32, #tpu.memory_space<vmem>>
      %dma_start3A_390 = arith.constant 0 : i32
      %dma_start3A_391 = tpu.memref_slice %arg3[%multiple_of3A_384, %dma_start3A_390] : memref<1000000x64xf32, #tpu.memory_space<hbm>> -> memref<8x64xf32, #tpu.memory_space<hbm>>
      %dma_start3A_392 = arith.constant 0 : i32
      %dma_start3A_393 = arith.constant 0 : i32
      %dma_start3A_394 = tpu.memref_slice %arg9[%dma_start3A_385, %dma_start3A_392, %dma_start3A_393] : memref<16x8x64xf32, #tpu.memory_space<vmem>> -> memref<1x8x64xf32, #tpu.memory_space<vmem>>
      %dma_start3A_395 = tpu.memref_squeeze %dma_start3A_394 : memref<1x8x64xf32, #tpu.memory_space<vmem>> -> memref<8x64xf32, #tpu.memory_space<vmem>>
      %dma_start3A_396 = arith.constant 0 : i32
      %dma_start3A_397 = tpu.memref_slice %arg3[%multiple_of3A_384, %dma_start3A_396] : memref<1000000x64xf32, #tpu.memory_space<hbm>> -> memref<8x64xf32, #tpu.memory_space<hbm>>
      tpu.enqueue_dma source(%dma_start3A_397 : memref<8x64xf32, #tpu.memory_space<hbm>>) target(%dma_start3A_395 : memref<8x64xf32, #tpu.memory_space<vmem>>) target_semaphore(%arg21 : memref<!tpu.dma_semaphore, #tpu.memory_space<semaphore_mem>>)
      %slice3A_398 = vector.extract_strided_slice %get3A_225 {offsets = [11], sizes = [1], strides = [1]} : vector<16xi32> to vector<1xi32>
      %squeeze3A_399 = vector.extract %slice3A_398[0] : i32 from vector<1xi32>
      %multiple_of3A_400 = tpu.assume_multiple %squeeze3A_399, 8 : i32
      %dma_start3A_401 = arith.constant 11 : i32
      %dma_start3A_402 = arith.constant 0 : i32
      %dma_start3A_403 = arith.constant 0 : i32
      %dma_start3A_404 = tpu.memref_slice %arg9[%dma_start3A_401, %dma_start3A_402, %dma_start3A_403] : memref<16x8x64xf32, #tpu.memory_space<vmem>> -> memref<1x8x64xf32, #tpu.memory_space<vmem>>
      %dma_start3A_405 = tpu.memref_squeeze %dma_start3A_404 : memref<1x8x64xf32, #tpu.memory_space<vmem>> -> memref<8x64xf32, #tpu.memory_space<vmem>>
      %dma_start3A_406 = arith.constant 0 : i32
      %dma_start3A_407 = tpu.memref_slice %arg3[%multiple_of3A_400, %dma_start3A_406] : memref<1000000x64xf32, #tpu.memory_space<hbm>> -> memref<8x64xf32, #tpu.memory_space<hbm>>
      %dma_start3A_408 = arith.constant 0 : i32
      %dma_start3A_409 = arith.constant 0 : i32
      %dma_start3A_410 = tpu.memref_slice %arg9[%dma_start3A_401, %dma_start3A_408, %dma_start3A_409] : memref<16x8x64xf32, #tpu.memory_space<vmem>> -> memref<1x8x64xf32, #tpu.memory_space<vmem>>
      %dma_start3A_411 = tpu.memref_squeeze %dma_start3A_410 : memref<1x8x64xf32, #tpu.memory_space<vmem>> -> memref<8x64xf32, #tpu.memory_space<vmem>>
      %dma_start3A_412 = arith.constant 0 : i32
      %dma_start3A_413 = tpu.memref_slice %arg3[%multiple_of3A_400, %dma_start3A_412] : memref<1000000x64xf32, #tpu.memory_space<hbm>> -> memref<8x64xf32, #tpu.memory_space<hbm>>
      tpu.enqueue_dma source(%dma_start3A_413 : memref<8x64xf32, #tpu.memory_space<hbm>>) target(%dma_start3A_411 : memref<8x64xf32, #tpu.memory_space<vmem>>) target_semaphore(%arg22 : memref<!tpu.dma_semaphore, #tpu.memory_space<semaphore_mem>>)
      %slice3A_414 = vector.extract_strided_slice %get3A_225 {offsets = [12], sizes = [1], strides = [1]} : vector<16xi32> to vector<1xi32>
      %squeeze3A_415 = vector.extract %slice3A_414[0] : i32 from vector<1xi32>
      %multiple_of3A_416 = tpu.assume_multiple %squeeze3A_415, 8 : i32
      %dma_start3A_417 = arith.constant 12 : i32
      %dma_start3A_418 = arith.constant 0 : i32
      %dma_start3A_419 = arith.constant 0 : i32
      %dma_start3A_420 = tpu.memref_slice %arg9[%dma_start3A_417, %dma_start3A_418, %dma_start3A_419] : memref<16x8x64xf32, #tpu.memory_space<vmem>> -> memref<1x8x64xf32, #tpu.memory_space<vmem>>
      %dma_start3A_421 = tpu.memref_squeeze %dma_start3A_420 : memref<1x8x64xf32, #tpu.memory_space<vmem>> -> memref<8x64xf32, #tpu.memory_space<vmem>>
      %dma_start3A_422 = arith.constant 0 : i32
      %dma_start3A_423 = tpu.memref_slice %arg3[%multiple_of3A_416, %dma_start3A_422] : memref<1000000x64xf32, #tpu.memory_space<hbm>> -> memref<8x64xf32, #tpu.memory_space<hbm>>
      %dma_start3A_424 = arith.constant 0 : i32
      %dma_start3A_425 = arith.constant 0 : i32
      %dma_start3A_426 = tpu.memref_slice %arg9[%dma_start3A_417, %dma_start3A_424, %dma_start3A_425] : memref<16x8x64xf32, #tpu.memory_space<vmem>> -> memref<1x8x64xf32, #tpu.memory_space<vmem>>
      %dma_start3A_427 = tpu.memref_squeeze %dma_start3A_426 : memref<1x8x64xf32, #tpu.memory_space<vmem>> -> memref<8x64xf32, #tpu.memory_space<vmem>>
      %dma_start3A_428 = arith.constant 0 : i32
      %dma_start3A_429 = tpu.memref_slice %arg3[%multiple_of3A_416, %dma_start3A_428] : memref<1000000x64xf32, #tpu.memory_space<hbm>> -> memref<8x64xf32, #tpu.memory_space<hbm>>
      tpu.enqueue_dma source(%dma_start3A_429 : memref<8x64xf32, #tpu.memory_space<hbm>>) target(%dma_start3A_427 : memref<8x64xf32, #tpu.memory_space<vmem>>) target_semaphore(%arg23 : memref<!tpu.dma_semaphore, #tpu.memory_space<semaphore_mem>>)
      %slice3A_430 = vector.extract_strided_slice %get3A_225 {offsets = [13], sizes = [1], strides = [1]} : vector<16xi32> to vector<1xi32>
      %squeeze3A_431 = vector.extract %slice3A_430[0] : i32 from vector<1xi32>
      %multiple_of3A_432 = tpu.assume_multiple %squeeze3A_431, 8 : i32
      %dma_start3A_433 = arith.constant 13 : i32
      %dma_start3A_434 = arith.constant 0 : i32
      %dma_start3A_435 = arith.constant 0 : i32
      %dma_start3A_436 = tpu.memref_slice %arg9[%dma_start3A_433, %dma_start3A_434, %dma_start3A_435] : memref<16x8x64xf32, #tpu.memory_space<vmem>> -> memref<1x8x64xf32, #tpu.memory_space<vmem>>
      %dma_start3A_437 = tpu.memref_squeeze %dma_start3A_436 : memref<1x8x64xf32, #tpu.memory_space<vmem>> -> memref<8x64xf32, #tpu.memory_space<vmem>>
      %dma_start3A_438 = arith.constant 0 : i32
      %dma_start3A_439 = tpu.memref_slice %arg3[%multiple_of3A_432, %dma_start3A_438] : memref<1000000x64xf32, #tpu.memory_space<hbm>> -> memref<8x64xf32, #tpu.memory_space<hbm>>
      %dma_start3A_440 = arith.constant 0 : i32
      %dma_start3A_441 = arith.constant 0 : i32
      %dma_start3A_442 = tpu.memref_slice %arg9[%dma_start3A_433, %dma_start3A_440, %dma_start3A_441] : memref<16x8x64xf32, #tpu.memory_space<vmem>> -> memref<1x8x64xf32, #tpu.memory_space<vmem>>
      %dma_start3A_443 = tpu.memref_squeeze %dma_start3A_442 : memref<1x8x64xf32, #tpu.memory_space<vmem>> -> memref<8x64xf32, #tpu.memory_space<vmem>>
      %dma_start3A_444 = arith.constant 0 : i32
      %dma_start3A_445 = tpu.memref_slice %arg3[%multiple_of3A_432, %dma_start3A_444] : memref<1000000x64xf32, #tpu.memory_space<hbm>> -> memref<8x64xf32, #tpu.memory_space<hbm>>
      tpu.enqueue_dma source(%dma_start3A_445 : memref<8x64xf32, #tpu.memory_space<hbm>>) target(%dma_start3A_443 : memref<8x64xf32, #tpu.memory_space<vmem>>) target_semaphore(%arg24 : memref<!tpu.dma_semaphore, #tpu.memory_space<semaphore_mem>>)
      %slice3A_446 = vector.extract_strided_slice %get3A_225 {offsets = [14], sizes = [1], strides = [1]} : vector<16xi32> to vector<1xi32>
      %squeeze3A_447 = vector.extract %slice3A_446[0] : i32 from vector<1xi32>
      %multiple_of3A_448 = tpu.assume_multiple %squeeze3A_447, 8 : i32
      %dma_start3A_449 = arith.constant 14 : i32
      %dma_start3A_450 = arith.constant 0 : i32
      %dma_start3A_451 = arith.constant 0 : i32
      %dma_start3A_452 = tpu.memref_slice %arg9[%dma_start3A_449, %dma_start3A_450, %dma_start3A_451] : memref<16x8x64xf32, #tpu.memory_space<vmem>> -> memref<1x8x64xf32, #tpu.memory_space<vmem>>
      %dma_start3A_453 = tpu.memref_squeeze %dma_start3A_452 : memref<1x8x64xf32, #tpu.memory_space<vmem>> -> memref<8x64xf32, #tpu.memory_space<vmem>>
      %dma_start3A_454 = arith.constant 0 : i32
      %dma_start3A_455 = tpu.memref_slice %arg3[%multiple_of3A_448, %dma_start3A_454] : memref<1000000x64xf32, #tpu.memory_space<hbm>> -> memref<8x64xf32, #tpu.memory_space<hbm>>
      %dma_start3A_456 = arith.constant 0 : i32
      %dma_start3A_457 = arith.constant 0 : i32
      %dma_start3A_458 = tpu.memref_slice %arg9[%dma_start3A_449, %dma_start3A_456, %dma_start3A_457] : memref<16x8x64xf32, #tpu.memory_space<vmem>> -> memref<1x8x64xf32, #tpu.memory_space<vmem>>
      %dma_start3A_459 = tpu.memref_squeeze %dma_start3A_458 : memref<1x8x64xf32, #tpu.memory_space<vmem>> -> memref<8x64xf32, #tpu.memory_space<vmem>>
      %dma_start3A_460 = arith.constant 0 : i32
      %dma_start3A_461 = tpu.memref_slice %arg3[%multiple_of3A_448, %dma_start3A_460] : memref<1000000x64xf32, #tpu.memory_space<hbm>> -> memref<8x64xf32, #tpu.memory_space<hbm>>
      tpu.enqueue_dma source(%dma_start3A_461 : memref<8x64xf32, #tpu.memory_space<hbm>>) target(%dma_start3A_459 : memref<8x64xf32, #tpu.memory_space<vmem>>) target_semaphore(%arg25 : memref<!tpu.dma_semaphore, #tpu.memory_space<semaphore_mem>>)
      %slice3A_462 = vector.extract_strided_slice %get3A_225 {offsets = [15], sizes = [1], strides = [1]} : vector<16xi32> to vector<1xi32>
      %squeeze3A_463 = vector.extract %slice3A_462[0] : i32 from vector<1xi32>
      %multiple_of3A_464 = tpu.assume_multiple %squeeze3A_463, 8 : i32
      %dma_start3A_465 = arith.constant 15 : i32
      %dma_start3A_466 = arith.constant 0 : i32
      %dma_start3A_467 = arith.constant 0 : i32
      %dma_start3A_468 = tpu.memref_slice %arg9[%dma_start3A_465, %dma_start3A_466, %dma_start3A_467] : memref<16x8x64xf32, #tpu.memory_space<vmem>> -> memref<1x8x64xf32, #tpu.memory_space<vmem>>
      %dma_start3A_469 = tpu.memref_squeeze %dma_start3A_468 : memref<1x8x64xf32, #tpu.memory_space<vmem>> -> memref<8x64xf32, #tpu.memory_space<vmem>>
      %dma_start3A_470 = arith.constant 0 : i32
      %dma_start3A_471 = tpu.memref_slice %arg3[%multiple_of3A_464, %dma_start3A_470] : memref<1000000x64xf32, #tpu.memory_space<hbm>> -> memref<8x64xf32, #tpu.memory_space<hbm>>
      %dma_start3A_472 = arith.constant 0 : i32
      %dma_start3A_473 = arith.constant 0 : i32
      %dma_start3A_474 = tpu.memref_slice %arg9[%dma_start3A_465, %dma_start3A_472, %dma_start3A_473] : memref<16x8x64xf32, #tpu.memory_space<vmem>> -> memref<1x8x64xf32, #tpu.memory_space<vmem>>
      %dma_start3A_475 = tpu.memref_squeeze %dma_start3A_474 : memref<1x8x64xf32, #tpu.memory_space<vmem>> -> memref<8x64xf32, #tpu.memory_space<vmem>>
      %dma_start3A_476 = arith.constant 0 : i32
      %dma_start3A_477 = tpu.memref_slice %arg3[%multiple_of3A_464, %dma_start3A_476] : memref<1000000x64xf32, #tpu.memory_space<hbm>> -> memref<8x64xf32, #tpu.memory_space<hbm>>
      tpu.enqueue_dma source(%dma_start3A_477 : memref<8x64xf32, #tpu.memory_space<hbm>>) target(%dma_start3A_475 : memref<8x64xf32, #tpu.memory_space<vmem>>) target_semaphore(%arg26 : memref<!tpu.dma_semaphore, #tpu.memory_space<semaphore_mem>>)
      %broadcast_in_dim3A = arith.constant 0.000000e+00 : f32
      %broadcast_in_dim3A_478 = vector.broadcast %broadcast_in_dim3A : f32 to vector<16xf32>
      %broadcast_in_dim3A_479 = arith.constant 0.000000e+00 : f32
      %broadcast_in_dim3A_480 = vector.broadcast %broadcast_in_dim3A_479 : f32 to vector<16xf32>
      %broadcast_in_dim3A_481 = arith.constant 0.000000e+00 : f32
      %broadcast_in_dim3A_482 = vector.broadcast %broadcast_in_dim3A_481 : f32 to vector<16xf32>
      %broadcast_in_dim3A_483 = arith.constant 0.000000e+00 : f32
      %broadcast_in_dim3A_484 = vector.broadcast %broadcast_in_dim3A_483 : f32 to vector<16xf32>
      %scan3A = arith.constant 1 : i32
      %scan3A_485 = arith.constant 11 : i32
      %scan3A_486 = arith.addi %scan3A, %scan3A_485 : i32
      %scan3A_487 = arith.constant 1 : i32
      %scan3A_488:4 = scf.for %scan3A_1721 = %scan3A to %scan3A_486 step %scan3A_487 iter_args(%scan3A_1722 = %broadcast_in_dim3A_478, %scan3A_1723 = %broadcast_in_dim3A_480, %scan3A_1724 = %broadcast_in_dim3A_482, %scan3A_1725 = %broadcast_in_dim3A_484) -> (vector<16xf32>, vector<16xf32>, vector<16xf32>, vector<16xf32>)  : i32 {
        %sub3A = arith.constant 1 : i32
        %sub3A_1726 = arith.subi %scan3A_1721, %sub3A : i32
        %mul3A = arith.constant 16 : i32
        %mul3A_1727 = arith.muli %sub3A_1726, %mul3A : i32
        %get3A_1728 = arith.index_cast %mul3A_1727 : i32 to index
        %get3A_1729 = tpu.vector_load %arg8[%get3A_1728] {strides = array<i32>} : memref<200xi32, #tpu.memory_space<vmem>>, vector<16xi32>,
        %get3A_1730 = vector.shape_cast %get3A_1729 : vector<16xi32> to vector<16xi32>
        %mul3A_1731 = arith.constant 16 : i32
        %mul3A_1732 = arith.muli %scan3A_1721, %mul3A_1731 : i32
        %get3A_1733 = arith.index_cast %mul3A_1732 : i32 to index
        %get3A_1734 = tpu.vector_load %arg7[%get3A_1733] {strides = array<i32>} : memref<200xi32, #tpu.memory_space<vmem>>, vector<16xi32>,
        %get3A_1735 = vector.shape_cast %get3A_1734 : vector<16xi32> to vector<16xi32>
        %dma_wait3A_1736 = arith.constant 0 : i32
        %dma_wait3A_1737 = arith.constant 0 : i32
        %dma_wait3A_1738 = arith.constant 0 : i32
        %dma_wait3A_1739 = tpu.memref_slice %arg9[%dma_wait3A_1736, %dma_wait3A_1737, %dma_wait3A_1738] : memref<16x8x64xf32, #tpu.memory_space<vmem>> -> memref<1x8x64xf32, #tpu.memory_space<vmem>>
        %dma_wait3A_1740 = tpu.memref_squeeze %dma_wait3A_1739 : memref<1x8x64xf32, #tpu.memory_space<vmem>> -> memref<8x64xf32, #tpu.memory_space<vmem>>
        %dma_wait3A_1741 = arith.constant 0 : i32
        %dma_wait3A_1742 = arith.constant 0 : i32
        %dma_wait3A_1743 = tpu.memref_slice %arg3[%dma_wait3A_1741, %dma_wait3A_1742] : memref<1000000x64xf32, #tpu.memory_space<hbm>> -> memref<8x64xf32, #tpu.memory_space<hbm>>
        %dma_wait3A_1744 = arith.constant 0 : i32
        %dma_wait3A_1745 = arith.constant 0 : i32
        %dma_wait3A_1746 = tpu.memref_slice %arg9[%dma_wait3A_1736, %dma_wait3A_1744, %dma_wait3A_1745] : memref<16x8x64xf32, #tpu.memory_space<vmem>> -> memref<1x8x64xf32, #tpu.memory_space<vmem>>
        %dma_wait3A_1747 = tpu.memref_squeeze %dma_wait3A_1746 : memref<1x8x64xf32, #tpu.memory_space<vmem>> -> memref<8x64xf32, #tpu.memory_space<vmem>>
        %dma_wait3A_1748 = arith.constant 0 : i32
        %dma_wait3A_1749 = arith.constant 0 : i32
        %dma_wait3A_1750 = tpu.memref_slice %arg3[%dma_wait3A_1748, %dma_wait3A_1749] : memref<1000000x64xf32, #tpu.memory_space<hbm>> -> memref<8x64xf32, #tpu.memory_space<hbm>>
        tpu.wait_dma2 semaphore(%arg11 : memref<!tpu.dma_semaphore, #tpu.memory_space<semaphore_mem>>) src(%dma_wait3A_1750 : memref<8x64xf32, #tpu.memory_space<hbm>>) dst(%dma_wait3A_1747 : memref<8x64xf32, #tpu.memory_space<vmem>>)
        %slice3A_1751 = vector.extract_strided_slice %get3A_1730 {offsets = [0], sizes = [1], strides = [1]} : vector<16xi32> to vector<1xi32>
        %squeeze3A_1752 = vector.extract %slice3A_1751[0] : i32 from vector<1xi32>
        %get3A_1753 = arith.constant 0 : i32
        %get3A_1754 = arith.index_cast %get3A_1753 : i32 to index
        %get3A_1755 = arith.index_cast %squeeze3A_1752 : i32 to index
        %get3A_1756 = arith.constant 0 : index
        %get3A_1757 = tpu.vector_load %arg9[%get3A_1754, %get3A_1755, %get3A_1756] {strides = array<i32>} : memref<16x8x64xf32, #tpu.memory_space<vmem>>, vector<1x1x16xf32>,
        %get3A_1758 = vector.shape_cast %get3A_1757 : vector<1x1x16xf32> to vector<16xf32>
        %add3A_1759 = arith.addf %scan3A_1722, %get3A_1758 : vector<16xf32>
        %get3A_1760 = arith.constant 0 : i32
        %get3A_1761 = arith.index_cast %get3A_1760 : i32 to index
        %get3A_1762 = arith.index_cast %squeeze3A_1752 : i32 to index
        %get3A_1763 = arith.constant 16 : index
        %get3A_1764 = tpu.vector_load %arg9[%get3A_1761, %get3A_1762, %get3A_1763] {strides = array<i32>} : memref<16x8x64xf32, #tpu.memory_space<vmem>>, vector<1x1x16xf32>,
        %get3A_1765 = vector.shape_cast %get3A_1764 : vector<1x1x16xf32> to vector<16xf32>
        %add3A_1766 = arith.addf %scan3A_1723, %get3A_1765 : vector<16xf32>
        %get3A_1767 = arith.constant 0 : i32
        %get3A_1768 = arith.index_cast %get3A_1767 : i32 to index
        %get3A_1769 = arith.index_cast %squeeze3A_1752 : i32 to index
        %get3A_1770 = arith.constant 32 : index
        %get3A_1771 = tpu.vector_load %arg9[%get3A_1768, %get3A_1769, %get3A_1770] {strides = array<i32>} : memref<16x8x64xf32, #tpu.memory_space<vmem>>, vector<1x1x16xf32>,
        %get3A_1772 = vector.shape_cast %get3A_1771 : vector<1x1x16xf32> to vector<16xf32>
        %add3A_1773 = arith.addf %scan3A_1724, %get3A_1772 : vector<16xf32>
        %get3A_1774 = arith.constant 0 : i32
        %get3A_1775 = arith.index_cast %get3A_1774 : i32 to index
        %get3A_1776 = arith.index_cast %squeeze3A_1752 : i32 to index
        %get3A_1777 = arith.constant 48 : index
        %get3A_1778 = tpu.vector_load %arg9[%get3A_1775, %get3A_1776, %get3A_1777] {strides = array<i32>} : memref<16x8x64xf32, #tpu.memory_space<vmem>>, vector<1x1x16xf32>,
        %get3A_1779 = vector.shape_cast %get3A_1778 : vector<1x1x16xf32> to vector<16xf32>
        %add3A_1780 = arith.addf %scan3A_1725, %get3A_1779 : vector<16xf32>
        %slice3A_1781 = vector.extract_strided_slice %get3A_1735 {offsets = [0], sizes = [1], strides = [1]} : vector<16xi32> to vector<1xi32>
        %squeeze3A_1782 = vector.extract %slice3A_1781[0] : i32 from vector<1xi32>
        %multiple_of3A_1783 = tpu.assume_multiple %squeeze3A_1782, 8 : i32
        %dma_start3A_1784 = arith.constant 0 : i32
        %dma_start3A_1785 = arith.constant 0 : i32
        %dma_start3A_1786 = arith.constant 0 : i32
        %dma_start3A_1787 = tpu.memref_slice %arg9[%dma_start3A_1784, %dma_start3A_1785, %dma_start3A_1786] : memref<16x8x64xf32, #tpu.memory_space<vmem>> -> memref<1x8x64xf32, #tpu.memory_space<vmem>>
        %dma_start3A_1788 = tpu.memref_squeeze %dma_start3A_1787 : memref<1x8x64xf32, #tpu.memory_space<vmem>> -> memref<8x64xf32, #tpu.memory_space<vmem>>
        %dma_start3A_1789 = arith.constant 0 : i32
        %dma_start3A_1790 = tpu.memref_slice %arg3[%multiple_of3A_1783, %dma_start3A_1789] : memref<1000000x64xf32, #tpu.memory_space<hbm>> -> memref<8x64xf32, #tpu.memory_space<hbm>>
        %dma_start3A_1791 = arith.constant 0 : i32
        %dma_start3A_1792 = arith.constant 0 : i32
        %dma_start3A_1793 = tpu.memref_slice %arg9[%dma_start3A_1784, %dma_start3A_1791, %dma_start3A_1792] : memref<16x8x64xf32, #tpu.memory_space<vmem>> -> memref<1x8x64xf32, #tpu.memory_space<vmem>>
        %dma_start3A_1794 = tpu.memref_squeeze %dma_start3A_1793 : memref<1x8x64xf32, #tpu.memory_space<vmem>> -> memref<8x64xf32, #tpu.memory_space<vmem>>
        %dma_start3A_1795 = arith.constant 0 : i32
        %dma_start3A_1796 = tpu.memref_slice %arg3[%multiple_of3A_1783, %dma_start3A_1795] : memref<1000000x64xf32, #tpu.memory_space<hbm>> -> memref<8x64xf32, #tpu.memory_space<hbm>>
        tpu.enqueue_dma source(%dma_start3A_1796 : memref<8x64xf32, #tpu.memory_space<hbm>>) target(%dma_start3A_1794 : memref<8x64xf32, #tpu.memory_space<vmem>>) target_semaphore(%arg11 : memref<!tpu.dma_semaphore, #tpu.memory_space<semaphore_mem>>)
        %dma_wait3A_1797 = arith.constant 1 : i32
        %dma_wait3A_1798 = arith.constant 0 : i32
        %dma_wait3A_1799 = arith.constant 0 : i32
        %dma_wait3A_1800 = tpu.memref_slice %arg9[%dma_wait3A_1797, %dma_wait3A_1798, %dma_wait3A_1799] : memref<16x8x64xf32, #tpu.memory_space<vmem>> -> memref<1x8x64xf32, #tpu.memory_space<vmem>>
        %dma_wait3A_1801 = tpu.memref_squeeze %dma_wait3A_1800 : memref<1x8x64xf32, #tpu.memory_space<vmem>> -> memref<8x64xf32, #tpu.memory_space<vmem>>
        %dma_wait3A_1802 = arith.constant 0 : i32
        %dma_wait3A_1803 = arith.constant 0 : i32
        %dma_wait3A_1804 = tpu.memref_slice %arg3[%dma_wait3A_1802, %dma_wait3A_1803] : memref<1000000x64xf32, #tpu.memory_space<hbm>> -> memref<8x64xf32, #tpu.memory_space<hbm>>
        %dma_wait3A_1805 = arith.constant 0 : i32
        %dma_wait3A_1806 = arith.constant 0 : i32
        %dma_wait3A_1807 = tpu.memref_slice %arg9[%dma_wait3A_1797, %dma_wait3A_1805, %dma_wait3A_1806] : memref<16x8x64xf32, #tpu.memory_space<vmem>> -> memref<1x8x64xf32, #tpu.memory_space<vmem>>
        %dma_wait3A_1808 = tpu.memref_squeeze %dma_wait3A_1807 : memref<1x8x64xf32, #tpu.memory_space<vmem>> -> memref<8x64xf32, #tpu.memory_space<vmem>>
        %dma_wait3A_1809 = arith.constant 0 : i32
        %dma_wait3A_1810 = arith.constant 0 : i32
        %dma_wait3A_1811 = tpu.memref_slice %arg3[%dma_wait3A_1809, %dma_wait3A_1810] : memref<1000000x64xf32, #tpu.memory_space<hbm>> -> memref<8x64xf32, #tpu.memory_space<hbm>>
        tpu.wait_dma2 semaphore(%arg12 : memref<!tpu.dma_semaphore, #tpu.memory_space<semaphore_mem>>) src(%dma_wait3A_1811 : memref<8x64xf32, #tpu.memory_space<hbm>>) dst(%dma_wait3A_1808 : memref<8x64xf32, #tpu.memory_space<vmem>>)
        %slice3A_1812 = vector.extract_strided_slice %get3A_1730 {offsets = [1], sizes = [1], strides = [1]} : vector<16xi32> to vector<1xi32>
        %squeeze3A_1813 = vector.extract %slice3A_1812[0] : i32 from vector<1xi32>
        %get3A_1814 = arith.constant 1 : i32
        %get3A_1815 = arith.index_cast %get3A_1814 : i32 to index
        %get3A_1816 = arith.index_cast %squeeze3A_1813 : i32 to index
        %get3A_1817 = arith.constant 0 : index
        %get3A_1818 = tpu.vector_load %arg9[%get3A_1815, %get3A_1816, %get3A_1817] {strides = array<i32>} : memref<16x8x64xf32, #tpu.memory_space<vmem>>, vector<1x1x16xf32>,
        %get3A_1819 = vector.shape_cast %get3A_1818 : vector<1x1x16xf32> to vector<16xf32>
        %add3A_1820 = arith.addf %add3A_1759, %get3A_1819 : vector<16xf32>
        %get3A_1821 = arith.constant 1 : i32
        %get3A_1822 = arith.index_cast %get3A_1821 : i32 to index
        %get3A_1823 = arith.index_cast %squeeze3A_1813 : i32 to index
        %get3A_1824 = arith.constant 16 : index
        %get3A_1825 = tpu.vector_load %arg9[%get3A_1822, %get3A_1823, %get3A_1824] {strides = array<i32>} : memref<16x8x64xf32, #tpu.memory_space<vmem>>, vector<1x1x16xf32>,
        %get3A_1826 = vector.shape_cast %get3A_1825 : vector<1x1x16xf32> to vector<16xf32>
        %add3A_1827 = arith.addf %add3A_1766, %get3A_1826 : vector<16xf32>
        %get3A_1828 = arith.constant 1 : i32
        %get3A_1829 = arith.index_cast %get3A_1828 : i32 to index
        %get3A_1830 = arith.index_cast %squeeze3A_1813 : i32 to index
        %get3A_1831 = arith.constant 32 : index
        %get3A_1832 = tpu.vector_load %arg9[%get3A_1829, %get3A_1830, %get3A_1831] {strides = array<i32>} : memref<16x8x64xf32, #tpu.memory_space<vmem>>, vector<1x1x16xf32>,
        %get3A_1833 = vector.shape_cast %get3A_1832 : vector<1x1x16xf32> to vector<16xf32>
        %add3A_1834 = arith.addf %add3A_1773, %get3A_1833 : vector<16xf32>
        %get3A_1835 = arith.constant 1 : i32
        %get3A_1836 = arith.index_cast %get3A_1835 : i32 to index
        %get3A_1837 = arith.index_cast %squeeze3A_1813 : i32 to index
        %get3A_1838 = arith.constant 48 : index
        %get3A_1839 = tpu.vector_load %arg9[%get3A_1836, %get3A_1837, %get3A_1838] {strides = array<i32>} : memref<16x8x64xf32, #tpu.memory_space<vmem>>, vector<1x1x16xf32>,
        %get3A_1840 = vector.shape_cast %get3A_1839 : vector<1x1x16xf32> to vector<16xf32>
        %add3A_1841 = arith.addf %add3A_1780, %get3A_1840 : vector<16xf32>
        %slice3A_1842 = vector.extract_strided_slice %get3A_1735 {offsets = [1], sizes = [1], strides = [1]} : vector<16xi32> to vector<1xi32>
        %squeeze3A_1843 = vector.extract %slice3A_1842[0] : i32 from vector<1xi32>
        %multiple_of3A_1844 = tpu.assume_multiple %squeeze3A_1843, 8 : i32
        %dma_start3A_1845 = arith.constant 1 : i32
        %dma_start3A_1846 = arith.constant 0 : i32
        %dma_start3A_1847 = arith.constant 0 : i32
        %dma_start3A_1848 = tpu.memref_slice %arg9[%dma_start3A_1845, %dma_start3A_1846, %dma_start3A_1847] : memref<16x8x64xf32, #tpu.memory_space<vmem>> -> memref<1x8x64xf32, #tpu.memory_space<vmem>>
        %dma_start3A_1849 = tpu.memref_squeeze %dma_start3A_1848 : memref<1x8x64xf32, #tpu.memory_space<vmem>> -> memref<8x64xf32, #tpu.memory_space<vmem>>
        %dma_start3A_1850 = arith.constant 0 : i32
        %dma_start3A_1851 = tpu.memref_slice %arg3[%multiple_of3A_1844, %dma_start3A_1850] : memref<1000000x64xf32, #tpu.memory_space<hbm>> -> memref<8x64xf32, #tpu.memory_space<hbm>>
        %dma_start3A_1852 = arith.constant 0 : i32
        %dma_start3A_1853 = arith.constant 0 : i32
        %dma_start3A_1854 = tpu.memref_slice %arg9[%dma_start3A_1845, %dma_start3A_1852, %dma_start3A_1853] : memref<16x8x64xf32, #tpu.memory_space<vmem>> -> memref<1x8x64xf32, #tpu.memory_space<vmem>>
        %dma_start3A_1855 = tpu.memref_squeeze %dma_start3A_1854 : memref<1x8x64xf32, #tpu.memory_space<vmem>> -> memref<8x64xf32, #tpu.memory_space<vmem>>
        %dma_start3A_1856 = arith.constant 0 : i32
        %dma_start3A_1857 = tpu.memref_slice %arg3[%multiple_of3A_1844, %dma_start3A_1856] : memref<1000000x64xf32, #tpu.memory_space<hbm>> -> memref<8x64xf32, #tpu.memory_space<hbm>>
        tpu.enqueue_dma source(%dma_start3A_1857 : memref<8x64xf32, #tpu.memory_space<hbm>>) target(%dma_start3A_1855 : memref<8x64xf32, #tpu.memory_space<vmem>>) target_semaphore(%arg12 : memref<!tpu.dma_semaphore, #tpu.memory_space<semaphore_mem>>)
        %dma_wait3A_1858 = arith.constant 2 : i32
        %dma_wait3A_1859 = arith.constant 0 : i32
        %dma_wait3A_1860 = arith.constant 0 : i32
        %dma_wait3A_1861 = tpu.memref_slice %arg9[%dma_wait3A_1858, %dma_wait3A_1859, %dma_wait3A_1860] : memref<16x8x64xf32, #tpu.memory_space<vmem>> -> memref<1x8x64xf32, #tpu.memory_space<vmem>>
        %dma_wait3A_1862 = tpu.memref_squeeze %dma_wait3A_1861 : memref<1x8x64xf32, #tpu.memory_space<vmem>> -> memref<8x64xf32, #tpu.memory_space<vmem>>
        %dma_wait3A_1863 = arith.constant 0 : i32
        %dma_wait3A_1864 = arith.constant 0 : i32
        %dma_wait3A_1865 = tpu.memref_slice %arg3[%dma_wait3A_1863, %dma_wait3A_1864] : memref<1000000x64xf32, #tpu.memory_space<hbm>> -> memref<8x64xf32, #tpu.memory_space<hbm>>
        %dma_wait3A_1866 = arith.constant 0 : i32
        %dma_wait3A_1867 = arith.constant 0 : i32
        %dma_wait3A_1868 = tpu.memref_slice %arg9[%dma_wait3A_1858, %dma_wait3A_1866, %dma_wait3A_1867] : memref<16x8x64xf32, #tpu.memory_space<vmem>> -> memref<1x8x64xf32, #tpu.memory_space<vmem>>
        %dma_wait3A_1869 = tpu.memref_squeeze %dma_wait3A_1868 : memref<1x8x64xf32, #tpu.memory_space<vmem>> -> memref<8x64xf32, #tpu.memory_space<vmem>>
        %dma_wait3A_1870 = arith.constant 0 : i32
        %dma_wait3A_1871 = arith.constant 0 : i32
        %dma_wait3A_1872 = tpu.memref_slice %arg3[%dma_wait3A_1870, %dma_wait3A_1871] : memref<1000000x64xf32, #tpu.memory_space<hbm>> -> memref<8x64xf32, #tpu.memory_space<hbm>>
        tpu.wait_dma2 semaphore(%arg13 : memref<!tpu.dma_semaphore, #tpu.memory_space<semaphore_mem>>) src(%dma_wait3A_1872 : memref<8x64xf32, #tpu.memory_space<hbm>>) dst(%dma_wait3A_1869 : memref<8x64xf32, #tpu.memory_space<vmem>>)
        %slice3A_1873 = vector.extract_strided_slice %get3A_1730 {offsets = [2], sizes = [1], strides = [1]} : vector<16xi32> to vector<1xi32>
        %squeeze3A_1874 = vector.extract %slice3A_1873[0] : i32 from vector<1xi32>
        %get3A_1875 = arith.constant 2 : i32
        %get3A_1876 = arith.index_cast %get3A_1875 : i32 to index
        %get3A_1877 = arith.index_cast %squeeze3A_1874 : i32 to index
        %get3A_1878 = arith.constant 0 : index
        %get3A_1879 = tpu.vector_load %arg9[%get3A_1876, %get3A_1877, %get3A_1878] {strides = array<i32>} : memref<16x8x64xf32, #tpu.memory_space<vmem>>, vector<1x1x16xf32>,
        %get3A_1880 = vector.shape_cast %get3A_1879 : vector<1x1x16xf32> to vector<16xf32>
        %add3A_1881 = arith.addf %add3A_1820, %get3A_1880 : vector<16xf32>
        %get3A_1882 = arith.constant 2 : i32
        %get3A_1883 = arith.index_cast %get3A_1882 : i32 to index
        %get3A_1884 = arith.index_cast %squeeze3A_1874 : i32 to index
        %get3A_1885 = arith.constant 16 : index
        %get3A_1886 = tpu.vector_load %arg9[%get3A_1883, %get3A_1884, %get3A_1885] {strides = array<i32>} : memref<16x8x64xf32, #tpu.memory_space<vmem>>, vector<1x1x16xf32>,
        %get3A_1887 = vector.shape_cast %get3A_1886 : vector<1x1x16xf32> to vector<16xf32>
        %add3A_1888 = arith.addf %add3A_1827, %get3A_1887 : vector<16xf32>
        %get3A_1889 = arith.constant 2 : i32
        %get3A_1890 = arith.index_cast %get3A_1889 : i32 to index
        %get3A_1891 = arith.index_cast %squeeze3A_1874 : i32 to index
        %get3A_1892 = arith.constant 32 : index
        %get3A_1893 = tpu.vector_load %arg9[%get3A_1890, %get3A_1891, %get3A_1892] {strides = array<i32>} : memref<16x8x64xf32, #tpu.memory_space<vmem>>, vector<1x1x16xf32>,
        %get3A_1894 = vector.shape_cast %get3A_1893 : vector<1x1x16xf32> to vector<16xf32>
        %add3A_1895 = arith.addf %add3A_1834, %get3A_1894 : vector<16xf32>
        %get3A_1896 = arith.constant 2 : i32
        %get3A_1897 = arith.index_cast %get3A_1896 : i32 to index
        %get3A_1898 = arith.index_cast %squeeze3A_1874 : i32 to index
        %get3A_1899 = arith.constant 48 : index
        %get3A_1900 = tpu.vector_load %arg9[%get3A_1897, %get3A_1898, %get3A_1899] {strides = array<i32>} : memref<16x8x64xf32, #tpu.memory_space<vmem>>, vector<1x1x16xf32>,
        %get3A_1901 = vector.shape_cast %get3A_1900 : vector<1x1x16xf32> to vector<16xf32>
        %add3A_1902 = arith.addf %add3A_1841, %get3A_1901 : vector<16xf32>
        %slice3A_1903 = vector.extract_strided_slice %get3A_1735 {offsets = [2], sizes = [1], strides = [1]} : vector<16xi32> to vector<1xi32>
        %squeeze3A_1904 = vector.extract %slice3A_1903[0] : i32 from vector<1xi32>
        %multiple_of3A_1905 = tpu.assume_multiple %squeeze3A_1904, 8 : i32
        %dma_start3A_1906 = arith.constant 2 : i32
        %dma_start3A_1907 = arith.constant 0 : i32
        %dma_start3A_1908 = arith.constant 0 : i32
        %dma_start3A_1909 = tpu.memref_slice %arg9[%dma_start3A_1906, %dma_start3A_1907, %dma_start3A_1908] : memref<16x8x64xf32, #tpu.memory_space<vmem>> -> memref<1x8x64xf32, #tpu.memory_space<vmem>>
        %dma_start3A_1910 = tpu.memref_squeeze %dma_start3A_1909 : memref<1x8x64xf32, #tpu.memory_space<vmem>> -> memref<8x64xf32, #tpu.memory_space<vmem>>
        %dma_start3A_1911 = arith.constant 0 : i32
        %dma_start3A_1912 = tpu.memref_slice %arg3[%multiple_of3A_1905, %dma_start3A_1911] : memref<1000000x64xf32, #tpu.memory_space<hbm>> -> memref<8x64xf32, #tpu.memory_space<hbm>>
        %dma_start3A_1913 = arith.constant 0 : i32
        %dma_start3A_1914 = arith.constant 0 : i32
        %dma_start3A_1915 = tpu.memref_slice %arg9[%dma_start3A_1906, %dma_start3A_1913, %dma_start3A_1914] : memref<16x8x64xf32, #tpu.memory_space<vmem>> -> memref<1x8x64xf32, #tpu.memory_space<vmem>>
        %dma_start3A_1916 = tpu.memref_squeeze %dma_start3A_1915 : memref<1x8x64xf32, #tpu.memory_space<vmem>> -> memref<8x64xf32, #tpu.memory_space<vmem>>
        %dma_start3A_1917 = arith.constant 0 : i32
        %dma_start3A_1918 = tpu.memref_slice %arg3[%multiple_of3A_1905, %dma_start3A_1917] : memref<1000000x64xf32, #tpu.memory_space<hbm>> -> memref<8x64xf32, #tpu.memory_space<hbm>>
        tpu.enqueue_dma source(%dma_start3A_1918 : memref<8x64xf32, #tpu.memory_space<hbm>>) target(%dma_start3A_1916 : memref<8x64xf32, #tpu.memory_space<vmem>>) target_semaphore(%arg13 : memref<!tpu.dma_semaphore, #tpu.memory_space<semaphore_mem>>)
        %dma_wait3A_1919 = arith.constant 3 : i32
        %dma_wait3A_1920 = arith.constant 0 : i32
        %dma_wait3A_1921 = arith.constant 0 : i32
        %dma_wait3A_1922 = tpu.memref_slice %arg9[%dma_wait3A_1919, %dma_wait3A_1920, %dma_wait3A_1921] : memref<16x8x64xf32, #tpu.memory_space<vmem>> -> memref<1x8x64xf32, #tpu.memory_space<vmem>>
        %dma_wait3A_1923 = tpu.memref_squeeze %dma_wait3A_1922 : memref<1x8x64xf32, #tpu.memory_space<vmem>> -> memref<8x64xf32, #tpu.memory_space<vmem>>
        %dma_wait3A_1924 = arith.constant 0 : i32
        %dma_wait3A_1925 = arith.constant 0 : i32
        %dma_wait3A_1926 = tpu.memref_slice %arg3[%dma_wait3A_1924, %dma_wait3A_1925] : memref<1000000x64xf32, #tpu.memory_space<hbm>> -> memref<8x64xf32, #tpu.memory_space<hbm>>
        %dma_wait3A_1927 = arith.constant 0 : i32
        %dma_wait3A_1928 = arith.constant 0 : i32
        %dma_wait3A_1929 = tpu.memref_slice %arg9[%dma_wait3A_1919, %dma_wait3A_1927, %dma_wait3A_1928] : memref<16x8x64xf32, #tpu.memory_space<vmem>> -> memref<1x8x64xf32, #tpu.memory_space<vmem>>
        %dma_wait3A_1930 = tpu.memref_squeeze %dma_wait3A_1929 : memref<1x8x64xf32, #tpu.memory_space<vmem>> -> memref<8x64xf32, #tpu.memory_space<vmem>>
        %dma_wait3A_1931 = arith.constant 0 : i32
        %dma_wait3A_1932 = arith.constant 0 : i32
        %dma_wait3A_1933 = tpu.memref_slice %arg3[%dma_wait3A_1931, %dma_wait3A_1932] : memref<1000000x64xf32, #tpu.memory_space<hbm>> -> memref<8x64xf32, #tpu.memory_space<hbm>>
        tpu.wait_dma2 semaphore(%arg14 : memref<!tpu.dma_semaphore, #tpu.memory_space<semaphore_mem>>) src(%dma_wait3A_1933 : memref<8x64xf32, #tpu.memory_space<hbm>>) dst(%dma_wait3A_1930 : memref<8x64xf32, #tpu.memory_space<vmem>>)
        %slice3A_1934 = vector.extract_strided_slice %get3A_1730 {offsets = [3], sizes = [1], strides = [1]} : vector<16xi32> to vector<1xi32>
        %squeeze3A_1935 = vector.extract %slice3A_1934[0] : i32 from vector<1xi32>
        %get3A_1936 = arith.constant 3 : i32
        %get3A_1937 = arith.index_cast %get3A_1936 : i32 to index
        %get3A_1938 = arith.index_cast %squeeze3A_1935 : i32 to index
        %get3A_1939 = arith.constant 0 : index
        %get3A_1940 = tpu.vector_load %arg9[%get3A_1937, %get3A_1938, %get3A_1939] {strides = array<i32>} : memref<16x8x64xf32, #tpu.memory_space<vmem>>, vector<1x1x16xf32>,
        %get3A_1941 = vector.shape_cast %get3A_1940 : vector<1x1x16xf32> to vector<16xf32>
        %add3A_1942 = arith.addf %add3A_1881, %get3A_1941 : vector<16xf32>
        %get3A_1943 = arith.constant 3 : i32
        %get3A_1944 = arith.index_cast %get3A_1943 : i32 to index
        %get3A_1945 = arith.index_cast %squeeze3A_1935 : i32 to index
        %get3A_1946 = arith.constant 16 : index
        %get3A_1947 = tpu.vector_load %arg9[%get3A_1944, %get3A_1945, %get3A_1946] {strides = array<i32>} : memref<16x8x64xf32, #tpu.memory_space<vmem>>, vector<1x1x16xf32>,
        %get3A_1948 = vector.shape_cast %get3A_1947 : vector<1x1x16xf32> to vector<16xf32>
        %add3A_1949 = arith.addf %add3A_1888, %get3A_1948 : vector<16xf32>
        %get3A_1950 = arith.constant 3 : i32
        %get3A_1951 = arith.index_cast %get3A_1950 : i32 to index
        %get3A_1952 = arith.index_cast %squeeze3A_1935 : i32 to index
        %get3A_1953 = arith.constant 32 : index
        %get3A_1954 = tpu.vector_load %arg9[%get3A_1951, %get3A_1952, %get3A_1953] {strides = array<i32>} : memref<16x8x64xf32, #tpu.memory_space<vmem>>, vector<1x1x16xf32>,
        %get3A_1955 = vector.shape_cast %get3A_1954 : vector<1x1x16xf32> to vector<16xf32>
        %add3A_1956 = arith.addf %add3A_1895, %get3A_1955 : vector<16xf32>
        %get3A_1957 = arith.constant 3 : i32
        %get3A_1958 = arith.index_cast %get3A_1957 : i32 to index
        %get3A_1959 = arith.index_cast %squeeze3A_1935 : i32 to index
        %get3A_1960 = arith.constant 48 : index
        %get3A_1961 = tpu.vector_load %arg9[%get3A_1958, %get3A_1959, %get3A_1960] {strides = array<i32>} : memref<16x8x64xf32, #tpu.memory_space<vmem>>, vector<1x1x16xf32>,
        %get3A_1962 = vector.shape_cast %get3A_1961 : vector<1x1x16xf32> to vector<16xf32>
        %add3A_1963 = arith.addf %add3A_1902, %get3A_1962 : vector<16xf32>
        %slice3A_1964 = vector.extract_strided_slice %get3A_1735 {offsets = [3], sizes = [1], strides = [1]} : vector<16xi32> to vector<1xi32>
        %squeeze3A_1965 = vector.extract %slice3A_1964[0] : i32 from vector<1xi32>
        %multiple_of3A_1966 = tpu.assume_multiple %squeeze3A_1965, 8 : i32
        %dma_start3A_1967 = arith.constant 3 : i32
        %dma_start3A_1968 = arith.constant 0 : i32
        %dma_start3A_1969 = arith.constant 0 : i32
        %dma_start3A_1970 = tpu.memref_slice %arg9[%dma_start3A_1967, %dma_start3A_1968, %dma_start3A_1969] : memref<16x8x64xf32, #tpu.memory_space<vmem>> -> memref<1x8x64xf32, #tpu.memory_space<vmem>>
        %dma_start3A_1971 = tpu.memref_squeeze %dma_start3A_1970 : memref<1x8x64xf32, #tpu.memory_space<vmem>> -> memref<8x64xf32, #tpu.memory_space<vmem>>
        %dma_start3A_1972 = arith.constant 0 : i32
        %dma_start3A_1973 = tpu.memref_slice %arg3[%multiple_of3A_1966, %dma_start3A_1972] : memref<1000000x64xf32, #tpu.memory_space<hbm>> -> memref<8x64xf32, #tpu.memory_space<hbm>>
        %dma_start3A_1974 = arith.constant 0 : i32
        %dma_start3A_1975 = arith.constant 0 : i32
        %dma_start3A_1976 = tpu.memref_slice %arg9[%dma_start3A_1967, %dma_start3A_1974, %dma_start3A_1975] : memref<16x8x64xf32, #tpu.memory_space<vmem>> -> memref<1x8x64xf32, #tpu.memory_space<vmem>>
        %dma_start3A_1977 = tpu.memref_squeeze %dma_start3A_1976 : memref<1x8x64xf32, #tpu.memory_space<vmem>> -> memref<8x64xf32, #tpu.memory_space<vmem>>
        %dma_start3A_1978 = arith.constant 0 : i32
        %dma_start3A_1979 = tpu.memref_slice %arg3[%multiple_of3A_1966, %dma_start3A_1978] : memref<1000000x64xf32, #tpu.memory_space<hbm>> -> memref<8x64xf32, #tpu.memory_space<hbm>>
        tpu.enqueue_dma source(%dma_start3A_1979 : memref<8x64xf32, #tpu.memory_space<hbm>>) target(%dma_start3A_1977 : memref<8x64xf32, #tpu.memory_space<vmem>>) target_semaphore(%arg14 : memref<!tpu.dma_semaphore, #tpu.memory_space<semaphore_mem>>)
        %dma_wait3A_1980 = arith.constant 4 : i32
        %dma_wait3A_1981 = arith.constant 0 : i32
        %dma_wait3A_1982 = arith.constant 0 : i32
        %dma_wait3A_1983 = tpu.memref_slice %arg9[%dma_wait3A_1980, %dma_wait3A_1981, %dma_wait3A_1982] : memref<16x8x64xf32, #tpu.memory_space<vmem>> -> memref<1x8x64xf32, #tpu.memory_space<vmem>>
        %dma_wait3A_1984 = tpu.memref_squeeze %dma_wait3A_1983 : memref<1x8x64xf32, #tpu.memory_space<vmem>> -> memref<8x64xf32, #tpu.memory_space<vmem>>
        %dma_wait3A_1985 = arith.constant 0 : i32
        %dma_wait3A_1986 = arith.constant 0 : i32
        %dma_wait3A_1987 = tpu.memref_slice %arg3[%dma_wait3A_1985, %dma_wait3A_1986] : memref<1000000x64xf32, #tpu.memory_space<hbm>> -> memref<8x64xf32, #tpu.memory_space<hbm>>
        %dma_wait3A_1988 = arith.constant 0 : i32
        %dma_wait3A_1989 = arith.constant 0 : i32
        %dma_wait3A_1990 = tpu.memref_slice %arg9[%dma_wait3A_1980, %dma_wait3A_1988, %dma_wait3A_1989] : memref<16x8x64xf32, #tpu.memory_space<vmem>> -> memref<1x8x64xf32, #tpu.memory_space<vmem>>
        %dma_wait3A_1991 = tpu.memref_squeeze %dma_wait3A_1990 : memref<1x8x64xf32, #tpu.memory_space<vmem>> -> memref<8x64xf32, #tpu.memory_space<vmem>>
        %dma_wait3A_1992 = arith.constant 0 : i32
        %dma_wait3A_1993 = arith.constant 0 : i32
        %dma_wait3A_1994 = tpu.memref_slice %arg3[%dma_wait3A_1992, %dma_wait3A_1993] : memref<1000000x64xf32, #tpu.memory_space<hbm>> -> memref<8x64xf32, #tpu.memory_space<hbm>>
        tpu.wait_dma2 semaphore(%arg15 : memref<!tpu.dma_semaphore, #tpu.memory_space<semaphore_mem>>) src(%dma_wait3A_1994 : memref<8x64xf32, #tpu.memory_space<hbm>>) dst(%dma_wait3A_1991 : memref<8x64xf32, #tpu.memory_space<vmem>>)
        %slice3A_1995 = vector.extract_strided_slice %get3A_1730 {offsets = [4], sizes = [1], strides = [1]} : vector<16xi32> to vector<1xi32>
        %squeeze3A_1996 = vector.extract %slice3A_1995[0] : i32 from vector<1xi32>
        %get3A_1997 = arith.constant 4 : i32
        %get3A_1998 = arith.index_cast %get3A_1997 : i32 to index
        %get3A_1999 = arith.index_cast %squeeze3A_1996 : i32 to index
        %get3A_2000 = arith.constant 0 : index
        %get3A_2001 = tpu.vector_load %arg9[%get3A_1998, %get3A_1999, %get3A_2000] {strides = array<i32>} : memref<16x8x64xf32, #tpu.memory_space<vmem>>, vector<1x1x16xf32>,
        %get3A_2002 = vector.shape_cast %get3A_2001 : vector<1x1x16xf32> to vector<16xf32>
        %add3A_2003 = arith.addf %add3A_1942, %get3A_2002 : vector<16xf32>
        %get3A_2004 = arith.constant 4 : i32
        %get3A_2005 = arith.index_cast %get3A_2004 : i32 to index
        %get3A_2006 = arith.index_cast %squeeze3A_1996 : i32 to index
        %get3A_2007 = arith.constant 16 : index
        %get3A_2008 = tpu.vector_load %arg9[%get3A_2005, %get3A_2006, %get3A_2007] {strides = array<i32>} : memref<16x8x64xf32, #tpu.memory_space<vmem>>, vector<1x1x16xf32>,
        %get3A_2009 = vector.shape_cast %get3A_2008 : vector<1x1x16xf32> to vector<16xf32>
        %add3A_2010 = arith.addf %add3A_1949, %get3A_2009 : vector<16xf32>
        %get3A_2011 = arith.constant 4 : i32
        %get3A_2012 = arith.index_cast %get3A_2011 : i32 to index
        %get3A_2013 = arith.index_cast %squeeze3A_1996 : i32 to index
        %get3A_2014 = arith.constant 32 : index
        %get3A_2015 = tpu.vector_load %arg9[%get3A_2012, %get3A_2013, %get3A_2014] {strides = array<i32>} : memref<16x8x64xf32, #tpu.memory_space<vmem>>, vector<1x1x16xf32>,
        %get3A_2016 = vector.shape_cast %get3A_2015 : vector<1x1x16xf32> to vector<16xf32>
        %add3A_2017 = arith.addf %add3A_1956, %get3A_2016 : vector<16xf32>
        %get3A_2018 = arith.constant 4 : i32
        %get3A_2019 = arith.index_cast %get3A_2018 : i32 to index
        %get3A_2020 = arith.index_cast %squeeze3A_1996 : i32 to index
        %get3A_2021 = arith.constant 48 : index
        %get3A_2022 = tpu.vector_load %arg9[%get3A_2019, %get3A_2020, %get3A_2021] {strides = array<i32>} : memref<16x8x64xf32, #tpu.memory_space<vmem>>, vector<1x1x16xf32>,
        %get3A_2023 = vector.shape_cast %get3A_2022 : vector<1x1x16xf32> to vector<16xf32>
        %add3A_2024 = arith.addf %add3A_1963, %get3A_2023 : vector<16xf32>
        %slice3A_2025 = vector.extract_strided_slice %get3A_1735 {offsets = [4], sizes = [1], strides = [1]} : vector<16xi32> to vector<1xi32>
        %squeeze3A_2026 = vector.extract %slice3A_2025[0] : i32 from vector<1xi32>
        %multiple_of3A_2027 = tpu.assume_multiple %squeeze3A_2026, 8 : i32
        %dma_start3A_2028 = arith.constant 4 : i32
        %dma_start3A_2029 = arith.constant 0 : i32
        %dma_start3A_2030 = arith.constant 0 : i32
        %dma_start3A_2031 = tpu.memref_slice %arg9[%dma_start3A_2028, %dma_start3A_2029, %dma_start3A_2030] : memref<16x8x64xf32, #tpu.memory_space<vmem>> -> memref<1x8x64xf32, #tpu.memory_space<vmem>>
        %dma_start3A_2032 = tpu.memref_squeeze %dma_start3A_2031 : memref<1x8x64xf32, #tpu.memory_space<vmem>> -> memref<8x64xf32, #tpu.memory_space<vmem>>
        %dma_start3A_2033 = arith.constant 0 : i32
        %dma_start3A_2034 = tpu.memref_slice %arg3[%multiple_of3A_2027, %dma_start3A_2033] : memref<1000000x64xf32, #tpu.memory_space<hbm>> -> memref<8x64xf32, #tpu.memory_space<hbm>>
        %dma_start3A_2035 = arith.constant 0 : i32
        %dma_start3A_2036 = arith.constant 0 : i32
        %dma_start3A_2037 = tpu.memref_slice %arg9[%dma_start3A_2028, %dma_start3A_2035, %dma_start3A_2036] : memref<16x8x64xf32, #tpu.memory_space<vmem>> -> memref<1x8x64xf32, #tpu.memory_space<vmem>>
        %dma_start3A_2038 = tpu.memref_squeeze %dma_start3A_2037 : memref<1x8x64xf32, #tpu.memory_space<vmem>> -> memref<8x64xf32, #tpu.memory_space<vmem>>
        %dma_start3A_2039 = arith.constant 0 : i32
        %dma_start3A_2040 = tpu.memref_slice %arg3[%multiple_of3A_2027, %dma_start3A_2039] : memref<1000000x64xf32, #tpu.memory_space<hbm>> -> memref<8x64xf32, #tpu.memory_space<hbm>>
        tpu.enqueue_dma source(%dma_start3A_2040 : memref<8x64xf32, #tpu.memory_space<hbm>>) target(%dma_start3A_2038 : memref<8x64xf32, #tpu.memory_space<vmem>>) target_semaphore(%arg15 : memref<!tpu.dma_semaphore, #tpu.memory_space<semaphore_mem>>)
        %dma_wait3A_2041 = arith.constant 5 : i32
        %dma_wait3A_2042 = arith.constant 0 : i32
        %dma_wait3A_2043 = arith.constant 0 : i32
        %dma_wait3A_2044 = tpu.memref_slice %arg9[%dma_wait3A_2041, %dma_wait3A_2042, %dma_wait3A_2043] : memref<16x8x64xf32, #tpu.memory_space<vmem>> -> memref<1x8x64xf32, #tpu.memory_space<vmem>>
        %dma_wait3A_2045 = tpu.memref_squeeze %dma_wait3A_2044 : memref<1x8x64xf32, #tpu.memory_space<vmem>> -> memref<8x64xf32, #tpu.memory_space<vmem>>
        %dma_wait3A_2046 = arith.constant 0 : i32
        %dma_wait3A_2047 = arith.constant 0 : i32
        %dma_wait3A_2048 = tpu.memref_slice %arg3[%dma_wait3A_2046, %dma_wait3A_2047] : memref<1000000x64xf32, #tpu.memory_space<hbm>> -> memref<8x64xf32, #tpu.memory_space<hbm>>
        %dma_wait3A_2049 = arith.constant 0 : i32
        %dma_wait3A_2050 = arith.constant 0 : i32
        %dma_wait3A_2051 = tpu.memref_slice %arg9[%dma_wait3A_2041, %dma_wait3A_2049, %dma_wait3A_2050] : memref<16x8x64xf32, #tpu.memory_space<vmem>> -> memref<1x8x64xf32, #tpu.memory_space<vmem>>
        %dma_wait3A_2052 = tpu.memref_squeeze %dma_wait3A_2051 : memref<1x8x64xf32, #tpu.memory_space<vmem>> -> memref<8x64xf32, #tpu.memory_space<vmem>>
        %dma_wait3A_2053 = arith.constant 0 : i32
        %dma_wait3A_2054 = arith.constant 0 : i32
        %dma_wait3A_2055 = tpu.memref_slice %arg3[%dma_wait3A_2053, %dma_wait3A_2054] : memref<1000000x64xf32, #tpu.memory_space<hbm>> -> memref<8x64xf32, #tpu.memory_space<hbm>>
        tpu.wait_dma2 semaphore(%arg16 : memref<!tpu.dma_semaphore, #tpu.memory_space<semaphore_mem>>) src(%dma_wait3A_2055 : memref<8x64xf32, #tpu.memory_space<hbm>>) dst(%dma_wait3A_2052 : memref<8x64xf32, #tpu.memory_space<vmem>>)
        %slice3A_2056 = vector.extract_strided_slice %get3A_1730 {offsets = [5], sizes = [1], strides = [1]} : vector<16xi32> to vector<1xi32>
        %squeeze3A_2057 = vector.extract %slice3A_2056[0] : i32 from vector<1xi32>
        %get3A_2058 = arith.constant 5 : i32
        %get3A_2059 = arith.index_cast %get3A_2058 : i32 to index
        %get3A_2060 = arith.index_cast %squeeze3A_2057 : i32 to index
        %get3A_2061 = arith.constant 0 : index
        %get3A_2062 = tpu.vector_load %arg9[%get3A_2059, %get3A_2060, %get3A_2061] {strides = array<i32>} : memref<16x8x64xf32, #tpu.memory_space<vmem>>, vector<1x1x16xf32>,
        %get3A_2063 = vector.shape_cast %get3A_2062 : vector<1x1x16xf32> to vector<16xf32>
        %add3A_2064 = arith.addf %add3A_2003, %get3A_2063 : vector<16xf32>
        %get3A_2065 = arith.constant 5 : i32
        %get3A_2066 = arith.index_cast %get3A_2065 : i32 to index
        %get3A_2067 = arith.index_cast %squeeze3A_2057 : i32 to index
        %get3A_2068 = arith.constant 16 : index
        %get3A_2069 = tpu.vector_load %arg9[%get3A_2066, %get3A_2067, %get3A_2068] {strides = array<i32>} : memref<16x8x64xf32, #tpu.memory_space<vmem>>, vector<1x1x16xf32>,
        %get3A_2070 = vector.shape_cast %get3A_2069 : vector<1x1x16xf32> to vector<16xf32>
        %add3A_2071 = arith.addf %add3A_2010, %get3A_2070 : vector<16xf32>
        %get3A_2072 = arith.constant 5 : i32
        %get3A_2073 = arith.index_cast %get3A_2072 : i32 to index
        %get3A_2074 = arith.index_cast %squeeze3A_2057 : i32 to index
        %get3A_2075 = arith.constant 32 : index
        %get3A_2076 = tpu.vector_load %arg9[%get3A_2073, %get3A_2074, %get3A_2075] {strides = array<i32>} : memref<16x8x64xf32, #tpu.memory_space<vmem>>, vector<1x1x16xf32>,
        %get3A_2077 = vector.shape_cast %get3A_2076 : vector<1x1x16xf32> to vector<16xf32>
        %add3A_2078 = arith.addf %add3A_2017, %get3A_2077 : vector<16xf32>
        %get3A_2079 = arith.constant 5 : i32
        %get3A_2080 = arith.index_cast %get3A_2079 : i32 to index
        %get3A_2081 = arith.index_cast %squeeze3A_2057 : i32 to index
        %get3A_2082 = arith.constant 48 : index
        %get3A_2083 = tpu.vector_load %arg9[%get3A_2080, %get3A_2081, %get3A_2082] {strides = array<i32>} : memref<16x8x64xf32, #tpu.memory_space<vmem>>, vector<1x1x16xf32>,
        %get3A_2084 = vector.shape_cast %get3A_2083 : vector<1x1x16xf32> to vector<16xf32>
        %add3A_2085 = arith.addf %add3A_2024, %get3A_2084 : vector<16xf32>
        %slice3A_2086 = vector.extract_strided_slice %get3A_1735 {offsets = [5], sizes = [1], strides = [1]} : vector<16xi32> to vector<1xi32>
        %squeeze3A_2087 = vector.extract %slice3A_2086[0] : i32 from vector<1xi32>
        %multiple_of3A_2088 = tpu.assume_multiple %squeeze3A_2087, 8 : i32
        %dma_start3A_2089 = arith.constant 5 : i32
        %dma_start3A_2090 = arith.constant 0 : i32
        %dma_start3A_2091 = arith.constant 0 : i32
        %dma_start3A_2092 = tpu.memref_slice %arg9[%dma_start3A_2089, %dma_start3A_2090, %dma_start3A_2091] : memref<16x8x64xf32, #tpu.memory_space<vmem>> -> memref<1x8x64xf32, #tpu.memory_space<vmem>>
        %dma_start3A_2093 = tpu.memref_squeeze %dma_start3A_2092 : memref<1x8x64xf32, #tpu.memory_space<vmem>> -> memref<8x64xf32, #tpu.memory_space<vmem>>
        %dma_start3A_2094 = arith.constant 0 : i32
        %dma_start3A_2095 = tpu.memref_slice %arg3[%multiple_of3A_2088, %dma_start3A_2094] : memref<1000000x64xf32, #tpu.memory_space<hbm>> -> memref<8x64xf32, #tpu.memory_space<hbm>>
        %dma_start3A_2096 = arith.constant 0 : i32
        %dma_start3A_2097 = arith.constant 0 : i32
        %dma_start3A_2098 = tpu.memref_slice %arg9[%dma_start3A_2089, %dma_start3A_2096, %dma_start3A_2097] : memref<16x8x64xf32, #tpu.memory_space<vmem>> -> memref<1x8x64xf32, #tpu.memory_space<vmem>>
        %dma_start3A_2099 = tpu.memref_squeeze %dma_start3A_2098 : memref<1x8x64xf32, #tpu.memory_space<vmem>> -> memref<8x64xf32, #tpu.memory_space<vmem>>
        %dma_start3A_2100 = arith.constant 0 : i32
        %dma_start3A_2101 = tpu.memref_slice %arg3[%multiple_of3A_2088, %dma_start3A_2100] : memref<1000000x64xf32, #tpu.memory_space<hbm>> -> memref<8x64xf32, #tpu.memory_space<hbm>>
        tpu.enqueue_dma source(%dma_start3A_2101 : memref<8x64xf32, #tpu.memory_space<hbm>>) target(%dma_start3A_2099 : memref<8x64xf32, #tpu.memory_space<vmem>>) target_semaphore(%arg16 : memref<!tpu.dma_semaphore, #tpu.memory_space<semaphore_mem>>)
        %dma_wait3A_2102 = arith.constant 6 : i32
        %dma_wait3A_2103 = arith.constant 0 : i32
        %dma_wait3A_2104 = arith.constant 0 : i32
        %dma_wait3A_2105 = tpu.memref_slice %arg9[%dma_wait3A_2102, %dma_wait3A_2103, %dma_wait3A_2104] : memref<16x8x64xf32, #tpu.memory_space<vmem>> -> memref<1x8x64xf32, #tpu.memory_space<vmem>>
        %dma_wait3A_2106 = tpu.memref_squeeze %dma_wait3A_2105 : memref<1x8x64xf32, #tpu.memory_space<vmem>> -> memref<8x64xf32, #tpu.memory_space<vmem>>
        %dma_wait3A_2107 = arith.constant 0 : i32
        %dma_wait3A_2108 = arith.constant 0 : i32
        %dma_wait3A_2109 = tpu.memref_slice %arg3[%dma_wait3A_2107, %dma_wait3A_2108] : memref<1000000x64xf32, #tpu.memory_space<hbm>> -> memref<8x64xf32, #tpu.memory_space<hbm>>
        %dma_wait3A_2110 = arith.constant 0 : i32
        %dma_wait3A_2111 = arith.constant 0 : i32
        %dma_wait3A_2112 = tpu.memref_slice %arg9[%dma_wait3A_2102, %dma_wait3A_2110, %dma_wait3A_2111] : memref<16x8x64xf32, #tpu.memory_space<vmem>> -> memref<1x8x64xf32, #tpu.memory_space<vmem>>
        %dma_wait3A_2113 = tpu.memref_squeeze %dma_wait3A_2112 : memref<1x8x64xf32, #tpu.memory_space<vmem>> -> memref<8x64xf32, #tpu.memory_space<vmem>>
        %dma_wait3A_2114 = arith.constant 0 : i32
        %dma_wait3A_2115 = arith.constant 0 : i32
        %dma_wait3A_2116 = tpu.memref_slice %arg3[%dma_wait3A_2114, %dma_wait3A_2115] : memref<1000000x64xf32, #tpu.memory_space<hbm>> -> memref<8x64xf32, #tpu.memory_space<hbm>>
        tpu.wait_dma2 semaphore(%arg17 : memref<!tpu.dma_semaphore, #tpu.memory_space<semaphore_mem>>) src(%dma_wait3A_2116 : memref<8x64xf32, #tpu.memory_space<hbm>>) dst(%dma_wait3A_2113 : memref<8x64xf32, #tpu.memory_space<vmem>>)
        %slice3A_2117 = vector.extract_strided_slice %get3A_1730 {offsets = [6], sizes = [1], strides = [1]} : vector<16xi32> to vector<1xi32>
        %squeeze3A_2118 = vector.extract %slice3A_2117[0] : i32 from vector<1xi32>
        %get3A_2119 = arith.constant 6 : i32
        %get3A_2120 = arith.index_cast %get3A_2119 : i32 to index
        %get3A_2121 = arith.index_cast %squeeze3A_2118 : i32 to index
        %get3A_2122 = arith.constant 0 : index
        %get3A_2123 = tpu.vector_load %arg9[%get3A_2120, %get3A_2121, %get3A_2122] {strides = array<i32>} : memref<16x8x64xf32, #tpu.memory_space<vmem>>, vector<1x1x16xf32>,
        %get3A_2124 = vector.shape_cast %get3A_2123 : vector<1x1x16xf32> to vector<16xf32>
        %add3A_2125 = arith.addf %add3A_2064, %get3A_2124 : vector<16xf32>
        %get3A_2126 = arith.constant 6 : i32
        %get3A_2127 = arith.index_cast %get3A_2126 : i32 to index
        %get3A_2128 = arith.index_cast %squeeze3A_2118 : i32 to index
        %get3A_2129 = arith.constant 16 : index
        %get3A_2130 = tpu.vector_load %arg9[%get3A_2127, %get3A_2128, %get3A_2129] {strides = array<i32>} : memref<16x8x64xf32, #tpu.memory_space<vmem>>, vector<1x1x16xf32>,
        %get3A_2131 = vector.shape_cast %get3A_2130 : vector<1x1x16xf32> to vector<16xf32>
        %add3A_2132 = arith.addf %add3A_2071, %get3A_2131 : vector<16xf32>
        %get3A_2133 = arith.constant 6 : i32
        %get3A_2134 = arith.index_cast %get3A_2133 : i32 to index
        %get3A_2135 = arith.index_cast %squeeze3A_2118 : i32 to index
        %get3A_2136 = arith.constant 32 : index
        %get3A_2137 = tpu.vector_load %arg9[%get3A_2134, %get3A_2135, %get3A_2136] {strides = array<i32>} : memref<16x8x64xf32, #tpu.memory_space<vmem>>, vector<1x1x16xf32>,
        %get3A_2138 = vector.shape_cast %get3A_2137 : vector<1x1x16xf32> to vector<16xf32>
        %add3A_2139 = arith.addf %add3A_2078, %get3A_2138 : vector<16xf32>
        %get3A_2140 = arith.constant 6 : i32
        %get3A_2141 = arith.index_cast %get3A_2140 : i32 to index
        %get3A_2142 = arith.index_cast %squeeze3A_2118 : i32 to index
        %get3A_2143 = arith.constant 48 : index
        %get3A_2144 = tpu.vector_load %arg9[%get3A_2141, %get3A_2142, %get3A_2143] {strides = array<i32>} : memref<16x8x64xf32, #tpu.memory_space<vmem>>, vector<1x1x16xf32>,
        %get3A_2145 = vector.shape_cast %get3A_2144 : vector<1x1x16xf32> to vector<16xf32>
        %add3A_2146 = arith.addf %add3A_2085, %get3A_2145 : vector<16xf32>
        %slice3A_2147 = vector.extract_strided_slice %get3A_1735 {offsets = [6], sizes = [1], strides = [1]} : vector<16xi32> to vector<1xi32>
        %squeeze3A_2148 = vector.extract %slice3A_2147[0] : i32 from vector<1xi32>
        %multiple_of3A_2149 = tpu.assume_multiple %squeeze3A_2148, 8 : i32
        %dma_start3A_2150 = arith.constant 6 : i32
        %dma_start3A_2151 = arith.constant 0 : i32
        %dma_start3A_2152 = arith.constant 0 : i32
        %dma_start3A_2153 = tpu.memref_slice %arg9[%dma_start3A_2150, %dma_start3A_2151, %dma_start3A_2152] : memref<16x8x64xf32, #tpu.memory_space<vmem>> -> memref<1x8x64xf32, #tpu.memory_space<vmem>>
        %dma_start3A_2154 = tpu.memref_squeeze %dma_start3A_2153 : memref<1x8x64xf32, #tpu.memory_space<vmem>> -> memref<8x64xf32, #tpu.memory_space<vmem>>
        %dma_start3A_2155 = arith.constant 0 : i32
        %dma_start3A_2156 = tpu.memref_slice %arg3[%multiple_of3A_2149, %dma_start3A_2155] : memref<1000000x64xf32, #tpu.memory_space<hbm>> -> memref<8x64xf32, #tpu.memory_space<hbm>>
        %dma_start3A_2157 = arith.constant 0 : i32
        %dma_start3A_2158 = arith.constant 0 : i32
        %dma_start3A_2159 = tpu.memref_slice %arg9[%dma_start3A_2150, %dma_start3A_2157, %dma_start3A_2158] : memref<16x8x64xf32, #tpu.memory_space<vmem>> -> memref<1x8x64xf32, #tpu.memory_space<vmem>>
        %dma_start3A_2160 = tpu.memref_squeeze %dma_start3A_2159 : memref<1x8x64xf32, #tpu.memory_space<vmem>> -> memref<8x64xf32, #tpu.memory_space<vmem>>
        %dma_start3A_2161 = arith.constant 0 : i32
        %dma_start3A_2162 = tpu.memref_slice %arg3[%multiple_of3A_2149, %dma_start3A_2161] : memref<1000000x64xf32, #tpu.memory_space<hbm>> -> memref<8x64xf32, #tpu.memory_space<hbm>>
        tpu.enqueue_dma source(%dma_start3A_2162 : memref<8x64xf32, #tpu.memory_space<hbm>>) target(%dma_start3A_2160 : memref<8x64xf32, #tpu.memory_space<vmem>>) target_semaphore(%arg17 : memref<!tpu.dma_semaphore, #tpu.memory_space<semaphore_mem>>)
        %dma_wait3A_2163 = arith.constant 7 : i32
        %dma_wait3A_2164 = arith.constant 0 : i32
        %dma_wait3A_2165 = arith.constant 0 : i32
        %dma_wait3A_2166 = tpu.memref_slice %arg9[%dma_wait3A_2163, %dma_wait3A_2164, %dma_wait3A_2165] : memref<16x8x64xf32, #tpu.memory_space<vmem>> -> memref<1x8x64xf32, #tpu.memory_space<vmem>>
        %dma_wait3A_2167 = tpu.memref_squeeze %dma_wait3A_2166 : memref<1x8x64xf32, #tpu.memory_space<vmem>> -> memref<8x64xf32, #tpu.memory_space<vmem>>
        %dma_wait3A_2168 = arith.constant 0 : i32
        %dma_wait3A_2169 = arith.constant 0 : i32
        %dma_wait3A_2170 = tpu.memref_slice %arg3[%dma_wait3A_2168, %dma_wait3A_2169] : memref<1000000x64xf32, #tpu.memory_space<hbm>> -> memref<8x64xf32, #tpu.memory_space<hbm>>
        %dma_wait3A_2171 = arith.constant 0 : i32
        %dma_wait3A_2172 = arith.constant 0 : i32
        %dma_wait3A_2173 = tpu.memref_slice %arg9[%dma_wait3A_2163, %dma_wait3A_2171, %dma_wait3A_2172] : memref<16x8x64xf32, #tpu.memory_space<vmem>> -> memref<1x8x64xf32, #tpu.memory_space<vmem>>
        %dma_wait3A_2174 = tpu.memref_squeeze %dma_wait3A_2173 : memref<1x8x64xf32, #tpu.memory_space<vmem>> -> memref<8x64xf32, #tpu.memory_space<vmem>>
        %dma_wait3A_2175 = arith.constant 0 : i32
        %dma_wait3A_2176 = arith.constant 0 : i32
        %dma_wait3A_2177 = tpu.memref_slice %arg3[%dma_wait3A_2175, %dma_wait3A_2176] : memref<1000000x64xf32, #tpu.memory_space<hbm>> -> memref<8x64xf32, #tpu.memory_space<hbm>>
        tpu.wait_dma2 semaphore(%arg18 : memref<!tpu.dma_semaphore, #tpu.memory_space<semaphore_mem>>) src(%dma_wait3A_2177 : memref<8x64xf32, #tpu.memory_space<hbm>>) dst(%dma_wait3A_2174 : memref<8x64xf32, #tpu.memory_space<vmem>>)
        %slice3A_2178 = vector.extract_strided_slice %get3A_1730 {offsets = [7], sizes = [1], strides = [1]} : vector<16xi32> to vector<1xi32>
        %squeeze3A_2179 = vector.extract %slice3A_2178[0] : i32 from vector<1xi32>
        %get3A_2180 = arith.constant 7 : i32
        %get3A_2181 = arith.index_cast %get3A_2180 : i32 to index
        %get3A_2182 = arith.index_cast %squeeze3A_2179 : i32 to index
        %get3A_2183 = arith.constant 0 : index
        %get3A_2184 = tpu.vector_load %arg9[%get3A_2181, %get3A_2182, %get3A_2183] {strides = array<i32>} : memref<16x8x64xf32, #tpu.memory_space<vmem>>, vector<1x1x16xf32>,
        %get3A_2185 = vector.shape_cast %get3A_2184 : vector<1x1x16xf32> to vector<16xf32>
        %add3A_2186 = arith.addf %add3A_2125, %get3A_2185 : vector<16xf32>
        %get3A_2187 = arith.constant 7 : i32
        %get3A_2188 = arith.index_cast %get3A_2187 : i32 to index
        %get3A_2189 = arith.index_cast %squeeze3A_2179 : i32 to index
        %get3A_2190 = arith.constant 16 : index
        %get3A_2191 = tpu.vector_load %arg9[%get3A_2188, %get3A_2189, %get3A_2190] {strides = array<i32>} : memref<16x8x64xf32, #tpu.memory_space<vmem>>, vector<1x1x16xf32>,
        %get3A_2192 = vector.shape_cast %get3A_2191 : vector<1x1x16xf32> to vector<16xf32>
        %add3A_2193 = arith.addf %add3A_2132, %get3A_2192 : vector<16xf32>
        %get3A_2194 = arith.constant 7 : i32
        %get3A_2195 = arith.index_cast %get3A_2194 : i32 to index
        %get3A_2196 = arith.index_cast %squeeze3A_2179 : i32 to index
        %get3A_2197 = arith.constant 32 : index
        %get3A_2198 = tpu.vector_load %arg9[%get3A_2195, %get3A_2196, %get3A_2197] {strides = array<i32>} : memref<16x8x64xf32, #tpu.memory_space<vmem>>, vector<1x1x16xf32>,
        %get3A_2199 = vector.shape_cast %get3A_2198 : vector<1x1x16xf32> to vector<16xf32>
        %add3A_2200 = arith.addf %add3A_2139, %get3A_2199 : vector<16xf32>
        %get3A_2201 = arith.constant 7 : i32
        %get3A_2202 = arith.index_cast %get3A_2201 : i32 to index
        %get3A_2203 = arith.index_cast %squeeze3A_2179 : i32 to index
        %get3A_2204 = arith.constant 48 : index
        %get3A_2205 = tpu.vector_load %arg9[%get3A_2202, %get3A_2203, %get3A_2204] {strides = array<i32>} : memref<16x8x64xf32, #tpu.memory_space<vmem>>, vector<1x1x16xf32>,
        %get3A_2206 = vector.shape_cast %get3A_2205 : vector<1x1x16xf32> to vector<16xf32>
        %add3A_2207 = arith.addf %add3A_2146, %get3A_2206 : vector<16xf32>
        %slice3A_2208 = vector.extract_strided_slice %get3A_1735 {offsets = [7], sizes = [1], strides = [1]} : vector<16xi32> to vector<1xi32>
        %squeeze3A_2209 = vector.extract %slice3A_2208[0] : i32 from vector<1xi32>
        %multiple_of3A_2210 = tpu.assume_multiple %squeeze3A_2209, 8 : i32
        %dma_start3A_2211 = arith.constant 7 : i32
        %dma_start3A_2212 = arith.constant 0 : i32
        %dma_start3A_2213 = arith.constant 0 : i32
        %dma_start3A_2214 = tpu.memref_slice %arg9[%dma_start3A_2211, %dma_start3A_2212, %dma_start3A_2213] : memref<16x8x64xf32, #tpu.memory_space<vmem>> -> memref<1x8x64xf32, #tpu.memory_space<vmem>>
        %dma_start3A_2215 = tpu.memref_squeeze %dma_start3A_2214 : memref<1x8x64xf32, #tpu.memory_space<vmem>> -> memref<8x64xf32, #tpu.memory_space<vmem>>
        %dma_start3A_2216 = arith.constant 0 : i32
        %dma_start3A_2217 = tpu.memref_slice %arg3[%multiple_of3A_2210, %dma_start3A_2216] : memref<1000000x64xf32, #tpu.memory_space<hbm>> -> memref<8x64xf32, #tpu.memory_space<hbm>>
        %dma_start3A_2218 = arith.constant 0 : i32
        %dma_start3A_2219 = arith.constant 0 : i32
        %dma_start3A_2220 = tpu.memref_slice %arg9[%dma_start3A_2211, %dma_start3A_2218, %dma_start3A_2219] : memref<16x8x64xf32, #tpu.memory_space<vmem>> -> memref<1x8x64xf32, #tpu.memory_space<vmem>>
        %dma_start3A_2221 = tpu.memref_squeeze %dma_start3A_2220 : memref<1x8x64xf32, #tpu.memory_space<vmem>> -> memref<8x64xf32, #tpu.memory_space<vmem>>
        %dma_start3A_2222 = arith.constant 0 : i32
        %dma_start3A_2223 = tpu.memref_slice %arg3[%multiple_of3A_2210, %dma_start3A_2222] : memref<1000000x64xf32, #tpu.memory_space<hbm>> -> memref<8x64xf32, #tpu.memory_space<hbm>>
        tpu.enqueue_dma source(%dma_start3A_2223 : memref<8x64xf32, #tpu.memory_space<hbm>>) target(%dma_start3A_2221 : memref<8x64xf32, #tpu.memory_space<vmem>>) target_semaphore(%arg18 : memref<!tpu.dma_semaphore, #tpu.memory_space<semaphore_mem>>)
        %dma_wait3A_2224 = arith.constant 8 : i32
        %dma_wait3A_2225 = arith.constant 0 : i32
        %dma_wait3A_2226 = arith.constant 0 : i32
        %dma_wait3A_2227 = tpu.memref_slice %arg9[%dma_wait3A_2224, %dma_wait3A_2225, %dma_wait3A_2226] : memref<16x8x64xf32, #tpu.memory_space<vmem>> -> memref<1x8x64xf32, #tpu.memory_space<vmem>>
        %dma_wait3A_2228 = tpu.memref_squeeze %dma_wait3A_2227 : memref<1x8x64xf32, #tpu.memory_space<vmem>> -> memref<8x64xf32, #tpu.memory_space<vmem>>
        %dma_wait3A_2229 = arith.constant 0 : i32
        %dma_wait3A_2230 = arith.constant 0 : i32
        %dma_wait3A_2231 = tpu.memref_slice %arg3[%dma_wait3A_2229, %dma_wait3A_2230] : memref<1000000x64xf32, #tpu.memory_space<hbm>> -> memref<8x64xf32, #tpu.memory_space<hbm>>
        %dma_wait3A_2232 = arith.constant 0 : i32
        %dma_wait3A_2233 = arith.constant 0 : i32
        %dma_wait3A_2234 = tpu.memref_slice %arg9[%dma_wait3A_2224, %dma_wait3A_2232, %dma_wait3A_2233] : memref<16x8x64xf32, #tpu.memory_space<vmem>> -> memref<1x8x64xf32, #tpu.memory_space<vmem>>
        %dma_wait3A_2235 = tpu.memref_squeeze %dma_wait3A_2234 : memref<1x8x64xf32, #tpu.memory_space<vmem>> -> memref<8x64xf32, #tpu.memory_space<vmem>>
        %dma_wait3A_2236 = arith.constant 0 : i32
        %dma_wait3A_2237 = arith.constant 0 : i32
        %dma_wait3A_2238 = tpu.memref_slice %arg3[%dma_wait3A_2236, %dma_wait3A_2237] : memref<1000000x64xf32, #tpu.memory_space<hbm>> -> memref<8x64xf32, #tpu.memory_space<hbm>>
        tpu.wait_dma2 semaphore(%arg19 : memref<!tpu.dma_semaphore, #tpu.memory_space<semaphore_mem>>) src(%dma_wait3A_2238 : memref<8x64xf32, #tpu.memory_space<hbm>>) dst(%dma_wait3A_2235 : memref<8x64xf32, #tpu.memory_space<vmem>>)
        %slice3A_2239 = vector.extract_strided_slice %get3A_1730 {offsets = [8], sizes = [1], strides = [1]} : vector<16xi32> to vector<1xi32>
        %squeeze3A_2240 = vector.extract %slice3A_2239[0] : i32 from vector<1xi32>
        %get3A_2241 = arith.constant 8 : i32
        %get3A_2242 = arith.index_cast %get3A_2241 : i32 to index
        %get3A_2243 = arith.index_cast %squeeze3A_2240 : i32 to index
        %get3A_2244 = arith.constant 0 : index
        %get3A_2245 = tpu.vector_load %arg9[%get3A_2242, %get3A_2243, %get3A_2244] {strides = array<i32>} : memref<16x8x64xf32, #tpu.memory_space<vmem>>, vector<1x1x16xf32>,
        %get3A_2246 = vector.shape_cast %get3A_2245 : vector<1x1x16xf32> to vector<16xf32>
        %add3A_2247 = arith.addf %add3A_2186, %get3A_2246 : vector<16xf32>
        %get3A_2248 = arith.constant 8 : i32
        %get3A_2249 = arith.index_cast %get3A_2248 : i32 to index
        %get3A_2250 = arith.index_cast %squeeze3A_2240 : i32 to index
        %get3A_2251 = arith.constant 16 : index
        %get3A_2252 = tpu.vector_load %arg9[%get3A_2249, %get3A_2250, %get3A_2251] {strides = array<i32>} : memref<16x8x64xf32, #tpu.memory_space<vmem>>, vector<1x1x16xf32>,
        %get3A_2253 = vector.shape_cast %get3A_2252 : vector<1x1x16xf32> to vector<16xf32>
        %add3A_2254 = arith.addf %add3A_2193, %get3A_2253 : vector<16xf32>
        %get3A_2255 = arith.constant 8 : i32
        %get3A_2256 = arith.index_cast %get3A_2255 : i32 to index
        %get3A_2257 = arith.index_cast %squeeze3A_2240 : i32 to index
        %get3A_2258 = arith.constant 32 : index
        %get3A_2259 = tpu.vector_load %arg9[%get3A_2256, %get3A_2257, %get3A_2258] {strides = array<i32>} : memref<16x8x64xf32, #tpu.memory_space<vmem>>, vector<1x1x16xf32>,
        %get3A_2260 = vector.shape_cast %get3A_2259 : vector<1x1x16xf32> to vector<16xf32>
        %add3A_2261 = arith.addf %add3A_2200, %get3A_2260 : vector<16xf32>
        %get3A_2262 = arith.constant 8 : i32
        %get3A_2263 = arith.index_cast %get3A_2262 : i32 to index
        %get3A_2264 = arith.index_cast %squeeze3A_2240 : i32 to index
        %get3A_2265 = arith.constant 48 : index
        %get3A_2266 = tpu.vector_load %arg9[%get3A_2263, %get3A_2264, %get3A_2265] {strides = array<i32>} : memref<16x8x64xf32, #tpu.memory_space<vmem>>, vector<1x1x16xf32>,
        %get3A_2267 = vector.shape_cast %get3A_2266 : vector<1x1x16xf32> to vector<16xf32>
        %add3A_2268 = arith.addf %add3A_2207, %get3A_2267 : vector<16xf32>
        %slice3A_2269 = vector.extract_strided_slice %get3A_1735 {offsets = [8], sizes = [1], strides = [1]} : vector<16xi32> to vector<1xi32>
        %squeeze3A_2270 = vector.extract %slice3A_2269[0] : i32 from vector<1xi32>
        %multiple_of3A_2271 = tpu.assume_multiple %squeeze3A_2270, 8 : i32
        %dma_start3A_2272 = arith.constant 8 : i32
        %dma_start3A_2273 = arith.constant 0 : i32
        %dma_start3A_2274 = arith.constant 0 : i32
        %dma_start3A_2275 = tpu.memref_slice %arg9[%dma_start3A_2272, %dma_start3A_2273, %dma_start3A_2274] : memref<16x8x64xf32, #tpu.memory_space<vmem>> -> memref<1x8x64xf32, #tpu.memory_space<vmem>>
        %dma_start3A_2276 = tpu.memref_squeeze %dma_start3A_2275 : memref<1x8x64xf32, #tpu.memory_space<vmem>> -> memref<8x64xf32, #tpu.memory_space<vmem>>
        %dma_start3A_2277 = arith.constant 0 : i32
        %dma_start3A_2278 = tpu.memref_slice %arg3[%multiple_of3A_2271, %dma_start3A_2277] : memref<1000000x64xf32, #tpu.memory_space<hbm>> -> memref<8x64xf32, #tpu.memory_space<hbm>>
        %dma_start3A_2279 = arith.constant 0 : i32
        %dma_start3A_2280 = arith.constant 0 : i32
        %dma_start3A_2281 = tpu.memref_slice %arg9[%dma_start3A_2272, %dma_start3A_2279, %dma_start3A_2280] : memref<16x8x64xf32, #tpu.memory_space<vmem>> -> memref<1x8x64xf32, #tpu.memory_space<vmem>>
        %dma_start3A_2282 = tpu.memref_squeeze %dma_start3A_2281 : memref<1x8x64xf32, #tpu.memory_space<vmem>> -> memref<8x64xf32, #tpu.memory_space<vmem>>
        %dma_start3A_2283 = arith.constant 0 : i32
        %dma_start3A_2284 = tpu.memref_slice %arg3[%multiple_of3A_2271, %dma_start3A_2283] : memref<1000000x64xf32, #tpu.memory_space<hbm>> -> memref<8x64xf32, #tpu.memory_space<hbm>>
        tpu.enqueue_dma source(%dma_start3A_2284 : memref<8x64xf32, #tpu.memory_space<hbm>>) target(%dma_start3A_2282 : memref<8x64xf32, #tpu.memory_space<vmem>>) target_semaphore(%arg19 : memref<!tpu.dma_semaphore, #tpu.memory_space<semaphore_mem>>)
        %dma_wait3A_2285 = arith.constant 9 : i32
        %dma_wait3A_2286 = arith.constant 0 : i32
        %dma_wait3A_2287 = arith.constant 0 : i32
        %dma_wait3A_2288 = tpu.memref_slice %arg9[%dma_wait3A_2285, %dma_wait3A_2286, %dma_wait3A_2287] : memref<16x8x64xf32, #tpu.memory_space<vmem>> -> memref<1x8x64xf32, #tpu.memory_space<vmem>>
        %dma_wait3A_2289 = tpu.memref_squeeze %dma_wait3A_2288 : memref<1x8x64xf32, #tpu.memory_space<vmem>> -> memref<8x64xf32, #tpu.memory_space<vmem>>
        %dma_wait3A_2290 = arith.constant 0 : i32
        %dma_wait3A_2291 = arith.constant 0 : i32
        %dma_wait3A_2292 = tpu.memref_slice %arg3[%dma_wait3A_2290, %dma_wait3A_2291] : memref<1000000x64xf32, #tpu.memory_space<hbm>> -> memref<8x64xf32, #tpu.memory_space<hbm>>
        %dma_wait3A_2293 = arith.constant 0 : i32
        %dma_wait3A_2294 = arith.constant 0 : i32
        %dma_wait3A_2295 = tpu.memref_slice %arg9[%dma_wait3A_2285, %dma_wait3A_2293, %dma_wait3A_2294] : memref<16x8x64xf32, #tpu.memory_space<vmem>> -> memref<1x8x64xf32, #tpu.memory_space<vmem>>
        %dma_wait3A_2296 = tpu.memref_squeeze %dma_wait3A_2295 : memref<1x8x64xf32, #tpu.memory_space<vmem>> -> memref<8x64xf32, #tpu.memory_space<vmem>>
        %dma_wait3A_2297 = arith.constant 0 : i32
        %dma_wait3A_2298 = arith.constant 0 : i32
        %dma_wait3A_2299 = tpu.memref_slice %arg3[%dma_wait3A_2297, %dma_wait3A_2298] : memref<1000000x64xf32, #tpu.memory_space<hbm>> -> memref<8x64xf32, #tpu.memory_space<hbm>>
        tpu.wait_dma2 semaphore(%arg20 : memref<!tpu.dma_semaphore, #tpu.memory_space<semaphore_mem>>) src(%dma_wait3A_2299 : memref<8x64xf32, #tpu.memory_space<hbm>>) dst(%dma_wait3A_2296 : memref<8x64xf32, #tpu.memory_space<vmem>>)
        %slice3A_2300 = vector.extract_strided_slice %get3A_1730 {offsets = [9], sizes = [1], strides = [1]} : vector<16xi32> to vector<1xi32>
        %squeeze3A_2301 = vector.extract %slice3A_2300[0] : i32 from vector<1xi32>
        %get3A_2302 = arith.constant 9 : i32
        %get3A_2303 = arith.index_cast %get3A_2302 : i32 to index
        %get3A_2304 = arith.index_cast %squeeze3A_2301 : i32 to index
        %get3A_2305 = arith.constant 0 : index
        %get3A_2306 = tpu.vector_load %arg9[%get3A_2303, %get3A_2304, %get3A_2305] {strides = array<i32>} : memref<16x8x64xf32, #tpu.memory_space<vmem>>, vector<1x1x16xf32>,
        %get3A_2307 = vector.shape_cast %get3A_2306 : vector<1x1x16xf32> to vector<16xf32>
        %add3A_2308 = arith.addf %add3A_2247, %get3A_2307 : vector<16xf32>
        %get3A_2309 = arith.constant 9 : i32
        %get3A_2310 = arith.index_cast %get3A_2309 : i32 to index
        %get3A_2311 = arith.index_cast %squeeze3A_2301 : i32 to index
        %get3A_2312 = arith.constant 16 : index
        %get3A_2313 = tpu.vector_load %arg9[%get3A_2310, %get3A_2311, %get3A_2312] {strides = array<i32>} : memref<16x8x64xf32, #tpu.memory_space<vmem>>, vector<1x1x16xf32>,
        %get3A_2314 = vector.shape_cast %get3A_2313 : vector<1x1x16xf32> to vector<16xf32>
        %add3A_2315 = arith.addf %add3A_2254, %get3A_2314 : vector<16xf32>
        %get3A_2316 = arith.constant 9 : i32
        %get3A_2317 = arith.index_cast %get3A_2316 : i32 to index
        %get3A_2318 = arith.index_cast %squeeze3A_2301 : i32 to index
        %get3A_2319 = arith.constant 32 : index
        %get3A_2320 = tpu.vector_load %arg9[%get3A_2317, %get3A_2318, %get3A_2319] {strides = array<i32>} : memref<16x8x64xf32, #tpu.memory_space<vmem>>, vector<1x1x16xf32>,
        %get3A_2321 = vector.shape_cast %get3A_2320 : vector<1x1x16xf32> to vector<16xf32>
        %add3A_2322 = arith.addf %add3A_2261, %get3A_2321 : vector<16xf32>
        %get3A_2323 = arith.constant 9 : i32
        %get3A_2324 = arith.index_cast %get3A_2323 : i32 to index
        %get3A_2325 = arith.index_cast %squeeze3A_2301 : i32 to index
        %get3A_2326 = arith.constant 48 : index
        %get3A_2327 = tpu.vector_load %arg9[%get3A_2324, %get3A_2325, %get3A_2326] {strides = array<i32>} : memref<16x8x64xf32, #tpu.memory_space<vmem>>, vector<1x1x16xf32>,
        %get3A_2328 = vector.shape_cast %get3A_2327 : vector<1x1x16xf32> to vector<16xf32>
        %add3A_2329 = arith.addf %add3A_2268, %get3A_2328 : vector<16xf32>
        %slice3A_2330 = vector.extract_strided_slice %get3A_1735 {offsets = [9], sizes = [1], strides = [1]} : vector<16xi32> to vector<1xi32>
        %squeeze3A_2331 = vector.extract %slice3A_2330[0] : i32 from vector<1xi32>
        %multiple_of3A_2332 = tpu.assume_multiple %squeeze3A_2331, 8 : i32
        %dma_start3A_2333 = arith.constant 9 : i32
        %dma_start3A_2334 = arith.constant 0 : i32
        %dma_start3A_2335 = arith.constant 0 : i32
        %dma_start3A_2336 = tpu.memref_slice %arg9[%dma_start3A_2333, %dma_start3A_2334, %dma_start3A_2335] : memref<16x8x64xf32, #tpu.memory_space<vmem>> -> memref<1x8x64xf32, #tpu.memory_space<vmem>>
        %dma_start3A_2337 = tpu.memref_squeeze %dma_start3A_2336 : memref<1x8x64xf32, #tpu.memory_space<vmem>> -> memref<8x64xf32, #tpu.memory_space<vmem>>
        %dma_start3A_2338 = arith.constant 0 : i32
        %dma_start3A_2339 = tpu.memref_slice %arg3[%multiple_of3A_2332, %dma_start3A_2338] : memref<1000000x64xf32, #tpu.memory_space<hbm>> -> memref<8x64xf32, #tpu.memory_space<hbm>>
        %dma_start3A_2340 = arith.constant 0 : i32
        %dma_start3A_2341 = arith.constant 0 : i32
        %dma_start3A_2342 = tpu.memref_slice %arg9[%dma_start3A_2333, %dma_start3A_2340, %dma_start3A_2341] : memref<16x8x64xf32, #tpu.memory_space<vmem>> -> memref<1x8x64xf32, #tpu.memory_space<vmem>>
        %dma_start3A_2343 = tpu.memref_squeeze %dma_start3A_2342 : memref<1x8x64xf32, #tpu.memory_space<vmem>> -> memref<8x64xf32, #tpu.memory_space<vmem>>
        %dma_start3A_2344 = arith.constant 0 : i32
        %dma_start3A_2345 = tpu.memref_slice %arg3[%multiple_of3A_2332, %dma_start3A_2344] : memref<1000000x64xf32, #tpu.memory_space<hbm>> -> memref<8x64xf32, #tpu.memory_space<hbm>>
        tpu.enqueue_dma source(%dma_start3A_2345 : memref<8x64xf32, #tpu.memory_space<hbm>>) target(%dma_start3A_2343 : memref<8x64xf32, #tpu.memory_space<vmem>>) target_semaphore(%arg20 : memref<!tpu.dma_semaphore, #tpu.memory_space<semaphore_mem>>)
        %dma_wait3A_2346 = arith.constant 10 : i32
        %dma_wait3A_2347 = arith.constant 0 : i32
        %dma_wait3A_2348 = arith.constant 0 : i32
        %dma_wait3A_2349 = tpu.memref_slice %arg9[%dma_wait3A_2346, %dma_wait3A_2347, %dma_wait3A_2348] : memref<16x8x64xf32, #tpu.memory_space<vmem>> -> memref<1x8x64xf32, #tpu.memory_space<vmem>>
        %dma_wait3A_2350 = tpu.memref_squeeze %dma_wait3A_2349 : memref<1x8x64xf32, #tpu.memory_space<vmem>> -> memref<8x64xf32, #tpu.memory_space<vmem>>
        %dma_wait3A_2351 = arith.constant 0 : i32
        %dma_wait3A_2352 = arith.constant 0 : i32
        %dma_wait3A_2353 = tpu.memref_slice %arg3[%dma_wait3A_2351, %dma_wait3A_2352] : memref<1000000x64xf32, #tpu.memory_space<hbm>> -> memref<8x64xf32, #tpu.memory_space<hbm>>
        %dma_wait3A_2354 = arith.constant 0 : i32
        %dma_wait3A_2355 = arith.constant 0 : i32
        %dma_wait3A_2356 = tpu.memref_slice %arg9[%dma_wait3A_2346, %dma_wait3A_2354, %dma_wait3A_2355] : memref<16x8x64xf32, #tpu.memory_space<vmem>> -> memref<1x8x64xf32, #tpu.memory_space<vmem>>
        %dma_wait3A_2357 = tpu.memref_squeeze %dma_wait3A_2356 : memref<1x8x64xf32, #tpu.memory_space<vmem>> -> memref<8x64xf32, #tpu.memory_space<vmem>>
        %dma_wait3A_2358 = arith.constant 0 : i32
        %dma_wait3A_2359 = arith.constant 0 : i32
        %dma_wait3A_2360 = tpu.memref_slice %arg3[%dma_wait3A_2358, %dma_wait3A_2359] : memref<1000000x64xf32, #tpu.memory_space<hbm>> -> memref<8x64xf32, #tpu.memory_space<hbm>>
        tpu.wait_dma2 semaphore(%arg21 : memref<!tpu.dma_semaphore, #tpu.memory_space<semaphore_mem>>) src(%dma_wait3A_2360 : memref<8x64xf32, #tpu.memory_space<hbm>>) dst(%dma_wait3A_2357 : memref<8x64xf32, #tpu.memory_space<vmem>>)
        %slice3A_2361 = vector.extract_strided_slice %get3A_1730 {offsets = [10], sizes = [1], strides = [1]} : vector<16xi32> to vector<1xi32>
        %squeeze3A_2362 = vector.extract %slice3A_2361[0] : i32 from vector<1xi32>
        %get3A_2363 = arith.constant 10 : i32
        %get3A_2364 = arith.index_cast %get3A_2363 : i32 to index
        %get3A_2365 = arith.index_cast %squeeze3A_2362 : i32 to index
        %get3A_2366 = arith.constant 0 : index
        %get3A_2367 = tpu.vector_load %arg9[%get3A_2364, %get3A_2365, %get3A_2366] {strides = array<i32>} : memref<16x8x64xf32, #tpu.memory_space<vmem>>, vector<1x1x16xf32>,
        %get3A_2368 = vector.shape_cast %get3A_2367 : vector<1x1x16xf32> to vector<16xf32>
        %add3A_2369 = arith.addf %add3A_2308, %get3A_2368 : vector<16xf32>
        %get3A_2370 = arith.constant 10 : i32
        %get3A_2371 = arith.index_cast %get3A_2370 : i32 to index
        %get3A_2372 = arith.index_cast %squeeze3A_2362 : i32 to index
        %get3A_2373 = arith.constant 16 : index
        %get3A_2374 = tpu.vector_load %arg9[%get3A_2371, %get3A_2372, %get3A_2373] {strides = array<i32>} : memref<16x8x64xf32, #tpu.memory_space<vmem>>, vector<1x1x16xf32>,
        %get3A_2375 = vector.shape_cast %get3A_2374 : vector<1x1x16xf32> to vector<16xf32>
        %add3A_2376 = arith.addf %add3A_2315, %get3A_2375 : vector<16xf32>
        %get3A_2377 = arith.constant 10 : i32
        %get3A_2378 = arith.index_cast %get3A_2377 : i32 to index
        %get3A_2379 = arith.index_cast %squeeze3A_2362 : i32 to index
        %get3A_2380 = arith.constant 32 : index
        %get3A_2381 = tpu.vector_load %arg9[%get3A_2378, %get3A_2379, %get3A_2380] {strides = array<i32>} : memref<16x8x64xf32, #tpu.memory_space<vmem>>, vector<1x1x16xf32>,
        %get3A_2382 = vector.shape_cast %get3A_2381 : vector<1x1x16xf32> to vector<16xf32>
        %add3A_2383 = arith.addf %add3A_2322, %get3A_2382 : vector<16xf32>
        %get3A_2384 = arith.constant 10 : i32
        %get3A_2385 = arith.index_cast %get3A_2384 : i32 to index
        %get3A_2386 = arith.index_cast %squeeze3A_2362 : i32 to index
        %get3A_2387 = arith.constant 48 : index
        %get3A_2388 = tpu.vector_load %arg9[%get3A_2385, %get3A_2386, %get3A_2387] {strides = array<i32>} : memref<16x8x64xf32, #tpu.memory_space<vmem>>, vector<1x1x16xf32>,
        %get3A_2389 = vector.shape_cast %get3A_2388 : vector<1x1x16xf32> to vector<16xf32>
        %add3A_2390 = arith.addf %add3A_2329, %get3A_2389 : vector<16xf32>
        %slice3A_2391 = vector.extract_strided_slice %get3A_1735 {offsets = [10], sizes = [1], strides = [1]} : vector<16xi32> to vector<1xi32>
        %squeeze3A_2392 = vector.extract %slice3A_2391[0] : i32 from vector<1xi32>
        %multiple_of3A_2393 = tpu.assume_multiple %squeeze3A_2392, 8 : i32
        %dma_start3A_2394 = arith.constant 10 : i32
        %dma_start3A_2395 = arith.constant 0 : i32
        %dma_start3A_2396 = arith.constant 0 : i32
        %dma_start3A_2397 = tpu.memref_slice %arg9[%dma_start3A_2394, %dma_start3A_2395, %dma_start3A_2396] : memref<16x8x64xf32, #tpu.memory_space<vmem>> -> memref<1x8x64xf32, #tpu.memory_space<vmem>>
        %dma_start3A_2398 = tpu.memref_squeeze %dma_start3A_2397 : memref<1x8x64xf32, #tpu.memory_space<vmem>> -> memref<8x64xf32, #tpu.memory_space<vmem>>
        %dma_start3A_2399 = arith.constant 0 : i32
        %dma_start3A_2400 = tpu.memref_slice %arg3[%multiple_of3A_2393, %dma_start3A_2399] : memref<1000000x64xf32, #tpu.memory_space<hbm>> -> memref<8x64xf32, #tpu.memory_space<hbm>>
        %dma_start3A_2401 = arith.constant 0 : i32
        %dma_start3A_2402 = arith.constant 0 : i32
        %dma_start3A_2403 = tpu.memref_slice %arg9[%dma_start3A_2394, %dma_start3A_2401, %dma_start3A_2402] : memref<16x8x64xf32, #tpu.memory_space<vmem>> -> memref<1x8x64xf32, #tpu.memory_space<vmem>>
        %dma_start3A_2404 = tpu.memref_squeeze %dma_start3A_2403 : memref<1x8x64xf32, #tpu.memory_space<vmem>> -> memref<8x64xf32, #tpu.memory_space<vmem>>
        %dma_start3A_2405 = arith.constant 0 : i32
        %dma_start3A_2406 = tpu.memref_slice %arg3[%multiple_of3A_2393, %dma_start3A_2405] : memref<1000000x64xf32, #tpu.memory_space<hbm>> -> memref<8x64xf32, #tpu.memory_space<hbm>>
        tpu.enqueue_dma source(%dma_start3A_2406 : memref<8x64xf32, #tpu.memory_space<hbm>>) target(%dma_start3A_2404 : memref<8x64xf32, #tpu.memory_space<vmem>>) target_semaphore(%arg21 : memref<!tpu.dma_semaphore, #tpu.memory_space<semaphore_mem>>)
        %dma_wait3A_2407 = arith.constant 11 : i32
        %dma_wait3A_2408 = arith.constant 0 : i32
        %dma_wait3A_2409 = arith.constant 0 : i32
        %dma_wait3A_2410 = tpu.memref_slice %arg9[%dma_wait3A_2407, %dma_wait3A_2408, %dma_wait3A_2409] : memref<16x8x64xf32, #tpu.memory_space<vmem>> -> memref<1x8x64xf32, #tpu.memory_space<vmem>>
        %dma_wait3A_2411 = tpu.memref_squeeze %dma_wait3A_2410 : memref<1x8x64xf32, #tpu.memory_space<vmem>> -> memref<8x64xf32, #tpu.memory_space<vmem>>
        %dma_wait3A_2412 = arith.constant 0 : i32
        %dma_wait3A_2413 = arith.constant 0 : i32
        %dma_wait3A_2414 = tpu.memref_slice %arg3[%dma_wait3A_2412, %dma_wait3A_2413] : memref<1000000x64xf32, #tpu.memory_space<hbm>> -> memref<8x64xf32, #tpu.memory_space<hbm>>
        %dma_wait3A_2415 = arith.constant 0 : i32
        %dma_wait3A_2416 = arith.constant 0 : i32
        %dma_wait3A_2417 = tpu.memref_slice %arg9[%dma_wait3A_2407, %dma_wait3A_2415, %dma_wait3A_2416] : memref<16x8x64xf32, #tpu.memory_space<vmem>> -> memref<1x8x64xf32, #tpu.memory_space<vmem>>
        %dma_wait3A_2418 = tpu.memref_squeeze %dma_wait3A_2417 : memref<1x8x64xf32, #tpu.memory_space<vmem>> -> memref<8x64xf32, #tpu.memory_space<vmem>>
        %dma_wait3A_2419 = arith.constant 0 : i32
        %dma_wait3A_2420 = arith.constant 0 : i32
        %dma_wait3A_2421 = tpu.memref_slice %arg3[%dma_wait3A_2419, %dma_wait3A_2420] : memref<1000000x64xf32, #tpu.memory_space<hbm>> -> memref<8x64xf32, #tpu.memory_space<hbm>>
        tpu.wait_dma2 semaphore(%arg22 : memref<!tpu.dma_semaphore, #tpu.memory_space<semaphore_mem>>) src(%dma_wait3A_2421 : memref<8x64xf32, #tpu.memory_space<hbm>>) dst(%dma_wait3A_2418 : memref<8x64xf32, #tpu.memory_space<vmem>>)
        %slice3A_2422 = vector.extract_strided_slice %get3A_1730 {offsets = [11], sizes = [1], strides = [1]} : vector<16xi32> to vector<1xi32>
        %squeeze3A_2423 = vector.extract %slice3A_2422[0] : i32 from vector<1xi32>
        %get3A_2424 = arith.constant 11 : i32
        %get3A_2425 = arith.index_cast %get3A_2424 : i32 to index
        %get3A_2426 = arith.index_cast %squeeze3A_2423 : i32 to index
        %get3A_2427 = arith.constant 0 : index
        %get3A_2428 = tpu.vector_load %arg9[%get3A_2425, %get3A_2426, %get3A_2427] {strides = array<i32>} : memref<16x8x64xf32, #tpu.memory_space<vmem>>, vector<1x1x16xf32>,
        %get3A_2429 = vector.shape_cast %get3A_2428 : vector<1x1x16xf32> to vector<16xf32>
        %add3A_2430 = arith.addf %add3A_2369, %get3A_2429 : vector<16xf32>
        %get3A_2431 = arith.constant 11 : i32
        %get3A_2432 = arith.index_cast %get3A_2431 : i32 to index
        %get3A_2433 = arith.index_cast %squeeze3A_2423 : i32 to index
        %get3A_2434 = arith.constant 16 : index
        %get3A_2435 = tpu.vector_load %arg9[%get3A_2432, %get3A_2433, %get3A_2434] {strides = array<i32>} : memref<16x8x64xf32, #tpu.memory_space<vmem>>, vector<1x1x16xf32>,
        %get3A_2436 = vector.shape_cast %get3A_2435 : vector<1x1x16xf32> to vector<16xf32>
        %add3A_2437 = arith.addf %add3A_2376, %get3A_2436 : vector<16xf32>
        %get3A_2438 = arith.constant 11 : i32
        %get3A_2439 = arith.index_cast %get3A_2438 : i32 to index
        %get3A_2440 = arith.index_cast %squeeze3A_2423 : i32 to index
        %get3A_2441 = arith.constant 32 : index
        %get3A_2442 = tpu.vector_load %arg9[%get3A_2439, %get3A_2440, %get3A_2441] {strides = array<i32>} : memref<16x8x64xf32, #tpu.memory_space<vmem>>, vector<1x1x16xf32>,
        %get3A_2443 = vector.shape_cast %get3A_2442 : vector<1x1x16xf32> to vector<16xf32>
        %add3A_2444 = arith.addf %add3A_2383, %get3A_2443 : vector<16xf32>
        %get3A_2445 = arith.constant 11 : i32
        %get3A_2446 = arith.index_cast %get3A_2445 : i32 to index
        %get3A_2447 = arith.index_cast %squeeze3A_2423 : i32 to index
        %get3A_2448 = arith.constant 48 : index
        %get3A_2449 = tpu.vector_load %arg9[%get3A_2446, %get3A_2447, %get3A_2448] {strides = array<i32>} : memref<16x8x64xf32, #tpu.memory_space<vmem>>, vector<1x1x16xf32>,
        %get3A_2450 = vector.shape_cast %get3A_2449 : vector<1x1x16xf32> to vector<16xf32>
        %add3A_2451 = arith.addf %add3A_2390, %get3A_2450 : vector<16xf32>
        %slice3A_2452 = vector.extract_strided_slice %get3A_1735 {offsets = [11], sizes = [1], strides = [1]} : vector<16xi32> to vector<1xi32>
        %squeeze3A_2453 = vector.extract %slice3A_2452[0] : i32 from vector<1xi32>
        %multiple_of3A_2454 = tpu.assume_multiple %squeeze3A_2453, 8 : i32
        %dma_start3A_2455 = arith.constant 11 : i32
        %dma_start3A_2456 = arith.constant 0 : i32
        %dma_start3A_2457 = arith.constant 0 : i32
        %dma_start3A_2458 = tpu.memref_slice %arg9[%dma_start3A_2455, %dma_start3A_2456, %dma_start3A_2457] : memref<16x8x64xf32, #tpu.memory_space<vmem>> -> memref<1x8x64xf32, #tpu.memory_space<vmem>>
        %dma_start3A_2459 = tpu.memref_squeeze %dma_start3A_2458 : memref<1x8x64xf32, #tpu.memory_space<vmem>> -> memref<8x64xf32, #tpu.memory_space<vmem>>
        %dma_start3A_2460 = arith.constant 0 : i32
        %dma_start3A_2461 = tpu.memref_slice %arg3[%multiple_of3A_2454, %dma_start3A_2460] : memref<1000000x64xf32, #tpu.memory_space<hbm>> -> memref<8x64xf32, #tpu.memory_space<hbm>>
        %dma_start3A_2462 = arith.constant 0 : i32
        %dma_start3A_2463 = arith.constant 0 : i32
        %dma_start3A_2464 = tpu.memref_slice %arg9[%dma_start3A_2455, %dma_start3A_2462, %dma_start3A_2463] : memref<16x8x64xf32, #tpu.memory_space<vmem>> -> memref<1x8x64xf32, #tpu.memory_space<vmem>>
        %dma_start3A_2465 = tpu.memref_squeeze %dma_start3A_2464 : memref<1x8x64xf32, #tpu.memory_space<vmem>> -> memref<8x64xf32, #tpu.memory_space<vmem>>
        %dma_start3A_2466 = arith.constant 0 : i32
        %dma_start3A_2467 = tpu.memref_slice %arg3[%multiple_of3A_2454, %dma_start3A_2466] : memref<1000000x64xf32, #tpu.memory_space<hbm>> -> memref<8x64xf32, #tpu.memory_space<hbm>>
        tpu.enqueue_dma source(%dma_start3A_2467 : memref<8x64xf32, #tpu.memory_space<hbm>>) target(%dma_start3A_2465 : memref<8x64xf32, #tpu.memory_space<vmem>>) target_semaphore(%arg22 : memref<!tpu.dma_semaphore, #tpu.memory_space<semaphore_mem>>)
        %dma_wait3A_2468 = arith.constant 12 : i32
        %dma_wait3A_2469 = arith.constant 0 : i32
        %dma_wait3A_2470 = arith.constant 0 : i32
        %dma_wait3A_2471 = tpu.memref_slice %arg9[%dma_wait3A_2468, %dma_wait3A_2469, %dma_wait3A_2470] : memref<16x8x64xf32, #tpu.memory_space<vmem>> -> memref<1x8x64xf32, #tpu.memory_space<vmem>>
        %dma_wait3A_2472 = tpu.memref_squeeze %dma_wait3A_2471 : memref<1x8x64xf32, #tpu.memory_space<vmem>> -> memref<8x64xf32, #tpu.memory_space<vmem>>
        %dma_wait3A_2473 = arith.constant 0 : i32
        %dma_wait3A_2474 = arith.constant 0 : i32
        %dma_wait3A_2475 = tpu.memref_slice %arg3[%dma_wait3A_2473, %dma_wait3A_2474] : memref<1000000x64xf32, #tpu.memory_space<hbm>> -> memref<8x64xf32, #tpu.memory_space<hbm>>
        %dma_wait3A_2476 = arith.constant 0 : i32
        %dma_wait3A_2477 = arith.constant 0 : i32
        %dma_wait3A_2478 = tpu.memref_slice %arg9[%dma_wait3A_2468, %dma_wait3A_2476, %dma_wait3A_2477] : memref<16x8x64xf32, #tpu.memory_space<vmem>> -> memref<1x8x64xf32, #tpu.memory_space<vmem>>
        %dma_wait3A_2479 = tpu.memref_squeeze %dma_wait3A_2478 : memref<1x8x64xf32, #tpu.memory_space<vmem>> -> memref<8x64xf32, #tpu.memory_space<vmem>>
        %dma_wait3A_2480 = arith.constant 0 : i32
        %dma_wait3A_2481 = arith.constant 0 : i32
        %dma_wait3A_2482 = tpu.memref_slice %arg3[%dma_wait3A_2480, %dma_wait3A_2481] : memref<1000000x64xf32, #tpu.memory_space<hbm>> -> memref<8x64xf32, #tpu.memory_space<hbm>>
        tpu.wait_dma2 semaphore(%arg23 : memref<!tpu.dma_semaphore, #tpu.memory_space<semaphore_mem>>) src(%dma_wait3A_2482 : memref<8x64xf32, #tpu.memory_space<hbm>>) dst(%dma_wait3A_2479 : memref<8x64xf32, #tpu.memory_space<vmem>>)
        %slice3A_2483 = vector.extract_strided_slice %get3A_1730 {offsets = [12], sizes = [1], strides = [1]} : vector<16xi32> to vector<1xi32>
        %squeeze3A_2484 = vector.extract %slice3A_2483[0] : i32 from vector<1xi32>
        %get3A_2485 = arith.constant 12 : i32
        %get3A_2486 = arith.index_cast %get3A_2485 : i32 to index
        %get3A_2487 = arith.index_cast %squeeze3A_2484 : i32 to index
        %get3A_2488 = arith.constant 0 : index
        %get3A_2489 = tpu.vector_load %arg9[%get3A_2486, %get3A_2487, %get3A_2488] {strides = array<i32>} : memref<16x8x64xf32, #tpu.memory_space<vmem>>, vector<1x1x16xf32>,
        %get3A_2490 = vector.shape_cast %get3A_2489 : vector<1x1x16xf32> to vector<16xf32>
        %add3A_2491 = arith.addf %add3A_2430, %get3A_2490 : vector<16xf32>
        %get3A_2492 = arith.constant 12 : i32
        %get3A_2493 = arith.index_cast %get3A_2492 : i32 to index
        %get3A_2494 = arith.index_cast %squeeze3A_2484 : i32 to index
        %get3A_2495 = arith.constant 16 : index
        %get3A_2496 = tpu.vector_load %arg9[%get3A_2493, %get3A_2494, %get3A_2495] {strides = array<i32>} : memref<16x8x64xf32, #tpu.memory_space<vmem>>, vector<1x1x16xf32>,
        %get3A_2497 = vector.shape_cast %get3A_2496 : vector<1x1x16xf32> to vector<16xf32>
        %add3A_2498 = arith.addf %add3A_2437, %get3A_2497 : vector<16xf32>
        %get3A_2499 = arith.constant 12 : i32
        %get3A_2500 = arith.index_cast %get3A_2499 : i32 to index
        %get3A_2501 = arith.index_cast %squeeze3A_2484 : i32 to index
        %get3A_2502 = arith.constant 32 : index
        %get3A_2503 = tpu.vector_load %arg9[%get3A_2500, %get3A_2501, %get3A_2502] {strides = array<i32>} : memref<16x8x64xf32, #tpu.memory_space<vmem>>, vector<1x1x16xf32>,
        %get3A_2504 = vector.shape_cast %get3A_2503 : vector<1x1x16xf32> to vector<16xf32>
        %add3A_2505 = arith.addf %add3A_2444, %get3A_2504 : vector<16xf32>
        %get3A_2506 = arith.constant 12 : i32
        %get3A_2507 = arith.index_cast %get3A_2506 : i32 to index
        %get3A_2508 = arith.index_cast %squeeze3A_2484 : i32 to index
        %get3A_2509 = arith.constant 48 : index
        %get3A_2510 = tpu.vector_load %arg9[%get3A_2507, %get3A_2508, %get3A_2509] {strides = array<i32>} : memref<16x8x64xf32, #tpu.memory_space<vmem>>, vector<1x1x16xf32>,
        %get3A_2511 = vector.shape_cast %get3A_2510 : vector<1x1x16xf32> to vector<16xf32>
        %add3A_2512 = arith.addf %add3A_2451, %get3A_2511 : vector<16xf32>
        %slice3A_2513 = vector.extract_strided_slice %get3A_1735 {offsets = [12], sizes = [1], strides = [1]} : vector<16xi32> to vector<1xi32>
        %squeeze3A_2514 = vector.extract %slice3A_2513[0] : i32 from vector<1xi32>
        %multiple_of3A_2515 = tpu.assume_multiple %squeeze3A_2514, 8 : i32
        %dma_start3A_2516 = arith.constant 12 : i32
        %dma_start3A_2517 = arith.constant 0 : i32
        %dma_start3A_2518 = arith.constant 0 : i32
        %dma_start3A_2519 = tpu.memref_slice %arg9[%dma_start3A_2516, %dma_start3A_2517, %dma_start3A_2518] : memref<16x8x64xf32, #tpu.memory_space<vmem>> -> memref<1x8x64xf32, #tpu.memory_space<vmem>>
        %dma_start3A_2520 = tpu.memref_squeeze %dma_start3A_2519 : memref<1x8x64xf32, #tpu.memory_space<vmem>> -> memref<8x64xf32, #tpu.memory_space<vmem>>
        %dma_start3A_2521 = arith.constant 0 : i32
        %dma_start3A_2522 = tpu.memref_slice %arg3[%multiple_of3A_2515, %dma_start3A_2521] : memref<1000000x64xf32, #tpu.memory_space<hbm>> -> memref<8x64xf32, #tpu.memory_space<hbm>>
        %dma_start3A_2523 = arith.constant 0 : i32
        %dma_start3A_2524 = arith.constant 0 : i32
        %dma_start3A_2525 = tpu.memref_slice %arg9[%dma_start3A_2516, %dma_start3A_2523, %dma_start3A_2524] : memref<16x8x64xf32, #tpu.memory_space<vmem>> -> memref<1x8x64xf32, #tpu.memory_space<vmem>>
        %dma_start3A_2526 = tpu.memref_squeeze %dma_start3A_2525 : memref<1x8x64xf32, #tpu.memory_space<vmem>> -> memref<8x64xf32, #tpu.memory_space<vmem>>
        %dma_start3A_2527 = arith.constant 0 : i32
        %dma_start3A_2528 = tpu.memref_slice %arg3[%multiple_of3A_2515, %dma_start3A_2527] : memref<1000000x64xf32, #tpu.memory_space<hbm>> -> memref<8x64xf32, #tpu.memory_space<hbm>>
        tpu.enqueue_dma source(%dma_start3A_2528 : memref<8x64xf32, #tpu.memory_space<hbm>>) target(%dma_start3A_2526 : memref<8x64xf32, #tpu.memory_space<vmem>>) target_semaphore(%arg23 : memref<!tpu.dma_semaphore, #tpu.memory_space<semaphore_mem>>)
        %dma_wait3A_2529 = arith.constant 13 : i32
        %dma_wait3A_2530 = arith.constant 0 : i32
        %dma_wait3A_2531 = arith.constant 0 : i32
        %dma_wait3A_2532 = tpu.memref_slice %arg9[%dma_wait3A_2529, %dma_wait3A_2530, %dma_wait3A_2531] : memref<16x8x64xf32, #tpu.memory_space<vmem>> -> memref<1x8x64xf32, #tpu.memory_space<vmem>>
        %dma_wait3A_2533 = tpu.memref_squeeze %dma_wait3A_2532 : memref<1x8x64xf32, #tpu.memory_space<vmem>> -> memref<8x64xf32, #tpu.memory_space<vmem>>
        %dma_wait3A_2534 = arith.constant 0 : i32
        %dma_wait3A_2535 = arith.constant 0 : i32
        %dma_wait3A_2536 = tpu.memref_slice %arg3[%dma_wait3A_2534, %dma_wait3A_2535] : memref<1000000x64xf32, #tpu.memory_space<hbm>> -> memref<8x64xf32, #tpu.memory_space<hbm>>
        %dma_wait3A_2537 = arith.constant 0 : i32
        %dma_wait3A_2538 = arith.constant 0 : i32
        %dma_wait3A_2539 = tpu.memref_slice %arg9[%dma_wait3A_2529, %dma_wait3A_2537, %dma_wait3A_2538] : memref<16x8x64xf32, #tpu.memory_space<vmem>> -> memref<1x8x64xf32, #tpu.memory_space<vmem>>
        %dma_wait3A_2540 = tpu.memref_squeeze %dma_wait3A_2539 : memref<1x8x64xf32, #tpu.memory_space<vmem>> -> memref<8x64xf32, #tpu.memory_space<vmem>>
        %dma_wait3A_2541 = arith.constant 0 : i32
        %dma_wait3A_2542 = arith.constant 0 : i32
        %dma_wait3A_2543 = tpu.memref_slice %arg3[%dma_wait3A_2541, %dma_wait3A_2542] : memref<1000000x64xf32, #tpu.memory_space<hbm>> -> memref<8x64xf32, #tpu.memory_space<hbm>>
        tpu.wait_dma2 semaphore(%arg24 : memref<!tpu.dma_semaphore, #tpu.memory_space<semaphore_mem>>) src(%dma_wait3A_2543 : memref<8x64xf32, #tpu.memory_space<hbm>>) dst(%dma_wait3A_2540 : memref<8x64xf32, #tpu.memory_space<vmem>>)
        %slice3A_2544 = vector.extract_strided_slice %get3A_1730 {offsets = [13], sizes = [1], strides = [1]} : vector<16xi32> to vector<1xi32>
        %squeeze3A_2545 = vector.extract %slice3A_2544[0] : i32 from vector<1xi32>
        %get3A_2546 = arith.constant 13 : i32
        %get3A_2547 = arith.index_cast %get3A_2546 : i32 to index
        %get3A_2548 = arith.index_cast %squeeze3A_2545 : i32 to index
        %get3A_2549 = arith.constant 0 : index
        %get3A_2550 = tpu.vector_load %arg9[%get3A_2547, %get3A_2548, %get3A_2549] {strides = array<i32>} : memref<16x8x64xf32, #tpu.memory_space<vmem>>, vector<1x1x16xf32>,
        %get3A_2551 = vector.shape_cast %get3A_2550 : vector<1x1x16xf32> to vector<16xf32>
        %add3A_2552 = arith.addf %add3A_2491, %get3A_2551 : vector<16xf32>
        %get3A_2553 = arith.constant 13 : i32
        %get3A_2554 = arith.index_cast %get3A_2553 : i32 to index
        %get3A_2555 = arith.index_cast %squeeze3A_2545 : i32 to index
        %get3A_2556 = arith.constant 16 : index
        %get3A_2557 = tpu.vector_load %arg9[%get3A_2554, %get3A_2555, %get3A_2556] {strides = array<i32>} : memref<16x8x64xf32, #tpu.memory_space<vmem>>, vector<1x1x16xf32>,
        %get3A_2558 = vector.shape_cast %get3A_2557 : vector<1x1x16xf32> to vector<16xf32>
        %add3A_2559 = arith.addf %add3A_2498, %get3A_2558 : vector<16xf32>
        %get3A_2560 = arith.constant 13 : i32
        %get3A_2561 = arith.index_cast %get3A_2560 : i32 to index
        %get3A_2562 = arith.index_cast %squeeze3A_2545 : i32 to index
        %get3A_2563 = arith.constant 32 : index
        %get3A_2564 = tpu.vector_load %arg9[%get3A_2561, %get3A_2562, %get3A_2563] {strides = array<i32>} : memref<16x8x64xf32, #tpu.memory_space<vmem>>, vector<1x1x16xf32>,
        %get3A_2565 = vector.shape_cast %get3A_2564 : vector<1x1x16xf32> to vector<16xf32>
        %add3A_2566 = arith.addf %add3A_2505, %get3A_2565 : vector<16xf32>
        %get3A_2567 = arith.constant 13 : i32
        %get3A_2568 = arith.index_cast %get3A_2567 : i32 to index
        %get3A_2569 = arith.index_cast %squeeze3A_2545 : i32 to index
        %get3A_2570 = arith.constant 48 : index
        %get3A_2571 = tpu.vector_load %arg9[%get3A_2568, %get3A_2569, %get3A_2570] {strides = array<i32>} : memref<16x8x64xf32, #tpu.memory_space<vmem>>, vector<1x1x16xf32>,
        %get3A_2572 = vector.shape_cast %get3A_2571 : vector<1x1x16xf32> to vector<16xf32>
        %add3A_2573 = arith.addf %add3A_2512, %get3A_2572 : vector<16xf32>
        %slice3A_2574 = vector.extract_strided_slice %get3A_1735 {offsets = [13], sizes = [1], strides = [1]} : vector<16xi32> to vector<1xi32>
        %squeeze3A_2575 = vector.extract %slice3A_2574[0] : i32 from vector<1xi32>
        %multiple_of3A_2576 = tpu.assume_multiple %squeeze3A_2575, 8 : i32
        %dma_start3A_2577 = arith.constant 13 : i32
        %dma_start3A_2578 = arith.constant 0 : i32
        %dma_start3A_2579 = arith.constant 0 : i32
        %dma_start3A_2580 = tpu.memref_slice %arg9[%dma_start3A_2577, %dma_start3A_2578, %dma_start3A_2579] : memref<16x8x64xf32, #tpu.memory_space<vmem>> -> memref<1x8x64xf32, #tpu.memory_space<vmem>>
        %dma_start3A_2581 = tpu.memref_squeeze %dma_start3A_2580 : memref<1x8x64xf32, #tpu.memory_space<vmem>> -> memref<8x64xf32, #tpu.memory_space<vmem>>
        %dma_start3A_2582 = arith.constant 0 : i32
        %dma_start3A_2583 = tpu.memref_slice %arg3[%multiple_of3A_2576, %dma_start3A_2582] : memref<1000000x64xf32, #tpu.memory_space<hbm>> -> memref<8x64xf32, #tpu.memory_space<hbm>>
        %dma_start3A_2584 = arith.constant 0 : i32
        %dma_start3A_2585 = arith.constant 0 : i32
        %dma_start3A_2586 = tpu.memref_slice %arg9[%dma_start3A_2577, %dma_start3A_2584, %dma_start3A_2585] : memref<16x8x64xf32, #tpu.memory_space<vmem>> -> memref<1x8x64xf32, #tpu.memory_space<vmem>>
        %dma_start3A_2587 = tpu.memref_squeeze %dma_start3A_2586 : memref<1x8x64xf32, #tpu.memory_space<vmem>> -> memref<8x64xf32, #tpu.memory_space<vmem>>
        %dma_start3A_2588 = arith.constant 0 : i32
        %dma_start3A_2589 = tpu.memref_slice %arg3[%multiple_of3A_2576, %dma_start3A_2588] : memref<1000000x64xf32, #tpu.memory_space<hbm>> -> memref<8x64xf32, #tpu.memory_space<hbm>>
        tpu.enqueue_dma source(%dma_start3A_2589 : memref<8x64xf32, #tpu.memory_space<hbm>>) target(%dma_start3A_2587 : memref<8x64xf32, #tpu.memory_space<vmem>>) target_semaphore(%arg24 : memref<!tpu.dma_semaphore, #tpu.memory_space<semaphore_mem>>)
        %dma_wait3A_2590 = arith.constant 14 : i32
        %dma_wait3A_2591 = arith.constant 0 : i32
        %dma_wait3A_2592 = arith.constant 0 : i32
        %dma_wait3A_2593 = tpu.memref_slice %arg9[%dma_wait3A_2590, %dma_wait3A_2591, %dma_wait3A_2592] : memref<16x8x64xf32, #tpu.memory_space<vmem>> -> memref<1x8x64xf32, #tpu.memory_space<vmem>>
        %dma_wait3A_2594 = tpu.memref_squeeze %dma_wait3A_2593 : memref<1x8x64xf32, #tpu.memory_space<vmem>> -> memref<8x64xf32, #tpu.memory_space<vmem>>
        %dma_wait3A_2595 = arith.constant 0 : i32
        %dma_wait3A_2596 = arith.constant 0 : i32
        %dma_wait3A_2597 = tpu.memref_slice %arg3[%dma_wait3A_2595, %dma_wait3A_2596] : memref<1000000x64xf32, #tpu.memory_space<hbm>> -> memref<8x64xf32, #tpu.memory_space<hbm>>
        %dma_wait3A_2598 = arith.constant 0 : i32
        %dma_wait3A_2599 = arith.constant 0 : i32
        %dma_wait3A_2600 = tpu.memref_slice %arg9[%dma_wait3A_2590, %dma_wait3A_2598, %dma_wait3A_2599] : memref<16x8x64xf32, #tpu.memory_space<vmem>> -> memref<1x8x64xf32, #tpu.memory_space<vmem>>
        %dma_wait3A_2601 = tpu.memref_squeeze %dma_wait3A_2600 : memref<1x8x64xf32, #tpu.memory_space<vmem>> -> memref<8x64xf32, #tpu.memory_space<vmem>>
        %dma_wait3A_2602 = arith.constant 0 : i32
        %dma_wait3A_2603 = arith.constant 0 : i32
        %dma_wait3A_2604 = tpu.memref_slice %arg3[%dma_wait3A_2602, %dma_wait3A_2603] : memref<1000000x64xf32, #tpu.memory_space<hbm>> -> memref<8x64xf32, #tpu.memory_space<hbm>>
        tpu.wait_dma2 semaphore(%arg25 : memref<!tpu.dma_semaphore, #tpu.memory_space<semaphore_mem>>) src(%dma_wait3A_2604 : memref<8x64xf32, #tpu.memory_space<hbm>>) dst(%dma_wait3A_2601 : memref<8x64xf32, #tpu.memory_space<vmem>>)
        %slice3A_2605 = vector.extract_strided_slice %get3A_1730 {offsets = [14], sizes = [1], strides = [1]} : vector<16xi32> to vector<1xi32>
        %squeeze3A_2606 = vector.extract %slice3A_2605[0] : i32 from vector<1xi32>
        %get3A_2607 = arith.constant 14 : i32
        %get3A_2608 = arith.index_cast %get3A_2607 : i32 to index
        %get3A_2609 = arith.index_cast %squeeze3A_2606 : i32 to index
        %get3A_2610 = arith.constant 0 : index
        %get3A_2611 = tpu.vector_load %arg9[%get3A_2608, %get3A_2609, %get3A_2610] {strides = array<i32>} : memref<16x8x64xf32, #tpu.memory_space<vmem>>, vector<1x1x16xf32>,
        %get3A_2612 = vector.shape_cast %get3A_2611 : vector<1x1x16xf32> to vector<16xf32>
        %add3A_2613 = arith.addf %add3A_2552, %get3A_2612 : vector<16xf32>
        %get3A_2614 = arith.constant 14 : i32
        %get3A_2615 = arith.index_cast %get3A_2614 : i32 to index
        %get3A_2616 = arith.index_cast %squeeze3A_2606 : i32 to index
        %get3A_2617 = arith.constant 16 : index
        %get3A_2618 = tpu.vector_load %arg9[%get3A_2615, %get3A_2616, %get3A_2617] {strides = array<i32>} : memref<16x8x64xf32, #tpu.memory_space<vmem>>, vector<1x1x16xf32>,
        %get3A_2619 = vector.shape_cast %get3A_2618 : vector<1x1x16xf32> to vector<16xf32>
        %add3A_2620 = arith.addf %add3A_2559, %get3A_2619 : vector<16xf32>
        %get3A_2621 = arith.constant 14 : i32
        %get3A_2622 = arith.index_cast %get3A_2621 : i32 to index
        %get3A_2623 = arith.index_cast %squeeze3A_2606 : i32 to index
        %get3A_2624 = arith.constant 32 : index
        %get3A_2625 = tpu.vector_load %arg9[%get3A_2622, %get3A_2623, %get3A_2624] {strides = array<i32>} : memref<16x8x64xf32, #tpu.memory_space<vmem>>, vector<1x1x16xf32>,
        %get3A_2626 = vector.shape_cast %get3A_2625 : vector<1x1x16xf32> to vector<16xf32>
        %add3A_2627 = arith.addf %add3A_2566, %get3A_2626 : vector<16xf32>
        %get3A_2628 = arith.constant 14 : i32
        %get3A_2629 = arith.index_cast %get3A_2628 : i32 to index
        %get3A_2630 = arith.index_cast %squeeze3A_2606 : i32 to index
        %get3A_2631 = arith.constant 48 : index
        %get3A_2632 = tpu.vector_load %arg9[%get3A_2629, %get3A_2630, %get3A_2631] {strides = array<i32>} : memref<16x8x64xf32, #tpu.memory_space<vmem>>, vector<1x1x16xf32>,
        %get3A_2633 = vector.shape_cast %get3A_2632 : vector<1x1x16xf32> to vector<16xf32>
        %add3A_2634 = arith.addf %add3A_2573, %get3A_2633 : vector<16xf32>
        %slice3A_2635 = vector.extract_strided_slice %get3A_1735 {offsets = [14], sizes = [1], strides = [1]} : vector<16xi32> to vector<1xi32>
        %squeeze3A_2636 = vector.extract %slice3A_2635[0] : i32 from vector<1xi32>
        %multiple_of3A_2637 = tpu.assume_multiple %squeeze3A_2636, 8 : i32
        %dma_start3A_2638 = arith.constant 14 : i32
        %dma_start3A_2639 = arith.constant 0 : i32
        %dma_start3A_2640 = arith.constant 0 : i32
        %dma_start3A_2641 = tpu.memref_slice %arg9[%dma_start3A_2638, %dma_start3A_2639, %dma_start3A_2640] : memref<16x8x64xf32, #tpu.memory_space<vmem>> -> memref<1x8x64xf32, #tpu.memory_space<vmem>>
        %dma_start3A_2642 = tpu.memref_squeeze %dma_start3A_2641 : memref<1x8x64xf32, #tpu.memory_space<vmem>> -> memref<8x64xf32, #tpu.memory_space<vmem>>
        %dma_start3A_2643 = arith.constant 0 : i32
        %dma_start3A_2644 = tpu.memref_slice %arg3[%multiple_of3A_2637, %dma_start3A_2643] : memref<1000000x64xf32, #tpu.memory_space<hbm>> -> memref<8x64xf32, #tpu.memory_space<hbm>>
        %dma_start3A_2645 = arith.constant 0 : i32
        %dma_start3A_2646 = arith.constant 0 : i32
        %dma_start3A_2647 = tpu.memref_slice %arg9[%dma_start3A_2638, %dma_start3A_2645, %dma_start3A_2646] : memref<16x8x64xf32, #tpu.memory_space<vmem>> -> memref<1x8x64xf32, #tpu.memory_space<vmem>>
        %dma_start3A_2648 = tpu.memref_squeeze %dma_start3A_2647 : memref<1x8x64xf32, #tpu.memory_space<vmem>> -> memref<8x64xf32, #tpu.memory_space<vmem>>
        %dma_start3A_2649 = arith.constant 0 : i32
        %dma_start3A_2650 = tpu.memref_slice %arg3[%multiple_of3A_2637, %dma_start3A_2649] : memref<1000000x64xf32, #tpu.memory_space<hbm>> -> memref<8x64xf32, #tpu.memory_space<hbm>>
        tpu.enqueue_dma source(%dma_start3A_2650 : memref<8x64xf32, #tpu.memory_space<hbm>>) target(%dma_start3A_2648 : memref<8x64xf32, #tpu.memory_space<vmem>>) target_semaphore(%arg25 : memref<!tpu.dma_semaphore, #tpu.memory_space<semaphore_mem>>)
        %dma_wait3A_2651 = arith.constant 15 : i32
        %dma_wait3A_2652 = arith.constant 0 : i32
        %dma_wait3A_2653 = arith.constant 0 : i32
        %dma_wait3A_2654 = tpu.memref_slice %arg9[%dma_wait3A_2651, %dma_wait3A_2652, %dma_wait3A_2653] : memref<16x8x64xf32, #tpu.memory_space<vmem>> -> memref<1x8x64xf32, #tpu.memory_space<vmem>>
        %dma_wait3A_2655 = tpu.memref_squeeze %dma_wait3A_2654 : memref<1x8x64xf32, #tpu.memory_space<vmem>> -> memref<8x64xf32, #tpu.memory_space<vmem>>
        %dma_wait3A_2656 = arith.constant 0 : i32
        %dma_wait3A_2657 = arith.constant 0 : i32
        %dma_wait3A_2658 = tpu.memref_slice %arg3[%dma_wait3A_2656, %dma_wait3A_2657] : memref<1000000x64xf32, #tpu.memory_space<hbm>> -> memref<8x64xf32, #tpu.memory_space<hbm>>
        %dma_wait3A_2659 = arith.constant 0 : i32
        %dma_wait3A_2660 = arith.constant 0 : i32
        %dma_wait3A_2661 = tpu.memref_slice %arg9[%dma_wait3A_2651, %dma_wait3A_2659, %dma_wait3A_2660] : memref<16x8x64xf32, #tpu.memory_space<vmem>> -> memref<1x8x64xf32, #tpu.memory_space<vmem>>
        %dma_wait3A_2662 = tpu.memref_squeeze %dma_wait3A_2661 : memref<1x8x64xf32, #tpu.memory_space<vmem>> -> memref<8x64xf32, #tpu.memory_space<vmem>>
        %dma_wait3A_2663 = arith.constant 0 : i32
        %dma_wait3A_2664 = arith.constant 0 : i32
        %dma_wait3A_2665 = tpu.memref_slice %arg3[%dma_wait3A_2663, %dma_wait3A_2664] : memref<1000000x64xf32, #tpu.memory_space<hbm>> -> memref<8x64xf32, #tpu.memory_space<hbm>>
        tpu.wait_dma2 semaphore(%arg26 : memref<!tpu.dma_semaphore, #tpu.memory_space<semaphore_mem>>) src(%dma_wait3A_2665 : memref<8x64xf32, #tpu.memory_space<hbm>>) dst(%dma_wait3A_2662 : memref<8x64xf32, #tpu.memory_space<vmem>>)
        %slice3A_2666 = vector.extract_strided_slice %get3A_1730 {offsets = [15], sizes = [1], strides = [1]} : vector<16xi32> to vector<1xi32>
        %squeeze3A_2667 = vector.extract %slice3A_2666[0] : i32 from vector<1xi32>
        %get3A_2668 = arith.constant 15 : i32
        %get3A_2669 = arith.index_cast %get3A_2668 : i32 to index
        %get3A_2670 = arith.index_cast %squeeze3A_2667 : i32 to index
        %get3A_2671 = arith.constant 0 : index
        %get3A_2672 = tpu.vector_load %arg9[%get3A_2669, %get3A_2670, %get3A_2671] {strides = array<i32>} : memref<16x8x64xf32, #tpu.memory_space<vmem>>, vector<1x1x16xf32>,
        %get3A_2673 = vector.shape_cast %get3A_2672 : vector<1x1x16xf32> to vector<16xf32>
        %add3A_2674 = arith.addf %add3A_2613, %get3A_2673 : vector<16xf32>
        %get3A_2675 = arith.constant 15 : i32
        %get3A_2676 = arith.index_cast %get3A_2675 : i32 to index
        %get3A_2677 = arith.index_cast %squeeze3A_2667 : i32 to index
        %get3A_2678 = arith.constant 16 : index
        %get3A_2679 = tpu.vector_load %arg9[%get3A_2676, %get3A_2677, %get3A_2678] {strides = array<i32>} : memref<16x8x64xf32, #tpu.memory_space<vmem>>, vector<1x1x16xf32>,
        %get3A_2680 = vector.shape_cast %get3A_2679 : vector<1x1x16xf32> to vector<16xf32>
        %add3A_2681 = arith.addf %add3A_2620, %get3A_2680 : vector<16xf32>
        %get3A_2682 = arith.constant 15 : i32
        %get3A_2683 = arith.index_cast %get3A_2682 : i32 to index
        %get3A_2684 = arith.index_cast %squeeze3A_2667 : i32 to index
        %get3A_2685 = arith.constant 32 : index
        %get3A_2686 = tpu.vector_load %arg9[%get3A_2683, %get3A_2684, %get3A_2685] {strides = array<i32>} : memref<16x8x64xf32, #tpu.memory_space<vmem>>, vector<1x1x16xf32>,
        %get3A_2687 = vector.shape_cast %get3A_2686 : vector<1x1x16xf32> to vector<16xf32>
        %add3A_2688 = arith.addf %add3A_2627, %get3A_2687 : vector<16xf32>
        %get3A_2689 = arith.constant 15 : i32
        %get3A_2690 = arith.index_cast %get3A_2689 : i32 to index
        %get3A_2691 = arith.index_cast %squeeze3A_2667 : i32 to index
        %get3A_2692 = arith.constant 48 : index
        %get3A_2693 = tpu.vector_load %arg9[%get3A_2690, %get3A_2691, %get3A_2692] {strides = array<i32>} : memref<16x8x64xf32, #tpu.memory_space<vmem>>, vector<1x1x16xf32>,
        %get3A_2694 = vector.shape_cast %get3A_2693 : vector<1x1x16xf32> to vector<16xf32>
        %add3A_2695 = arith.addf %add3A_2634, %get3A_2694 : vector<16xf32>
        %slice3A_2696 = vector.extract_strided_slice %get3A_1735 {offsets = [15], sizes = [1], strides = [1]} : vector<16xi32> to vector<1xi32>
        %squeeze3A_2697 = vector.extract %slice3A_2696[0] : i32 from vector<1xi32>
        %multiple_of3A_2698 = tpu.assume_multiple %squeeze3A_2697, 8 : i32
        %dma_start3A_2699 = arith.constant 15 : i32
        %dma_start3A_2700 = arith.constant 0 : i32
        %dma_start3A_2701 = arith.constant 0 : i32
        %dma_start3A_2702 = tpu.memref_slice %arg9[%dma_start3A_2699, %dma_start3A_2700, %dma_start3A_2701] : memref<16x8x64xf32, #tpu.memory_space<vmem>> -> memref<1x8x64xf32, #tpu.memory_space<vmem>>
        %dma_start3A_2703 = tpu.memref_squeeze %dma_start3A_2702 : memref<1x8x64xf32, #tpu.memory_space<vmem>> -> memref<8x64xf32, #tpu.memory_space<vmem>>
        %dma_start3A_2704 = arith.constant 0 : i32
        %dma_start3A_2705 = tpu.memref_slice %arg3[%multiple_of3A_2698, %dma_start3A_2704] : memref<1000000x64xf32, #tpu.memory_space<hbm>> -> memref<8x64xf32, #tpu.memory_space<hbm>>
        %dma_start3A_2706 = arith.constant 0 : i32
        %dma_start3A_2707 = arith.constant 0 : i32
        %dma_start3A_2708 = tpu.memref_slice %arg9[%dma_start3A_2699, %dma_start3A_2706, %dma_start3A_2707] : memref<16x8x64xf32, #tpu.memory_space<vmem>> -> memref<1x8x64xf32, #tpu.memory_space<vmem>>
        %dma_start3A_2709 = tpu.memref_squeeze %dma_start3A_2708 : memref<1x8x64xf32, #tpu.memory_space<vmem>> -> memref<8x64xf32, #tpu.memory_space<vmem>>
        %dma_start3A_2710 = arith.constant 0 : i32
        %dma_start3A_2711 = tpu.memref_slice %arg3[%multiple_of3A_2698, %dma_start3A_2710] : memref<1000000x64xf32, #tpu.memory_space<hbm>> -> memref<8x64xf32, #tpu.memory_space<hbm>>
        tpu.enqueue_dma source(%dma_start3A_2711 : memref<8x64xf32, #tpu.memory_space<hbm>>) target(%dma_start3A_2709 : memref<8x64xf32, #tpu.memory_space<vmem>>) target_semaphore(%arg26 : memref<!tpu.dma_semaphore, #tpu.memory_space<semaphore_mem>>)
        scf.yield %add3A_2674, %add3A_2681, %add3A_2688, %add3A_2695 : vector<16xf32>, vector<16xf32>, vector<16xf32>, vector<16xf32>
      }
      %scan3A_489 = arith.constant 11 : i32
      %get3A_490 = arith.constant 176 : index
      %get3A_491 = tpu.vector_load %arg8[%get3A_490] {strides = array<i32>} : memref<200xi32, #tpu.memory_space<vmem>>, vector<16xi32>,
      %get3A_492 = vector.shape_cast %get3A_491 : vector<16xi32> to vector<16xi32>
      %dma_wait3A = arith.constant 0 : i32
      %dma_wait3A_493 = arith.constant 0 : i32
      %dma_wait3A_494 = arith.constant 0 : i32
      %dma_wait3A_495 = tpu.memref_slice %arg9[%dma_wait3A, %dma_wait3A_493, %dma_wait3A_494] : memref<16x8x64xf32, #tpu.memory_space<vmem>> -> memref<1x8x64xf32, #tpu.memory_space<vmem>>
      %dma_wait3A_496 = tpu.memref_squeeze %dma_wait3A_495 : memref<1x8x64xf32, #tpu.memory_space<vmem>> -> memref<8x64xf32, #tpu.memory_space<vmem>>
      %dma_wait3A_497 = arith.constant 0 : i32
      %dma_wait3A_498 = arith.constant 0 : i32
      %dma_wait3A_499 = tpu.memref_slice %arg3[%dma_wait3A_497, %dma_wait3A_498] : memref<1000000x64xf32, #tpu.memory_space<hbm>> -> memref<8x64xf32, #tpu.memory_space<hbm>>
      %dma_wait3A_500 = arith.constant 0 : i32
      %dma_wait3A_501 = arith.constant 0 : i32
      %dma_wait3A_502 = tpu.memref_slice %arg9[%dma_wait3A, %dma_wait3A_500, %dma_wait3A_501] : memref<16x8x64xf32, #tpu.memory_space<vmem>> -> memref<1x8x64xf32, #tpu.memory_space<vmem>>
      %dma_wait3A_503 = tpu.memref_squeeze %dma_wait3A_502 : memref<1x8x64xf32, #tpu.memory_space<vmem>> -> memref<8x64xf32, #tpu.memory_space<vmem>>
      %dma_wait3A_504 = arith.constant 0 : i32
      %dma_wait3A_505 = arith.constant 0 : i32
      %dma_wait3A_506 = tpu.memref_slice %arg3[%dma_wait3A_504, %dma_wait3A_505] : memref<1000000x64xf32, #tpu.memory_space<hbm>> -> memref<8x64xf32, #tpu.memory_space<hbm>>
      tpu.wait_dma2 semaphore(%arg11 : memref<!tpu.dma_semaphore, #tpu.memory_space<semaphore_mem>>) src(%dma_wait3A_506 : memref<8x64xf32, #tpu.memory_space<hbm>>) dst(%dma_wait3A_503 : memref<8x64xf32, #tpu.memory_space<vmem>>)
      %slice3A_507 = vector.extract_strided_slice %get3A_492 {offsets = [0], sizes = [1], strides = [1]} : vector<16xi32> to vector<1xi32>
      %squeeze3A_508 = vector.extract %slice3A_507[0] : i32 from vector<1xi32>
      %get3A_509 = arith.constant 0 : i32
      %get3A_510 = arith.index_cast %get3A_509 : i32 to index
      %get3A_511 = arith.index_cast %squeeze3A_508 : i32 to index
      %get3A_512 = arith.constant 0 : index
      %get3A_513 = tpu.vector_load %arg9[%get3A_510, %get3A_511, %get3A_512] {strides = array<i32>} : memref<16x8x64xf32, #tpu.memory_space<vmem>>, vector<1x1x16xf32>,
      %get3A_514 = vector.shape_cast %get3A_513 : vector<1x1x16xf32> to vector<16xf32>
      %add3A = arith.addf %scan3A_488#0, %get3A_514 : vector<16xf32>
      %get3A_515 = arith.constant 0 : i32
      %get3A_516 = arith.index_cast %get3A_515 : i32 to index
      %get3A_517 = arith.index_cast %squeeze3A_508 : i32 to index
      %get3A_518 = arith.constant 16 : index
      %get3A_519 = tpu.vector_load %arg9[%get3A_516, %get3A_517, %get3A_518] {strides = array<i32>} : memref<16x8x64xf32, #tpu.memory_space<vmem>>, vector<1x1x16xf32>,
      %get3A_520 = vector.shape_cast %get3A_519 : vector<1x1x16xf32> to vector<16xf32>
      %add3A_521 = arith.addf %scan3A_488#1, %get3A_520 : vector<16xf32>
      %get3A_522 = arith.constant 0 : i32
      %get3A_523 = arith.index_cast %get3A_522 : i32 to index
      %get3A_524 = arith.index_cast %squeeze3A_508 : i32 to index
      %get3A_525 = arith.constant 32 : index
      %get3A_526 = tpu.vector_load %arg9[%get3A_523, %get3A_524, %get3A_525] {strides = array<i32>} : memref<16x8x64xf32, #tpu.memory_space<vmem>>, vector<1x1x16xf32>,
      %get3A_527 = vector.shape_cast %get3A_526 : vector<1x1x16xf32> to vector<16xf32>
      %add3A_528 = arith.addf %scan3A_488#2, %get3A_527 : vector<16xf32>
      %get3A_529 = arith.constant 0 : i32
      %get3A_530 = arith.index_cast %get3A_529 : i32 to index
      %get3A_531 = arith.index_cast %squeeze3A_508 : i32 to index
      %get3A_532 = arith.constant 48 : index
      %get3A_533 = tpu.vector_load %arg9[%get3A_530, %get3A_531, %get3A_532] {strides = array<i32>} : memref<16x8x64xf32, #tpu.memory_space<vmem>>, vector<1x1x16xf32>,
      %get3A_534 = vector.shape_cast %get3A_533 : vector<1x1x16xf32> to vector<16xf32>
      %add3A_535 = arith.addf %scan3A_488#3, %get3A_534 : vector<16xf32>
      %dma_wait3A_536 = arith.constant 1 : i32
      %dma_wait3A_537 = arith.constant 0 : i32
      %dma_wait3A_538 = arith.constant 0 : i32
      %dma_wait3A_539 = tpu.memref_slice %arg9[%dma_wait3A_536, %dma_wait3A_537, %dma_wait3A_538] : memref<16x8x64xf32, #tpu.memory_space<vmem>> -> memref<1x8x64xf32, #tpu.memory_space<vmem>>
      %dma_wait3A_540 = tpu.memref_squeeze %dma_wait3A_539 : memref<1x8x64xf32, #tpu.memory_space<vmem>> -> memref<8x64xf32, #tpu.memory_space<vmem>>
      %dma_wait3A_541 = arith.constant 0 : i32
      %dma_wait3A_542 = arith.constant 0 : i32
      %dma_wait3A_543 = tpu.memref_slice %arg3[%dma_wait3A_541, %dma_wait3A_542] : memref<1000000x64xf32, #tpu.memory_space<hbm>> -> memref<8x64xf32, #tpu.memory_space<hbm>>
      %dma_wait3A_544 = arith.constant 0 : i32
      %dma_wait3A_545 = arith.constant 0 : i32
      %dma_wait3A_546 = tpu.memref_slice %arg9[%dma_wait3A_536, %dma_wait3A_544, %dma_wait3A_545] : memref<16x8x64xf32, #tpu.memory_space<vmem>> -> memref<1x8x64xf32, #tpu.memory_space<vmem>>
      %dma_wait3A_547 = tpu.memref_squeeze %dma_wait3A_546 : memref<1x8x64xf32, #tpu.memory_space<vmem>> -> memref<8x64xf32, #tpu.memory_space<vmem>>
      %dma_wait3A_548 = arith.constant 0 : i32
      %dma_wait3A_549 = arith.constant 0 : i32
      %dma_wait3A_550 = tpu.memref_slice %arg3[%dma_wait3A_548, %dma_wait3A_549] : memref<1000000x64xf32, #tpu.memory_space<hbm>> -> memref<8x64xf32, #tpu.memory_space<hbm>>
      tpu.wait_dma2 semaphore(%arg12 : memref<!tpu.dma_semaphore, #tpu.memory_space<semaphore_mem>>) src(%dma_wait3A_550 : memref<8x64xf32, #tpu.memory_space<hbm>>) dst(%dma_wait3A_547 : memref<8x64xf32, #tpu.memory_space<vmem>>)
      %slice3A_551 = vector.extract_strided_slice %get3A_492 {offsets = [1], sizes = [1], strides = [1]} : vector<16xi32> to vector<1xi32>
      %squeeze3A_552 = vector.extract %slice3A_551[0] : i32 from vector<1xi32>
      %get3A_553 = arith.constant 1 : i32
      %get3A_554 = arith.index_cast %get3A_553 : i32 to index
      %get3A_555 = arith.index_cast %squeeze3A_552 : i32 to index
      %get3A_556 = arith.constant 0 : index
      %get3A_557 = tpu.vector_load %arg9[%get3A_554, %get3A_555, %get3A_556] {strides = array<i32>} : memref<16x8x64xf32, #tpu.memory_space<vmem>>, vector<1x1x16xf32>,
      %get3A_558 = vector.shape_cast %get3A_557 : vector<1x1x16xf32> to vector<16xf32>
      %add3A_559 = arith.addf %add3A, %get3A_558 : vector<16xf32>
      %get3A_560 = arith.constant 1 : i32
      %get3A_561 = arith.index_cast %get3A_560 : i32 to index
      %get3A_562 = arith.index_cast %squeeze3A_552 : i32 to index
      %get3A_563 = arith.constant 16 : index
      %get3A_564 = tpu.vector_load %arg9[%get3A_561, %get3A_562, %get3A_563] {strides = array<i32>} : memref<16x8x64xf32, #tpu.memory_space<vmem>>, vector<1x1x16xf32>,
      %get3A_565 = vector.shape_cast %get3A_564 : vector<1x1x16xf32> to vector<16xf32>
      %add3A_566 = arith.addf %add3A_521, %get3A_565 : vector<16xf32>
      %get3A_567 = arith.constant 1 : i32
      %get3A_568 = arith.index_cast %get3A_567 : i32 to index
      %get3A_569 = arith.index_cast %squeeze3A_552 : i32 to index
      %get3A_570 = arith.constant 32 : index
      %get3A_571 = tpu.vector_load %arg9[%get3A_568, %get3A_569, %get3A_570] {strides = array<i32>} : memref<16x8x64xf32, #tpu.memory_space<vmem>>, vector<1x1x16xf32>,
      %get3A_572 = vector.shape_cast %get3A_571 : vector<1x1x16xf32> to vector<16xf32>
      %add3A_573 = arith.addf %add3A_528, %get3A_572 : vector<16xf32>
      %get3A_574 = arith.constant 1 : i32
      %get3A_575 = arith.index_cast %get3A_574 : i32 to index
      %get3A_576 = arith.index_cast %squeeze3A_552 : i32 to index
      %get3A_577 = arith.constant 48 : index
      %get3A_578 = tpu.vector_load %arg9[%get3A_575, %get3A_576, %get3A_577] {strides = array<i32>} : memref<16x8x64xf32, #tpu.memory_space<vmem>>, vector<1x1x16xf32>,
      %get3A_579 = vector.shape_cast %get3A_578 : vector<1x1x16xf32> to vector<16xf32>
      %add3A_580 = arith.addf %add3A_535, %get3A_579 : vector<16xf32>
      %dma_wait3A_581 = arith.constant 2 : i32
      %dma_wait3A_582 = arith.constant 0 : i32
      %dma_wait3A_583 = arith.constant 0 : i32
      %dma_wait3A_584 = tpu.memref_slice %arg9[%dma_wait3A_581, %dma_wait3A_582, %dma_wait3A_583] : memref<16x8x64xf32, #tpu.memory_space<vmem>> -> memref<1x8x64xf32, #tpu.memory_space<vmem>>
      %dma_wait3A_585 = tpu.memref_squeeze %dma_wait3A_584 : memref<1x8x64xf32, #tpu.memory_space<vmem>> -> memref<8x64xf32, #tpu.memory_space<vmem>>
      %dma_wait3A_586 = arith.constant 0 : i32
      %dma_wait3A_587 = arith.constant 0 : i32
      %dma_wait3A_588 = tpu.memref_slice %arg3[%dma_wait3A_586, %dma_wait3A_587] : memref<1000000x64xf32, #tpu.memory_space<hbm>> -> memref<8x64xf32, #tpu.memory_space<hbm>>
      %dma_wait3A_589 = arith.constant 0 : i32
      %dma_wait3A_590 = arith.constant 0 : i32
      %dma_wait3A_591 = tpu.memref_slice %arg9[%dma_wait3A_581, %dma_wait3A_589, %dma_wait3A_590] : memref<16x8x64xf32, #tpu.memory_space<vmem>> -> memref<1x8x64xf32, #tpu.memory_space<vmem>>
      %dma_wait3A_592 = tpu.memref_squeeze %dma_wait3A_591 : memref<1x8x64xf32, #tpu.memory_space<vmem>> -> memref<8x64xf32, #tpu.memory_space<vmem>>
      %dma_wait3A_593 = arith.constant 0 : i32
      %dma_wait3A_594 = arith.constant 0 : i32
      %dma_wait3A_595 = tpu.memref_slice %arg3[%dma_wait3A_593, %dma_wait3A_594] : memref<1000000x64xf32, #tpu.memory_space<hbm>> -> memref<8x64xf32, #tpu.memory_space<hbm>>
      tpu.wait_dma2 semaphore(%arg13 : memref<!tpu.dma_semaphore, #tpu.memory_space<semaphore_mem>>) src(%dma_wait3A_595 : memref<8x64xf32, #tpu.memory_space<hbm>>) dst(%dma_wait3A_592 : memref<8x64xf32, #tpu.memory_space<vmem>>)
      %slice3A_596 = vector.extract_strided_slice %get3A_492 {offsets = [2], sizes = [1], strides = [1]} : vector<16xi32> to vector<1xi32>
      %squeeze3A_597 = vector.extract %slice3A_596[0] : i32 from vector<1xi32>
      %get3A_598 = arith.constant 2 : i32
      %get3A_599 = arith.index_cast %get3A_598 : i32 to index
      %get3A_600 = arith.index_cast %squeeze3A_597 : i32 to index
      %get3A_601 = arith.constant 0 : index
      %get3A_602 = tpu.vector_load %arg9[%get3A_599, %get3A_600, %get3A_601] {strides = array<i32>} : memref<16x8x64xf32, #tpu.memory_space<vmem>>, vector<1x1x16xf32>,
      %get3A_603 = vector.shape_cast %get3A_602 : vector<1x1x16xf32> to vector<16xf32>
      %add3A_604 = arith.addf %add3A_559, %get3A_603 : vector<16xf32>
      %get3A_605 = arith.constant 2 : i32
      %get3A_606 = arith.index_cast %get3A_605 : i32 to index
      %get3A_607 = arith.index_cast %squeeze3A_597 : i32 to index
      %get3A_608 = arith.constant 16 : index
      %get3A_609 = tpu.vector_load %arg9[%get3A_606, %get3A_607, %get3A_608] {strides = array<i32>} : memref<16x8x64xf32, #tpu.memory_space<vmem>>, vector<1x1x16xf32>,
      %get3A_610 = vector.shape_cast %get3A_609 : vector<1x1x16xf32> to vector<16xf32>
      %add3A_611 = arith.addf %add3A_566, %get3A_610 : vector<16xf32>
      %get3A_612 = arith.constant 2 : i32
      %get3A_613 = arith.index_cast %get3A_612 : i32 to index
      %get3A_614 = arith.index_cast %squeeze3A_597 : i32 to index
      %get3A_615 = arith.constant 32 : index
      %get3A_616 = tpu.vector_load %arg9[%get3A_613, %get3A_614, %get3A_615] {strides = array<i32>} : memref<16x8x64xf32, #tpu.memory_space<vmem>>, vector<1x1x16xf32>,
      %get3A_617 = vector.shape_cast %get3A_616 : vector<1x1x16xf32> to vector<16xf32>
      %add3A_618 = arith.addf %add3A_573, %get3A_617 : vector<16xf32>
      %get3A_619 = arith.constant 2 : i32
      %get3A_620 = arith.index_cast %get3A_619 : i32 to index
      %get3A_621 = arith.index_cast %squeeze3A_597 : i32 to index
      %get3A_622 = arith.constant 48 : index
      %get3A_623 = tpu.vector_load %arg9[%get3A_620, %get3A_621, %get3A_622] {strides = array<i32>} : memref<16x8x64xf32, #tpu.memory_space<vmem>>, vector<1x1x16xf32>,
      %get3A_624 = vector.shape_cast %get3A_623 : vector<1x1x16xf32> to vector<16xf32>
      %add3A_625 = arith.addf %add3A_580, %get3A_624 : vector<16xf32>
      %dma_wait3A_626 = arith.constant 3 : i32
      %dma_wait3A_627 = arith.constant 0 : i32
      %dma_wait3A_628 = arith.constant 0 : i32
      %dma_wait3A_629 = tpu.memref_slice %arg9[%dma_wait3A_626, %dma_wait3A_627, %dma_wait3A_628] : memref<16x8x64xf32, #tpu.memory_space<vmem>> -> memref<1x8x64xf32, #tpu.memory_space<vmem>>
      %dma_wait3A_630 = tpu.memref_squeeze %dma_wait3A_629 : memref<1x8x64xf32, #tpu.memory_space<vmem>> -> memref<8x64xf32, #tpu.memory_space<vmem>>
      %dma_wait3A_631 = arith.constant 0 : i32
      %dma_wait3A_632 = arith.constant 0 : i32
      %dma_wait3A_633 = tpu.memref_slice %arg3[%dma_wait3A_631, %dma_wait3A_632] : memref<1000000x64xf32, #tpu.memory_space<hbm>> -> memref<8x64xf32, #tpu.memory_space<hbm>>
      %dma_wait3A_634 = arith.constant 0 : i32
      %dma_wait3A_635 = arith.constant 0 : i32
      %dma_wait3A_636 = tpu.memref_slice %arg9[%dma_wait3A_626, %dma_wait3A_634, %dma_wait3A_635] : memref<16x8x64xf32, #tpu.memory_space<vmem>> -> memref<1x8x64xf32, #tpu.memory_space<vmem>>
      %dma_wait3A_637 = tpu.memref_squeeze %dma_wait3A_636 : memref<1x8x64xf32, #tpu.memory_space<vmem>> -> memref<8x64xf32, #tpu.memory_space<vmem>>
      %dma_wait3A_638 = arith.constant 0 : i32
      %dma_wait3A_639 = arith.constant 0 : i32
      %dma_wait3A_640 = tpu.memref_slice %arg3[%dma_wait3A_638, %dma_wait3A_639] : memref<1000000x64xf32, #tpu.memory_space<hbm>> -> memref<8x64xf32, #tpu.memory_space<hbm>>
      tpu.wait_dma2 semaphore(%arg14 : memref<!tpu.dma_semaphore, #tpu.memory_space<semaphore_mem>>) src(%dma_wait3A_640 : memref<8x64xf32, #tpu.memory_space<hbm>>) dst(%dma_wait3A_637 : memref<8x64xf32, #tpu.memory_space<vmem>>)
      %slice3A_641 = vector.extract_strided_slice %get3A_492 {offsets = [3], sizes = [1], strides = [1]} : vector<16xi32> to vector<1xi32>
      %squeeze3A_642 = vector.extract %slice3A_641[0] : i32 from vector<1xi32>
      %get3A_643 = arith.constant 3 : i32
      %get3A_644 = arith.index_cast %get3A_643 : i32 to index
      %get3A_645 = arith.index_cast %squeeze3A_642 : i32 to index
      %get3A_646 = arith.constant 0 : index
      %get3A_647 = tpu.vector_load %arg9[%get3A_644, %get3A_645, %get3A_646] {strides = array<i32>} : memref<16x8x64xf32, #tpu.memory_space<vmem>>, vector<1x1x16xf32>,
      %get3A_648 = vector.shape_cast %get3A_647 : vector<1x1x16xf32> to vector<16xf32>
      %add3A_649 = arith.addf %add3A_604, %get3A_648 : vector<16xf32>
      %get3A_650 = arith.constant 3 : i32
      %get3A_651 = arith.index_cast %get3A_650 : i32 to index
      %get3A_652 = arith.index_cast %squeeze3A_642 : i32 to index
      %get3A_653 = arith.constant 16 : index
      %get3A_654 = tpu.vector_load %arg9[%get3A_651, %get3A_652, %get3A_653] {strides = array<i32>} : memref<16x8x64xf32, #tpu.memory_space<vmem>>, vector<1x1x16xf32>,
      %get3A_655 = vector.shape_cast %get3A_654 : vector<1x1x16xf32> to vector<16xf32>
      %add3A_656 = arith.addf %add3A_611, %get3A_655 : vector<16xf32>
      %get3A_657 = arith.constant 3 : i32
      %get3A_658 = arith.index_cast %get3A_657 : i32 to index
      %get3A_659 = arith.index_cast %squeeze3A_642 : i32 to index
      %get3A_660 = arith.constant 32 : index
      %get3A_661 = tpu.vector_load %arg9[%get3A_658, %get3A_659, %get3A_660] {strides = array<i32>} : memref<16x8x64xf32, #tpu.memory_space<vmem>>, vector<1x1x16xf32>,
      %get3A_662 = vector.shape_cast %get3A_661 : vector<1x1x16xf32> to vector<16xf32>
      %add3A_663 = arith.addf %add3A_618, %get3A_662 : vector<16xf32>
      %get3A_664 = arith.constant 3 : i32
      %get3A_665 = arith.index_cast %get3A_664 : i32 to index
      %get3A_666 = arith.index_cast %squeeze3A_642 : i32 to index
      %get3A_667 = arith.constant 48 : index
      %get3A_668 = tpu.vector_load %arg9[%get3A_665, %get3A_666, %get3A_667] {strides = array<i32>} : memref<16x8x64xf32, #tpu.memory_space<vmem>>, vector<1x1x16xf32>,
      %get3A_669 = vector.shape_cast %get3A_668 : vector<1x1x16xf32> to vector<16xf32>
      %add3A_670 = arith.addf %add3A_625, %get3A_669 : vector<16xf32>
      %dma_wait3A_671 = arith.constant 4 : i32
      %dma_wait3A_672 = arith.constant 0 : i32
      %dma_wait3A_673 = arith.constant 0 : i32
      %dma_wait3A_674 = tpu.memref_slice %arg9[%dma_wait3A_671, %dma_wait3A_672, %dma_wait3A_673] : memref<16x8x64xf32, #tpu.memory_space<vmem>> -> memref<1x8x64xf32, #tpu.memory_space<vmem>>
      %dma_wait3A_675 = tpu.memref_squeeze %dma_wait3A_674 : memref<1x8x64xf32, #tpu.memory_space<vmem>> -> memref<8x64xf32, #tpu.memory_space<vmem>>
      %dma_wait3A_676 = arith.constant 0 : i32
      %dma_wait3A_677 = arith.constant 0 : i32
      %dma_wait3A_678 = tpu.memref_slice %arg3[%dma_wait3A_676, %dma_wait3A_677] : memref<1000000x64xf32, #tpu.memory_space<hbm>> -> memref<8x64xf32, #tpu.memory_space<hbm>>
      %dma_wait3A_679 = arith.constant 0 : i32
      %dma_wait3A_680 = arith.constant 0 : i32
      %dma_wait3A_681 = tpu.memref_slice %arg9[%dma_wait3A_671, %dma_wait3A_679, %dma_wait3A_680] : memref<16x8x64xf32, #tpu.memory_space<vmem>> -> memref<1x8x64xf32, #tpu.memory_space<vmem>>
      %dma_wait3A_682 = tpu.memref_squeeze %dma_wait3A_681 : memref<1x8x64xf32, #tpu.memory_space<vmem>> -> memref<8x64xf32, #tpu.memory_space<vmem>>
      %dma_wait3A_683 = arith.constant 0 : i32
      %dma_wait3A_684 = arith.constant 0 : i32
      %dma_wait3A_685 = tpu.memref_slice %arg3[%dma_wait3A_683, %dma_wait3A_684] : memref<1000000x64xf32, #tpu.memory_space<hbm>> -> memref<8x64xf32, #tpu.memory_space<hbm>>
      tpu.wait_dma2 semaphore(%arg15 : memref<!tpu.dma_semaphore, #tpu.memory_space<semaphore_mem>>) src(%dma_wait3A_685 : memref<8x64xf32, #tpu.memory_space<hbm>>) dst(%dma_wait3A_682 : memref<8x64xf32, #tpu.memory_space<vmem>>)
      %slice3A_686 = vector.extract_strided_slice %get3A_492 {offsets = [4], sizes = [1], strides = [1]} : vector<16xi32> to vector<1xi32>
      %squeeze3A_687 = vector.extract %slice3A_686[0] : i32 from vector<1xi32>
      %get3A_688 = arith.constant 4 : i32
      %get3A_689 = arith.index_cast %get3A_688 : i32 to index
      %get3A_690 = arith.index_cast %squeeze3A_687 : i32 to index
      %get3A_691 = arith.constant 0 : index
      %get3A_692 = tpu.vector_load %arg9[%get3A_689, %get3A_690, %get3A_691] {strides = array<i32>} : memref<16x8x64xf32, #tpu.memory_space<vmem>>, vector<1x1x16xf32>,
      %get3A_693 = vector.shape_cast %get3A_692 : vector<1x1x16xf32> to vector<16xf32>
      %add3A_694 = arith.addf %add3A_649, %get3A_693 : vector<16xf32>
      %get3A_695 = arith.constant 4 : i32
      %get3A_696 = arith.index_cast %get3A_695 : i32 to index
      %get3A_697 = arith.index_cast %squeeze3A_687 : i32 to index
      %get3A_698 = arith.constant 16 : index
      %get3A_699 = tpu.vector_load %arg9[%get3A_696, %get3A_697, %get3A_698] {strides = array<i32>} : memref<16x8x64xf32, #tpu.memory_space<vmem>>, vector<1x1x16xf32>,
      %get3A_700 = vector.shape_cast %get3A_699 : vector<1x1x16xf32> to vector<16xf32>
      %add3A_701 = arith.addf %add3A_656, %get3A_700 : vector<16xf32>
      %get3A_702 = arith.constant 4 : i32
      %get3A_703 = arith.index_cast %get3A_702 : i32 to index
      %get3A_704 = arith.index_cast %squeeze3A_687 : i32 to index
      %get3A_705 = arith.constant 32 : index
      %get3A_706 = tpu.vector_load %arg9[%get3A_703, %get3A_704, %get3A_705] {strides = array<i32>} : memref<16x8x64xf32, #tpu.memory_space<vmem>>, vector<1x1x16xf32>,
      %get3A_707 = vector.shape_cast %get3A_706 : vector<1x1x16xf32> to vector<16xf32>
      %add3A_708 = arith.addf %add3A_663, %get3A_707 : vector<16xf32>
      %get3A_709 = arith.constant 4 : i32
      %get3A_710 = arith.index_cast %get3A_709 : i32 to index
      %get3A_711 = arith.index_cast %squeeze3A_687 : i32 to index
      %get3A_712 = arith.constant 48 : index
      %get3A_713 = tpu.vector_load %arg9[%get3A_710, %get3A_711, %get3A_712] {strides = array<i32>} : memref<16x8x64xf32, #tpu.memory_space<vmem>>, vector<1x1x16xf32>,
      %get3A_714 = vector.shape_cast %get3A_713 : vector<1x1x16xf32> to vector<16xf32>
      %add3A_715 = arith.addf %add3A_670, %get3A_714 : vector<16xf32>
      %dma_wait3A_716 = arith.constant 5 : i32
      %dma_wait3A_717 = arith.constant 0 : i32
      %dma_wait3A_718 = arith.constant 0 : i32
      %dma_wait3A_719 = tpu.memref_slice %arg9[%dma_wait3A_716, %dma_wait3A_717, %dma_wait3A_718] : memref<16x8x64xf32, #tpu.memory_space<vmem>> -> memref<1x8x64xf32, #tpu.memory_space<vmem>>
      %dma_wait3A_720 = tpu.memref_squeeze %dma_wait3A_719 : memref<1x8x64xf32, #tpu.memory_space<vmem>> -> memref<8x64xf32, #tpu.memory_space<vmem>>
      %dma_wait3A_721 = arith.constant 0 : i32
      %dma_wait3A_722 = arith.constant 0 : i32
      %dma_wait3A_723 = tpu.memref_slice %arg3[%dma_wait3A_721, %dma_wait3A_722] : memref<1000000x64xf32, #tpu.memory_space<hbm>> -> memref<8x64xf32, #tpu.memory_space<hbm>>
      %dma_wait3A_724 = arith.constant 0 : i32
      %dma_wait3A_725 = arith.constant 0 : i32
      %dma_wait3A_726 = tpu.memref_slice %arg9[%dma_wait3A_716, %dma_wait3A_724, %dma_wait3A_725] : memref<16x8x64xf32, #tpu.memory_space<vmem>> -> memref<1x8x64xf32, #tpu.memory_space<vmem>>
      %dma_wait3A_727 = tpu.memref_squeeze %dma_wait3A_726 : memref<1x8x64xf32, #tpu.memory_space<vmem>> -> memref<8x64xf32, #tpu.memory_space<vmem>>
      %dma_wait3A_728 = arith.constant 0 : i32
      %dma_wait3A_729 = arith.constant 0 : i32
      %dma_wait3A_730 = tpu.memref_slice %arg3[%dma_wait3A_728, %dma_wait3A_729] : memref<1000000x64xf32, #tpu.memory_space<hbm>> -> memref<8x64xf32, #tpu.memory_space<hbm>>
      tpu.wait_dma2 semaphore(%arg16 : memref<!tpu.dma_semaphore, #tpu.memory_space<semaphore_mem>>) src(%dma_wait3A_730 : memref<8x64xf32, #tpu.memory_space<hbm>>) dst(%dma_wait3A_727 : memref<8x64xf32, #tpu.memory_space<vmem>>)
      %slice3A_731 = vector.extract_strided_slice %get3A_492 {offsets = [5], sizes = [1], strides = [1]} : vector<16xi32> to vector<1xi32>
      %squeeze3A_732 = vector.extract %slice3A_731[0] : i32 from vector<1xi32>
      %get3A_733 = arith.constant 5 : i32
      %get3A_734 = arith.index_cast %get3A_733 : i32 to index
      %get3A_735 = arith.index_cast %squeeze3A_732 : i32 to index
      %get3A_736 = arith.constant 0 : index
      %get3A_737 = tpu.vector_load %arg9[%get3A_734, %get3A_735, %get3A_736] {strides = array<i32>} : memref<16x8x64xf32, #tpu.memory_space<vmem>>, vector<1x1x16xf32>,
      %get3A_738 = vector.shape_cast %get3A_737 : vector<1x1x16xf32> to vector<16xf32>
      %add3A_739 = arith.addf %add3A_694, %get3A_738 : vector<16xf32>
      %get3A_740 = arith.constant 5 : i32
      %get3A_741 = arith.index_cast %get3A_740 : i32 to index
      %get3A_742 = arith.index_cast %squeeze3A_732 : i32 to index
      %get3A_743 = arith.constant 16 : index
      %get3A_744 = tpu.vector_load %arg9[%get3A_741, %get3A_742, %get3A_743] {strides = array<i32>} : memref<16x8x64xf32, #tpu.memory_space<vmem>>, vector<1x1x16xf32>,
      %get3A_745 = vector.shape_cast %get3A_744 : vector<1x1x16xf32> to vector<16xf32>
      %add3A_746 = arith.addf %add3A_701, %get3A_745 : vector<16xf32>
      %get3A_747 = arith.constant 5 : i32
      %get3A_748 = arith.index_cast %get3A_747 : i32 to index
      %get3A_749 = arith.index_cast %squeeze3A_732 : i32 to index
      %get3A_750 = arith.constant 32 : index
      %get3A_751 = tpu.vector_load %arg9[%get3A_748, %get3A_749, %get3A_750] {strides = array<i32>} : memref<16x8x64xf32, #tpu.memory_space<vmem>>, vector<1x1x16xf32>,
      %get3A_752 = vector.shape_cast %get3A_751 : vector<1x1x16xf32> to vector<16xf32>
      %add3A_753 = arith.addf %add3A_708, %get3A_752 : vector<16xf32>
      %get3A_754 = arith.constant 5 : i32
      %get3A_755 = arith.index_cast %get3A_754 : i32 to index
      %get3A_756 = arith.index_cast %squeeze3A_732 : i32 to index
      %get3A_757 = arith.constant 48 : index
      %get3A_758 = tpu.vector_load %arg9[%get3A_755, %get3A_756, %get3A_757] {strides = array<i32>} : memref<16x8x64xf32, #tpu.memory_space<vmem>>, vector<1x1x16xf32>,
      %get3A_759 = vector.shape_cast %get3A_758 : vector<1x1x16xf32> to vector<16xf32>
      %add3A_760 = arith.addf %add3A_715, %get3A_759 : vector<16xf32>
      %dma_wait3A_761 = arith.constant 6 : i32
      %dma_wait3A_762 = arith.constant 0 : i32
      %dma_wait3A_763 = arith.constant 0 : i32
      %dma_wait3A_764 = tpu.memref_slice %arg9[%dma_wait3A_761, %dma_wait3A_762, %dma_wait3A_763] : memref<16x8x64xf32, #tpu.memory_space<vmem>> -> memref<1x8x64xf32, #tpu.memory_space<vmem>>
      %dma_wait3A_765 = tpu.memref_squeeze %dma_wait3A_764 : memref<1x8x64xf32, #tpu.memory_space<vmem>> -> memref<8x64xf32, #tpu.memory_space<vmem>>
      %dma_wait3A_766 = arith.constant 0 : i32
      %dma_wait3A_767 = arith.constant 0 : i32
      %dma_wait3A_768 = tpu.memref_slice %arg3[%dma_wait3A_766, %dma_wait3A_767] : memref<1000000x64xf32, #tpu.memory_space<hbm>> -> memref<8x64xf32, #tpu.memory_space<hbm>>
      %dma_wait3A_769 = arith.constant 0 : i32
      %dma_wait3A_770 = arith.constant 0 : i32
      %dma_wait3A_771 = tpu.memref_slice %arg9[%dma_wait3A_761, %dma_wait3A_769, %dma_wait3A_770] : memref<16x8x64xf32, #tpu.memory_space<vmem>> -> memref<1x8x64xf32, #tpu.memory_space<vmem>>
      %dma_wait3A_772 = tpu.memref_squeeze %dma_wait3A_771 : memref<1x8x64xf32, #tpu.memory_space<vmem>> -> memref<8x64xf32, #tpu.memory_space<vmem>>
      %dma_wait3A_773 = arith.constant 0 : i32
      %dma_wait3A_774 = arith.constant 0 : i32
      %dma_wait3A_775 = tpu.memref_slice %arg3[%dma_wait3A_773, %dma_wait3A_774] : memref<1000000x64xf32, #tpu.memory_space<hbm>> -> memref<8x64xf32, #tpu.memory_space<hbm>>
      tpu.wait_dma2 semaphore(%arg17 : memref<!tpu.dma_semaphore, #tpu.memory_space<semaphore_mem>>) src(%dma_wait3A_775 : memref<8x64xf32, #tpu.memory_space<hbm>>) dst(%dma_wait3A_772 : memref<8x64xf32, #tpu.memory_space<vmem>>)
      %slice3A_776 = vector.extract_strided_slice %get3A_492 {offsets = [6], sizes = [1], strides = [1]} : vector<16xi32> to vector<1xi32>
      %squeeze3A_777 = vector.extract %slice3A_776[0] : i32 from vector<1xi32>
      %get3A_778 = arith.constant 6 : i32
      %get3A_779 = arith.index_cast %get3A_778 : i32 to index
      %get3A_780 = arith.index_cast %squeeze3A_777 : i32 to index
      %get3A_781 = arith.constant 0 : index
      %get3A_782 = tpu.vector_load %arg9[%get3A_779, %get3A_780, %get3A_781] {strides = array<i32>} : memref<16x8x64xf32, #tpu.memory_space<vmem>>, vector<1x1x16xf32>,
      %get3A_783 = vector.shape_cast %get3A_782 : vector<1x1x16xf32> to vector<16xf32>
      %add3A_784 = arith.addf %add3A_739, %get3A_783 : vector<16xf32>
      %get3A_785 = arith.constant 6 : i32
      %get3A_786 = arith.index_cast %get3A_785 : i32 to index
      %get3A_787 = arith.index_cast %squeeze3A_777 : i32 to index
      %get3A_788 = arith.constant 16 : index
      %get3A_789 = tpu.vector_load %arg9[%get3A_786, %get3A_787, %get3A_788] {strides = array<i32>} : memref<16x8x64xf32, #tpu.memory_space<vmem>>, vector<1x1x16xf32>,
      %get3A_790 = vector.shape_cast %get3A_789 : vector<1x1x16xf32> to vector<16xf32>
      %add3A_791 = arith.addf %add3A_746, %get3A_790 : vector<16xf32>
      %get3A_792 = arith.constant 6 : i32
      %get3A_793 = arith.index_cast %get3A_792 : i32 to index
      %get3A_794 = arith.index_cast %squeeze3A_777 : i32 to index
      %get3A_795 = arith.constant 32 : index
      %get3A_796 = tpu.vector_load %arg9[%get3A_793, %get3A_794, %get3A_795] {strides = array<i32>} : memref<16x8x64xf32, #tpu.memory_space<vmem>>, vector<1x1x16xf32>,
      %get3A_797 = vector.shape_cast %get3A_796 : vector<1x1x16xf32> to vector<16xf32>
      %add3A_798 = arith.addf %add3A_753, %get3A_797 : vector<16xf32>
      %get3A_799 = arith.constant 6 : i32
      %get3A_800 = arith.index_cast %get3A_799 : i32 to index
      %get3A_801 = arith.index_cast %squeeze3A_777 : i32 to index
      %get3A_802 = arith.constant 48 : index
      %get3A_803 = tpu.vector_load %arg9[%get3A_800, %get3A_801, %get3A_802] {strides = array<i32>} : memref<16x8x64xf32, #tpu.memory_space<vmem>>, vector<1x1x16xf32>,
      %get3A_804 = vector.shape_cast %get3A_803 : vector<1x1x16xf32> to vector<16xf32>
      %add3A_805 = arith.addf %add3A_760, %get3A_804 : vector<16xf32>
      %dma_wait3A_806 = arith.constant 7 : i32
      %dma_wait3A_807 = arith.constant 0 : i32
      %dma_wait3A_808 = arith.constant 0 : i32
      %dma_wait3A_809 = tpu.memref_slice %arg9[%dma_wait3A_806, %dma_wait3A_807, %dma_wait3A_808] : memref<16x8x64xf32, #tpu.memory_space<vmem>> -> memref<1x8x64xf32, #tpu.memory_space<vmem>>
      %dma_wait3A_810 = tpu.memref_squeeze %dma_wait3A_809 : memref<1x8x64xf32, #tpu.memory_space<vmem>> -> memref<8x64xf32, #tpu.memory_space<vmem>>
      %dma_wait3A_811 = arith.constant 0 : i32
      %dma_wait3A_812 = arith.constant 0 : i32
      %dma_wait3A_813 = tpu.memref_slice %arg3[%dma_wait3A_811, %dma_wait3A_812] : memref<1000000x64xf32, #tpu.memory_space<hbm>> -> memref<8x64xf32, #tpu.memory_space<hbm>>
      %dma_wait3A_814 = arith.constant 0 : i32
      %dma_wait3A_815 = arith.constant 0 : i32
      %dma_wait3A_816 = tpu.memref_slice %arg9[%dma_wait3A_806, %dma_wait3A_814, %dma_wait3A_815] : memref<16x8x64xf32, #tpu.memory_space<vmem>> -> memref<1x8x64xf32, #tpu.memory_space<vmem>>
      %dma_wait3A_817 = tpu.memref_squeeze %dma_wait3A_816 : memref<1x8x64xf32, #tpu.memory_space<vmem>> -> memref<8x64xf32, #tpu.memory_space<vmem>>
      %dma_wait3A_818 = arith.constant 0 : i32
      %dma_wait3A_819 = arith.constant 0 : i32
      %dma_wait3A_820 = tpu.memref_slice %arg3[%dma_wait3A_818, %dma_wait3A_819] : memref<1000000x64xf32, #tpu.memory_space<hbm>> -> memref<8x64xf32, #tpu.memory_space<hbm>>
      tpu.wait_dma2 semaphore(%arg18 : memref<!tpu.dma_semaphore, #tpu.memory_space<semaphore_mem>>) src(%dma_wait3A_820 : memref<8x64xf32, #tpu.memory_space<hbm>>) dst(%dma_wait3A_817 : memref<8x64xf32, #tpu.memory_space<vmem>>)
      %slice3A_821 = vector.extract_strided_slice %get3A_492 {offsets = [7], sizes = [1], strides = [1]} : vector<16xi32> to vector<1xi32>
      %squeeze3A_822 = vector.extract %slice3A_821[0] : i32 from vector<1xi32>
      %get3A_823 = arith.constant 7 : i32
      %get3A_824 = arith.index_cast %get3A_823 : i32 to index
      %get3A_825 = arith.index_cast %squeeze3A_822 : i32 to index
      %get3A_826 = arith.constant 0 : index
      %get3A_827 = tpu.vector_load %arg9[%get3A_824, %get3A_825, %get3A_826] {strides = array<i32>} : memref<16x8x64xf32, #tpu.memory_space<vmem>>, vector<1x1x16xf32>,
      %get3A_828 = vector.shape_cast %get3A_827 : vector<1x1x16xf32> to vector<16xf32>
      %add3A_829 = arith.addf %add3A_784, %get3A_828 : vector<16xf32>
      %get3A_830 = arith.constant 7 : i32
      %get3A_831 = arith.index_cast %get3A_830 : i32 to index
      %get3A_832 = arith.index_cast %squeeze3A_822 : i32 to index
      %get3A_833 = arith.constant 16 : index
      %get3A_834 = tpu.vector_load %arg9[%get3A_831, %get3A_832, %get3A_833] {strides = array<i32>} : memref<16x8x64xf32, #tpu.memory_space<vmem>>, vector<1x1x16xf32>,
      %get3A_835 = vector.shape_cast %get3A_834 : vector<1x1x16xf32> to vector<16xf32>
      %add3A_836 = arith.addf %add3A_791, %get3A_835 : vector<16xf32>
      %get3A_837 = arith.constant 7 : i32
      %get3A_838 = arith.index_cast %get3A_837 : i32 to index
      %get3A_839 = arith.index_cast %squeeze3A_822 : i32 to index
      %get3A_840 = arith.constant 32 : index
      %get3A_841 = tpu.vector_load %arg9[%get3A_838, %get3A_839, %get3A_840] {strides = array<i32>} : memref<16x8x64xf32, #tpu.memory_space<vmem>>, vector<1x1x16xf32>,
      %get3A_842 = vector.shape_cast %get3A_841 : vector<1x1x16xf32> to vector<16xf32>
      %add3A_843 = arith.addf %add3A_798, %get3A_842 : vector<16xf32>
      %get3A_844 = arith.constant 7 : i32
      %get3A_845 = arith.index_cast %get3A_844 : i32 to index
      %get3A_846 = arith.index_cast %squeeze3A_822 : i32 to index
      %get3A_847 = arith.constant 48 : index
      %get3A_848 = tpu.vector_load %arg9[%get3A_845, %get3A_846, %get3A_847] {strides = array<i32>} : memref<16x8x64xf32, #tpu.memory_space<vmem>>, vector<1x1x16xf32>,
      %get3A_849 = vector.shape_cast %get3A_848 : vector<1x1x16xf32> to vector<16xf32>
      %add3A_850 = arith.addf %add3A_805, %get3A_849 : vector<16xf32>
      %dma_wait3A_851 = arith.constant 8 : i32
      %dma_wait3A_852 = arith.constant 0 : i32
      %dma_wait3A_853 = arith.constant 0 : i32
      %dma_wait3A_854 = tpu.memref_slice %arg9[%dma_wait3A_851, %dma_wait3A_852, %dma_wait3A_853] : memref<16x8x64xf32, #tpu.memory_space<vmem>> -> memref<1x8x64xf32, #tpu.memory_space<vmem>>
      %dma_wait3A_855 = tpu.memref_squeeze %dma_wait3A_854 : memref<1x8x64xf32, #tpu.memory_space<vmem>> -> memref<8x64xf32, #tpu.memory_space<vmem>>
      %dma_wait3A_856 = arith.constant 0 : i32
      %dma_wait3A_857 = arith.constant 0 : i32
      %dma_wait3A_858 = tpu.memref_slice %arg3[%dma_wait3A_856, %dma_wait3A_857] : memref<1000000x64xf32, #tpu.memory_space<hbm>> -> memref<8x64xf32, #tpu.memory_space<hbm>>
      %dma_wait3A_859 = arith.constant 0 : i32
      %dma_wait3A_860 = arith.constant 0 : i32
      %dma_wait3A_861 = tpu.memref_slice %arg9[%dma_wait3A_851, %dma_wait3A_859, %dma_wait3A_860] : memref<16x8x64xf32, #tpu.memory_space<vmem>> -> memref<1x8x64xf32, #tpu.memory_space<vmem>>
      %dma_wait3A_862 = tpu.memref_squeeze %dma_wait3A_861 : memref<1x8x64xf32, #tpu.memory_space<vmem>> -> memref<8x64xf32, #tpu.memory_space<vmem>>
      %dma_wait3A_863 = arith.constant 0 : i32
      %dma_wait3A_864 = arith.constant 0 : i32
      %dma_wait3A_865 = tpu.memref_slice %arg3[%dma_wait3A_863, %dma_wait3A_864] : memref<1000000x64xf32, #tpu.memory_space<hbm>> -> memref<8x64xf32, #tpu.memory_space<hbm>>
      tpu.wait_dma2 semaphore(%arg19 : memref<!tpu.dma_semaphore, #tpu.memory_space<semaphore_mem>>) src(%dma_wait3A_865 : memref<8x64xf32, #tpu.memory_space<hbm>>) dst(%dma_wait3A_862 : memref<8x64xf32, #tpu.memory_space<vmem>>)
      %slice3A_866 = vector.extract_strided_slice %get3A_492 {offsets = [8], sizes = [1], strides = [1]} : vector<16xi32> to vector<1xi32>
      %squeeze3A_867 = vector.extract %slice3A_866[0] : i32 from vector<1xi32>
      %get3A_868 = arith.constant 8 : i32
      %get3A_869 = arith.index_cast %get3A_868 : i32 to index
      %get3A_870 = arith.index_cast %squeeze3A_867 : i32 to index
      %get3A_871 = arith.constant 0 : index
      %get3A_872 = tpu.vector_load %arg9[%get3A_869, %get3A_870, %get3A_871] {strides = array<i32>} : memref<16x8x64xf32, #tpu.memory_space<vmem>>, vector<1x1x16xf32>,
      %get3A_873 = vector.shape_cast %get3A_872 : vector<1x1x16xf32> to vector<16xf32>
      %add3A_874 = arith.addf %add3A_829, %get3A_873 : vector<16xf32>
      %get3A_875 = arith.constant 8 : i32
      %get3A_876 = arith.index_cast %get3A_875 : i32 to index
      %get3A_877 = arith.index_cast %squeeze3A_867 : i32 to index
      %get3A_878 = arith.constant 16 : index
      %get3A_879 = tpu.vector_load %arg9[%get3A_876, %get3A_877, %get3A_878] {strides = array<i32>} : memref<16x8x64xf32, #tpu.memory_space<vmem>>, vector<1x1x16xf32>,
      %get3A_880 = vector.shape_cast %get3A_879 : vector<1x1x16xf32> to vector<16xf32>
      %add3A_881 = arith.addf %add3A_836, %get3A_880 : vector<16xf32>
      %get3A_882 = arith.constant 8 : i32
      %get3A_883 = arith.index_cast %get3A_882 : i32 to index
      %get3A_884 = arith.index_cast %squeeze3A_867 : i32 to index
      %get3A_885 = arith.constant 32 : index
      %get3A_886 = tpu.vector_load %arg9[%get3A_883, %get3A_884, %get3A_885] {strides = array<i32>} : memref<16x8x64xf32, #tpu.memory_space<vmem>>, vector<1x1x16xf32>,
      %get3A_887 = vector.shape_cast %get3A_886 : vector<1x1x16xf32> to vector<16xf32>
      %add3A_888 = arith.addf %add3A_843, %get3A_887 : vector<16xf32>
      %get3A_889 = arith.constant 8 : i32
      %get3A_890 = arith.index_cast %get3A_889 : i32 to index
      %get3A_891 = arith.index_cast %squeeze3A_867 : i32 to index
      %get3A_892 = arith.constant 48 : index
      %get3A_893 = tpu.vector_load %arg9[%get3A_890, %get3A_891, %get3A_892] {strides = array<i32>} : memref<16x8x64xf32, #tpu.memory_space<vmem>>, vector<1x1x16xf32>,
      %get3A_894 = vector.shape_cast %get3A_893 : vector<1x1x16xf32> to vector<16xf32>
      %add3A_895 = arith.addf %add3A_850, %get3A_894 : vector<16xf32>
      %dma_wait3A_896 = arith.constant 9 : i32
      %dma_wait3A_897 = arith.constant 0 : i32
      %dma_wait3A_898 = arith.constant 0 : i32
      %dma_wait3A_899 = tpu.memref_slice %arg9[%dma_wait3A_896, %dma_wait3A_897, %dma_wait3A_898] : memref<16x8x64xf32, #tpu.memory_space<vmem>> -> memref<1x8x64xf32, #tpu.memory_space<vmem>>
      %dma_wait3A_900 = tpu.memref_squeeze %dma_wait3A_899 : memref<1x8x64xf32, #tpu.memory_space<vmem>> -> memref<8x64xf32, #tpu.memory_space<vmem>>
      %dma_wait3A_901 = arith.constant 0 : i32
      %dma_wait3A_902 = arith.constant 0 : i32
      %dma_wait3A_903 = tpu.memref_slice %arg3[%dma_wait3A_901, %dma_wait3A_902] : memref<1000000x64xf32, #tpu.memory_space<hbm>> -> memref<8x64xf32, #tpu.memory_space<hbm>>
      %dma_wait3A_904 = arith.constant 0 : i32
      %dma_wait3A_905 = arith.constant 0 : i32
      %dma_wait3A_906 = tpu.memref_slice %arg9[%dma_wait3A_896, %dma_wait3A_904, %dma_wait3A_905] : memref<16x8x64xf32, #tpu.memory_space<vmem>> -> memref<1x8x64xf32, #tpu.memory_space<vmem>>
      %dma_wait3A_907 = tpu.memref_squeeze %dma_wait3A_906 : memref<1x8x64xf32, #tpu.memory_space<vmem>> -> memref<8x64xf32, #tpu.memory_space<vmem>>
      %dma_wait3A_908 = arith.constant 0 : i32
      %dma_wait3A_909 = arith.constant 0 : i32
      %dma_wait3A_910 = tpu.memref_slice %arg3[%dma_wait3A_908, %dma_wait3A_909] : memref<1000000x64xf32, #tpu.memory_space<hbm>> -> memref<8x64xf32, #tpu.memory_space<hbm>>
      tpu.wait_dma2 semaphore(%arg20 : memref<!tpu.dma_semaphore, #tpu.memory_space<semaphore_mem>>) src(%dma_wait3A_910 : memref<8x64xf32, #tpu.memory_space<hbm>>) dst(%dma_wait3A_907 : memref<8x64xf32, #tpu.memory_space<vmem>>)
      %slice3A_911 = vector.extract_strided_slice %get3A_492 {offsets = [9], sizes = [1], strides = [1]} : vector<16xi32> to vector<1xi32>
      %squeeze3A_912 = vector.extract %slice3A_911[0] : i32 from vector<1xi32>
      %get3A_913 = arith.constant 9 : i32
      %get3A_914 = arith.index_cast %get3A_913 : i32 to index
      %get3A_915 = arith.index_cast %squeeze3A_912 : i32 to index
      %get3A_916 = arith.constant 0 : index
      %get3A_917 = tpu.vector_load %arg9[%get3A_914, %get3A_915, %get3A_916] {strides = array<i32>} : memref<16x8x64xf32, #tpu.memory_space<vmem>>, vector<1x1x16xf32>,
      %get3A_918 = vector.shape_cast %get3A_917 : vector<1x1x16xf32> to vector<16xf32>
      %add3A_919 = arith.addf %add3A_874, %get3A_918 : vector<16xf32>
      %get3A_920 = arith.constant 9 : i32
      %get3A_921 = arith.index_cast %get3A_920 : i32 to index
      %get3A_922 = arith.index_cast %squeeze3A_912 : i32 to index
      %get3A_923 = arith.constant 16 : index
      %get3A_924 = tpu.vector_load %arg9[%get3A_921, %get3A_922, %get3A_923] {strides = array<i32>} : memref<16x8x64xf32, #tpu.memory_space<vmem>>, vector<1x1x16xf32>,
      %get3A_925 = vector.shape_cast %get3A_924 : vector<1x1x16xf32> to vector<16xf32>
      %add3A_926 = arith.addf %add3A_881, %get3A_925 : vector<16xf32>
      %get3A_927 = arith.constant 9 : i32
      %get3A_928 = arith.index_cast %get3A_927 : i32 to index
      %get3A_929 = arith.index_cast %squeeze3A_912 : i32 to index
      %get3A_930 = arith.constant 32 : index
      %get3A_931 = tpu.vector_load %arg9[%get3A_928, %get3A_929, %get3A_930] {strides = array<i32>} : memref<16x8x64xf32, #tpu.memory_space<vmem>>, vector<1x1x16xf32>,
      %get3A_932 = vector.shape_cast %get3A_931 : vector<1x1x16xf32> to vector<16xf32>
      %add3A_933 = arith.addf %add3A_888, %get3A_932 : vector<16xf32>
      %get3A_934 = arith.constant 9 : i32
      %get3A_935 = arith.index_cast %get3A_934 : i32 to index
      %get3A_936 = arith.index_cast %squeeze3A_912 : i32 to index
      %get3A_937 = arith.constant 48 : index
      %get3A_938 = tpu.vector_load %arg9[%get3A_935, %get3A_936, %get3A_937] {strides = array<i32>} : memref<16x8x64xf32, #tpu.memory_space<vmem>>, vector<1x1x16xf32>,
      %get3A_939 = vector.shape_cast %get3A_938 : vector<1x1x16xf32> to vector<16xf32>
      %add3A_940 = arith.addf %add3A_895, %get3A_939 : vector<16xf32>
      %dma_wait3A_941 = arith.constant 10 : i32
      %dma_wait3A_942 = arith.constant 0 : i32
      %dma_wait3A_943 = arith.constant 0 : i32
      %dma_wait3A_944 = tpu.memref_slice %arg9[%dma_wait3A_941, %dma_wait3A_942, %dma_wait3A_943] : memref<16x8x64xf32, #tpu.memory_space<vmem>> -> memref<1x8x64xf32, #tpu.memory_space<vmem>>
      %dma_wait3A_945 = tpu.memref_squeeze %dma_wait3A_944 : memref<1x8x64xf32, #tpu.memory_space<vmem>> -> memref<8x64xf32, #tpu.memory_space<vmem>>
      %dma_wait3A_946 = arith.constant 0 : i32
      %dma_wait3A_947 = arith.constant 0 : i32
      %dma_wait3A_948 = tpu.memref_slice %arg3[%dma_wait3A_946, %dma_wait3A_947] : memref<1000000x64xf32, #tpu.memory_space<hbm>> -> memref<8x64xf32, #tpu.memory_space<hbm>>
      %dma_wait3A_949 = arith.constant 0 : i32
      %dma_wait3A_950 = arith.constant 0 : i32
      %dma_wait3A_951 = tpu.memref_slice %arg9[%dma_wait3A_941, %dma_wait3A_949, %dma_wait3A_950] : memref<16x8x64xf32, #tpu.memory_space<vmem>> -> memref<1x8x64xf32, #tpu.memory_space<vmem>>
      %dma_wait3A_952 = tpu.memref_squeeze %dma_wait3A_951 : memref<1x8x64xf32, #tpu.memory_space<vmem>> -> memref<8x64xf32, #tpu.memory_space<vmem>>
      %dma_wait3A_953 = arith.constant 0 : i32
      %dma_wait3A_954 = arith.constant 0 : i32
      %dma_wait3A_955 = tpu.memref_slice %arg3[%dma_wait3A_953, %dma_wait3A_954] : memref<1000000x64xf32, #tpu.memory_space<hbm>> -> memref<8x64xf32, #tpu.memory_space<hbm>>
      tpu.wait_dma2 semaphore(%arg21 : memref<!tpu.dma_semaphore, #tpu.memory_space<semaphore_mem>>) src(%dma_wait3A_955 : memref<8x64xf32, #tpu.memory_space<hbm>>) dst(%dma_wait3A_952 : memref<8x64xf32, #tpu.memory_space<vmem>>)
      %slice3A_956 = vector.extract_strided_slice %get3A_492 {offsets = [10], sizes = [1], strides = [1]} : vector<16xi32> to vector<1xi32>
      %squeeze3A_957 = vector.extract %slice3A_956[0] : i32 from vector<1xi32>
      %get3A_958 = arith.constant 10 : i32
      %get3A_959 = arith.index_cast %get3A_958 : i32 to index
      %get3A_960 = arith.index_cast %squeeze3A_957 : i32 to index
      %get3A_961 = arith.constant 0 : index
      %get3A_962 = tpu.vector_load %arg9[%get3A_959, %get3A_960, %get3A_961] {strides = array<i32>} : memref<16x8x64xf32, #tpu.memory_space<vmem>>, vector<1x1x16xf32>,
      %get3A_963 = vector.shape_cast %get3A_962 : vector<1x1x16xf32> to vector<16xf32>
      %add3A_964 = arith.addf %add3A_919, %get3A_963 : vector<16xf32>
      %get3A_965 = arith.constant 10 : i32
      %get3A_966 = arith.index_cast %get3A_965 : i32 to index
      %get3A_967 = arith.index_cast %squeeze3A_957 : i32 to index
      %get3A_968 = arith.constant 16 : index
      %get3A_969 = tpu.vector_load %arg9[%get3A_966, %get3A_967, %get3A_968] {strides = array<i32>} : memref<16x8x64xf32, #tpu.memory_space<vmem>>, vector<1x1x16xf32>,
      %get3A_970 = vector.shape_cast %get3A_969 : vector<1x1x16xf32> to vector<16xf32>
      %add3A_971 = arith.addf %add3A_926, %get3A_970 : vector<16xf32>
      %get3A_972 = arith.constant 10 : i32
      %get3A_973 = arith.index_cast %get3A_972 : i32 to index
      %get3A_974 = arith.index_cast %squeeze3A_957 : i32 to index
      %get3A_975 = arith.constant 32 : index
      %get3A_976 = tpu.vector_load %arg9[%get3A_973, %get3A_974, %get3A_975] {strides = array<i32>} : memref<16x8x64xf32, #tpu.memory_space<vmem>>, vector<1x1x16xf32>,
      %get3A_977 = vector.shape_cast %get3A_976 : vector<1x1x16xf32> to vector<16xf32>
      %add3A_978 = arith.addf %add3A_933, %get3A_977 : vector<16xf32>
      %get3A_979 = arith.constant 10 : i32
      %get3A_980 = arith.index_cast %get3A_979 : i32 to index
      %get3A_981 = arith.index_cast %squeeze3A_957 : i32 to index
      %get3A_982 = arith.constant 48 : index
      %get3A_983 = tpu.vector_load %arg9[%get3A_980, %get3A_981, %get3A_982] {strides = array<i32>} : memref<16x8x64xf32, #tpu.memory_space<vmem>>, vector<1x1x16xf32>,
      %get3A_984 = vector.shape_cast %get3A_983 : vector<1x1x16xf32> to vector<16xf32>
      %add3A_985 = arith.addf %add3A_940, %get3A_984 : vector<16xf32>
      %dma_wait3A_986 = arith.constant 11 : i32
      %dma_wait3A_987 = arith.constant 0 : i32
      %dma_wait3A_988 = arith.constant 0 : i32
      %dma_wait3A_989 = tpu.memref_slice %arg9[%dma_wait3A_986, %dma_wait3A_987, %dma_wait3A_988] : memref<16x8x64xf32, #tpu.memory_space<vmem>> -> memref<1x8x64xf32, #tpu.memory_space<vmem>>
      %dma_wait3A_990 = tpu.memref_squeeze %dma_wait3A_989 : memref<1x8x64xf32, #tpu.memory_space<vmem>> -> memref<8x64xf32, #tpu.memory_space<vmem>>
      %dma_wait3A_991 = arith.constant 0 : i32
      %dma_wait3A_992 = arith.constant 0 : i32
      %dma_wait3A_993 = tpu.memref_slice %arg3[%dma_wait3A_991, %dma_wait3A_992] : memref<1000000x64xf32, #tpu.memory_space<hbm>> -> memref<8x64xf32, #tpu.memory_space<hbm>>
      %dma_wait3A_994 = arith.constant 0 : i32
      %dma_wait3A_995 = arith.constant 0 : i32
      %dma_wait3A_996 = tpu.memref_slice %arg9[%dma_wait3A_986, %dma_wait3A_994, %dma_wait3A_995] : memref<16x8x64xf32, #tpu.memory_space<vmem>> -> memref<1x8x64xf32, #tpu.memory_space<vmem>>
      %dma_wait3A_997 = tpu.memref_squeeze %dma_wait3A_996 : memref<1x8x64xf32, #tpu.memory_space<vmem>> -> memref<8x64xf32, #tpu.memory_space<vmem>>
      %dma_wait3A_998 = arith.constant 0 : i32
      %dma_wait3A_999 = arith.constant 0 : i32
      %dma_wait3A_1000 = tpu.memref_slice %arg3[%dma_wait3A_998, %dma_wait3A_999] : memref<1000000x64xf32, #tpu.memory_space<hbm>> -> memref<8x64xf32, #tpu.memory_space<hbm>>
      tpu.wait_dma2 semaphore(%arg22 : memref<!tpu.dma_semaphore, #tpu.memory_space<semaphore_mem>>) src(%dma_wait3A_1000 : memref<8x64xf32, #tpu.memory_space<hbm>>) dst(%dma_wait3A_997 : memref<8x64xf32, #tpu.memory_space<vmem>>)
      %slice3A_1001 = vector.extract_strided_slice %get3A_492 {offsets = [11], sizes = [1], strides = [1]} : vector<16xi32> to vector<1xi32>
      %squeeze3A_1002 = vector.extract %slice3A_1001[0] : i32 from vector<1xi32>
      %get3A_1003 = arith.constant 11 : i32
      %get3A_1004 = arith.index_cast %get3A_1003 : i32 to index
      %get3A_1005 = arith.index_cast %squeeze3A_1002 : i32 to index
      %get3A_1006 = arith.constant 0 : index
      %get3A_1007 = tpu.vector_load %arg9[%get3A_1004, %get3A_1005, %get3A_1006] {strides = array<i32>} : memref<16x8x64xf32, #tpu.memory_space<vmem>>, vector<1x1x16xf32>,
      %get3A_1008 = vector.shape_cast %get3A_1007 : vector<1x1x16xf32> to vector<16xf32>
      %add3A_1009 = arith.addf %add3A_964, %get3A_1008 : vector<16xf32>
      %get3A_1010 = arith.constant 11 : i32
      %get3A_1011 = arith.index_cast %get3A_1010 : i32 to index
      %get3A_1012 = arith.index_cast %squeeze3A_1002 : i32 to index
      %get3A_1013 = arith.constant 16 : index
      %get3A_1014 = tpu.vector_load %arg9[%get3A_1011, %get3A_1012, %get3A_1013] {strides = array<i32>} : memref<16x8x64xf32, #tpu.memory_space<vmem>>, vector<1x1x16xf32>,
      %get3A_1015 = vector.shape_cast %get3A_1014 : vector<1x1x16xf32> to vector<16xf32>
      %add3A_1016 = arith.addf %add3A_971, %get3A_1015 : vector<16xf32>
      %get3A_1017 = arith.constant 11 : i32
      %get3A_1018 = arith.index_cast %get3A_1017 : i32 to index
      %get3A_1019 = arith.index_cast %squeeze3A_1002 : i32 to index
      %get3A_1020 = arith.constant 32 : index
      %get3A_1021 = tpu.vector_load %arg9[%get3A_1018, %get3A_1019, %get3A_1020] {strides = array<i32>} : memref<16x8x64xf32, #tpu.memory_space<vmem>>, vector<1x1x16xf32>,
      %get3A_1022 = vector.shape_cast %get3A_1021 : vector<1x1x16xf32> to vector<16xf32>
      %add3A_1023 = arith.addf %add3A_978, %get3A_1022 : vector<16xf32>
      %get3A_1024 = arith.constant 11 : i32
      %get3A_1025 = arith.index_cast %get3A_1024 : i32 to index
      %get3A_1026 = arith.index_cast %squeeze3A_1002 : i32 to index
      %get3A_1027 = arith.constant 48 : index
      %get3A_1028 = tpu.vector_load %arg9[%get3A_1025, %get3A_1026, %get3A_1027] {strides = array<i32>} : memref<16x8x64xf32, #tpu.memory_space<vmem>>, vector<1x1x16xf32>,
      %get3A_1029 = vector.shape_cast %get3A_1028 : vector<1x1x16xf32> to vector<16xf32>
      %add3A_1030 = arith.addf %add3A_985, %get3A_1029 : vector<16xf32>
      %dma_wait3A_1031 = arith.constant 12 : i32
      %dma_wait3A_1032 = arith.constant 0 : i32
      %dma_wait3A_1033 = arith.constant 0 : i32
      %dma_wait3A_1034 = tpu.memref_slice %arg9[%dma_wait3A_1031, %dma_wait3A_1032, %dma_wait3A_1033] : memref<16x8x64xf32, #tpu.memory_space<vmem>> -> memref<1x8x64xf32, #tpu.memory_space<vmem>>
      %dma_wait3A_1035 = tpu.memref_squeeze %dma_wait3A_1034 : memref<1x8x64xf32, #tpu.memory_space<vmem>> -> memref<8x64xf32, #tpu.memory_space<vmem>>
      %dma_wait3A_1036 = arith.constant 0 : i32
      %dma_wait3A_1037 = arith.constant 0 : i32
      %dma_wait3A_1038 = tpu.memref_slice %arg3[%dma_wait3A_1036, %dma_wait3A_1037] : memref<1000000x64xf32, #tpu.memory_space<hbm>> -> memref<8x64xf32, #tpu.memory_space<hbm>>
      %dma_wait3A_1039 = arith.constant 0 : i32
      %dma_wait3A_1040 = arith.constant 0 : i32
      %dma_wait3A_1041 = tpu.memref_slice %arg9[%dma_wait3A_1031, %dma_wait3A_1039, %dma_wait3A_1040] : memref<16x8x64xf32, #tpu.memory_space<vmem>> -> memref<1x8x64xf32, #tpu.memory_space<vmem>>
      %dma_wait3A_1042 = tpu.memref_squeeze %dma_wait3A_1041 : memref<1x8x64xf32, #tpu.memory_space<vmem>> -> memref<8x64xf32, #tpu.memory_space<vmem>>
      %dma_wait3A_1043 = arith.constant 0 : i32
      %dma_wait3A_1044 = arith.constant 0 : i32
      %dma_wait3A_1045 = tpu.memref_slice %arg3[%dma_wait3A_1043, %dma_wait3A_1044] : memref<1000000x64xf32, #tpu.memory_space<hbm>> -> memref<8x64xf32, #tpu.memory_space<hbm>>
      tpu.wait_dma2 semaphore(%arg23 : memref<!tpu.dma_semaphore, #tpu.memory_space<semaphore_mem>>) src(%dma_wait3A_1045 : memref<8x64xf32, #tpu.memory_space<hbm>>) dst(%dma_wait3A_1042 : memref<8x64xf32, #tpu.memory_space<vmem>>)
      %slice3A_1046 = vector.extract_strided_slice %get3A_492 {offsets = [12], sizes = [1], strides = [1]} : vector<16xi32> to vector<1xi32>
      %squeeze3A_1047 = vector.extract %slice3A_1046[0] : i32 from vector<1xi32>
      %get3A_1048 = arith.constant 12 : i32
      %get3A_1049 = arith.index_cast %get3A_1048 : i32 to index
      %get3A_1050 = arith.index_cast %squeeze3A_1047 : i32 to index
      %get3A_1051 = arith.constant 0 : index
      %get3A_1052 = tpu.vector_load %arg9[%get3A_1049, %get3A_1050, %get3A_1051] {strides = array<i32>} : memref<16x8x64xf32, #tpu.memory_space<vmem>>, vector<1x1x16xf32>,
      %get3A_1053 = vector.shape_cast %get3A_1052 : vector<1x1x16xf32> to vector<16xf32>
      %add3A_1054 = arith.addf %add3A_1009, %get3A_1053 : vector<16xf32>
      %get3A_1055 = arith.constant 12 : i32
      %get3A_1056 = arith.index_cast %get3A_1055 : i32 to index
      %get3A_1057 = arith.index_cast %squeeze3A_1047 : i32 to index
      %get3A_1058 = arith.constant 16 : index
      %get3A_1059 = tpu.vector_load %arg9[%get3A_1056, %get3A_1057, %get3A_1058] {strides = array<i32>} : memref<16x8x64xf32, #tpu.memory_space<vmem>>, vector<1x1x16xf32>,
      %get3A_1060 = vector.shape_cast %get3A_1059 : vector<1x1x16xf32> to vector<16xf32>
      %add3A_1061 = arith.addf %add3A_1016, %get3A_1060 : vector<16xf32>
      %get3A_1062 = arith.constant 12 : i32
      %get3A_1063 = arith.index_cast %get3A_1062 : i32 to index
      %get3A_1064 = arith.index_cast %squeeze3A_1047 : i32 to index
      %get3A_1065 = arith.constant 32 : index
      %get3A_1066 = tpu.vector_load %arg9[%get3A_1063, %get3A_1064, %get3A_1065] {strides = array<i32>} : memref<16x8x64xf32, #tpu.memory_space<vmem>>, vector<1x1x16xf32>,
      %get3A_1067 = vector.shape_cast %get3A_1066 : vector<1x1x16xf32> to vector<16xf32>
      %add3A_1068 = arith.addf %add3A_1023, %get3A_1067 : vector<16xf32>
      %get3A_1069 = arith.constant 12 : i32
      %get3A_1070 = arith.index_cast %get3A_1069 : i32 to index
      %get3A_1071 = arith.index_cast %squeeze3A_1047 : i32 to index
      %get3A_1072 = arith.constant 48 : index
      %get3A_1073 = tpu.vector_load %arg9[%get3A_1070, %get3A_1071, %get3A_1072] {strides = array<i32>} : memref<16x8x64xf32, #tpu.memory_space<vmem>>, vector<1x1x16xf32>,
      %get3A_1074 = vector.shape_cast %get3A_1073 : vector<1x1x16xf32> to vector<16xf32>
      %add3A_1075 = arith.addf %add3A_1030, %get3A_1074 : vector<16xf32>
      %dma_wait3A_1076 = arith.constant 13 : i32
      %dma_wait3A_1077 = arith.constant 0 : i32
      %dma_wait3A_1078 = arith.constant 0 : i32
      %dma_wait3A_1079 = tpu.memref_slice %arg9[%dma_wait3A_1076, %dma_wait3A_1077, %dma_wait3A_1078] : memref<16x8x64xf32, #tpu.memory_space<vmem>> -> memref<1x8x64xf32, #tpu.memory_space<vmem>>
      %dma_wait3A_1080 = tpu.memref_squeeze %dma_wait3A_1079 : memref<1x8x64xf32, #tpu.memory_space<vmem>> -> memref<8x64xf32, #tpu.memory_space<vmem>>
      %dma_wait3A_1081 = arith.constant 0 : i32
      %dma_wait3A_1082 = arith.constant 0 : i32
      %dma_wait3A_1083 = tpu.memref_slice %arg3[%dma_wait3A_1081, %dma_wait3A_1082] : memref<1000000x64xf32, #tpu.memory_space<hbm>> -> memref<8x64xf32, #tpu.memory_space<hbm>>
      %dma_wait3A_1084 = arith.constant 0 : i32
      %dma_wait3A_1085 = arith.constant 0 : i32
      %dma_wait3A_1086 = tpu.memref_slice %arg9[%dma_wait3A_1076, %dma_wait3A_1084, %dma_wait3A_1085] : memref<16x8x64xf32, #tpu.memory_space<vmem>> -> memref<1x8x64xf32, #tpu.memory_space<vmem>>
      %dma_wait3A_1087 = tpu.memref_squeeze %dma_wait3A_1086 : memref<1x8x64xf32, #tpu.memory_space<vmem>> -> memref<8x64xf32, #tpu.memory_space<vmem>>
      %dma_wait3A_1088 = arith.constant 0 : i32
      %dma_wait3A_1089 = arith.constant 0 : i32
      %dma_wait3A_1090 = tpu.memref_slice %arg3[%dma_wait3A_1088, %dma_wait3A_1089] : memref<1000000x64xf32, #tpu.memory_space<hbm>> -> memref<8x64xf32, #tpu.memory_space<hbm>>
      tpu.wait_dma2 semaphore(%arg24 : memref<!tpu.dma_semaphore, #tpu.memory_space<semaphore_mem>>) src(%dma_wait3A_1090 : memref<8x64xf32, #tpu.memory_space<hbm>>) dst(%dma_wait3A_1087 : memref<8x64xf32, #tpu.memory_space<vmem>>)
      %slice3A_1091 = vector.extract_strided_slice %get3A_492 {offsets = [13], sizes = [1], strides = [1]} : vector<16xi32> to vector<1xi32>
      %squeeze3A_1092 = vector.extract %slice3A_1091[0] : i32 from vector<1xi32>
      %get3A_1093 = arith.constant 13 : i32
      %get3A_1094 = arith.index_cast %get3A_1093 : i32 to index
      %get3A_1095 = arith.index_cast %squeeze3A_1092 : i32 to index
      %get3A_1096 = arith.constant 0 : index
      %get3A_1097 = tpu.vector_load %arg9[%get3A_1094, %get3A_1095, %get3A_1096] {strides = array<i32>} : memref<16x8x64xf32, #tpu.memory_space<vmem>>, vector<1x1x16xf32>,
      %get3A_1098 = vector.shape_cast %get3A_1097 : vector<1x1x16xf32> to vector<16xf32>
      %add3A_1099 = arith.addf %add3A_1054, %get3A_1098 : vector<16xf32>
      %get3A_1100 = arith.constant 13 : i32
      %get3A_1101 = arith.index_cast %get3A_1100 : i32 to index
      %get3A_1102 = arith.index_cast %squeeze3A_1092 : i32 to index
      %get3A_1103 = arith.constant 16 : index
      %get3A_1104 = tpu.vector_load %arg9[%get3A_1101, %get3A_1102, %get3A_1103] {strides = array<i32>} : memref<16x8x64xf32, #tpu.memory_space<vmem>>, vector<1x1x16xf32>,
      %get3A_1105 = vector.shape_cast %get3A_1104 : vector<1x1x16xf32> to vector<16xf32>
      %add3A_1106 = arith.addf %add3A_1061, %get3A_1105 : vector<16xf32>
      %get3A_1107 = arith.constant 13 : i32
      %get3A_1108 = arith.index_cast %get3A_1107 : i32 to index
      %get3A_1109 = arith.index_cast %squeeze3A_1092 : i32 to index
      %get3A_1110 = arith.constant 32 : index
      %get3A_1111 = tpu.vector_load %arg9[%get3A_1108, %get3A_1109, %get3A_1110] {strides = array<i32>} : memref<16x8x64xf32, #tpu.memory_space<vmem>>, vector<1x1x16xf32>,
      %get3A_1112 = vector.shape_cast %get3A_1111 : vector<1x1x16xf32> to vector<16xf32>
      %add3A_1113 = arith.addf %add3A_1068, %get3A_1112 : vector<16xf32>
      %get3A_1114 = arith.constant 13 : i32
      %get3A_1115 = arith.index_cast %get3A_1114 : i32 to index
      %get3A_1116 = arith.index_cast %squeeze3A_1092 : i32 to index
      %get3A_1117 = arith.constant 48 : index
      %get3A_1118 = tpu.vector_load %arg9[%get3A_1115, %get3A_1116, %get3A_1117] {strides = array<i32>} : memref<16x8x64xf32, #tpu.memory_space<vmem>>, vector<1x1x16xf32>,
      %get3A_1119 = vector.shape_cast %get3A_1118 : vector<1x1x16xf32> to vector<16xf32>
      %add3A_1120 = arith.addf %add3A_1075, %get3A_1119 : vector<16xf32>
      %dma_wait3A_1121 = arith.constant 14 : i32
      %dma_wait3A_1122 = arith.constant 0 : i32
      %dma_wait3A_1123 = arith.constant 0 : i32
      %dma_wait3A_1124 = tpu.memref_slice %arg9[%dma_wait3A_1121, %dma_wait3A_1122, %dma_wait3A_1123] : memref<16x8x64xf32, #tpu.memory_space<vmem>> -> memref<1x8x64xf32, #tpu.memory_space<vmem>>
      %dma_wait3A_1125 = tpu.memref_squeeze %dma_wait3A_1124 : memref<1x8x64xf32, #tpu.memory_space<vmem>> -> memref<8x64xf32, #tpu.memory_space<vmem>>
      %dma_wait3A_1126 = arith.constant 0 : i32
      %dma_wait3A_1127 = arith.constant 0 : i32
      %dma_wait3A_1128 = tpu.memref_slice %arg3[%dma_wait3A_1126, %dma_wait3A_1127] : memref<1000000x64xf32, #tpu.memory_space<hbm>> -> memref<8x64xf32, #tpu.memory_space<hbm>>
      %dma_wait3A_1129 = arith.constant 0 : i32
      %dma_wait3A_1130 = arith.constant 0 : i32
      %dma_wait3A_1131 = tpu.memref_slice %arg9[%dma_wait3A_1121, %dma_wait3A_1129, %dma_wait3A_1130] : memref<16x8x64xf32, #tpu.memory_space<vmem>> -> memref<1x8x64xf32, #tpu.memory_space<vmem>>
      %dma_wait3A_1132 = tpu.memref_squeeze %dma_wait3A_1131 : memref<1x8x64xf32, #tpu.memory_space<vmem>> -> memref<8x64xf32, #tpu.memory_space<vmem>>
      %dma_wait3A_1133 = arith.constant 0 : i32
      %dma_wait3A_1134 = arith.constant 0 : i32
      %dma_wait3A_1135 = tpu.memref_slice %arg3[%dma_wait3A_1133, %dma_wait3A_1134] : memref<1000000x64xf32, #tpu.memory_space<hbm>> -> memref<8x64xf32, #tpu.memory_space<hbm>>
      tpu.wait_dma2 semaphore(%arg25 : memref<!tpu.dma_semaphore, #tpu.memory_space<semaphore_mem>>) src(%dma_wait3A_1135 : memref<8x64xf32, #tpu.memory_space<hbm>>) dst(%dma_wait3A_1132 : memref<8x64xf32, #tpu.memory_space<vmem>>)
      %slice3A_1136 = vector.extract_strided_slice %get3A_492 {offsets = [14], sizes = [1], strides = [1]} : vector<16xi32> to vector<1xi32>
      %squeeze3A_1137 = vector.extract %slice3A_1136[0] : i32 from vector<1xi32>
      %get3A_1138 = arith.constant 14 : i32
      %get3A_1139 = arith.index_cast %get3A_1138 : i32 to index
      %get3A_1140 = arith.index_cast %squeeze3A_1137 : i32 to index
      %get3A_1141 = arith.constant 0 : index
      %get3A_1142 = tpu.vector_load %arg9[%get3A_1139, %get3A_1140, %get3A_1141] {strides = array<i32>} : memref<16x8x64xf32, #tpu.memory_space<vmem>>, vector<1x1x16xf32>,
      %get3A_1143 = vector.shape_cast %get3A_1142 : vector<1x1x16xf32> to vector<16xf32>
      %add3A_1144 = arith.addf %add3A_1099, %get3A_1143 : vector<16xf32>
      %get3A_1145 = arith.constant 14 : i32
      %get3A_1146 = arith.index_cast %get3A_1145 : i32 to index
      %get3A_1147 = arith.index_cast %squeeze3A_1137 : i32 to index
      %get3A_1148 = arith.constant 16 : index
      %get3A_1149 = tpu.vector_load %arg9[%get3A_1146, %get3A_1147, %get3A_1148] {strides = array<i32>} : memref<16x8x64xf32, #tpu.memory_space<vmem>>, vector<1x1x16xf32>,
      %get3A_1150 = vector.shape_cast %get3A_1149 : vector<1x1x16xf32> to vector<16xf32>
      %add3A_1151 = arith.addf %add3A_1106, %get3A_1150 : vector<16xf32>
      %get3A_1152 = arith.constant 14 : i32
      %get3A_1153 = arith.index_cast %get3A_1152 : i32 to index
      %get3A_1154 = arith.index_cast %squeeze3A_1137 : i32 to index
      %get3A_1155 = arith.constant 32 : index
      %get3A_1156 = tpu.vector_load %arg9[%get3A_1153, %get3A_1154, %get3A_1155] {strides = array<i32>} : memref<16x8x64xf32, #tpu.memory_space<vmem>>, vector<1x1x16xf32>,
      %get3A_1157 = vector.shape_cast %get3A_1156 : vector<1x1x16xf32> to vector<16xf32>
      %add3A_1158 = arith.addf %add3A_1113, %get3A_1157 : vector<16xf32>
      %get3A_1159 = arith.constant 14 : i32
      %get3A_1160 = arith.index_cast %get3A_1159 : i32 to index
      %get3A_1161 = arith.index_cast %squeeze3A_1137 : i32 to index
      %get3A_1162 = arith.constant 48 : index
      %get3A_1163 = tpu.vector_load %arg9[%get3A_1160, %get3A_1161, %get3A_1162] {strides = array<i32>} : memref<16x8x64xf32, #tpu.memory_space<vmem>>, vector<1x1x16xf32>,
      %get3A_1164 = vector.shape_cast %get3A_1163 : vector<1x1x16xf32> to vector<16xf32>
      %add3A_1165 = arith.addf %add3A_1120, %get3A_1164 : vector<16xf32>
      %dma_wait3A_1166 = arith.constant 15 : i32
      %dma_wait3A_1167 = arith.constant 0 : i32
      %dma_wait3A_1168 = arith.constant 0 : i32
      %dma_wait3A_1169 = tpu.memref_slice %arg9[%dma_wait3A_1166, %dma_wait3A_1167, %dma_wait3A_1168] : memref<16x8x64xf32, #tpu.memory_space<vmem>> -> memref<1x8x64xf32, #tpu.memory_space<vmem>>
      %dma_wait3A_1170 = tpu.memref_squeeze %dma_wait3A_1169 : memref<1x8x64xf32, #tpu.memory_space<vmem>> -> memref<8x64xf32, #tpu.memory_space<vmem>>
      %dma_wait3A_1171 = arith.constant 0 : i32
      %dma_wait3A_1172 = arith.constant 0 : i32
      %dma_wait3A_1173 = tpu.memref_slice %arg3[%dma_wait3A_1171, %dma_wait3A_1172] : memref<1000000x64xf32, #tpu.memory_space<hbm>> -> memref<8x64xf32, #tpu.memory_space<hbm>>
      %dma_wait3A_1174 = arith.constant 0 : i32
      %dma_wait3A_1175 = arith.constant 0 : i32
      %dma_wait3A_1176 = tpu.memref_slice %arg9[%dma_wait3A_1166, %dma_wait3A_1174, %dma_wait3A_1175] : memref<16x8x64xf32, #tpu.memory_space<vmem>> -> memref<1x8x64xf32, #tpu.memory_space<vmem>>
      %dma_wait3A_1177 = tpu.memref_squeeze %dma_wait3A_1176 : memref<1x8x64xf32, #tpu.memory_space<vmem>> -> memref<8x64xf32, #tpu.memory_space<vmem>>
      %dma_wait3A_1178 = arith.constant 0 : i32
      %dma_wait3A_1179 = arith.constant 0 : i32
      %dma_wait3A_1180 = tpu.memref_slice %arg3[%dma_wait3A_1178, %dma_wait3A_1179] : memref<1000000x64xf32, #tpu.memory_space<hbm>> -> memref<8x64xf32, #tpu.memory_space<hbm>>
      tpu.wait_dma2 semaphore(%arg26 : memref<!tpu.dma_semaphore, #tpu.memory_space<semaphore_mem>>) src(%dma_wait3A_1180 : memref<8x64xf32, #tpu.memory_space<hbm>>) dst(%dma_wait3A_1177 : memref<8x64xf32, #tpu.memory_space<vmem>>)
      %slice3A_1181 = vector.extract_strided_slice %get3A_492 {offsets = [15], sizes = [1], strides = [1]} : vector<16xi32> to vector<1xi32>
      %squeeze3A_1182 = vector.extract %slice3A_1181[0] : i32 from vector<1xi32>
      %get3A_1183 = arith.constant 15 : i32
      %get3A_1184 = arith.index_cast %get3A_1183 : i32 to index
      %get3A_1185 = arith.index_cast %squeeze3A_1182 : i32 to index
      %get3A_1186 = arith.constant 0 : index
      %get3A_1187 = tpu.vector_load %arg9[%get3A_1184, %get3A_1185, %get3A_1186] {strides = array<i32>} : memref<16x8x64xf32, #tpu.memory_space<vmem>>, vector<1x1x16xf32>,
      %get3A_1188 = vector.shape_cast %get3A_1187 : vector<1x1x16xf32> to vector<16xf32>
      %add3A_1189 = arith.addf %add3A_1144, %get3A_1188 : vector<16xf32>
      %get3A_1190 = arith.constant 15 : i32
      %get3A_1191 = arith.index_cast %get3A_1190 : i32 to index
      %get3A_1192 = arith.index_cast %squeeze3A_1182 : i32 to index
      %get3A_1193 = arith.constant 16 : index
      %get3A_1194 = tpu.vector_load %arg9[%get3A_1191, %get3A_1192, %get3A_1193] {strides = array<i32>} : memref<16x8x64xf32, #tpu.memory_space<vmem>>, vector<1x1x16xf32>,
      %get3A_1195 = vector.shape_cast %get3A_1194 : vector<1x1x16xf32> to vector<16xf32>
      %add3A_1196 = arith.addf %add3A_1151, %get3A_1195 : vector<16xf32>
      %get3A_1197 = arith.constant 15 : i32
      %get3A_1198 = arith.index_cast %get3A_1197 : i32 to index
      %get3A_1199 = arith.index_cast %squeeze3A_1182 : i32 to index
      %get3A_1200 = arith.constant 32 : index
      %get3A_1201 = tpu.vector_load %arg9[%get3A_1198, %get3A_1199, %get3A_1200] {strides = array<i32>} : memref<16x8x64xf32, #tpu.memory_space<vmem>>, vector<1x1x16xf32>,
      %get3A_1202 = vector.shape_cast %get3A_1201 : vector<1x1x16xf32> to vector<16xf32>
      %add3A_1203 = arith.addf %add3A_1158, %get3A_1202 : vector<16xf32>
      %get3A_1204 = arith.constant 15 : i32
      %get3A_1205 = arith.index_cast %get3A_1204 : i32 to index
      %get3A_1206 = arith.index_cast %squeeze3A_1182 : i32 to index
      %get3A_1207 = arith.constant 48 : index
      %get3A_1208 = tpu.vector_load %arg9[%get3A_1205, %get3A_1206, %get3A_1207] {strides = array<i32>} : memref<16x8x64xf32, #tpu.memory_space<vmem>>, vector<1x1x16xf32>,
      %get3A_1209 = vector.shape_cast %get3A_1208 : vector<1x1x16xf32> to vector<16xf32>
      %add3A_1210 = arith.addf %add3A_1165, %get3A_1209 : vector<16xf32>
      %get3A_1211 = arith.constant 184 : index
      %get3A_1212 = tpu.vector_load %arg7[%get3A_1211] {strides = array<i32>} : memref<200xi32, #tpu.memory_space<vmem>>, vector<16xi32>,
      %get3A_1213 = vector.shape_cast %get3A_1212 : vector<16xi32> to vector<16xi32>
      %get3A_1214 = arith.constant 184 : index
      %get3A_1215 = tpu.vector_load %arg8[%get3A_1214] {strides = array<i32>} : memref<200xi32, #tpu.memory_space<vmem>>, vector<16xi32>,
      %get3A_1216 = vector.shape_cast %get3A_1215 : vector<16xi32> to vector<16xi32>
      %slice3A_1217 = vector.extract_strided_slice %get3A_1213 {offsets = [8], sizes = [1], strides = [1]} : vector<16xi32> to vector<1xi32>
      %squeeze3A_1218 = vector.extract %slice3A_1217[0] : i32 from vector<1xi32>
      %multiple_of3A_1219 = tpu.assume_multiple %squeeze3A_1218, 8 : i32
      %dma_start3A_1220 = arith.constant 8 : i32
      %dma_start3A_1221 = arith.constant 0 : i32
      %dma_start3A_1222 = arith.constant 0 : i32
      %dma_start3A_1223 = tpu.memref_slice %arg9[%dma_start3A_1220, %dma_start3A_1221, %dma_start3A_1222] : memref<16x8x64xf32, #tpu.memory_space<vmem>> -> memref<1x8x64xf32, #tpu.memory_space<vmem>>
      %dma_start3A_1224 = tpu.memref_squeeze %dma_start3A_1223 : memref<1x8x64xf32, #tpu.memory_space<vmem>> -> memref<8x64xf32, #tpu.memory_space<vmem>>
      %dma_start3A_1225 = arith.constant 0 : i32
      %dma_start3A_1226 = tpu.memref_slice %arg3[%multiple_of3A_1219, %dma_start3A_1225] : memref<1000000x64xf32, #tpu.memory_space<hbm>> -> memref<8x64xf32, #tpu.memory_space<hbm>>
      %dma_start3A_1227 = arith.constant 0 : i32
      %dma_start3A_1228 = arith.constant 0 : i32
      %dma_start3A_1229 = tpu.memref_slice %arg9[%dma_start3A_1220, %dma_start3A_1227, %dma_start3A_1228] : memref<16x8x64xf32, #tpu.memory_space<vmem>> -> memref<1x8x64xf32, #tpu.memory_space<vmem>>
      %dma_start3A_1230 = tpu.memref_squeeze %dma_start3A_1229 : memref<1x8x64xf32, #tpu.memory_space<vmem>> -> memref<8x64xf32, #tpu.memory_space<vmem>>
      %dma_start3A_1231 = arith.constant 0 : i32
      %dma_start3A_1232 = tpu.memref_slice %arg3[%multiple_of3A_1219, %dma_start3A_1231] : memref<1000000x64xf32, #tpu.memory_space<hbm>> -> memref<8x64xf32, #tpu.memory_space<hbm>>
      tpu.enqueue_dma source(%dma_start3A_1232 : memref<8x64xf32, #tpu.memory_space<hbm>>) target(%dma_start3A_1230 : memref<8x64xf32, #tpu.memory_space<vmem>>) target_semaphore(%arg19 : memref<!tpu.dma_semaphore, #tpu.memory_space<semaphore_mem>>)
      %slice3A_1233 = vector.extract_strided_slice %get3A_1213 {offsets = [9], sizes = [1], strides = [1]} : vector<16xi32> to vector<1xi32>
      %squeeze3A_1234 = vector.extract %slice3A_1233[0] : i32 from vector<1xi32>
      %multiple_of3A_1235 = tpu.assume_multiple %squeeze3A_1234, 8 : i32
      %dma_start3A_1236 = arith.constant 9 : i32
      %dma_start3A_1237 = arith.constant 0 : i32
      %dma_start3A_1238 = arith.constant 0 : i32
      %dma_start3A_1239 = tpu.memref_slice %arg9[%dma_start3A_1236, %dma_start3A_1237, %dma_start3A_1238] : memref<16x8x64xf32, #tpu.memory_space<vmem>> -> memref<1x8x64xf32, #tpu.memory_space<vmem>>
      %dma_start3A_1240 = tpu.memref_squeeze %dma_start3A_1239 : memref<1x8x64xf32, #tpu.memory_space<vmem>> -> memref<8x64xf32, #tpu.memory_space<vmem>>
      %dma_start3A_1241 = arith.constant 0 : i32
      %dma_start3A_1242 = tpu.memref_slice %arg3[%multiple_of3A_1235, %dma_start3A_1241] : memref<1000000x64xf32, #tpu.memory_space<hbm>> -> memref<8x64xf32, #tpu.memory_space<hbm>>
      %dma_start3A_1243 = arith.constant 0 : i32
      %dma_start3A_1244 = arith.constant 0 : i32
      %dma_start3A_1245 = tpu.memref_slice %arg9[%dma_start3A_1236, %dma_start3A_1243, %dma_start3A_1244] : memref<16x8x64xf32, #tpu.memory_space<vmem>> -> memref<1x8x64xf32, #tpu.memory_space<vmem>>
      %dma_start3A_1246 = tpu.memref_squeeze %dma_start3A_1245 : memref<1x8x64xf32, #tpu.memory_space<vmem>> -> memref<8x64xf32, #tpu.memory_space<vmem>>
      %dma_start3A_1247 = arith.constant 0 : i32
      %dma_start3A_1248 = tpu.memref_slice %arg3[%multiple_of3A_1235, %dma_start3A_1247] : memref<1000000x64xf32, #tpu.memory_space<hbm>> -> memref<8x64xf32, #tpu.memory_space<hbm>>
      tpu.enqueue_dma source(%dma_start3A_1248 : memref<8x64xf32, #tpu.memory_space<hbm>>) target(%dma_start3A_1246 : memref<8x64xf32, #tpu.memory_space<vmem>>) target_semaphore(%arg20 : memref<!tpu.dma_semaphore, #tpu.memory_space<semaphore_mem>>)
      %slice3A_1249 = vector.extract_strided_slice %get3A_1213 {offsets = [10], sizes = [1], strides = [1]} : vector<16xi32> to vector<1xi32>
      %squeeze3A_1250 = vector.extract %slice3A_1249[0] : i32 from vector<1xi32>
      %multiple_of3A_1251 = tpu.assume_multiple %squeeze3A_1250, 8 : i32
      %dma_start3A_1252 = arith.constant 10 : i32
      %dma_start3A_1253 = arith.constant 0 : i32
      %dma_start3A_1254 = arith.constant 0 : i32
      %dma_start3A_1255 = tpu.memref_slice %arg9[%dma_start3A_1252, %dma_start3A_1253, %dma_start3A_1254] : memref<16x8x64xf32, #tpu.memory_space<vmem>> -> memref<1x8x64xf32, #tpu.memory_space<vmem>>
      %dma_start3A_1256 = tpu.memref_squeeze %dma_start3A_1255 : memref<1x8x64xf32, #tpu.memory_space<vmem>> -> memref<8x64xf32, #tpu.memory_space<vmem>>
      %dma_start3A_1257 = arith.constant 0 : i32
      %dma_start3A_1258 = tpu.memref_slice %arg3[%multiple_of3A_1251, %dma_start3A_1257] : memref<1000000x64xf32, #tpu.memory_space<hbm>> -> memref<8x64xf32, #tpu.memory_space<hbm>>
      %dma_start3A_1259 = arith.constant 0 : i32
      %dma_start3A_1260 = arith.constant 0 : i32
      %dma_start3A_1261 = tpu.memref_slice %arg9[%dma_start3A_1252, %dma_start3A_1259, %dma_start3A_1260] : memref<16x8x64xf32, #tpu.memory_space<vmem>> -> memref<1x8x64xf32, #tpu.memory_space<vmem>>
      %dma_start3A_1262 = tpu.memref_squeeze %dma_start3A_1261 : memref<1x8x64xf32, #tpu.memory_space<vmem>> -> memref<8x64xf32, #tpu.memory_space<vmem>>
      %dma_start3A_1263 = arith.constant 0 : i32
      %dma_start3A_1264 = tpu.memref_slice %arg3[%multiple_of3A_1251, %dma_start3A_1263] : memref<1000000x64xf32, #tpu.memory_space<hbm>> -> memref<8x64xf32, #tpu.memory_space<hbm>>
      tpu.enqueue_dma source(%dma_start3A_1264 : memref<8x64xf32, #tpu.memory_space<hbm>>) target(%dma_start3A_1262 : memref<8x64xf32, #tpu.memory_space<vmem>>) target_semaphore(%arg21 : memref<!tpu.dma_semaphore, #tpu.memory_space<semaphore_mem>>)
      %slice3A_1265 = vector.extract_strided_slice %get3A_1213 {offsets = [11], sizes = [1], strides = [1]} : vector<16xi32> to vector<1xi32>
      %squeeze3A_1266 = vector.extract %slice3A_1265[0] : i32 from vector<1xi32>
      %multiple_of3A_1267 = tpu.assume_multiple %squeeze3A_1266, 8 : i32
      %dma_start3A_1268 = arith.constant 11 : i32
      %dma_start3A_1269 = arith.constant 0 : i32
      %dma_start3A_1270 = arith.constant 0 : i32
      %dma_start3A_1271 = tpu.memref_slice %arg9[%dma_start3A_1268, %dma_start3A_1269, %dma_start3A_1270] : memref<16x8x64xf32, #tpu.memory_space<vmem>> -> memref<1x8x64xf32, #tpu.memory_space<vmem>>
      %dma_start3A_1272 = tpu.memref_squeeze %dma_start3A_1271 : memref<1x8x64xf32, #tpu.memory_space<vmem>> -> memref<8x64xf32, #tpu.memory_space<vmem>>
      %dma_start3A_1273 = arith.constant 0 : i32
      %dma_start3A_1274 = tpu.memref_slice %arg3[%multiple_of3A_1267, %dma_start3A_1273] : memref<1000000x64xf32, #tpu.memory_space<hbm>> -> memref<8x64xf32, #tpu.memory_space<hbm>>
      %dma_start3A_1275 = arith.constant 0 : i32
      %dma_start3A_1276 = arith.constant 0 : i32
      %dma_start3A_1277 = tpu.memref_slice %arg9[%dma_start3A_1268, %dma_start3A_1275, %dma_start3A_1276] : memref<16x8x64xf32, #tpu.memory_space<vmem>> -> memref<1x8x64xf32, #tpu.memory_space<vmem>>
      %dma_start3A_1278 = tpu.memref_squeeze %dma_start3A_1277 : memref<1x8x64xf32, #tpu.memory_space<vmem>> -> memref<8x64xf32, #tpu.memory_space<vmem>>
      %dma_start3A_1279 = arith.constant 0 : i32
      %dma_start3A_1280 = tpu.memref_slice %arg3[%multiple_of3A_1267, %dma_start3A_1279] : memref<1000000x64xf32, #tpu.memory_space<hbm>> -> memref<8x64xf32, #tpu.memory_space<hbm>>
      tpu.enqueue_dma source(%dma_start3A_1280 : memref<8x64xf32, #tpu.memory_space<hbm>>) target(%dma_start3A_1278 : memref<8x64xf32, #tpu.memory_space<vmem>>) target_semaphore(%arg22 : memref<!tpu.dma_semaphore, #tpu.memory_space<semaphore_mem>>)
      %slice3A_1281 = vector.extract_strided_slice %get3A_1213 {offsets = [12], sizes = [1], strides = [1]} : vector<16xi32> to vector<1xi32>
      %squeeze3A_1282 = vector.extract %slice3A_1281[0] : i32 from vector<1xi32>
      %multiple_of3A_1283 = tpu.assume_multiple %squeeze3A_1282, 8 : i32
      %dma_start3A_1284 = arith.constant 12 : i32
      %dma_start3A_1285 = arith.constant 0 : i32
      %dma_start3A_1286 = arith.constant 0 : i32
      %dma_start3A_1287 = tpu.memref_slice %arg9[%dma_start3A_1284, %dma_start3A_1285, %dma_start3A_1286] : memref<16x8x64xf32, #tpu.memory_space<vmem>> -> memref<1x8x64xf32, #tpu.memory_space<vmem>>
      %dma_start3A_1288 = tpu.memref_squeeze %dma_start3A_1287 : memref<1x8x64xf32, #tpu.memory_space<vmem>> -> memref<8x64xf32, #tpu.memory_space<vmem>>
      %dma_start3A_1289 = arith.constant 0 : i32
      %dma_start3A_1290 = tpu.memref_slice %arg3[%multiple_of3A_1283, %dma_start3A_1289] : memref<1000000x64xf32, #tpu.memory_space<hbm>> -> memref<8x64xf32, #tpu.memory_space<hbm>>
      %dma_start3A_1291 = arith.constant 0 : i32
      %dma_start3A_1292 = arith.constant 0 : i32
      %dma_start3A_1293 = tpu.memref_slice %arg9[%dma_start3A_1284, %dma_start3A_1291, %dma_start3A_1292] : memref<16x8x64xf32, #tpu.memory_space<vmem>> -> memref<1x8x64xf32, #tpu.memory_space<vmem>>
      %dma_start3A_1294 = tpu.memref_squeeze %dma_start3A_1293 : memref<1x8x64xf32, #tpu.memory_space<vmem>> -> memref<8x64xf32, #tpu.memory_space<vmem>>
      %dma_start3A_1295 = arith.constant 0 : i32
      %dma_start3A_1296 = tpu.memref_slice %arg3[%multiple_of3A_1283, %dma_start3A_1295] : memref<1000000x64xf32, #tpu.memory_space<hbm>> -> memref<8x64xf32, #tpu.memory_space<hbm>>
      tpu.enqueue_dma source(%dma_start3A_1296 : memref<8x64xf32, #tpu.memory_space<hbm>>) target(%dma_start3A_1294 : memref<8x64xf32, #tpu.memory_space<vmem>>) target_semaphore(%arg23 : memref<!tpu.dma_semaphore, #tpu.memory_space<semaphore_mem>>)
      %slice3A_1297 = vector.extract_strided_slice %get3A_1213 {offsets = [13], sizes = [1], strides = [1]} : vector<16xi32> to vector<1xi32>
      %squeeze3A_1298 = vector.extract %slice3A_1297[0] : i32 from vector<1xi32>
      %multiple_of3A_1299 = tpu.assume_multiple %squeeze3A_1298, 8 : i32
      %dma_start3A_1300 = arith.constant 13 : i32
      %dma_start3A_1301 = arith.constant 0 : i32
      %dma_start3A_1302 = arith.constant 0 : i32
      %dma_start3A_1303 = tpu.memref_slice %arg9[%dma_start3A_1300, %dma_start3A_1301, %dma_start3A_1302] : memref<16x8x64xf32, #tpu.memory_space<vmem>> -> memref<1x8x64xf32, #tpu.memory_space<vmem>>
      %dma_start3A_1304 = tpu.memref_squeeze %dma_start3A_1303 : memref<1x8x64xf32, #tpu.memory_space<vmem>> -> memref<8x64xf32, #tpu.memory_space<vmem>>
      %dma_start3A_1305 = arith.constant 0 : i32
      %dma_start3A_1306 = tpu.memref_slice %arg3[%multiple_of3A_1299, %dma_start3A_1305] : memref<1000000x64xf32, #tpu.memory_space<hbm>> -> memref<8x64xf32, #tpu.memory_space<hbm>>
      %dma_start3A_1307 = arith.constant 0 : i32
      %dma_start3A_1308 = arith.constant 0 : i32
      %dma_start3A_1309 = tpu.memref_slice %arg9[%dma_start3A_1300, %dma_start3A_1307, %dma_start3A_1308] : memref<16x8x64xf32, #tpu.memory_space<vmem>> -> memref<1x8x64xf32, #tpu.memory_space<vmem>>
      %dma_start3A_1310 = tpu.memref_squeeze %dma_start3A_1309 : memref<1x8x64xf32, #tpu.memory_space<vmem>> -> memref<8x64xf32, #tpu.memory_space<vmem>>
      %dma_start3A_1311 = arith.constant 0 : i32
      %dma_start3A_1312 = tpu.memref_slice %arg3[%multiple_of3A_1299, %dma_start3A_1311] : memref<1000000x64xf32, #tpu.memory_space<hbm>> -> memref<8x64xf32, #tpu.memory_space<hbm>>
      tpu.enqueue_dma source(%dma_start3A_1312 : memref<8x64xf32, #tpu.memory_space<hbm>>) target(%dma_start3A_1310 : memref<8x64xf32, #tpu.memory_space<vmem>>) target_semaphore(%arg24 : memref<!tpu.dma_semaphore, #tpu.memory_space<semaphore_mem>>)
      %slice3A_1313 = vector.extract_strided_slice %get3A_1213 {offsets = [14], sizes = [1], strides = [1]} : vector<16xi32> to vector<1xi32>
      %squeeze3A_1314 = vector.extract %slice3A_1313[0] : i32 from vector<1xi32>
      %multiple_of3A_1315 = tpu.assume_multiple %squeeze3A_1314, 8 : i32
      %dma_start3A_1316 = arith.constant 14 : i32
      %dma_start3A_1317 = arith.constant 0 : i32
      %dma_start3A_1318 = arith.constant 0 : i32
      %dma_start3A_1319 = tpu.memref_slice %arg9[%dma_start3A_1316, %dma_start3A_1317, %dma_start3A_1318] : memref<16x8x64xf32, #tpu.memory_space<vmem>> -> memref<1x8x64xf32, #tpu.memory_space<vmem>>
      %dma_start3A_1320 = tpu.memref_squeeze %dma_start3A_1319 : memref<1x8x64xf32, #tpu.memory_space<vmem>> -> memref<8x64xf32, #tpu.memory_space<vmem>>
      %dma_start3A_1321 = arith.constant 0 : i32
      %dma_start3A_1322 = tpu.memref_slice %arg3[%multiple_of3A_1315, %dma_start3A_1321] : memref<1000000x64xf32, #tpu.memory_space<hbm>> -> memref<8x64xf32, #tpu.memory_space<hbm>>
      %dma_start3A_1323 = arith.constant 0 : i32
      %dma_start3A_1324 = arith.constant 0 : i32
      %dma_start3A_1325 = tpu.memref_slice %arg9[%dma_start3A_1316, %dma_start3A_1323, %dma_start3A_1324] : memref<16x8x64xf32, #tpu.memory_space<vmem>> -> memref<1x8x64xf32, #tpu.memory_space<vmem>>
      %dma_start3A_1326 = tpu.memref_squeeze %dma_start3A_1325 : memref<1x8x64xf32, #tpu.memory_space<vmem>> -> memref<8x64xf32, #tpu.memory_space<vmem>>
      %dma_start3A_1327 = arith.constant 0 : i32
      %dma_start3A_1328 = tpu.memref_slice %arg3[%multiple_of3A_1315, %dma_start3A_1327] : memref<1000000x64xf32, #tpu.memory_space<hbm>> -> memref<8x64xf32, #tpu.memory_space<hbm>>
      tpu.enqueue_dma source(%dma_start3A_1328 : memref<8x64xf32, #tpu.memory_space<hbm>>) target(%dma_start3A_1326 : memref<8x64xf32, #tpu.memory_space<vmem>>) target_semaphore(%arg25 : memref<!tpu.dma_semaphore, #tpu.memory_space<semaphore_mem>>)
      %slice3A_1329 = vector.extract_strided_slice %get3A_1213 {offsets = [15], sizes = [1], strides = [1]} : vector<16xi32> to vector<1xi32>
      %squeeze3A_1330 = vector.extract %slice3A_1329[0] : i32 from vector<1xi32>
      %multiple_of3A_1331 = tpu.assume_multiple %squeeze3A_1330, 8 : i32
      %dma_start3A_1332 = arith.constant 15 : i32
      %dma_start3A_1333 = arith.constant 0 : i32
      %dma_start3A_1334 = arith.constant 0 : i32
      %dma_start3A_1335 = tpu.memref_slice %arg9[%dma_start3A_1332, %dma_start3A_1333, %dma_start3A_1334] : memref<16x8x64xf32, #tpu.memory_space<vmem>> -> memref<1x8x64xf32, #tpu.memory_space<vmem>>
      %dma_start3A_1336 = tpu.memref_squeeze %dma_start3A_1335 : memref<1x8x64xf32, #tpu.memory_space<vmem>> -> memref<8x64xf32, #tpu.memory_space<vmem>>
      %dma_start3A_1337 = arith.constant 0 : i32
      %dma_start3A_1338 = tpu.memref_slice %arg3[%multiple_of3A_1331, %dma_start3A_1337] : memref<1000000x64xf32, #tpu.memory_space<hbm>> -> memref<8x64xf32, #tpu.memory_space<hbm>>
      %dma_start3A_1339 = arith.constant 0 : i32
      %dma_start3A_1340 = arith.constant 0 : i32
      %dma_start3A_1341 = tpu.memref_slice %arg9[%dma_start3A_1332, %dma_start3A_1339, %dma_start3A_1340] : memref<16x8x64xf32, #tpu.memory_space<vmem>> -> memref<1x8x64xf32, #tpu.memory_space<vmem>>
      %dma_start3A_1342 = tpu.memref_squeeze %dma_start3A_1341 : memref<1x8x64xf32, #tpu.memory_space<vmem>> -> memref<8x64xf32, #tpu.memory_space<vmem>>
      %dma_start3A_1343 = arith.constant 0 : i32
      %dma_start3A_1344 = tpu.memref_slice %arg3[%multiple_of3A_1331, %dma_start3A_1343] : memref<1000000x64xf32, #tpu.memory_space<hbm>> -> memref<8x64xf32, #tpu.memory_space<hbm>>
      tpu.enqueue_dma source(%dma_start3A_1344 : memref<8x64xf32, #tpu.memory_space<hbm>>) target(%dma_start3A_1342 : memref<8x64xf32, #tpu.memory_space<vmem>>) target_semaphore(%arg26 : memref<!tpu.dma_semaphore, #tpu.memory_space<semaphore_mem>>)
      %dma_wait3A_1345 = arith.constant 8 : i32
      %dma_wait3A_1346 = arith.constant 0 : i32
      %dma_wait3A_1347 = arith.constant 0 : i32
      %dma_wait3A_1348 = tpu.memref_slice %arg9[%dma_wait3A_1345, %dma_wait3A_1346, %dma_wait3A_1347] : memref<16x8x64xf32, #tpu.memory_space<vmem>> -> memref<1x8x64xf32, #tpu.memory_space<vmem>>
      %dma_wait3A_1349 = tpu.memref_squeeze %dma_wait3A_1348 : memref<1x8x64xf32, #tpu.memory_space<vmem>> -> memref<8x64xf32, #tpu.memory_space<vmem>>
      %dma_wait3A_1350 = arith.constant 0 : i32
      %dma_wait3A_1351 = arith.constant 0 : i32
      %dma_wait3A_1352 = tpu.memref_slice %arg3[%dma_wait3A_1350, %dma_wait3A_1351] : memref<1000000x64xf32, #tpu.memory_space<hbm>> -> memref<8x64xf32, #tpu.memory_space<hbm>>
      %dma_wait3A_1353 = arith.constant 0 : i32
      %dma_wait3A_1354 = arith.constant 0 : i32
      %dma_wait3A_1355 = tpu.memref_slice %arg9[%dma_wait3A_1345, %dma_wait3A_1353, %dma_wait3A_1354] : memref<16x8x64xf32, #tpu.memory_space<vmem>> -> memref<1x8x64xf32, #tpu.memory_space<vmem>>
      %dma_wait3A_1356 = tpu.memref_squeeze %dma_wait3A_1355 : memref<1x8x64xf32, #tpu.memory_space<vmem>> -> memref<8x64xf32, #tpu.memory_space<vmem>>
      %dma_wait3A_1357 = arith.constant 0 : i32
      %dma_wait3A_1358 = arith.constant 0 : i32
      %dma_wait3A_1359 = tpu.memref_slice %arg3[%dma_wait3A_1357, %dma_wait3A_1358] : memref<1000000x64xf32, #tpu.memory_space<hbm>> -> memref<8x64xf32, #tpu.memory_space<hbm>>
      tpu.wait_dma2 semaphore(%arg19 : memref<!tpu.dma_semaphore, #tpu.memory_space<semaphore_mem>>) src(%dma_wait3A_1359 : memref<8x64xf32, #tpu.memory_space<hbm>>) dst(%dma_wait3A_1356 : memref<8x64xf32, #tpu.memory_space<vmem>>)
      %slice3A_1360 = vector.extract_strided_slice %get3A_1216 {offsets = [8], sizes = [1], strides = [1]} : vector<16xi32> to vector<1xi32>
      %squeeze3A_1361 = vector.extract %slice3A_1360[0] : i32 from vector<1xi32>
      %get3A_1362 = arith.constant 8 : i32
      %get3A_1363 = arith.index_cast %get3A_1362 : i32 to index
      %get3A_1364 = arith.index_cast %squeeze3A_1361 : i32 to index
      %get3A_1365 = arith.constant 0 : index
      %get3A_1366 = tpu.vector_load %arg9[%get3A_1363, %get3A_1364, %get3A_1365] {strides = array<i32>} : memref<16x8x64xf32, #tpu.memory_space<vmem>>, vector<1x1x16xf32>,
      %get3A_1367 = vector.shape_cast %get3A_1366 : vector<1x1x16xf32> to vector<16xf32>
      %add3A_1368 = arith.addf %add3A_1189, %get3A_1367 : vector<16xf32>
      %get3A_1369 = arith.constant 8 : i32
      %get3A_1370 = arith.index_cast %get3A_1369 : i32 to index
      %get3A_1371 = arith.index_cast %squeeze3A_1361 : i32 to index
      %get3A_1372 = arith.constant 16 : index
      %get3A_1373 = tpu.vector_load %arg9[%get3A_1370, %get3A_1371, %get3A_1372] {strides = array<i32>} : memref<16x8x64xf32, #tpu.memory_space<vmem>>, vector<1x1x16xf32>,
      %get3A_1374 = vector.shape_cast %get3A_1373 : vector<1x1x16xf32> to vector<16xf32>
      %add3A_1375 = arith.addf %add3A_1196, %get3A_1374 : vector<16xf32>
      %get3A_1376 = arith.constant 8 : i32
      %get3A_1377 = arith.index_cast %get3A_1376 : i32 to index
      %get3A_1378 = arith.index_cast %squeeze3A_1361 : i32 to index
      %get3A_1379 = arith.constant 32 : index
      %get3A_1380 = tpu.vector_load %arg9[%get3A_1377, %get3A_1378, %get3A_1379] {strides = array<i32>} : memref<16x8x64xf32, #tpu.memory_space<vmem>>, vector<1x1x16xf32>,
      %get3A_1381 = vector.shape_cast %get3A_1380 : vector<1x1x16xf32> to vector<16xf32>
      %add3A_1382 = arith.addf %add3A_1203, %get3A_1381 : vector<16xf32>
      %get3A_1383 = arith.constant 8 : i32
      %get3A_1384 = arith.index_cast %get3A_1383 : i32 to index
      %get3A_1385 = arith.index_cast %squeeze3A_1361 : i32 to index
      %get3A_1386 = arith.constant 48 : index
      %get3A_1387 = tpu.vector_load %arg9[%get3A_1384, %get3A_1385, %get3A_1386] {strides = array<i32>} : memref<16x8x64xf32, #tpu.memory_space<vmem>>, vector<1x1x16xf32>,
      %get3A_1388 = vector.shape_cast %get3A_1387 : vector<1x1x16xf32> to vector<16xf32>
      %add3A_1389 = arith.addf %add3A_1210, %get3A_1388 : vector<16xf32>
      %dma_wait3A_1390 = arith.constant 9 : i32
      %dma_wait3A_1391 = arith.constant 0 : i32
      %dma_wait3A_1392 = arith.constant 0 : i32
      %dma_wait3A_1393 = tpu.memref_slice %arg9[%dma_wait3A_1390, %dma_wait3A_1391, %dma_wait3A_1392] : memref<16x8x64xf32, #tpu.memory_space<vmem>> -> memref<1x8x64xf32, #tpu.memory_space<vmem>>
      %dma_wait3A_1394 = tpu.memref_squeeze %dma_wait3A_1393 : memref<1x8x64xf32, #tpu.memory_space<vmem>> -> memref<8x64xf32, #tpu.memory_space<vmem>>
      %dma_wait3A_1395 = arith.constant 0 : i32
      %dma_wait3A_1396 = arith.constant 0 : i32
      %dma_wait3A_1397 = tpu.memref_slice %arg3[%dma_wait3A_1395, %dma_wait3A_1396] : memref<1000000x64xf32, #tpu.memory_space<hbm>> -> memref<8x64xf32, #tpu.memory_space<hbm>>
      %dma_wait3A_1398 = arith.constant 0 : i32
      %dma_wait3A_1399 = arith.constant 0 : i32
      %dma_wait3A_1400 = tpu.memref_slice %arg9[%dma_wait3A_1390, %dma_wait3A_1398, %dma_wait3A_1399] : memref<16x8x64xf32, #tpu.memory_space<vmem>> -> memref<1x8x64xf32, #tpu.memory_space<vmem>>
      %dma_wait3A_1401 = tpu.memref_squeeze %dma_wait3A_1400 : memref<1x8x64xf32, #tpu.memory_space<vmem>> -> memref<8x64xf32, #tpu.memory_space<vmem>>
      %dma_wait3A_1402 = arith.constant 0 : i32
      %dma_wait3A_1403 = arith.constant 0 : i32
      %dma_wait3A_1404 = tpu.memref_slice %arg3[%dma_wait3A_1402, %dma_wait3A_1403] : memref<1000000x64xf32, #tpu.memory_space<hbm>> -> memref<8x64xf32, #tpu.memory_space<hbm>>
      tpu.wait_dma2 semaphore(%arg20 : memref<!tpu.dma_semaphore, #tpu.memory_space<semaphore_mem>>) src(%dma_wait3A_1404 : memref<8x64xf32, #tpu.memory_space<hbm>>) dst(%dma_wait3A_1401 : memref<8x64xf32, #tpu.memory_space<vmem>>)
      %slice3A_1405 = vector.extract_strided_slice %get3A_1216 {offsets = [9], sizes = [1], strides = [1]} : vector<16xi32> to vector<1xi32>
      %squeeze3A_1406 = vector.extract %slice3A_1405[0] : i32 from vector<1xi32>
      %get3A_1407 = arith.constant 9 : i32
      %get3A_1408 = arith.index_cast %get3A_1407 : i32 to index
      %get3A_1409 = arith.index_cast %squeeze3A_1406 : i32 to index
      %get3A_1410 = arith.constant 0 : index
      %get3A_1411 = tpu.vector_load %arg9[%get3A_1408, %get3A_1409, %get3A_1410] {strides = array<i32>} : memref<16x8x64xf32, #tpu.memory_space<vmem>>, vector<1x1x16xf32>,
      %get3A_1412 = vector.shape_cast %get3A_1411 : vector<1x1x16xf32> to vector<16xf32>
      %add3A_1413 = arith.addf %add3A_1368, %get3A_1412 : vector<16xf32>
      %get3A_1414 = arith.constant 9 : i32
      %get3A_1415 = arith.index_cast %get3A_1414 : i32 to index
      %get3A_1416 = arith.index_cast %squeeze3A_1406 : i32 to index
      %get3A_1417 = arith.constant 16 : index
      %get3A_1418 = tpu.vector_load %arg9[%get3A_1415, %get3A_1416, %get3A_1417] {strides = array<i32>} : memref<16x8x64xf32, #tpu.memory_space<vmem>>, vector<1x1x16xf32>,
      %get3A_1419 = vector.shape_cast %get3A_1418 : vector<1x1x16xf32> to vector<16xf32>
      %add3A_1420 = arith.addf %add3A_1375, %get3A_1419 : vector<16xf32>
      %get3A_1421 = arith.constant 9 : i32
      %get3A_1422 = arith.index_cast %get3A_1421 : i32 to index
      %get3A_1423 = arith.index_cast %squeeze3A_1406 : i32 to index
      %get3A_1424 = arith.constant 32 : index
      %get3A_1425 = tpu.vector_load %arg9[%get3A_1422, %get3A_1423, %get3A_1424] {strides = array<i32>} : memref<16x8x64xf32, #tpu.memory_space<vmem>>, vector<1x1x16xf32>,
      %get3A_1426 = vector.shape_cast %get3A_1425 : vector<1x1x16xf32> to vector<16xf32>
      %add3A_1427 = arith.addf %add3A_1382, %get3A_1426 : vector<16xf32>
      %get3A_1428 = arith.constant 9 : i32
      %get3A_1429 = arith.index_cast %get3A_1428 : i32 to index
      %get3A_1430 = arith.index_cast %squeeze3A_1406 : i32 to index
      %get3A_1431 = arith.constant 48 : index
      %get3A_1432 = tpu.vector_load %arg9[%get3A_1429, %get3A_1430, %get3A_1431] {strides = array<i32>} : memref<16x8x64xf32, #tpu.memory_space<vmem>>, vector<1x1x16xf32>,
      %get3A_1433 = vector.shape_cast %get3A_1432 : vector<1x1x16xf32> to vector<16xf32>
      %add3A_1434 = arith.addf %add3A_1389, %get3A_1433 : vector<16xf32>
      %dma_wait3A_1435 = arith.constant 10 : i32
      %dma_wait3A_1436 = arith.constant 0 : i32
      %dma_wait3A_1437 = arith.constant 0 : i32
      %dma_wait3A_1438 = tpu.memref_slice %arg9[%dma_wait3A_1435, %dma_wait3A_1436, %dma_wait3A_1437] : memref<16x8x64xf32, #tpu.memory_space<vmem>> -> memref<1x8x64xf32, #tpu.memory_space<vmem>>
      %dma_wait3A_1439 = tpu.memref_squeeze %dma_wait3A_1438 : memref<1x8x64xf32, #tpu.memory_space<vmem>> -> memref<8x64xf32, #tpu.memory_space<vmem>>
      %dma_wait3A_1440 = arith.constant 0 : i32
      %dma_wait3A_1441 = arith.constant 0 : i32
      %dma_wait3A_1442 = tpu.memref_slice %arg3[%dma_wait3A_1440, %dma_wait3A_1441] : memref<1000000x64xf32, #tpu.memory_space<hbm>> -> memref<8x64xf32, #tpu.memory_space<hbm>>
      %dma_wait3A_1443 = arith.constant 0 : i32
      %dma_wait3A_1444 = arith.constant 0 : i32
      %dma_wait3A_1445 = tpu.memref_slice %arg9[%dma_wait3A_1435, %dma_wait3A_1443, %dma_wait3A_1444] : memref<16x8x64xf32, #tpu.memory_space<vmem>> -> memref<1x8x64xf32, #tpu.memory_space<vmem>>
      %dma_wait3A_1446 = tpu.memref_squeeze %dma_wait3A_1445 : memref<1x8x64xf32, #tpu.memory_space<vmem>> -> memref<8x64xf32, #tpu.memory_space<vmem>>
      %dma_wait3A_1447 = arith.constant 0 : i32
      %dma_wait3A_1448 = arith.constant 0 : i32
      %dma_wait3A_1449 = tpu.memref_slice %arg3[%dma_wait3A_1447, %dma_wait3A_1448] : memref<1000000x64xf32, #tpu.memory_space<hbm>> -> memref<8x64xf32, #tpu.memory_space<hbm>>
      tpu.wait_dma2 semaphore(%arg21 : memref<!tpu.dma_semaphore, #tpu.memory_space<semaphore_mem>>) src(%dma_wait3A_1449 : memref<8x64xf32, #tpu.memory_space<hbm>>) dst(%dma_wait3A_1446 : memref<8x64xf32, #tpu.memory_space<vmem>>)
      %slice3A_1450 = vector.extract_strided_slice %get3A_1216 {offsets = [10], sizes = [1], strides = [1]} : vector<16xi32> to vector<1xi32>
      %squeeze3A_1451 = vector.extract %slice3A_1450[0] : i32 from vector<1xi32>
      %get3A_1452 = arith.constant 10 : i32
      %get3A_1453 = arith.index_cast %get3A_1452 : i32 to index
      %get3A_1454 = arith.index_cast %squeeze3A_1451 : i32 to index
      %get3A_1455 = arith.constant 0 : index
      %get3A_1456 = tpu.vector_load %arg9[%get3A_1453, %get3A_1454, %get3A_1455] {strides = array<i32>} : memref<16x8x64xf32, #tpu.memory_space<vmem>>, vector<1x1x16xf32>,
      %get3A_1457 = vector.shape_cast %get3A_1456 : vector<1x1x16xf32> to vector<16xf32>
      %add3A_1458 = arith.addf %add3A_1413, %get3A_1457 : vector<16xf32>
      %get3A_1459 = arith.constant 10 : i32
      %get3A_1460 = arith.index_cast %get3A_1459 : i32 to index
      %get3A_1461 = arith.index_cast %squeeze3A_1451 : i32 to index
      %get3A_1462 = arith.constant 16 : index
      %get3A_1463 = tpu.vector_load %arg9[%get3A_1460, %get3A_1461, %get3A_1462] {strides = array<i32>} : memref<16x8x64xf32, #tpu.memory_space<vmem>>, vector<1x1x16xf32>,
      %get3A_1464 = vector.shape_cast %get3A_1463 : vector<1x1x16xf32> to vector<16xf32>
      %add3A_1465 = arith.addf %add3A_1420, %get3A_1464 : vector<16xf32>
      %get3A_1466 = arith.constant 10 : i32
      %get3A_1467 = arith.index_cast %get3A_1466 : i32 to index
      %get3A_1468 = arith.index_cast %squeeze3A_1451 : i32 to index
      %get3A_1469 = arith.constant 32 : index
      %get3A_1470 = tpu.vector_load %arg9[%get3A_1467, %get3A_1468, %get3A_1469] {strides = array<i32>} : memref<16x8x64xf32, #tpu.memory_space<vmem>>, vector<1x1x16xf32>,
      %get3A_1471 = vector.shape_cast %get3A_1470 : vector<1x1x16xf32> to vector<16xf32>
      %add3A_1472 = arith.addf %add3A_1427, %get3A_1471 : vector<16xf32>
      %get3A_1473 = arith.constant 10 : i32
      %get3A_1474 = arith.index_cast %get3A_1473 : i32 to index
      %get3A_1475 = arith.index_cast %squeeze3A_1451 : i32 to index
      %get3A_1476 = arith.constant 48 : index
      %get3A_1477 = tpu.vector_load %arg9[%get3A_1474, %get3A_1475, %get3A_1476] {strides = array<i32>} : memref<16x8x64xf32, #tpu.memory_space<vmem>>, vector<1x1x16xf32>,
      %get3A_1478 = vector.shape_cast %get3A_1477 : vector<1x1x16xf32> to vector<16xf32>
      %add3A_1479 = arith.addf %add3A_1434, %get3A_1478 : vector<16xf32>
      %dma_wait3A_1480 = arith.constant 11 : i32
      %dma_wait3A_1481 = arith.constant 0 : i32
      %dma_wait3A_1482 = arith.constant 0 : i32
      %dma_wait3A_1483 = tpu.memref_slice %arg9[%dma_wait3A_1480, %dma_wait3A_1481, %dma_wait3A_1482] : memref<16x8x64xf32, #tpu.memory_space<vmem>> -> memref<1x8x64xf32, #tpu.memory_space<vmem>>
      %dma_wait3A_1484 = tpu.memref_squeeze %dma_wait3A_1483 : memref<1x8x64xf32, #tpu.memory_space<vmem>> -> memref<8x64xf32, #tpu.memory_space<vmem>>
      %dma_wait3A_1485 = arith.constant 0 : i32
      %dma_wait3A_1486 = arith.constant 0 : i32
      %dma_wait3A_1487 = tpu.memref_slice %arg3[%dma_wait3A_1485, %dma_wait3A_1486] : memref<1000000x64xf32, #tpu.memory_space<hbm>> -> memref<8x64xf32, #tpu.memory_space<hbm>>
      %dma_wait3A_1488 = arith.constant 0 : i32
      %dma_wait3A_1489 = arith.constant 0 : i32
      %dma_wait3A_1490 = tpu.memref_slice %arg9[%dma_wait3A_1480, %dma_wait3A_1488, %dma_wait3A_1489] : memref<16x8x64xf32, #tpu.memory_space<vmem>> -> memref<1x8x64xf32, #tpu.memory_space<vmem>>
      %dma_wait3A_1491 = tpu.memref_squeeze %dma_wait3A_1490 : memref<1x8x64xf32, #tpu.memory_space<vmem>> -> memref<8x64xf32, #tpu.memory_space<vmem>>
      %dma_wait3A_1492 = arith.constant 0 : i32
      %dma_wait3A_1493 = arith.constant 0 : i32
      %dma_wait3A_1494 = tpu.memref_slice %arg3[%dma_wait3A_1492, %dma_wait3A_1493] : memref<1000000x64xf32, #tpu.memory_space<hbm>> -> memref<8x64xf32, #tpu.memory_space<hbm>>
      tpu.wait_dma2 semaphore(%arg22 : memref<!tpu.dma_semaphore, #tpu.memory_space<semaphore_mem>>) src(%dma_wait3A_1494 : memref<8x64xf32, #tpu.memory_space<hbm>>) dst(%dma_wait3A_1491 : memref<8x64xf32, #tpu.memory_space<vmem>>)
      %slice3A_1495 = vector.extract_strided_slice %get3A_1216 {offsets = [11], sizes = [1], strides = [1]} : vector<16xi32> to vector<1xi32>
      %squeeze3A_1496 = vector.extract %slice3A_1495[0] : i32 from vector<1xi32>
      %get3A_1497 = arith.constant 11 : i32
      %get3A_1498 = arith.index_cast %get3A_1497 : i32 to index
      %get3A_1499 = arith.index_cast %squeeze3A_1496 : i32 to index
      %get3A_1500 = arith.constant 0 : index
      %get3A_1501 = tpu.vector_load %arg9[%get3A_1498, %get3A_1499, %get3A_1500] {strides = array<i32>} : memref<16x8x64xf32, #tpu.memory_space<vmem>>, vector<1x1x16xf32>,
      %get3A_1502 = vector.shape_cast %get3A_1501 : vector<1x1x16xf32> to vector<16xf32>
      %add3A_1503 = arith.addf %add3A_1458, %get3A_1502 : vector<16xf32>
      %get3A_1504 = arith.constant 11 : i32
      %get3A_1505 = arith.index_cast %get3A_1504 : i32 to index
      %get3A_1506 = arith.index_cast %squeeze3A_1496 : i32 to index
      %get3A_1507 = arith.constant 16 : index
      %get3A_1508 = tpu.vector_load %arg9[%get3A_1505, %get3A_1506, %get3A_1507] {strides = array<i32>} : memref<16x8x64xf32, #tpu.memory_space<vmem>>, vector<1x1x16xf32>,
      %get3A_1509 = vector.shape_cast %get3A_1508 : vector<1x1x16xf32> to vector<16xf32>
      %add3A_1510 = arith.addf %add3A_1465, %get3A_1509 : vector<16xf32>
      %get3A_1511 = arith.constant 11 : i32
      %get3A_1512 = arith.index_cast %get3A_1511 : i32 to index
      %get3A_1513 = arith.index_cast %squeeze3A_1496 : i32 to index
      %get3A_1514 = arith.constant 32 : index
      %get3A_1515 = tpu.vector_load %arg9[%get3A_1512, %get3A_1513, %get3A_1514] {strides = array<i32>} : memref<16x8x64xf32, #tpu.memory_space<vmem>>, vector<1x1x16xf32>,
      %get3A_1516 = vector.shape_cast %get3A_1515 : vector<1x1x16xf32> to vector<16xf32>
      %add3A_1517 = arith.addf %add3A_1472, %get3A_1516 : vector<16xf32>
      %get3A_1518 = arith.constant 11 : i32
      %get3A_1519 = arith.index_cast %get3A_1518 : i32 to index
      %get3A_1520 = arith.index_cast %squeeze3A_1496 : i32 to index
      %get3A_1521 = arith.constant 48 : index
      %get3A_1522 = tpu.vector_load %arg9[%get3A_1519, %get3A_1520, %get3A_1521] {strides = array<i32>} : memref<16x8x64xf32, #tpu.memory_space<vmem>>, vector<1x1x16xf32>,
      %get3A_1523 = vector.shape_cast %get3A_1522 : vector<1x1x16xf32> to vector<16xf32>
      %add3A_1524 = arith.addf %add3A_1479, %get3A_1523 : vector<16xf32>
      %dma_wait3A_1525 = arith.constant 12 : i32
      %dma_wait3A_1526 = arith.constant 0 : i32
      %dma_wait3A_1527 = arith.constant 0 : i32
      %dma_wait3A_1528 = tpu.memref_slice %arg9[%dma_wait3A_1525, %dma_wait3A_1526, %dma_wait3A_1527] : memref<16x8x64xf32, #tpu.memory_space<vmem>> -> memref<1x8x64xf32, #tpu.memory_space<vmem>>
      %dma_wait3A_1529 = tpu.memref_squeeze %dma_wait3A_1528 : memref<1x8x64xf32, #tpu.memory_space<vmem>> -> memref<8x64xf32, #tpu.memory_space<vmem>>
      %dma_wait3A_1530 = arith.constant 0 : i32
      %dma_wait3A_1531 = arith.constant 0 : i32
      %dma_wait3A_1532 = tpu.memref_slice %arg3[%dma_wait3A_1530, %dma_wait3A_1531] : memref<1000000x64xf32, #tpu.memory_space<hbm>> -> memref<8x64xf32, #tpu.memory_space<hbm>>
      %dma_wait3A_1533 = arith.constant 0 : i32
      %dma_wait3A_1534 = arith.constant 0 : i32
      %dma_wait3A_1535 = tpu.memref_slice %arg9[%dma_wait3A_1525, %dma_wait3A_1533, %dma_wait3A_1534] : memref<16x8x64xf32, #tpu.memory_space<vmem>> -> memref<1x8x64xf32, #tpu.memory_space<vmem>>
      %dma_wait3A_1536 = tpu.memref_squeeze %dma_wait3A_1535 : memref<1x8x64xf32, #tpu.memory_space<vmem>> -> memref<8x64xf32, #tpu.memory_space<vmem>>
      %dma_wait3A_1537 = arith.constant 0 : i32
      %dma_wait3A_1538 = arith.constant 0 : i32
      %dma_wait3A_1539 = tpu.memref_slice %arg3[%dma_wait3A_1537, %dma_wait3A_1538] : memref<1000000x64xf32, #tpu.memory_space<hbm>> -> memref<8x64xf32, #tpu.memory_space<hbm>>
      tpu.wait_dma2 semaphore(%arg23 : memref<!tpu.dma_semaphore, #tpu.memory_space<semaphore_mem>>) src(%dma_wait3A_1539 : memref<8x64xf32, #tpu.memory_space<hbm>>) dst(%dma_wait3A_1536 : memref<8x64xf32, #tpu.memory_space<vmem>>)
      %slice3A_1540 = vector.extract_strided_slice %get3A_1216 {offsets = [12], sizes = [1], strides = [1]} : vector<16xi32> to vector<1xi32>
      %squeeze3A_1541 = vector.extract %slice3A_1540[0] : i32 from vector<1xi32>
      %get3A_1542 = arith.constant 12 : i32
      %get3A_1543 = arith.index_cast %get3A_1542 : i32 to index
      %get3A_1544 = arith.index_cast %squeeze3A_1541 : i32 to index
      %get3A_1545 = arith.constant 0 : index
      %get3A_1546 = tpu.vector_load %arg9[%get3A_1543, %get3A_1544, %get3A_1545] {strides = array<i32>} : memref<16x8x64xf32, #tpu.memory_space<vmem>>, vector<1x1x16xf32>,
      %get3A_1547 = vector.shape_cast %get3A_1546 : vector<1x1x16xf32> to vector<16xf32>
      %add3A_1548 = arith.addf %add3A_1503, %get3A_1547 : vector<16xf32>
      %get3A_1549 = arith.constant 12 : i32
      %get3A_1550 = arith.index_cast %get3A_1549 : i32 to index
      %get3A_1551 = arith.index_cast %squeeze3A_1541 : i32 to index
      %get3A_1552 = arith.constant 16 : index
      %get3A_1553 = tpu.vector_load %arg9[%get3A_1550, %get3A_1551, %get3A_1552] {strides = array<i32>} : memref<16x8x64xf32, #tpu.memory_space<vmem>>, vector<1x1x16xf32>,
      %get3A_1554 = vector.shape_cast %get3A_1553 : vector<1x1x16xf32> to vector<16xf32>
      %add3A_1555 = arith.addf %add3A_1510, %get3A_1554 : vector<16xf32>
      %get3A_1556 = arith.constant 12 : i32
      %get3A_1557 = arith.index_cast %get3A_1556 : i32 to index
      %get3A_1558 = arith.index_cast %squeeze3A_1541 : i32 to index
      %get3A_1559 = arith.constant 32 : index
      %get3A_1560 = tpu.vector_load %arg9[%get3A_1557, %get3A_1558, %get3A_1559] {strides = array<i32>} : memref<16x8x64xf32, #tpu.memory_space<vmem>>, vector<1x1x16xf32>,
      %get3A_1561 = vector.shape_cast %get3A_1560 : vector<1x1x16xf32> to vector<16xf32>
      %add3A_1562 = arith.addf %add3A_1517, %get3A_1561 : vector<16xf32>
      %get3A_1563 = arith.constant 12 : i32
      %get3A_1564 = arith.index_cast %get3A_1563 : i32 to index
      %get3A_1565 = arith.index_cast %squeeze3A_1541 : i32 to index
      %get3A_1566 = arith.constant 48 : index
      %get3A_1567 = tpu.vector_load %arg9[%get3A_1564, %get3A_1565, %get3A_1566] {strides = array<i32>} : memref<16x8x64xf32, #tpu.memory_space<vmem>>, vector<1x1x16xf32>,
      %get3A_1568 = vector.shape_cast %get3A_1567 : vector<1x1x16xf32> to vector<16xf32>
      %add3A_1569 = arith.addf %add3A_1524, %get3A_1568 : vector<16xf32>
      %dma_wait3A_1570 = arith.constant 13 : i32
      %dma_wait3A_1571 = arith.constant 0 : i32
      %dma_wait3A_1572 = arith.constant 0 : i32
      %dma_wait3A_1573 = tpu.memref_slice %arg9[%dma_wait3A_1570, %dma_wait3A_1571, %dma_wait3A_1572] : memref<16x8x64xf32, #tpu.memory_space<vmem>> -> memref<1x8x64xf32, #tpu.memory_space<vmem>>
      %dma_wait3A_1574 = tpu.memref_squeeze %dma_wait3A_1573 : memref<1x8x64xf32, #tpu.memory_space<vmem>> -> memref<8x64xf32, #tpu.memory_space<vmem>>
      %dma_wait3A_1575 = arith.constant 0 : i32
      %dma_wait3A_1576 = arith.constant 0 : i32
      %dma_wait3A_1577 = tpu.memref_slice %arg3[%dma_wait3A_1575, %dma_wait3A_1576] : memref<1000000x64xf32, #tpu.memory_space<hbm>> -> memref<8x64xf32, #tpu.memory_space<hbm>>
      %dma_wait3A_1578 = arith.constant 0 : i32
      %dma_wait3A_1579 = arith.constant 0 : i32
      %dma_wait3A_1580 = tpu.memref_slice %arg9[%dma_wait3A_1570, %dma_wait3A_1578, %dma_wait3A_1579] : memref<16x8x64xf32, #tpu.memory_space<vmem>> -> memref<1x8x64xf32, #tpu.memory_space<vmem>>
      %dma_wait3A_1581 = tpu.memref_squeeze %dma_wait3A_1580 : memref<1x8x64xf32, #tpu.memory_space<vmem>> -> memref<8x64xf32, #tpu.memory_space<vmem>>
      %dma_wait3A_1582 = arith.constant 0 : i32
      %dma_wait3A_1583 = arith.constant 0 : i32
      %dma_wait3A_1584 = tpu.memref_slice %arg3[%dma_wait3A_1582, %dma_wait3A_1583] : memref<1000000x64xf32, #tpu.memory_space<hbm>> -> memref<8x64xf32, #tpu.memory_space<hbm>>
      tpu.wait_dma2 semaphore(%arg24 : memref<!tpu.dma_semaphore, #tpu.memory_space<semaphore_mem>>) src(%dma_wait3A_1584 : memref<8x64xf32, #tpu.memory_space<hbm>>) dst(%dma_wait3A_1581 : memref<8x64xf32, #tpu.memory_space<vmem>>)
      %slice3A_1585 = vector.extract_strided_slice %get3A_1216 {offsets = [13], sizes = [1], strides = [1]} : vector<16xi32> to vector<1xi32>
      %squeeze3A_1586 = vector.extract %slice3A_1585[0] : i32 from vector<1xi32>
      %get3A_1587 = arith.constant 13 : i32
      %get3A_1588 = arith.index_cast %get3A_1587 : i32 to index
      %get3A_1589 = arith.index_cast %squeeze3A_1586 : i32 to index
      %get3A_1590 = arith.constant 0 : index
      %get3A_1591 = tpu.vector_load %arg9[%get3A_1588, %get3A_1589, %get3A_1590] {strides = array<i32>} : memref<16x8x64xf32, #tpu.memory_space<vmem>>, vector<1x1x16xf32>,
      %get3A_1592 = vector.shape_cast %get3A_1591 : vector<1x1x16xf32> to vector<16xf32>
      %add3A_1593 = arith.addf %add3A_1548, %get3A_1592 : vector<16xf32>
      %get3A_1594 = arith.constant 13 : i32
      %get3A_1595 = arith.index_cast %get3A_1594 : i32 to index
      %get3A_1596 = arith.index_cast %squeeze3A_1586 : i32 to index
      %get3A_1597 = arith.constant 16 : index
      %get3A_1598 = tpu.vector_load %arg9[%get3A_1595, %get3A_1596, %get3A_1597] {strides = array<i32>} : memref<16x8x64xf32, #tpu.memory_space<vmem>>, vector<1x1x16xf32>,
      %get3A_1599 = vector.shape_cast %get3A_1598 : vector<1x1x16xf32> to vector<16xf32>
      %add3A_1600 = arith.addf %add3A_1555, %get3A_1599 : vector<16xf32>
      %get3A_1601 = arith.constant 13 : i32
      %get3A_1602 = arith.index_cast %get3A_1601 : i32 to index
      %get3A_1603 = arith.index_cast %squeeze3A_1586 : i32 to index
      %get3A_1604 = arith.constant 32 : index
      %get3A_1605 = tpu.vector_load %arg9[%get3A_1602, %get3A_1603, %get3A_1604] {strides = array<i32>} : memref<16x8x64xf32, #tpu.memory_space<vmem>>, vector<1x1x16xf32>,
      %get3A_1606 = vector.shape_cast %get3A_1605 : vector<1x1x16xf32> to vector<16xf32>
      %add3A_1607 = arith.addf %add3A_1562, %get3A_1606 : vector<16xf32>
      %get3A_1608 = arith.constant 13 : i32
      %get3A_1609 = arith.index_cast %get3A_1608 : i32 to index
      %get3A_1610 = arith.index_cast %squeeze3A_1586 : i32 to index
      %get3A_1611 = arith.constant 48 : index
      %get3A_1612 = tpu.vector_load %arg9[%get3A_1609, %get3A_1610, %get3A_1611] {strides = array<i32>} : memref<16x8x64xf32, #tpu.memory_space<vmem>>, vector<1x1x16xf32>,
      %get3A_1613 = vector.shape_cast %get3A_1612 : vector<1x1x16xf32> to vector<16xf32>
      %add3A_1614 = arith.addf %add3A_1569, %get3A_1613 : vector<16xf32>
      %dma_wait3A_1615 = arith.constant 14 : i32
      %dma_wait3A_1616 = arith.constant 0 : i32
      %dma_wait3A_1617 = arith.constant 0 : i32
      %dma_wait3A_1618 = tpu.memref_slice %arg9[%dma_wait3A_1615, %dma_wait3A_1616, %dma_wait3A_1617] : memref<16x8x64xf32, #tpu.memory_space<vmem>> -> memref<1x8x64xf32, #tpu.memory_space<vmem>>
      %dma_wait3A_1619 = tpu.memref_squeeze %dma_wait3A_1618 : memref<1x8x64xf32, #tpu.memory_space<vmem>> -> memref<8x64xf32, #tpu.memory_space<vmem>>
      %dma_wait3A_1620 = arith.constant 0 : i32
      %dma_wait3A_1621 = arith.constant 0 : i32
      %dma_wait3A_1622 = tpu.memref_slice %arg3[%dma_wait3A_1620, %dma_wait3A_1621] : memref<1000000x64xf32, #tpu.memory_space<hbm>> -> memref<8x64xf32, #tpu.memory_space<hbm>>
      %dma_wait3A_1623 = arith.constant 0 : i32
      %dma_wait3A_1624 = arith.constant 0 : i32
      %dma_wait3A_1625 = tpu.memref_slice %arg9[%dma_wait3A_1615, %dma_wait3A_1623, %dma_wait3A_1624] : memref<16x8x64xf32, #tpu.memory_space<vmem>> -> memref<1x8x64xf32, #tpu.memory_space<vmem>>
      %dma_wait3A_1626 = tpu.memref_squeeze %dma_wait3A_1625 : memref<1x8x64xf32, #tpu.memory_space<vmem>> -> memref<8x64xf32, #tpu.memory_space<vmem>>
      %dma_wait3A_1627 = arith.constant 0 : i32
      %dma_wait3A_1628 = arith.constant 0 : i32
      %dma_wait3A_1629 = tpu.memref_slice %arg3[%dma_wait3A_1627, %dma_wait3A_1628] : memref<1000000x64xf32, #tpu.memory_space<hbm>> -> memref<8x64xf32, #tpu.memory_space<hbm>>
      tpu.wait_dma2 semaphore(%arg25 : memref<!tpu.dma_semaphore, #tpu.memory_space<semaphore_mem>>) src(%dma_wait3A_1629 : memref<8x64xf32, #tpu.memory_space<hbm>>) dst(%dma_wait3A_1626 : memref<8x64xf32, #tpu.memory_space<vmem>>)
      %slice3A_1630 = vector.extract_strided_slice %get3A_1216 {offsets = [14], sizes = [1], strides = [1]} : vector<16xi32> to vector<1xi32>
      %squeeze3A_1631 = vector.extract %slice3A_1630[0] : i32 from vector<1xi32>
      %get3A_1632 = arith.constant 14 : i32
      %get3A_1633 = arith.index_cast %get3A_1632 : i32 to index
      %get3A_1634 = arith.index_cast %squeeze3A_1631 : i32 to index
      %get3A_1635 = arith.constant 0 : index
      %get3A_1636 = tpu.vector_load %arg9[%get3A_1633, %get3A_1634, %get3A_1635] {strides = array<i32>} : memref<16x8x64xf32, #tpu.memory_space<vmem>>, vector<1x1x16xf32>,
      %get3A_1637 = vector.shape_cast %get3A_1636 : vector<1x1x16xf32> to vector<16xf32>
      %add3A_1638 = arith.addf %add3A_1593, %get3A_1637 : vector<16xf32>
      %get3A_1639 = arith.constant 14 : i32
      %get3A_1640 = arith.index_cast %get3A_1639 : i32 to index
      %get3A_1641 = arith.index_cast %squeeze3A_1631 : i32 to index
      %get3A_1642 = arith.constant 16 : index
      %get3A_1643 = tpu.vector_load %arg9[%get3A_1640, %get3A_1641, %get3A_1642] {strides = array<i32>} : memref<16x8x64xf32, #tpu.memory_space<vmem>>, vector<1x1x16xf32>,
      %get3A_1644 = vector.shape_cast %get3A_1643 : vector<1x1x16xf32> to vector<16xf32>
      %add3A_1645 = arith.addf %add3A_1600, %get3A_1644 : vector<16xf32>
      %get3A_1646 = arith.constant 14 : i32
      %get3A_1647 = arith.index_cast %get3A_1646 : i32 to index
      %get3A_1648 = arith.index_cast %squeeze3A_1631 : i32 to index
      %get3A_1649 = arith.constant 32 : index
      %get3A_1650 = tpu.vector_load %arg9[%get3A_1647, %get3A_1648, %get3A_1649] {strides = array<i32>} : memref<16x8x64xf32, #tpu.memory_space<vmem>>, vector<1x1x16xf32>,
      %get3A_1651 = vector.shape_cast %get3A_1650 : vector<1x1x16xf32> to vector<16xf32>
      %add3A_1652 = arith.addf %add3A_1607, %get3A_1651 : vector<16xf32>
      %get3A_1653 = arith.constant 14 : i32
      %get3A_1654 = arith.index_cast %get3A_1653 : i32 to index
      %get3A_1655 = arith.index_cast %squeeze3A_1631 : i32 to index
      %get3A_1656 = arith.constant 48 : index
      %get3A_1657 = tpu.vector_load %arg9[%get3A_1654, %get3A_1655, %get3A_1656] {strides = array<i32>} : memref<16x8x64xf32, #tpu.memory_space<vmem>>, vector<1x1x16xf32>,
      %get3A_1658 = vector.shape_cast %get3A_1657 : vector<1x1x16xf32> to vector<16xf32>
      %add3A_1659 = arith.addf %add3A_1614, %get3A_1658 : vector<16xf32>
      %dma_wait3A_1660 = arith.constant 15 : i32
      %dma_wait3A_1661 = arith.constant 0 : i32
      %dma_wait3A_1662 = arith.constant 0 : i32
      %dma_wait3A_1663 = tpu.memref_slice %arg9[%dma_wait3A_1660, %dma_wait3A_1661, %dma_wait3A_1662] : memref<16x8x64xf32, #tpu.memory_space<vmem>> -> memref<1x8x64xf32, #tpu.memory_space<vmem>>
      %dma_wait3A_1664 = tpu.memref_squeeze %dma_wait3A_1663 : memref<1x8x64xf32, #tpu.memory_space<vmem>> -> memref<8x64xf32, #tpu.memory_space<vmem>>
      %dma_wait3A_1665 = arith.constant 0 : i32
      %dma_wait3A_1666 = arith.constant 0 : i32
      %dma_wait3A_1667 = tpu.memref_slice %arg3[%dma_wait3A_1665, %dma_wait3A_1666] : memref<1000000x64xf32, #tpu.memory_space<hbm>> -> memref<8x64xf32, #tpu.memory_space<hbm>>
      %dma_wait3A_1668 = arith.constant 0 : i32
      %dma_wait3A_1669 = arith.constant 0 : i32
      %dma_wait3A_1670 = tpu.memref_slice %arg9[%dma_wait3A_1660, %dma_wait3A_1668, %dma_wait3A_1669] : memref<16x8x64xf32, #tpu.memory_space<vmem>> -> memref<1x8x64xf32, #tpu.memory_space<vmem>>
      %dma_wait3A_1671 = tpu.memref_squeeze %dma_wait3A_1670 : memref<1x8x64xf32, #tpu.memory_space<vmem>> -> memref<8x64xf32, #tpu.memory_space<vmem>>
      %dma_wait3A_1672 = arith.constant 0 : i32
      %dma_wait3A_1673 = arith.constant 0 : i32
      %dma_wait3A_1674 = tpu.memref_slice %arg3[%dma_wait3A_1672, %dma_wait3A_1673] : memref<1000000x64xf32, #tpu.memory_space<hbm>> -> memref<8x64xf32, #tpu.memory_space<hbm>>
      tpu.wait_dma2 semaphore(%arg26 : memref<!tpu.dma_semaphore, #tpu.memory_space<semaphore_mem>>) src(%dma_wait3A_1674 : memref<8x64xf32, #tpu.memory_space<hbm>>) dst(%dma_wait3A_1671 : memref<8x64xf32, #tpu.memory_space<vmem>>)
      %slice3A_1675 = vector.extract_strided_slice %get3A_1216 {offsets = [15], sizes = [1], strides = [1]} : vector<16xi32> to vector<1xi32>
      %squeeze3A_1676 = vector.extract %slice3A_1675[0] : i32 from vector<1xi32>
      %get3A_1677 = arith.constant 15 : i32
      %get3A_1678 = arith.index_cast %get3A_1677 : i32 to index
      %get3A_1679 = arith.index_cast %squeeze3A_1676 : i32 to index
      %get3A_1680 = arith.constant 0 : index
      %get3A_1681 = tpu.vector_load %arg9[%get3A_1678, %get3A_1679, %get3A_1680] {strides = array<i32>} : memref<16x8x64xf32, #tpu.memory_space<vmem>>, vector<1x1x16xf32>,
      %get3A_1682 = vector.shape_cast %get3A_1681 : vector<1x1x16xf32> to vector<16xf32>
      %add3A_1683 = arith.addf %add3A_1638, %get3A_1682 : vector<16xf32>
      %get3A_1684 = arith.constant 15 : i32
      %get3A_1685 = arith.index_cast %get3A_1684 : i32 to index
      %get3A_1686 = arith.index_cast %squeeze3A_1676 : i32 to index
      %get3A_1687 = arith.constant 16 : index
      %get3A_1688 = tpu.vector_load %arg9[%get3A_1685, %get3A_1686, %get3A_1687] {strides = array<i32>} : memref<16x8x64xf32, #tpu.memory_space<vmem>>, vector<1x1x16xf32>,
      %get3A_1689 = vector.shape_cast %get3A_1688 : vector<1x1x16xf32> to vector<16xf32>
      %add3A_1690 = arith.addf %add3A_1645, %get3A_1689 : vector<16xf32>
      %get3A_1691 = arith.constant 15 : i32
      %get3A_1692 = arith.index_cast %get3A_1691 : i32 to index
      %get3A_1693 = arith.index_cast %squeeze3A_1676 : i32 to index
      %get3A_1694 = arith.constant 32 : index
      %get3A_1695 = tpu.vector_load %arg9[%get3A_1692, %get3A_1693, %get3A_1694] {strides = array<i32>} : memref<16x8x64xf32, #tpu.memory_space<vmem>>, vector<1x1x16xf32>,
      %get3A_1696 = vector.shape_cast %get3A_1695 : vector<1x1x16xf32> to vector<16xf32>
      %add3A_1697 = arith.addf %add3A_1652, %get3A_1696 : vector<16xf32>
      %get3A_1698 = arith.constant 15 : i32
      %get3A_1699 = arith.index_cast %get3A_1698 : i32 to index
      %get3A_1700 = arith.index_cast %squeeze3A_1676 : i32 to index
      %get3A_1701 = arith.constant 48 : index
      %get3A_1702 = tpu.vector_load %arg9[%get3A_1699, %get3A_1700, %get3A_1701] {strides = array<i32>} : memref<16x8x64xf32, #tpu.memory_space<vmem>>, vector<1x1x16xf32>,
      %get3A_1703 = vector.shape_cast %get3A_1702 : vector<1x1x16xf32> to vector<16xf32>
      %add3A_1704 = arith.addf %add3A_1659, %get3A_1703 : vector<16xf32>
      %swap3A_1705 = arith.constant 0 : index
      %swap3A_1706 = tpu.vector_load %arg10[%swap3A_1705] {strides = array<i32>} : memref<64xf32, #tpu.memory_space<vmem>>, vector<16xf32>,
      %swap3A_1707 = vector.shape_cast %swap3A_1706 : vector<16xf32> to vector<16xf32>
      %swap3A_1708 = vector.shape_cast %add3A_1683 : vector<16xf32> to vector<16xf32>
      tpu.vector_store %arg10[%swap3A_1705], %swap3A_1708 {strides = array<i32>} : memref<64xf32, #tpu.memory_space<vmem>>, vector<16xf32>,
      %swap3A_1709 = arith.constant 16 : index
      %swap3A_1710 = tpu.vector_load %arg10[%swap3A_1709] {strides = array<i32>} : memref<64xf32, #tpu.memory_space<vmem>>, vector<16xf32>,
      %swap3A_1711 = vector.shape_cast %swap3A_1710 : vector<16xf32> to vector<16xf32>
      %swap3A_1712 = vector.shape_cast %add3A_1690 : vector<16xf32> to vector<16xf32>
      tpu.vector_store %arg10[%swap3A_1709], %swap3A_1712 {strides = array<i32>} : memref<64xf32, #tpu.memory_space<vmem>>, vector<16xf32>,
      %swap3A_1713 = arith.constant 32 : index
      %swap3A_1714 = tpu.vector_load %arg10[%swap3A_1713] {strides = array<i32>} : memref<64xf32, #tpu.memory_space<vmem>>, vector<16xf32>,
      %swap3A_1715 = vector.shape_cast %swap3A_1714 : vector<16xf32> to vector<16xf32>
      %swap3A_1716 = vector.shape_cast %add3A_1697 : vector<16xf32> to vector<16xf32>
      tpu.vector_store %arg10[%swap3A_1713], %swap3A_1716 {strides = array<i32>} : memref<64xf32, #tpu.memory_space<vmem>>, vector<16xf32>,
      %swap3A_1717 = arith.constant 48 : index
      %swap3A_1718 = tpu.vector_load %arg10[%swap3A_1717] {strides = array<i32>} : memref<64xf32, #tpu.memory_space<vmem>>, vector<16xf32>,
      %swap3A_1719 = vector.shape_cast %swap3A_1718 : vector<16xf32> to vector<16xf32>
      %swap3A_1720 = vector.shape_cast %add3A_1704 : vector<16xf32> to vector<16xf32>
      tpu.vector_store %arg10[%swap3A_1717], %swap3A_1720 {strides = array<i32>} : memref<64xf32, #tpu.memory_space<vmem>>, vector<16xf32>,
      "tpu.region"() ({
        %run_scoped3A = tpu.sem_alloc : memref<!tpu.dma_semaphore, #tpu.memory_space<semaphore_mem>>
        tpu.enqueue_dma source(%arg10 : memref<64xf32, #tpu.memory_space<vmem>>) target(%arg4 : memref<64xf32, #tpu.memory_space<hbm>>) target_semaphore(%run_scoped3A : memref<!tpu.dma_semaphore, #tpu.memory_space<semaphore_mem>>)
        tpu.wait_dma2 semaphore(%run_scoped3A : memref<!tpu.dma_semaphore, #tpu.memory_space<semaphore_mem>>) src(%arg10 : memref<64xf32, #tpu.memory_space<vmem>>) dst(%arg4 : memref<64xf32, #tpu.memory_space<hbm>>)
        tpu.yield
      }) : () -> ()
    } else {
    }
    return
  }
}

module attributes {stable_mosaic.version = 14 : i64} {
  func.func @_proj_body(%arg0: i32, %arg1: memref<1x64xf32, #tpu.memory_space<vmem>>, %arg2: memref<8192x64xf32, #tpu.memory_space<vmem>>, %arg3: memref<8192xf32, #tpu.memory_space<vmem>>, %arg4: memref<1x8192xf32, #tpu.memory_space<vmem>>) attributes {dimension_semantics = [#tpu.dimension_semantics<arbitrary>], iteration_bounds = array<i64: 123>, scalar_prefetch = 0 : i64, scratch_operands = 0 : i64, tpu.core_type = #tpu.core_type<tc>, window_params = [{pipeline_mode = #tpu.pipeline_mode<synchronous>, transform_indices = @transform_0, window_bounds = array<i64: 1, 64>}, {transform_indices = @transform_1, window_bounds = array<i64: 8192, 64>}, {transform_indices = @transform_2, window_bounds = array<i64: 8192>}, {transform_indices = @transform_3, window_bounds = array<i64: 1, 8192>}]} {
    %get3A = arith.constant 0 : index
    %get3A_0 = arith.constant 0 : index
    %get3A_1 = vector.load %arg1[%get3A, %get3A_0] : memref<1x64xf32, #tpu.memory_space<vmem>>, vector<1x64xf32>
    %get3A_2 = arith.constant 0 : index
    %get3A_3 = arith.constant 0 : index
    %get3A_4 = vector.load %arg2[%get3A_2, %get3A_3] : memref<8192x64xf32, #tpu.memory_space<vmem>>, vector<8192x64xf32>
    %dot_general3A = arith.constant dense<0.000000e+00> : vector<1x8192xf32>
    %dot_general3A_5 = tpu.matmul %get3A_1, %get3A_4, %dot_general3A {dimension_numbers = #tpu.dot_dimension_numbers<[1], [1], [0], [0], [0, 0, 1, 0], [], []>, transpose_lhs_hint = false} : vector<1x64xf32>, vector<8192x64xf32>, vector<1x8192xf32> -> vector<1x8192xf32>
    %get3A_6 = arith.constant 0 : index
    %get3A_7 = vector.load %arg3[%get3A_6] : memref<8192xf32, #tpu.memory_space<vmem>>, vector<8192xf32>
    %broadcast_in_dim3A = vector.shape_cast %get3A_7 : vector<8192xf32> to vector<1x8192xf32>
    %add3A = arith.addf %dot_general3A_5, %broadcast_in_dim3A : vector<1x8192xf32>
    %swap3A = arith.constant 0 : index
    %swap3A_8 = arith.constant 0 : index
    %swap3A_9 = vector.load %arg4[%swap3A, %swap3A_8] : memref<1x8192xf32, #tpu.memory_space<vmem>>, vector<1x8192xf32>
    tpu.vector_store %arg4[%swap3A, %swap3A_8], %add3A {strides = array<i32>} : memref<1x8192xf32, #tpu.memory_space<vmem>>, vector<1x8192xf32>,
    return
  }
  func.func @transform_0(%arg0: i32) -> (i32, i32) {
    %c0_i32 = arith.constant 0 : i32
    %c0_i32_0 = arith.constant 0 : i32
    %c0_i32_1 = arith.constant 0 : i32
    return %c0_i32, %c0_i32_0 : i32, i32
  }
  func.func @transform_1(%arg0: i32) -> (i32, i32) {
    %c0_i32 = arith.constant 0 : i32
    %c0_i32_0 = arith.constant 0 : i32
    return %arg0, %c0_i32 : i32, i32
  }
  func.func @transform_2(%arg0: i32) -> i32 {
    %c0_i32 = arith.constant 0 : i32
    return %arg0 : i32
  }
  func.func @transform_3(%arg0: i32) -> (i32, i32) {
    %c0_i32 = arith.constant 0 : i32
    %c0_i32_0 = arith.constant 0 : i32
    return %c0_i32, %arg0 : i32, i32
  }
}

</mosaic_0001>

<sc_bundles>
// kernel: kernel.4.cloned.1.call-start
scs
__scs_entry_jumppad:
0x0: {  	(pc) =	sbr.rel $0x88, $3  }
0x1: {  	(tag) =	ssettag $0x0;
	lr =	simm.s32 $0x1  }
0x2: {  	[smem:$0x3F9D] =	sst lr;
	_ =	strace $0xD0000000  }
0x3: {  	_ = 	snop  }
0x4: {  	_ = 	snop  }
0x5: {  	_ = 	snop  }
0x6: {  	_ = 	snop  }
0x7: {  	_ = 	snop  }
__scs_overlays_trampoline_lowered:
0x8: {  	[smem:$0x3FAC] =	sst s0  }
0x9: {  	[smem:$0x3FAD] =	sst s1  }
0xa: {  	[smem:$0x3FAE] =	sst s2  }
0xb: {  	[smem:$0x3FAF] =	sst s3  }
0xc: {  	[smem:$0x3FB0] =	sst s4  }
0xd: {  	[smem:$0x3FB1] =	sst s5  }
0xe: {  	[smem:$0x3FB2] =	sst s6  }
0xf: {  	[smem:$0x3FB3] =	sst s7  }
0x10: {  	[smem:$0x3FB4] =	sst s8  }
0x11: {  	[smem:$0x3FB5] =	sst s9;
	s0 =	simm.s32 @!p0 $0x0  }
0x12: {  	s1 =	sld [smem:$0x3F9B];
	s0 =	simm.s32 @p0 $0x1  }
0x13: {  	[smem:$0x3FB6] =	sst s0;
	s0 =	simm.s32 @!p1 $0x0  }
0x14: {  	s2 =	sld [smem:$0x3F9A];
	s0 =	simm.s32 @p1 $0x1  }
0x15: {  	[smem:$0x3FB7] =	sst s0;
	s0 =	simm.s32 @!p2 $0x0  }
0x16: {  	s3 =	sld [smem:$0x3FDB];
	s0 =	simm.s32 @p2 $0x1  }
0x17: {  	s4 =	simm.s32 $0x1BF5;
	[smem:$0x3FB9] =	sst s0  }
0x18: {  	s0 =	sld [smem:$0x3F9C];
	_ =	swait.ge [sflag:s4], $0x0  }
0x19: {  	s7 =	sld [smem:$0x3F9D]  }
0x1a: {  	s8 =	sadd.s32 $0xFFFFE003, lr  }
0x1b: {  	s9 =	sadd.s32 $0xFFFFFEF7, lr;
	s5 =	simm.s32 $0xFFFFFFFF;
	p2 =	slt.u32 s8, $0xFFFFF086  }
0x1c: {  	p1 =	slt.u32 s9, $0xF7A;
	s5 =	simm.s32 @!p2 $0x0  }
0x1d: {  	s5 =	simm.s32 @p1 $0x1;
	p0 =	seq.s32 s7, s2  }
0x1e: {  	s7 =	smul.u32 @!p0 $0xF7A, s2;
	p2 =	seq.s32 @!p0 s5, $0x0  }
0x1f: {  	s9 =	smul.u32 $0xF7A, s1;
	s8 =	simm.s32 @!p0 $0x1BF5;
	p2 =	por !p2, p0  }
0x20: {  	[sflag:s8] =	ssyncset.s32 @!p0 $0xFFFFF086;
	s6 =	sadd.s32 @!p0 s3, s7;
	s7 =	simm.s32 @!p0 $0x108  }
0x21: {  	s3 =	sadd.s32 s3, s9;
	s6 =	sadd.s32 @!p0 $0x88, s6;
	s7 =	simm.s32 @p2 $0x1082  }
0x22: {  	[simem:s7], [sflag:s8] =	dma.local @!p0 [hbm:s6], $0xF7A  }
0x23: {  	s9 =	sor.u32 $0xD0000000, s2;
	s6 =	simm.s32 $0x108;
	_ =	swait.ge @!p0 [sflag:s8], $0x0  }
0x24: {  	s3 =	sadd.s32 $0x88, s3;
	s6 =	simm.s32 @!p1 $0x1082;
	[sflag:s4] =	ssyncset.s32 $0xFFFFF086  }
0x25: {  	[simem:s6], [sflag:s4] =	dma.local [hbm:s3], $0xF7A  }
0x26: {  	[smem:$0x3F9D] =	sst s1;
	(tag) =	ssettag s2;
	_ =	strace s9  }
0x27: {  	s1 =	sld [smem:$0x3FAD]  }
0x28: {  	s2 =	sld [smem:$0x3FAE]  }
0x29: {  	s4 =	sld [smem:$0x3FB0]  }
0x2a: {  	p0 =	seq.s32 s5, $0x0;
	s5 =	sld [smem:$0x3FB1]  }
0x2b: {  	s6 =	sld [smem:$0x3FB2]  }
0x2c: {  	s7 =	sld [smem:$0x3FB3]  }
0x2d: {  	s3 =	simm.s32 $0x108;
	s8 =	sld [smem:$0x3FB4]  }
0x2e: {  	s3 =	simm.s32 @!p0 $0x1082;
	s9 =	sld [smem:$0x3FB5]  }
0x2f: {  	lr =	sadd.s32 s0, s3;
	s0 =	sld [smem:$0x3FAC]  }
0x30: {  	s3 =	sld [smem:$0x3FAF]  }
0x31: {  	[smem:$0x3FB8] =	sst s10  }
0x32: {  	s10 =	sld [smem:$0x3FB6];
	_ =	sdelay $0x3  }
0x33: {  	p0 =	seq.s32 s10, $0x1;
	s10 =	sld [smem:$0x3FB8];
	_ =	sdelay $0x3  }
0x34: {  	[smem:$0x3FB8] =	sst s10  }
0x35: {  	s10 =	sld [smem:$0x3FB7];
	_ =	sdelay $0x3  }
0x36: {  	p1 =	seq.s32 s10, $0x1;
	s10 =	sld [smem:$0x3FB8];
	_ =	sdelay $0x3  }
0x37: {  	[smem:$0x3FB8] =	sst s10  }
0x38: {  	s10 =	sld [smem:$0x3FB9]  }
0x39: {  	_ = 	snop;
	(pc) =	sbr.ind lr, $3  }
0x3a: {  	_ = 	snop  }
0x3b: {  	_ = 	snop  }
0x3c: {  	p2 =	seq.s32 s10, $0x1;
	s10 =	sld [smem:$0x3FB8]  }
0x3d: {  	_ =	shalt  }
0x3e: {  	_ =	shalt  }
0x3f: {  	_ =	shalt  }
0x40: {  	_ =	shalt  }
0x41: {  	_ =	shalt  }
0x42: {  	_ =	shalt  }
0x43: {  	_ =	shalt  }
0x44: {  	_ =	shalt  }
0x45: {  	_ =	shalt  }
0x46: {  	_ =	shalt  }
0x47: {  	_ =	shalt  }
0x48: {  	_ =	shalt  }
0x49: {  	_ =	shalt  }
0x4a: {  	_ =	shalt  }
0x4b: {  	_ =	shalt  }
0x4c: {  	_ =	shalt  }
0x4d: {  	_ =	shalt  }
0x4e: {  	_ =	shalt  }
0x4f: {  	_ =	shalt  }
0x50: {  	_ =	shalt  }
0x51: {  	_ =	shalt  }
0x52: {  	_ =	shalt  }
0x53: {  	_ =	shalt  }
0x54: {  	_ =	shalt  }
0x55: {  	_ =	shalt  }
0x56: {  	_ =	shalt  }
0x57: {  	_ =	shalt  }
0x58: {  	_ =	shalt  }
0x59: {  	_ =	shalt  }
0x5a: {  	_ =	shalt  }
0x5b: {  	_ =	shalt  }
0x5c: {  	_ =	shalt  }
0x5d: {  	_ =	shalt  }
0x5e: {  	_ =	shalt  }
0x5f: {  	_ =	shalt  }
0x60: {  	_ =	shalt  }
0x61: {  	_ =	shalt  }
0x62: {  	_ =	shalt  }
0x63: {  	_ =	shalt  }
0x64: {  	_ =	shalt  }
0x65: {  	_ =	shalt  }
0x66: {  	_ =	shalt  }
0x67: {  	_ =	shalt  }
0x68: {  	_ =	shalt  }
0x69: {  	_ =	shalt  }
0x6a: {  	_ =	shalt  }
0x6b: {  	_ =	shalt  }
0x6c: {  	_ =	shalt  }
0x6d: {  	_ =	shalt  }
0x6e: {  	_ =	shalt  }
0x6f: {  	_ =	shalt  }
0x70: {  	_ =	shalt  }
0x71: {  	_ =	shalt  }
0x72: {  	_ =	shalt  }
0x73: {  	_ =	shalt  }
0x74: {  	_ =	shalt  }
0x75: {  	_ =	shalt  }
0x76: {  	_ =	shalt  }
0x77: {  	_ =	shalt  }
0x78: {  	_ =	shalt  }
0x79: {  	_ =	shalt  }
0x7a: {  	_ =	shalt  }
0x7b: {  	_ =	shalt  }
0x7c: {  	_ =	shalt  }
0x7d: {  	_ =	shalt  }
0x7e: {  	_ =	shalt  }
0x7f: {  	_ =	shalt  }
0x80: {  	_ =	shalt  }
0x81: {  	_ =	shalt  }
0x82: {  	_ =	shalt  }
0x83: {  	_ =	shalt  }
0x84: {  	_ =	shalt  }
0x85: {  	_ =	shalt  }
0x86: {  	_ =	shalt  }
0x87: {  	_ =	shalt  }
.Lfunc_end0:
.L_simem_size_0:
called_computation_lowered:
.L_overlay_start_0:
0x88: {  	s2 =	sld [smem:$0x3FD9]  }
0x89: {  	s3 =	sld [smem:$0x3FFE];
	_ =	sdelay $0x1  }
0x8a: {  	s1 =	srdreg.scid  }
0x8b: {  	s0 =	sand.u32 $0x1, s1  }
0x8c: {  	s17 =	sshll.u32 s0, $0xA;
	s2 =	sadd.s32 s3, s2  }
0x8d: {  	s2 =	sadd.s32 s2, s17  }
0x8e: {  	[smem:$0x3FC4] =	sst s2  }
0x8f: {  	_ = 	snop  }
0x90: {  	s2 =	sld [smem:$0x3FC9]  }
0x91: {  	s18 =	sld [smem:$0x3FD0];
	(tm) =	ssettm $0x1  }
0x92: {  	s4 =	sld [smem:$0x3FFB];
	_ =	sdelay $0x3  }
0x93: {  	_ =	strace s4  }
0x94: {  	s4 =	sld [smem:$0x3FFC];
	_ =	sdelay $0x3  }
0x95: {  	_ =	strace s4  }
0x96: {  	s4 =	sld [smem:$0x3FFD];
	_ =	sdelay $0x3  }
0x97: {  	_ =	strace s4  }
0x98: {  	_ =	strace $0x8FFFFFFF  }
0x99: {  	s19 =	sld [smem:$0x3FDB];
	_ =	sdelay $0x1  }
0x9a: {  	s5 =	simm.s32 $_scs_section_size  }
0x9b: {  	s6 =	simm.s32 $_size__tile_overlayer_lowered;
	s7 =	simm.s32 $_tile_overlayer_lowered  }
0x9c: {  	s22 =	simm.s32 $0x1BFF;
	s21 =	sshll.u32 s7, $0x1;
	s4 =	sadd.s32 s5, s19  }
0x9d: {  	s8 =	simm.s32 $0x0;
	s20 =	sshll.u32 s6, $0x1;
	s6 =	sadd.s32 s21, s4  }
0x9e: {  	[timem:s8], [sflag:s22] =	dma.local [hbm:s6], s20  }
0x9f: {  	_ =	swait.ge [sflag:s22], s20  }
0xa0: {  	s5 =	ssub.s32 $0x0, s20;
	[sflag:s22] =	ssyncset.done $0x0  }
0xa1: {  	[sflag:s22] =	ssyncadd.s32 s5;
	_ =	sdelay $0x1  }
0xa2: {  	s23 =	simm.s32 $0x1B8B  }
0xa3: {  	_ =	swait.ge [sflag:s23], $0x1  }
0xa4: {  	[sflag:s23] =	ssyncset.done $0x0  }
0xa5: {  	s25 =	simm.s32 $0x1B8E;
	s24 =	sld [smem:$0x3FFE];
	[sflag:s23] =	ssyncadd.s32 $0xFFFFFFFF  }
0xa6: {  	s26 =	simm.s32 $execute0_lowered;
	[smem:$0x3FD2] =	sst s25  }
0xa7: {  	s6 =	sshll.u32 s26, $0x1;
	_ =	strace $0x80000046;
	[dreg:$0x1] =	wrdreg $0xFFFFFFFF  }
0xa8: {  	s28 =	simm.s32 $_size_execute0_lowered;
	s4 =	sadd.s32 s4, s6;
	[dreg:$0x0] =	wrdreg $0x0  }
0xa9: {  	s6 =	sshll.u32 s28, $0x1;
	[dreg:$0x2] =	wrdreg s4  }
0xaa: {  	[dreg:$0x3] =	wrdreg s6  }
0xab: {  	[dreg:$0x4] =	wrdreg $0xC0  }
0xac: {  	_ =	task [dreg:s8], $0x5FFFF  }
0xad: {  	[dreg:$0x1] =	wrdreg $0xFFFFFFFF  }
0xae: {  	[dreg:$0x0] =	wrdreg $0x60  }
0xaf: {  	[dreg:$0x2] =	wrdreg s2  }
0xb0: {  	[dreg:$0x3] =	wrdreg s24  }
0xb1: {  	[dreg:$0x4] =	wrdreg s18  }
0xb2: {  	[dreg:$0x5] =	wrdreg $0x9  }
0xb3: {  	_ =	task.clear_ibuf [dreg:s8], $0x6FFFF;
	_ =	strace $0x90000046  }
0xb4: {  	s29 =	simm.s32 $0x9;
	_ =	strace $0x80000048  }
0xb5: {  	_ =	swait.ge [sflag:s29], $0x1  }
0xb6: {  	[sflag:s29] =	ssyncadd.s32 $0xFFFFFFFF  }
0xb7: {  	_ =	strace $0x90000048  }
0xb8: {  	_ =	sfence  }
0xb9: {  	s30 =	sld [smem:$0x0];
	_ =	sdelay $0x2  }
0xba: {  	s31 =	sshll.u32 s1, $0xD;
	s1 =	sshrl.u32 s1, $0x2  }
0xbb: {  	s3 =	sand.u32 $0x4000, s31;
	s1 =	sadd.s32 s1, s30  }
0xbc: {  	s0 =	sor.u32 s3, s0;
	s1 =	sshll.u32 s1, $0x11  }
0xbd: {  	s0 =	sor.u32 s1, s0  }
0xbe: {  	s0 =	sadd.s32 $0x8F2B, s0  }
0xbf: {  	[sflag:s0] =	ssyncadd.remote.s32 $0x1  }
0xc0: {  	_ =	sfence.sel $0xFFFF  }
0xc1: {  	[dreg:$0x0] =	wrdreg $0xFFFFFFFF;
	(pc) =	sbr.abs _section_cstart, $3  }
0xc2: {  	[dreg:$0x1] =	wrdreg $0xFFFFFFFF  }
0xc3: {  	_ =	task.clear_ibuf [dreg:s8], $0x2FFFF;
	_ =	strace $0x9FFFFFFF  }
0xc4: {  	(tm) =	ssettm $0x7FFFFFFF  }
0xc5: {  	_ =	shalt  }
tec
execute0_lowered:
.L_overlay_start_1:
0x0: {  	(tag) =	ssettag $0x1  }
0x1: {  	s1 =	srdreg.scid  }
0x2: {  	s2 =	stileid.u32;
	s1 =	sand.u32 $0x1, s1  }
0x3: {  	s2 =	sor.u32 s2, s1  }
0x4: {  	p0 =	sne.s32 s2, $0x0  }
.Ltmp0:
0x5: {  	_ = 	snop;
	(pc) =	sbr.rel @p0 .LBB2_5-.Ltmp0, $4  }
0x6: {  	_ = 	snop  }
0x7: {  	s4 =	simm.s32 $0x0  }
0x8: {  	[smem:$0x7FF] =	sst s4  }
0x9: {  	s0 =	rddreg [dreg:$0x1];
	_ =	strace $0x80000047  }
0xa: {  	s1 =	ssub.s32 $0x2, s1;
	s5 =	sadd.s32 $0x800, s0;
	s30 =	rddreg [dreg:$0x0]  }
0xb: {  	s15 =	simm.s32 $0x11;
	s29 =	simm.s32 $0x300;
	s17 =	simm.s32 $0x700  }
0xc: {  	s28 =	simm.s32 $0xB00;
	s18 =	simm.s32 $0xF00;
	s19 =	simm.s32 $0x1300  }
0xd: {  	s25 =	simm.s32 $0x1B00;
	s24 =	simm.s32 $0x1F00;
	s31 =	simm.s32 $0x5  }
0xe: {  	s9 =	simm.s32 $0x8;
	s3 =	simm.s32 $0x9;
	s6 =	simm.s32 $0xB  }
0xf: {  	s7 =	simm.s32 $0xC;
	s8 =	simm.s32 $0xD;
	s10 =	simm.s32 $0xE  }
0x10: {  	s11 =	simm.s32 $0xF;
	s12 =	simm.s32 $0x10;
	s2 =	sshrl.u32 s1, $0x1  }
0x11: {  	s14 =	simm.s32 $0x0;
	s0 =	sadd.s32 $0x10, s30;
	s26 =	ssub.s32 s1, s2  }
0x12: {  	[dreg:$0x5] =	wrdreg s0;
	s0 =	simm.s32 $0x6;
	s2 =	simm.s32 $0x7  }
0x13: {  	s1 =	simm.s32 $0xA;
	[dreg:$0x4] =	wrdreg s26;
	s26 =	simm.s32 $0x1700  }
.LBB2_2:
0x14: {  	[dreg:$0x6] =	wrdreg s14  }
0x15: {  	s13 =	simm.s32 $0x0;
	s23 =	rddreg [dreg:$0x0]  }
0x16: {  	[tilespmem:s13], [sflag:$0x11] =	stream.linear.gather [hbm4b:s23+s13], $0x80, $0x38;
	[tilespmem:$0x4380] =	vst v63  }
0x17: {  	_ =	swait.ge [sflag:s15], $0x80  }
0x18: {  	[sflag:s15] =	ssyncset.done $0x0  }
0x19: {  	s16 =	simm.s32 $0x80;
	s30 =	rddreg [dreg:$0x5];
	[sflag:s15] =	ssyncadd.s32 $0xFFFFFF80  }
0x1a: {  	[tilespmem:s16], [sflag:$0x11] =	stream.linear.gather [hbm4b:s30+s13], $0x48, $0x38;
	[tilespmem:$0x4380] =	vst v63  }
0x1b: {  	_ =	swait.ge [sflag:s15], $0x48  }
0x1c: {  	[sflag:s15] =	ssyncset.done $0x0  }
0x1d: {  	[sflag:s15] =	ssyncadd.s32 $0xFFFFFFB8  }
0x1e: {  	v0 =	vld [tilespmem:$0x0];
	_ =	sdelay $0x1  }
0x1f: {  	v1 =	vld [tilespmem:$0x10];
	_ =	sdelay $0x1  }
0x20: {  	v2 =	vld [tilespmem:$0x20]  }
0x21: {  	v3 =	vand.u32 $0xFFFFFFF8, v0  }
0x22: {  	v0 =	vand.u32 $0x7, v0;
	[tilespmem:$0x100] =	vst v3;
	v3 =	vld [tilespmem:$0x30]  }
0x23: {  	v4 =	vld [tilespmem:$0x40];
	[tilespmem:$0x200] =	vst v0;
	v0 =	vand.u32 $0xFFFFFFF8, v1  }
0x24: {  	[tilespmem:$0x110] =	vst v0;
	v0 =	vand.u32 $0x7, v1;
	v1 =	vld [tilespmem:$0x100]  }
0x25: {  	[tilespmem:$0x210] =	vst v0;
	v0 =	vand.u32 $0xFFFFFFF8, v2  }
0x26: {  	[tilespmem:$0x120] =	vst v0;
	v0 =	vand.u32 $0x7, v2;
	v2 =	vld [tilespmem:$0x50]  }
0x27: {  	[tilespmem:$0x220] =	vst v0;
	v0 =	vand.u32 $0xFFFFFFF8, v3  }
0x28: {  	[tilespmem:$0x130] =	vst v0;
	v0 =	vand.u32 $0x7, v3;
	v3 =	vld [tilespmem:$0x60]  }
0x29: {  	v1 =	vshll.u32 v1, $0x4;
	[tilespmem:$0x230] =	vst v0;
	v0 =	vand.u32 $0xFFFFFFF8, v4  }
0x2a: {  	(v2sf) =	vpush v1, $0x0;
	[tilespmem:$0x140] =	vst v0;
	v0 =	vand.u32 $0x7, v4;
	v4 =	vld [tilespmem:$0x70]  }
0x2b: {  	[tilespmem:$0x240] =	vst v0;
	v0 =	vand.u32 $0xFFFFFFF8, v2  }
0x2c: {  	(v2sf) =	vpush v1, $0x1;
	[tilespmem:$0x150] =	vst v0;
	v0 =	vand.u32 $0x7, v2;
	v2 =	vld [tilespmem:$0x80]  }
0x2d: {  	[tilespmem:$0x250] =	vst v0;
	v0 =	vand.u32 $0xFFFFFFF8, v3  }
0x2e: {  	[tilespmem:$0x160] =	vst v0;
	v0 =	vand.u32 $0x7, v3;
	v3 =	vld [tilespmem:$0x90]  }
0x2f: {  	(v2sf) =	vpush v1, $0x2;
	[tilespmem:$0x260] =	vst v0;
	v0 =	vand.u32 $0xFFFFFFF8, v4  }
0x30: {  	[tilespmem:$0x170] =	vst v0;
	v0 =	vand.u32 $0x7, v4;
	v4 =	vld [tilespmem:$0xA0]  }
0x31: {  	[tilespmem:$0x270] =	vst v0;
	v0 =	vand.u32 $0xFFFFFFF8, v2  }
0x32: {  	(v2sf) =	vpush v1, $0x3;
	[tilespmem:$0x180] =	vst v0;
	v0 =	vand.u32 $0x7, v2;
	v2 =	vld [tilespmem:$0xB0]  }
0x33: {  	[tilespmem:$0x280] =	vst v0;
	v0 =	vand.u32 $0xFFFFFFF8, v3  }
0x34: {  	[tilespmem:$0x190] =	vst v0;
	v0 =	vand.u32 $0x7, v3;
	v3 =	vld [tilespmem:$0xB8]  }
0x35: {  	(v2sf) =	vpush v1, $0x4;
	[tilespmem:$0x290] =	vst v0;
	v0 =	vand.u32 $0xFFFFFFF8, v4  }
0x36: {  	[tilespmem:$0x1A0] =	vst v0;
	v0 =	vand.u32 $0x7, v4  }
0x37: {  	[tilespmem:$0x2A0] =	vst v0;
	v0 =	vand.u32 $0xFFFFFFF8, v2  }
0x38: {  	(v2sf) =	vpush v1, $0x5;
	[tilespmem:$0x1B0] =	vst v0;
	v0 =	vand.u32 $0x7, v2  }
0x39: {  	s16 =	spop (v2sf);
	[tilespmem:$0x2B0] =	vst v0;
	v0 =	vand.u32 $0xFFFFFFF8, v3  }
0x3a: {  	s14 =	sand.u32 $0xFFFFF80, s16;
	[tilespmem:$0x1B8] =	vst v0;
	v0 =	vand.u32 $0x7, v3  }
0x3b: {  	(v2sf) =	vpush v1, $0x6;
	s20 =	spop (v2sf);
	s14 =	sadd.s32 s5, s14;
	[tilespmem:$0x2B8] =	vst v0  }
0x3c: {  	[tilespmem:s29], [sflag:$0x1] =	stream.linear.gather [hbm4b:s14+s13], $0x400, $0x38;
	[tilespmem:$0x4380] =	vst v63  }
0x3d: {  	s14 =	sand.u32 $0xFFFFF80, s20  }
0x3e: {  	(v2sf) =	vpush v1, $0x7;
	s21 =	spop (v2sf);
	s14 =	sadd.s32 s5, s14  }
0x3f: {  	[tilespmem:s17], [sflag:$0x2] =	stream.linear.gather [hbm4b:s14+s13], $0x400, $0x38;
	[tilespmem:$0x4380] =	vst v63  }
0x40: {  	s14 =	sand.u32 $0xFFFFF80, s21  }
0x41: {  	(v2sf) =	vpush v1, $0x8;
	s22 =	spop (v2sf);
	s14 =	sadd.s32 s5, s14  }
0x42: {  	[tilespmem:s28], [sflag:$0x3] =	stream.linear.gather [hbm4b:s14+s13], $0x400, $0x38;
	[tilespmem:$0x4380] =	vst v63  }
0x43: {  	s14 =	sand.u32 $0xFFFFF80, s22  }
0x44: {  	(v2sf) =	vpush v1, $0x9;
	s23 =	spop (v2sf);
	s14 =	sadd.s32 s5, s14  }
0x45: {  	[tilespmem:s18], [sflag:$0x4] =	stream.linear.gather [hbm4b:s14+s13], $0x400, $0x38;
	[tilespmem:$0x4380] =	vst v63  }
0x46: {  	s14 =	sand.u32 $0xFFFFF80, s23  }
0x47: {  	(v2sf) =	vpush v1, $0xA;
	s30 =	spop (v2sf);
	s14 =	sadd.s32 s5, s14  }
0x48: {  	[tilespmem:s19], [sflag:$0x5] =	stream.linear.gather [hbm4b:s14+s13], $0x400, $0x38;
	[tilespmem:$0x4380] =	vst v63  }
0x49: {  	s14 =	sand.u32 $0xFFFFF80, s30  }
0x4a: {  	(v2sf) =	vpush v1, $0xB;
	s15 =	spop (v2sf);
	s14 =	sadd.s32 s5, s14  }
0x4b: {  	[tilespmem:s26], [sflag:$0x6] =	stream.linear.gather [hbm4b:s14+s13], $0x400, $0x38;
	[tilespmem:$0x4380] =	vst v63  }
0x4c: {  	s14 =	sand.u32 $0xFFFFF80, s15  }
0x4d: {  	(v2sf) =	vpush v1, $0xC;
	s16 =	spop (v2sf);
	s14 =	sadd.s32 s5, s14  }
0x4e: {  	[tilespmem:s25], [sflag:$0x7] =	stream.linear.gather [hbm4b:s14+s13], $0x400, $0x38;
	[tilespmem:$0x4380] =	vst v63  }
0x4f: {  	s14 =	sand.u32 $0xFFFFF80, s16  }
0x50: {  	(v2sf) =	vpush v1, $0xD;
	s18 =	spop (v2sf);
	s14 =	sadd.s32 s5, s14  }
0x51: {  	[tilespmem:s24], [sflag:$0x8] =	stream.linear.gather [hbm4b:s14+s13], $0x400, $0x38;
	[tilespmem:$0x4380] =	vst v63  }
0x52: {  	s14 =	sand.u32 $0xFFFFF80, s18  }
0x53: {  	(v2sf) =	vpush v1, $0xE;
	s20 =	spop (v2sf);
	s19 =	simm.s32 $0x2300;
	s14 =	sadd.s32 s5, s14  }
0x54: {  	[tilespmem:s19], [sflag:$0x9] =	stream.linear.gather [hbm4b:s14+s13], $0x400, $0x38;
	[tilespmem:$0x4380] =	vst v63  }
0x55: {  	s14 =	sand.u32 $0xFFFFF80, s20  }
0x56: {  	(v2sf) =	vpush v1, $0xF;
	s21 =	simm.s32 $0x2700;
	s22 =	spop (v2sf);
	s14 =	sadd.s32 s5, s14  }
0x57: {  	[tilespmem:s21], [sflag:$0xA] =	stream.linear.gather [hbm4b:s14+s13], $0x400, $0x38;
	[tilespmem:$0x4380] =	vst v63  }
0x58: {  	s14 =	sand.u32 $0xFFFFF80, s22  }
0x59: {  	s23 =	simm.s32 $0x2B00;
	s24 =	spop (v2sf);
	s14 =	sadd.s32 s5, s14  }
0x5a: {  	[tilespmem:s23], [sflag:$0xB] =	stream.linear.gather [hbm4b:s14+s13], $0x400, $0x38;
	[tilespmem:$0x4380] =	vst v63  }
0x5b: {  	s14 =	sand.u32 $0xFFFFF80, s24  }
0x5c: {  	s25 =	simm.s32 $0x2F00;
	s26 =	spop (v2sf);
	s14 =	sadd.s32 s5, s14  }
0x5d: {  	[tilespmem:s25], [sflag:$0xC] =	stream.linear.gather [hbm4b:s14+s13], $0x400, $0x38;
	[tilespmem:$0x4380] =	vst v63  }
0x5e: {  	s14 =	sand.u32 $0xFFFFF80, s26  }
0x5f: {  	s30 =	simm.s32 $0x3300;
	s16 =	spop (v2sf);
	s14 =	sadd.s32 s5, s14  }
0x60: {  	[tilespmem:s30], [sflag:$0xD] =	stream.linear.gather [hbm4b:s14+s13], $0x400, $0x38;
	[tilespmem:$0x4380] =	vst v63  }
0x61: {  	s14 =	sand.u32 $0xFFFFF80, s16  }
0x62: {  	s18 =	simm.s32 $0x3700;
	s19 =	spop (v2sf);
	s14 =	sadd.s32 s5, s14  }
0x63: {  	[tilespmem:s18], [sflag:$0xE] =	stream.linear.gather [hbm4b:s14+s13], $0x400, $0x38;
	[tilespmem:$0x4380] =	vst v63  }
0x64: {  	s14 =	sand.u32 $0xFFFFF80, s19  }
0x65: {  	s20 =	simm.s32 $0x3B00;
	s21 =	spop (v2sf);
	s14 =	sadd.s32 s5, s14  }
0x66: {  	[tilespmem:s20], [sflag:$0xF] =	stream.linear.gather [hbm4b:s14+s13], $0x400, $0x38;
	[tilespmem:$0x4380] =	vst v63  }
0x67: {  	s14 =	sand.u32 $0xFFFFF80, s21  }
0x68: {  	s22 =	simm.s32 $0x3F00;
	s23 =	simm.s32 $0x0;
	s14 =	sadd.s32 s5, s14  }
0x69: {  	[tilespmem:s22], [sflag:$0x10] =	stream.linear.gather [hbm4b:s14+s13], $0x400, $0x38;
	[tilespmem:$0x4380] =	vst v63  }
0x6a: {  	v0 =	vld [tilespmem:s23+$0x200];
	_ =	sdelay $0x1  }
0x6b: {  	v1 =	vld [tilespmem:s23+$0x110];
	_ =	sdelay $0x2  }
0x6c: {  	v0 =	vshll.u32 v0, $0x9  }
0x6d: {  	v40 =	vshra.s32 v0, $0x2  }
0x6e: {  	v4 =	vshll.u32 v1, $0x4;
	(v2sf) =	vpush v40, $0x0  }
0x6f: {  	(v2sf) =	vpush v4, $0x0  }
0x70: {  	(v2sf) =	vpush v4, $0x1  }
0x71: {  	(v2sf) =	vpush v4, $0x2  }
0x72: {  	(v2sf) =	vpush v4, $0x3;
	_ =	sdelay $0x1  }
0x73: {  	(v2sf) =	vpush v4, $0x4  }
0x74: {  	(v2sf) =	vpush v4, $0x5  }
0x75: {  	(v2sf) =	vpush v40, $0x1  }
0x76: {  	(v2sf) =	vpush v4, $0x6  }
0x77: {  	(v2sf) =	vpush v4, $0x7  }
0x78: {  	(v2sf) =	vpush v4, $0x8  }
0x79: {  	s24 =	simm.s32 $0x1;
	(v2sf) =	vpush v4, $0x9  }
0x7a: {  	_ =	swait.ge [sflag:s24], $0x400  }
0x7b: {  	[sflag:s24] =	ssyncset.done $0x0  }
0x7c: {  	(v2sf) =	vpush v4, $0xA;
	[sflag:s24] =	ssyncadd.s32 $0xFFFFFC00;
	s25 =	spop (v2sf)  }
0x7d: {  	(v2sf) =	vpush v4, $0xB;
	v0 =	vld [tilespmem:s25+$0x330];
	s26 =	spop (v2sf)  }
0x7e: {  	(v2sf) =	vpush v40, $0x2;
	v2 =	vld [tilespmem:s25+$0x300];
	s30 =	spop (v2sf)  }
0x7f: {  	(v2sf) =	vpush v40, $0xC;
	v1 =	vld [tilespmem:s25+$0x320];
	s14 =	sand.u32 $0xFFFFF80, s26;
	s21 =	spop (v2sf)  }
0x80: {  	v3 =	vld [tilespmem:s25+$0x310];
	(v2sf) =	vpush v4, $0xC;
	s14 =	sadd.s32 s5, s14;
	s25 =	spop (v2sf)  }
0x81: {  	(v2sf) =	vpush v4, $0xD;
	[tilespmem:s29], [sflag:$0x1] =	stream.linear.gather [hbm4b:s14+s4], $0x400, $0x38;
	[tilespmem:$0x4380] =	vst v63  }
0x82: {  	s14 =	simm.s32 $0x2;
	(v2sf) =	vpush v4, $0xE  }
0x83: {  	_ =	swait.ge [sflag:s14], $0x400  }
0x84: {  	s26 =	spop (v2sf)  }
0x85: {  	[sflag:s14] =	ssyncset.done $0x0;
	s24 =	spop (v2sf)  }
0x86: {  	[sflag:s14] =	ssyncadd.s32 $0xFFFFFC00;
	s16 =	spop (v2sf)  }
0x87: {  	(v2sf) =	vpush v4, $0xF;
	v4 =	vld [tilespmem:s16+$0x710]  }
0x88: {  	s22 =	sand.u32 $0xFFFFF80, s30;
	v5 =	vld [tilespmem:s16+$0x700]  }
0x89: {  	s14 =	sadd.s32 s5, s22;
	s20 =	spop (v2sf);
	v7 =	vld [tilespmem:s16+$0x730]  }
0x8a: {  	v6 =	vld [tilespmem:s16+$0x720];
	[tilespmem:s17], [sflag:$0x2] =	stream.linear.gather [hbm4b:s14+s4], $0x400, $0x38  }
0x8b: {  	s19 =	spop (v2sf)  }
0x8c: {  	(v2sf) =	vpush v40, $0x3;
	s18 =	spop (v2sf)  }
0x8d: {  	s23 =	simm.s32 $0x3;
	s13 =	spop (v2sf)  }
0x8e: {  	_ =	swait.ge [sflag:s23], $0x400  }
0x8f: {  	s16 =	spop (v2sf)  }
0x90: {  	[sflag:s23] =	ssyncset.done $0x0;
	s14 =	spop (v2sf)  }
0x91: {  	[sflag:s23] =	ssyncadd.s32 $0xFFFFFC00;
	s22 =	spop (v2sf)  }
0x92: {  	v8 =	vld [tilespmem:s22+$0xB00]  }
0x93: {  	s23 =	sand.u32 $0xFFFFF80, s21;
	v9 =	vld [tilespmem:s22+$0xB30]  }
0x94: {  	(v2sf) =	vpush v40, $0x4;
	s23 =	sadd.s32 s5, s23;
	s15 =	spop (v2sf);
	v10 =	vld [tilespmem:s22+$0xB10]  }
0x95: {  	v11 =	vld [tilespmem:s22+$0xB20];
	[tilespmem:s28], [sflag:$0x3] =	stream.linear.gather [hbm4b:s23+s4], $0x400, $0x38  }
0x96: {  	s17 =	spop (v2sf)  }
0x97: {  	s21 =	spop (v2sf)  }
0x98: {  	s28 =	simm.s32 $0x4;
	s22 =	spop (v2sf)  }
0x99: {  	_ =	swait.ge [sflag:s28], $0x400  }
0x9a: {  	s23 =	spop (v2sf);
	[sflag:s28] =	ssyncset.done $0x0;
	(v2sf) =	vpush v40, $0x5  }
0x9b: {  	[sflag:s28] =	ssyncadd.s32 $0xFFFFFC00;
	s28 =	spop (v2sf)  }
0x9c: {  	v17 =	vld [tilespmem:s28+$0xF30]  }
0x9d: {  	s25 =	sand.u32 $0xFFFFF80, s25;
	v16 =	vld [tilespmem:s28+$0xF20]  }
0x9e: {  	s30 =	simm.s32 $0xF00;
	s25 =	sadd.s32 s5, s25;
	v18 =	vld [tilespmem:s28+$0xF10]  }
0x9f: {  	v19 =	vld [tilespmem:s28+$0xF00];
	[tilespmem:s30], [sflag:$0x4] =	stream.linear.gather [hbm4b:s25+s4], $0x400, $0x38  }
0xa0: {  	_ =	swait.ge [sflag:s31], $0x400  }
0xa1: {  	(v2sf) =	vpush v40, $0x6  }
0xa2: {  	[sflag:s31] =	ssyncset.done $0x0  }
0xa3: {  	[sflag:s31] =	ssyncadd.s32 $0xFFFFFC00;
	s28 =	spop (v2sf)  }
0xa4: {  	v21 =	vld [tilespmem:s28+$0x1300]  }
0xa5: {  	s26 =	sand.u32 $0xFFFFF80, s26;
	v20 =	vld [tilespmem:s28+$0x1320]  }
0xa6: {  	s25 =	sadd.s32 s5, s26;
	s30 =	simm.s32 $0x1300;
	v22 =	vld [tilespmem:s28+$0x1330]  }
0xa7: {  	v23 =	vld [tilespmem:s28+$0x1310];
	[tilespmem:s30], [sflag:$0x5] =	stream.linear.gather [hbm4b:s25+s4], $0x400, $0x38  }
0xa8: {  	_ =	swait.ge [sflag:s0], $0x400  }
0xa9: {  	[sflag:s0] =	ssyncset.done $0x0;
	s28 =	spop (v2sf);
	(v2sf) =	vpush v40, $0x7  }
0xaa: {  	[sflag:s0] =	ssyncadd.s32 $0xFFFFFC00  }
0xab: {  	v25 =	vld [tilespmem:s28+$0x1700]  }
0xac: {  	s24 =	sand.u32 $0xFFFFF80, s24;
	v24 =	vld [tilespmem:s28+$0x1720]  }
0xad: {  	s24 =	sadd.s32 s5, s24;
	s26 =	simm.s32 $0x1700;
	v26 =	vld [tilespmem:s28+$0x1730]  }
0xae: {  	v28 =	vld [tilespmem:s28+$0x1710];
	[tilespmem:s26], [sflag:$0x6] =	stream.linear.gather [hbm4b:s24+s4], $0x400, $0x38  }
0xaf: {  	_ =	swait.ge [sflag:s2], $0x400  }
0xb0: {  	s26 =	spop (v2sf);
	(v2sf) =	vpush v40, $0x8  }
0xb1: {  	[sflag:s2] =	ssyncset.done $0x0  }
0xb2: {  	[sflag:s2] =	ssyncadd.s32 $0xFFFFFC00  }
0xb3: {  	v27 =	vld [tilespmem:s26+$0x1B20]  }
0xb4: {  	s20 =	sand.u32 $0xFFFFF80, s20;
	v29 =	vld [tilespmem:s26+$0x1B30]  }
0xb5: {  	s20 =	sadd.s32 s5, s20;
	s30 =	simm.s32 $0x1B00;
	v32 =	vld [tilespmem:s26+$0x1B00]  }
0xb6: {  	v31 =	vld [tilespmem:s26+$0x1B10];
	[tilespmem:s30], [sflag:$0x7] =	stream.linear.gather [hbm4b:s20+s4], $0x400, $0x38  }
0xb7: {  	_ =	swait.ge [sflag:s9], $0x400  }
0xb8: {  	[sflag:s9] =	ssyncset.done $0x0;
	s30 =	spop (v2sf);
	(v2sf) =	vpush v40, $0x9  }
0xb9: {  	[sflag:s9] =	ssyncadd.s32 $0xFFFFFC00  }
0xba: {  	v30 =	vld [tilespmem:s30+$0x1F20]  }
0xbb: {  	s19 =	sand.u32 $0xFFFFF80, s19;
	v34 =	vld [tilespmem:s30+$0x1F00]  }
0xbc: {  	s19 =	sadd.s32 s5, s19;
	s28 =	simm.s32 $0x1F00;
	v33 =	vld [tilespmem:s30+$0x1F10]  }
0xbd: {  	v35 =	vld [tilespmem:s30+$0x1F30];
	[tilespmem:s28], [sflag:$0x8] =	stream.linear.gather [hbm4b:s19+s4], $0x400, $0x38  }
0xbe: {  	_ =	swait.ge [sflag:s3], $0x400  }
0xbf: {  	[sflag:s3] =	ssyncset.done $0x0;
	s20 =	spop (v2sf);
	(v2sf) =	vpush v40, $0xA  }
0xc0: {  	[sflag:s3] =	ssyncadd.s32 $0xFFFFFC00  }
0xc1: {  	v37 =	vld [tilespmem:s20+$0x2300]  }
0xc2: {  	s18 =	sand.u32 $0xFFFFF80, s18;
	v38 =	vld [tilespmem:s20+$0x2330]  }
0xc3: {  	s18 =	sadd.s32 s5, s18;
	s24 =	simm.s32 $0x2300;
	v36 =	vld [tilespmem:s20+$0x2320]  }
0xc4: {  	v39 =	vld [tilespmem:s20+$0x2310];
	[tilespmem:s24], [sflag:$0x9] =	stream.linear.gather [hbm4b:s18+s4], $0x400, $0x38  }
0xc5: {  	_ =	swait.ge [sflag:s1], $0x400  }
0xc6: {  	[sflag:s1] =	ssyncset.done $0x0  }
0xc7: {  	(v2sf) =	vpush v40, $0xB;
	[sflag:s1] =	ssyncadd.s32 $0xFFFFFC00;
	s25 =	spop (v2sf)  }
0xc8: {  	v41 =	vld [tilespmem:s25+$0x2710]  }
0xc9: {  	s26 =	sand.u32 $0xFFFFF80, s13;
	s13 =	simm.s32 $0x40;
	v44 =	vld [tilespmem:s25+$0x2700]  }
0xca: {  	s28 =	sadd.s32 s5, s26;
	s30 =	simm.s32 $0x2700;
	s19 =	sand.u32 $0xFFFFF80, s14;
	v43 =	vld [tilespmem:s25+$0x2730]  }
0xcb: {  	v42 =	vld [tilespmem:s25+$0x2720];
	[tilespmem:s30], [sflag:$0xA] =	stream.linear.gather [hbm4b:s28+s4], $0x400, $0x38  }
0xcc: {  	s14 =	sand.u32 $0xFFFFF80, s23;
	s20 =	sand.u32 $0xFFFFF80, s16;
	_ =	swait.ge [sflag:s6], $0x400  }
0xcd: {  	v12 =	vimm.f32 $0.0e+00;
	s18 =	sand.u32 $0xFFFFF80, s17;
	s17 =	sand.u32 $0xFFFFF80, s21;
	[sflag:s6] =	ssyncset.done $0x0  }
0xce: {  	v15 =	vimm.f32 $0.0e+00;
	v13 =	vimm.f32 $0.0e+00;
	v14 =	vimm.f32 $0.0e+00;
	s16 =	sand.u32 $0xFFFFF80, s22;
	[sflag:s6] =	ssyncadd.s32 $0xFFFFFC00;
	s22 =	spop (v2sf)  }
.LBB2_3:
0xcf: {  	p0 =	sne.s32 s13, $0x280;
	v45 =	vld [tilespmem:s22+$0x2B00];
	s21 =	smov.u32 s13;
	s13 =	sadd.s32 $0x40, s13  }
0xd0: {  	v46 =	vld [tilespmem:s22+$0x2B10]  }
0xd1: {  	v47 =	vld [tilespmem:s22+$0x2B20]  }
0xd2: {  	s20 =	sadd.s32 s5, s20;
	v48 =	vld [tilespmem:s22+$0x2B30];
	s22 =	simm.s32 $0x2B00  }
0xd3: {  	[tilespmem:s22], [sflag:$0xB] =	stream.linear.gather [hbm4b:s20+s4], $0x400, $0x38;
	[tilespmem:$0x4380] =	vst v63  }
0xd4: {  	_ =	swait.ge [sflag:s7], $0x400  }
0xd5: {  	[sflag:s7] =	ssyncset.done $0x0  }
0xd6: {  	[sflag:s7] =	ssyncadd.s32 $0xFFFFFC00;
	s20 =	spop (v2sf)  }
0xd7: {  	v49 =	vld [tilespmem:s20+$0x2F00];
	(v2sf) =	vpush v40, $0xD  }
0xd8: {  	v50 =	vld [tilespmem:s20+$0x2F10]  }
0xd9: {  	v51 =	vld [tilespmem:s20+$0x2F30]  }
0xda: {  	s19 =	sadd.s32 s5, s19;
	v52 =	vld [tilespmem:s20+$0x2F20];
	s20 =	simm.s32 $0x2F00  }
0xdb: {  	[tilespmem:s20], [sflag:$0xC] =	stream.linear.gather [hbm4b:s19+s4], $0x400, $0x38;
	[tilespmem:$0x4380] =	vst v63  }
0xdc: {  	_ =	swait.ge [sflag:s8], $0x400  }
0xdd: {  	[sflag:s8] =	ssyncset.done $0x0;
	(v2sf) =	vpush v40, $0xF  }
0xde: {  	v2 =	vadd.f32 v2, v12;
	[sflag:s8] =	ssyncadd.s32 $0xFFFFFC00;
	(v2sf) =	vpush v40, $0xE  }
0xdf: {  	v0 =	vadd.f32 v0, v15;
	v3 =	vadd.f32 v3, v13;
	v12 =	vld [tilespmem:s15+$0x3300]  }
0xe0: {  	v1 =	vadd.f32 v1, v14;
	v2 =	vadd.f32 v5, v2;
	v13 =	vld [tilespmem:s15+$0x3330]  }
0xe1: {  	v0 =	vadd.f32 v7, v0;
	v3 =	vadd.f32 v4, v3;
	v5 =	vld [tilespmem:s15+$0x3320]  }
0xe2: {  	v1 =	vadd.f32 v6, v1;
	v2 =	vadd.f32 v8, v2;
	v4 =	vld [tilespmem:s15+$0x3310];
	s15 =	sadd.s32 s5, s18;
	s18 =	simm.s32 $0x3300  }
0xe3: {  	v0 =	vadd.f32 v9, v0;
	v3 =	vadd.f32 v10, v3;
	[tilespmem:s18], [sflag:$0xD] =	stream.linear.gather [hbm4b:s15+s4], $0x400, $0x38;
	[tilespmem:$0x4380] =	vst v63  }
0xe4: {  	v1 =	vadd.f32 v11, v1;
	v2 =	vadd.f32 v19, v2;
	_ =	swait.ge [sflag:s10], $0x400  }
0xe5: {  	v0 =	vadd.f32 v17, v0;
	v3 =	vadd.f32 v18, v3;
	[sflag:s10] =	ssyncset.done $0x0  }
0xe6: {  	v1 =	vadd.f32 v16, v1;
	v2 =	vadd.f32 v21, v2;
	[sflag:s10] =	ssyncadd.s32 $0xFFFFFC00;
	s15 =	spop (v2sf)  }
0xe7: {  	v0 =	vadd.f32 v22, v0;
	v3 =	vadd.f32 v23, v3;
	v6 =	vld [tilespmem:s15+$0x3700]  }
0xe8: {  	v1 =	vadd.f32 v20, v1;
	v2 =	vadd.f32 v25, v2;
	v7 =	vld [tilespmem:s15+$0x3710]  }
0xe9: {  	v0 =	vadd.f32 v26, v0;
	v3 =	vadd.f32 v28, v3;
	v8 =	vld [tilespmem:s15+$0x3730]  }
0xea: {  	v1 =	vadd.f32 v24, v1;
	v2 =	vadd.f32 v32, v2;
	v9 =	vld [tilespmem:s15+$0x3720];
	s15 =	sadd.s32 s5, s17;
	s17 =	simm.s32 $0x3700  }
0xeb: {  	v0 =	vadd.f32 v29, v0;
	v3 =	vadd.f32 v31, v3;
	[tilespmem:s17], [sflag:$0xE] =	stream.linear.gather [hbm4b:s15+s4], $0x400, $0x38;
	[tilespmem:$0x4380] =	vst v63  }
0xec: {  	_ =	swait.ge [sflag:s11], $0x400  }
0xed: {  	v1 =	vadd.f32 v27, v1;
	v2 =	vadd.f32 v34, v2;
	s15 =	spop (v2sf)  }
0xee: {  	v0 =	vadd.f32 v35, v0;
	v3 =	vadd.f32 v33, v3;
	[sflag:s11] =	ssyncset.done $0x0;
	s17 =	spop (v2sf)  }
0xef: {  	v1 =	vadd.f32 v30, v1;
	v2 =	vadd.f32 v37, v2;
	[sflag:s11] =	ssyncadd.s32 $0xFFFFFC00  }
0xf0: {  	v0 =	vadd.f32 v38, v0;
	v3 =	vadd.f32 v39, v3;
	v10 =	vld [tilespmem:s17+$0x3B00]  }
0xf1: {  	v1 =	vadd.f32 v36, v1;
	v2 =	vadd.f32 v44, v2;
	v11 =	vld [tilespmem:s17+$0x3B30]  }
0xf2: {  	v0 =	vadd.f32 v43, v0;
	v3 =	vadd.f32 v41, v3;
	v14 =	vld [tilespmem:s17+$0x3B20]  }
0xf3: {  	s16 =	sadd.s32 s5, s16;
	v1 =	vadd.f32 v42, v1;
	v2 =	vadd.f32 v45, v2;
	v15 =	vld [tilespmem:s17+$0x3B10];
	s17 =	simm.s32 $0x3B00  }
0xf4: {  	v0 =	vadd.f32 v48, v0;
	v3 =	vadd.f32 v46, v3;
	[tilespmem:s17], [sflag:$0xF] =	stream.linear.gather [hbm4b:s16+s4], $0x400, $0x38;
	[tilespmem:$0x4380] =	vst v63  }
0xf5: {  	v1 =	vadd.f32 v47, v1;
	v2 =	vadd.f32 v49, v2;
	_ =	swait.ge [sflag:s12], $0x400  }
0xf6: {  	v0 =	vadd.f32 v51, v0;
	v3 =	vadd.f32 v50, v3;
	[sflag:s12] =	ssyncset.done $0x0  }
0xf7: {  	v1 =	vadd.f32 v52, v1;
	v2 =	vadd.f32 v12, v2;
	[sflag:s12] =	ssyncadd.s32 $0xFFFFFC00  }
0xf8: {  	v0 =	vadd.f32 v13, v0;
	v3 =	vadd.f32 v4, v3;
	v4 =	vld [tilespmem:s15+$0x3F00]  }
0xf9: {  	v1 =	vadd.f32 v5, v1;
	v2 =	vadd.f32 v6, v2;
	v5 =	vld [tilespmem:s15+$0x3F10]  }
0xfa: {  	v3 =	vadd.f32 v7, v3;
	v0 =	vadd.f32 v8, v0;
	v6 =	vld [tilespmem:s15+$0x3F30]  }
0xfb: {  	s14 =	sadd.s32 s5, s14;
	v1 =	vadd.f32 v9, v1;
	s16 =	sshra.s32 s21, $0x2;
	v2 =	vadd.f32 v10, v2;
	v7 =	vld [tilespmem:s15+$0x3F20];
	s15 =	simm.s32 $0x3F00  }
0xfc: {  	v0 =	vadd.f32 v11, v0;
	v3 =	vadd.f32 v15, v3;
	[tilespmem:s15], [sflag:$0x10] =	stream.linear.gather [hbm4b:s14+s4], $0x400, $0x38;
	[tilespmem:$0x4380] =	vst v63  }
0xfd: {  	v1 =	vadd.f32 v14, v1;
	v8 =	vld [tilespmem:s16+$0x200];
	v12 =	vadd.f32 v4, v2  }
0xfe: {  	v2 =	vld [tilespmem:s16+$0x110];
	v13 =	vadd.f32 v5, v3  }
0xff: {  	v15 =	vadd.f32 v6, v0  }
0x100: {  	v14 =	vadd.f32 v7, v1;
	_ =	sdelay $0x1  }
0x101: {  	v0 =	vshll.u32 v8, $0x9  }
0x102: {  	v40 =	vshra.s32 v0, $0x2;
	v4 =	vshll.u32 v2, $0x4  }
0x103: {  	(v2sf) =	vpush v40, $0x0  }
0x104: {  	(v2sf) =	vpush v4, $0x0  }
0x105: {  	(v2sf) =	vpush v4, $0x1  }
0x106: {  	(v2sf) =	vpush v4, $0x2  }
0x107: {  	(v2sf) =	vpush v4, $0x3;
	_ =	sdelay $0x1  }
0x108: {  	(v2sf) =	vpush v4, $0x4  }
0x109: {  	(v2sf) =	vpush v4, $0x5  }
0x10a: {  	(v2sf) =	vpush v40, $0x1  }
0x10b: {  	(v2sf) =	vpush v4, $0x6  }
0x10c: {  	(v2sf) =	vpush v4, $0x7  }
0x10d: {  	(v2sf) =	vpush v4, $0x8  }
0x10e: {  	s14 =	simm.s32 $0x1;
	(v2sf) =	vpush v4, $0x9  }
0x10f: {  	_ =	swait.ge [sflag:s14], $0x400  }
0x110: {  	[sflag:s14] =	ssyncset.done $0x0;
	(v2sf) =	vpush v4, $0xA  }
0x111: {  	[sflag:s14] =	ssyncadd.s32 $0xFFFFFC00;
	s14 =	spop (v2sf);
	(v2sf) =	vpush v4, $0xB  }
0x112: {  	v0 =	vld [tilespmem:s14+$0x330];
	s15 =	spop (v2sf);
	(v2sf) =	vpush v40, $0x2  }
0x113: {  	v2 =	vld [tilespmem:s14+$0x300];
	s15 =	sand.u32 $0xFFFFF80, s15;
	s16 =	spop (v2sf);
	(v2sf) =	vpush v40, $0xC  }
0x114: {  	v1 =	vld [tilespmem:s14+$0x320];
	s15 =	sadd.s32 s5, s15;
	s16 =	sand.u32 $0xFFFFF80, s16;
	s17 =	spop (v2sf);
	(v2sf) =	vpush v4, $0xC  }
0x115: {  	s18 =	simm.s32 $0x2;
	v3 =	vld [tilespmem:s14+$0x310];
	s14 =	sand.u32 $0xFFFFF80, s17;
	s17 =	spop (v2sf);
	(v2sf) =	vpush v4, $0xD  }
0x116: {  	[tilespmem:s29], [sflag:$0x1] =	stream.linear.gather [hbm4b:s15+s4], $0x400, $0x38;
	(v2sf) =	vpush v4, $0xE;
	[tilespmem:$0x4380] =	vst v63  }
0x117: {  	_ =	swait.ge [sflag:s18], $0x400  }
0x118: {  	s28 =	sand.u32 $0xFFFFF80, s17;
	s15 =	spop (v2sf)  }
0x119: {  	[sflag:s18] =	ssyncset.done $0x0;
	s26 =	sand.u32 $0xFFFFF80, s15;
	s15 =	spop (v2sf);
	(v2sf) =	vpush v4, $0xF  }
0x11a: {  	[sflag:s18] =	ssyncadd.s32 $0xFFFFFC00;
	s25 =	sand.u32 $0xFFFFF80, s15;
	s15 =	spop (v2sf)  }
0x11b: {  	v4 =	vld [tilespmem:s15+$0x710];
	(v2sf) =	vpush v40, $0x3;
	s17 =	spop (v2sf)  }
0x11c: {  	v5 =	vld [tilespmem:s15+$0x700];
	s24 =	sand.u32 $0xFFFFF80, s17;
	s17 =	spop (v2sf)  }
0x11d: {  	v7 =	vld [tilespmem:s15+$0x730];
	s23 =	sand.u32 $0xFFFFF80, s17;
	s22 =	spop (v2sf)  }
0x11e: {  	s17 =	simm.s32 $0x700;
	v6 =	vld [tilespmem:s15+$0x720];
	s15 =	sadd.s32 s5, s16;
	s16 =	spop (v2sf)  }
0x11f: {  	[tilespmem:s17], [sflag:$0x2] =	stream.linear.gather [hbm4b:s15+s4], $0x400, $0x38;
	[tilespmem:$0x4380] =	vst v63  }
0x120: {  	s17 =	simm.s32 $0x3  }
0x121: {  	_ =	swait.ge [sflag:s17], $0x400  }
0x122: {  	s21 =	sand.u32 $0xFFFFF80, s16;
	s15 =	spop (v2sf)  }
0x123: {  	[sflag:s17] =	ssyncset.done $0x0;
	s20 =	sand.u32 $0xFFFFF80, s15;
	s15 =	spop (v2sf)  }
0x124: {  	[sflag:s17] =	ssyncadd.s32 $0xFFFFFC00;
	s19 =	sand.u32 $0xFFFFF80, s15;
	s16 =	spop (v2sf)  }
0x125: {  	v8 =	vld [tilespmem:s16+$0xB00];
	(v2sf) =	vpush v40, $0x4;
	s15 =	spop (v2sf)  }
0x126: {  	v9 =	vld [tilespmem:s16+$0xB30];
	s17 =	spop (v2sf)  }
0x127: {  	s14 =	sadd.s32 s5, s14;
	v10 =	vld [tilespmem:s16+$0xB10];
	s18 =	sand.u32 $0xFFFFF80, s17;
	s17 =	spop (v2sf)  }
0x128: {  	s29 =	simm.s32 $0xB00;
	v11 =	vld [tilespmem:s16+$0xB20];
	s17 =	sand.u32 $0xFFFFF80, s17;
	s16 =	spop (v2sf)  }
0x129: {  	[tilespmem:s29], [sflag:$0x3] =	stream.linear.gather [hbm4b:s14+s4], $0x400, $0x38;
	[tilespmem:$0x4380] =	vst v63  }
0x12a: {  	s29 =	simm.s32 $0x4  }
0x12b: {  	_ =	swait.ge [sflag:s29], $0x400  }
0x12c: {  	s16 =	sand.u32 $0xFFFFF80, s16;
	s14 =	spop (v2sf)  }
0x12d: {  	[sflag:s29] =	ssyncset.done $0x0;
	s14 =	sand.u32 $0xFFFFF80, s14  }
0x12e: {  	[sflag:s29] =	ssyncadd.s32 $0xFFFFFC00;
	s29 =	spop (v2sf)  }
0x12f: {  	v17 =	vld [tilespmem:s29+$0xF30];
	(v2sf) =	vpush v40, $0x5  }
0x130: {  	v16 =	vld [tilespmem:s29+$0xF20]  }
0x131: {  	v18 =	vld [tilespmem:s29+$0xF10]  }
0x132: {  	s30 =	simm.s32 $0xF00;
	s28 =	sadd.s32 s5, s28;
	v19 =	vld [tilespmem:s29+$0xF00];
	s29 =	simm.s32 $0x300  }
0x133: {  	[tilespmem:s30], [sflag:$0x4] =	stream.linear.gather [hbm4b:s28+s4], $0x400, $0x38;
	[tilespmem:$0x4380] =	vst v63  }
0x134: {  	_ =	swait.ge [sflag:s31], $0x400  }
0x135: {  	[sflag:s31] =	ssyncset.done $0x0  }
0x136: {  	[sflag:s31] =	ssyncadd.s32 $0xFFFFFC00;
	s28 =	spop (v2sf)  }
0x137: {  	v21 =	vld [tilespmem:s28+$0x1300];
	(v2sf) =	vpush v40, $0x6  }
0x138: {  	v20 =	vld [tilespmem:s28+$0x1320]  }
0x139: {  	v22 =	vld [tilespmem:s28+$0x1330]  }
0x13a: {  	s26 =	sadd.s32 s5, s26;
	v23 =	vld [tilespmem:s28+$0x1310];
	s28 =	simm.s32 $0x1300  }
0x13b: {  	[tilespmem:s28], [sflag:$0x5] =	stream.linear.gather [hbm4b:s26+s4], $0x400, $0x38;
	[tilespmem:$0x4380] =	vst v63  }
0x13c: {  	_ =	swait.ge [sflag:s0], $0x400  }
0x13d: {  	[sflag:s0] =	ssyncset.done $0x0  }
0x13e: {  	[sflag:s0] =	ssyncadd.s32 $0xFFFFFC00;
	s26 =	spop (v2sf)  }
0x13f: {  	v25 =	vld [tilespmem:s26+$0x1700];
	(v2sf) =	vpush v40, $0x7  }
0x140: {  	v24 =	vld [tilespmem:s26+$0x1720]  }
0x141: {  	v26 =	vld [tilespmem:s26+$0x1730]  }
0x142: {  	s25 =	sadd.s32 s5, s25;
	v28 =	vld [tilespmem:s26+$0x1710];
	s26 =	simm.s32 $0x1700  }
0x143: {  	[tilespmem:s26], [sflag:$0x6] =	stream.linear.gather [hbm4b:s25+s4], $0x400, $0x38;
	[tilespmem:$0x4380] =	vst v63  }
0x144: {  	_ =	swait.ge [sflag:s2], $0x400  }
0x145: {  	[sflag:s2] =	ssyncset.done $0x0  }
0x146: {  	[sflag:s2] =	ssyncadd.s32 $0xFFFFFC00;
	s25 =	spop (v2sf)  }
0x147: {  	v27 =	vld [tilespmem:s25+$0x1B20];
	(v2sf) =	vpush v40, $0x8  }
0x148: {  	v29 =	vld [tilespmem:s25+$0x1B30]  }
0x149: {  	v32 =	vld [tilespmem:s25+$0x1B00]  }
0x14a: {  	s24 =	sadd.s32 s5, s24;
	v31 =	vld [tilespmem:s25+$0x1B10];
	s25 =	simm.s32 $0x1B00  }
0x14b: {  	[tilespmem:s25], [sflag:$0x7] =	stream.linear.gather [hbm4b:s24+s4], $0x400, $0x38;
	[tilespmem:$0x4380] =	vst v63  }
0x14c: {  	_ =	swait.ge [sflag:s9], $0x400  }
0x14d: {  	[sflag:s9] =	ssyncset.done $0x0  }
0x14e: {  	[sflag:s9] =	ssyncadd.s32 $0xFFFFFC00;
	s24 =	spop (v2sf)  }
0x14f: {  	v30 =	vld [tilespmem:s24+$0x1F20];
	(v2sf) =	vpush v40, $0x9  }
0x150: {  	v34 =	vld [tilespmem:s24+$0x1F00]  }
0x151: {  	v33 =	vld [tilespmem:s24+$0x1F10]  }
0x152: {  	s23 =	sadd.s32 s5, s23;
	v35 =	vld [tilespmem:s24+$0x1F30];
	s24 =	simm.s32 $0x1F00  }
0x153: {  	[tilespmem:s24], [sflag:$0x8] =	stream.linear.gather [hbm4b:s23+s4], $0x400, $0x38;
	[tilespmem:$0x4380] =	vst v63  }
0x154: {  	_ =	swait.ge [sflag:s3], $0x400  }
0x155: {  	[sflag:s3] =	ssyncset.done $0x0  }
0x156: {  	[sflag:s3] =	ssyncadd.s32 $0xFFFFFC00;
	s23 =	spop (v2sf)  }
0x157: {  	v37 =	vld [tilespmem:s23+$0x2300];
	(v2sf) =	vpush v40, $0xA  }
0x158: {  	v38 =	vld [tilespmem:s23+$0x2330]  }
0x159: {  	s22 =	sand.u32 $0xFFFFF80, s22;
	v36 =	vld [tilespmem:s23+$0x2320]  }
0x15a: {  	s22 =	sadd.s32 s5, s22;
	v39 =	vld [tilespmem:s23+$0x2310];
	s23 =	simm.s32 $0x2300  }
0x15b: {  	[tilespmem:s23], [sflag:$0x9] =	stream.linear.gather [hbm4b:s22+s4], $0x400, $0x38;
	[tilespmem:$0x4380] =	vst v63  }
0x15c: {  	_ =	swait.ge [sflag:s1], $0x400  }
0x15d: {  	[sflag:s1] =	ssyncset.done $0x0  }
0x15e: {  	[sflag:s1] =	ssyncadd.s32 $0xFFFFFC00;
	s22 =	spop (v2sf)  }
0x15f: {  	v41 =	vld [tilespmem:s22+$0x2710];
	(v2sf) =	vpush v40, $0xB  }
0x160: {  	v44 =	vld [tilespmem:s22+$0x2700]  }
0x161: {  	v43 =	vld [tilespmem:s22+$0x2730]  }
.Ltmp1:
0x162: {  	s21 =	sadd.s32 s5, s21;
	v42 =	vld [tilespmem:s22+$0x2720];
	s22 =	simm.s32 $0x2700;
	(pc) =	sbr.rel @p0 .LBB2_3-.Ltmp1, $4  }
0x163: {  	[tilespmem:s22], [sflag:$0xA] =	stream.linear.gather [hbm4b:s21+s4], $0x400, $0x38;
	[tilespmem:$0x4380] =	vst v63  }
0x164: {  	_ =	swait.ge [sflag:s6], $0x400  }
0x165: {  	[sflag:s6] =	ssyncset.done $0x0  }
0x166: {  	[sflag:s6] =	ssyncadd.s32 $0xFFFFFC00;
	s22 =	spop (v2sf)  }
0x167: {  	v45 =	vld [tilespmem:s22+$0x2B00]  }
0x168: {  	v55 =	vld [tilespmem:s22+$0x2B10]  }
0x169: {  	v56 =	vld [tilespmem:s22+$0x2B20]  }
0x16a: {  	v57 =	vld [tilespmem:s22+$0x2B30];
	s13 =	sadd.s32 s5, s20;
	s20 =	simm.s32 $0x2B00  }
0x16b: {  	[tilespmem:s20], [sflag:$0xB] =	stream.linear.gather [hbm4b:s13+s4], $0x400, $0x38;
	[tilespmem:$0x4380] =	vst v63  }
0x16c: {  	[tilespmem:$0x1FAB0] =	vst v45  }
0x16d: {  	[tilespmem:$0x1FAC0] =	vst v55  }
0x16e: {  	[tilespmem:$0x1FAE0] =	vst v56  }
0x16f: {  	[tilespmem:$0x1FAD0] =	vst v57  }
0x170: {  	_ =	swait.ge [sflag:s7], $0x400  }
0x171: {  	[sflag:s7] =	ssyncset.done $0x0  }
0x172: {  	s21 =	spop (v2sf);
	[sflag:s7] =	ssyncadd.s32 $0xFFFFFC00  }
0x173: {  	v58 =	vld [tilespmem:s21+$0x2F00]  }
0x174: {  	v59 =	vld [tilespmem:s21+$0x2F10]  }
0x175: {  	v60 =	vld [tilespmem:s21+$0x2F30]  }
0x176: {  	s22 =	sadd.s32 s5, s19;
	s19 =	simm.s32 $0x2F00;
	v61 =	vld [tilespmem:s21+$0x2F20]  }
0x177: {  	[tilespmem:s19], [sflag:$0xC] =	stream.linear.gather [hbm4b:s22+s4], $0x400, $0x38;
	[tilespmem:$0x4380] =	vst v63  }
0x178: {  	[tilespmem:$0x1FAF0] =	vst v58  }
0x179: {  	[tilespmem:$0x1FB00] =	vst v59  }
0x17a: {  	[tilespmem:$0x1FB10] =	vst v60  }
0x17b: {  	(v2sf) =	vpush v40, $0xD;
	[tilespmem:$0x1FB20] =	vst v61  }
0x17c: {  	_ =	swait.ge [sflag:s8], $0x400  }
0x17d: {  	[sflag:s8] =	ssyncset.done $0x0  }
0x17e: {  	[sflag:s8] =	ssyncadd.s32 $0xFFFFFC00  }
0x17f: {  	v62 =	vld [tilespmem:s15+$0x3300]  }
0x180: {  	v63 =	vld [tilespmem:s15+$0x3330]  }
0x181: {  	v45 =	vld [tilespmem:s15+$0x3320]  }
0x182: {  	s23 =	sadd.s32 s5, s18;
	s18 =	simm.s32 $0x3300;
	v46 =	vld [tilespmem:s15+$0x3310]  }
0x183: {  	[tilespmem:s18], [sflag:$0xD] =	stream.linear.gather [hbm4b:s23+s4], $0x400, $0x38;
	[tilespmem:$0x4380] =	vst v63  }
0x184: {  	[tilespmem:$0x1FB30] =	vst v62  }
0x185: {  	[tilespmem:$0x1FB50] =	vst v63  }
0x186: {  	(v2sf) =	vpush v40, $0xF;
	[tilespmem:$0x1FB60] =	vst v45  }
0x187: {  	(v2sf) =	vpush v40, $0xE;
	[tilespmem:$0x1FB40] =	vst v46  }
0x188: {  	_ =	swait.ge [sflag:s10], $0x400  }
0x189: {  	[sflag:s10] =	ssyncset.done $0x0  }
0x18a: {  	s30 =	spop (v2sf);
	[sflag:s10] =	ssyncadd.s32 $0xFFFFFC00  }
0x18b: {  	v47 =	vld [tilespmem:s30+$0x3700]  }
0x18c: {  	v48 =	vld [tilespmem:s30+$0x3710]  }
0x18d: {  	v49 =	vld [tilespmem:s30+$0x3730]  }
0x18e: {  	s15 =	sadd.s32 s5, s17;
	s17 =	simm.s32 $0x3700;
	v50 =	vld [tilespmem:s30+$0x3720]  }
0x18f: {  	[tilespmem:s17], [sflag:$0xE] =	stream.linear.gather [hbm4b:s15+s4], $0x400, $0x38;
	[tilespmem:$0x4380] =	vst v63  }
0x190: {  	[tilespmem:$0x1FB70] =	vst v47  }
0x191: {  	[tilespmem:$0x1FB80] =	vst v48  }
0x192: {  	[tilespmem:$0x1FB90] =	vst v49  }
0x193: {  	[tilespmem:$0x1FBA0] =	vst v50  }
0x194: {  	_ =	swait.ge [sflag:s11], $0x400  }
0x195: {  	s21 =	spop (v2sf);
	[sflag:s11] =	ssyncset.done $0x0  }
0x196: {  	s22 =	spop (v2sf);
	[sflag:s11] =	ssyncadd.s32 $0xFFFFFC00  }
0x197: {  	v51 =	vld [tilespmem:s22+$0x3B00]  }
0x198: {  	v52 =	vld [tilespmem:s22+$0x3B30]  }
0x199: {  	v53 =	vld [tilespmem:s22+$0x3B20]  }
0x19a: {  	s23 =	sadd.s32 s5, s16;
	s16 =	simm.s32 $0x3B00;
	v54 =	vld [tilespmem:s22+$0x3B10]  }
0x19b: {  	[tilespmem:s16], [sflag:$0xF] =	stream.linear.gather [hbm4b:s23+s4], $0x400, $0x38;
	[tilespmem:$0x4380] =	vst v63  }
0x19c: {  	[tilespmem:$0x1FBB0] =	vst v51  }
0x19d: {  	[tilespmem:$0x1FBD0] =	vst v52  }
0x19e: {  	[tilespmem:$0x1FBE0] =	vst v53  }
0x19f: {  	[tilespmem:$0x1FBC0] =	vst v54  }
0x1a0: {  	_ =	swait.ge [sflag:s12], $0x400  }
0x1a1: {  	[sflag:s12] =	ssyncset.done $0x0  }
0x1a2: {  	[sflag:s12] =	ssyncadd.s32 $0xFFFFFC00  }
0x1a3: {  	v55 =	vld [tilespmem:s21+$0x3F00]  }
0x1a4: {  	v56 =	vld [tilespmem:s21+$0x3F10]  }
0x1a5: {  	s14 =	sadd.s32 s5, s14;
	s15 =	simm.s32 $0x3F00;
	v57 =	vld [tilespmem:s21+$0x3F30]  }
0x1a6: {  	v58 =	vld [tilespmem:s21+$0x3F20];
	[tilespmem:s15], [sflag:$0x10] =	stream.linear.gather [hbm4b:s14+s4], $0x400, $0x38  }
0x1a7: {  	v59 =	vld [tilespmem:$0x2B0];
	_ =	sdelay $0x1  }
0x1a8: {  	[tilespmem:$0x1FBF0] =	vst v55  }
0x1a9: {  	[tilespmem:$0x1FC00] =	vst v56  }
0x1aa: {  	[tilespmem:$0x1FC10] =	vst v57  }
0x1ab: {  	s30 =	simm.s32 $0x1;
	[tilespmem:$0x1FC20] =	vst v58;
	v40 =	vshll.u32 v59, $0x9  }
0x1ac: {  	_ =	swait.ge [sflag:s30], $0x400;
	v40 =	vshra.s32 v40, $0x2  }
0x1ad: {  	(v2sf) =	vpush v40, $0x0;
	_ =	sdelay $0xd  }
0x1ae: {  	[sflag:s30] =	ssyncset.done $0x0  }
0x1af: {  	[sflag:s30] =	ssyncadd.s32 $0xFFFFFC00;
	s14 =	spop (v2sf)  }
0x1b0: {  	v60 =	vld [tilespmem:s14+$0x300]  }
0x1b1: {  	v61 =	vld [tilespmem:s14+$0x310]  }
0x1b2: {  	v62 =	vld [tilespmem:s14+$0x320]  }
0x1b3: {  	v63 =	vld [tilespmem:s14+$0x330];
	_ =	sdelay $0x1  }
0x1b4: {  	[tilespmem:$0x1FC30] =	vst v60  }
0x1b5: {  	[tilespmem:$0x1FC40] =	vst v61  }
0x1b6: {  	[tilespmem:$0x1FC50] =	vst v62  }
0x1b7: {  	s21 =	simm.s32 $0x2;
	[tilespmem:$0x1FC60] =	vst v63  }
0x1b8: {  	_ =	swait.ge [sflag:s21], $0x400  }
0x1b9: {  	(v2sf) =	vpush v40, $0x1;
	_ =	sdelay $0xd  }
0x1ba: {  	[sflag:s21] =	ssyncset.done $0x0  }
0x1bb: {  	[sflag:s21] =	ssyncadd.s32 $0xFFFFFC00;
	s22 =	spop (v2sf)  }
0x1bc: {  	v48 =	vld [tilespmem:s22+$0x700]  }
0x1bd: {  	v49 =	vld [tilespmem:s22+$0x710]  }
0x1be: {  	v50 =	vld [tilespmem:s22+$0x720]  }
0x1bf: {  	v51 =	vld [tilespmem:s22+$0x730];
	_ =	sdelay $0x1  }
0x1c0: {  	[tilespmem:$0x1FC70] =	vst v48  }
0x1c1: {  	[tilespmem:$0x1FC80] =	vst v49  }
0x1c2: {  	[tilespmem:$0x1FC90] =	vst v50  }
0x1c3: {  	s23 =	simm.s32 $0x3;
	[tilespmem:$0x1FCA0] =	vst v51  }
0x1c4: {  	_ =	swait.ge [sflag:s23], $0x400  }
0x1c5: {  	(v2sf) =	vpush v40, $0x2;
	_ =	sdelay $0xd  }
0x1c6: {  	[sflag:s23] =	ssyncset.done $0x0  }
0x1c7: {  	[sflag:s23] =	ssyncadd.s32 $0xFFFFFC00;
	s30 =	spop (v2sf)  }
0x1c8: {  	v52 =	vld [tilespmem:s30+$0xB00]  }
0x1c9: {  	v53 =	vld [tilespmem:s30+$0xB10]  }
0x1ca: {  	v54 =	vld [tilespmem:s30+$0xB20]  }
0x1cb: {  	v55 =	vld [tilespmem:s30+$0xB30];
	_ =	sdelay $0x1  }
0x1cc: {  	[tilespmem:$0x1FCB0] =	vst v52  }
0x1cd: {  	[tilespmem:$0x1FCC0] =	vst v53  }
0x1ce: {  	[tilespmem:$0x1FCD0] =	vst v54  }
0x1cf: {  	s14 =	simm.s32 $0x4;
	[tilespmem:$0x1FCE0] =	vst v55  }
0x1d0: {  	_ =	swait.ge [sflag:s14], $0x400  }
0x1d1: {  	(v2sf) =	vpush v40, $0x3;
	_ =	sdelay $0xd  }
0x1d2: {  	[sflag:s14] =	ssyncset.done $0x0  }
0x1d3: {  	[sflag:s14] =	ssyncadd.s32 $0xFFFFFC00;
	s21 =	spop (v2sf)  }
0x1d4: {  	v56 =	vld [tilespmem:s21+$0xF00]  }
0x1d5: {  	v57 =	vld [tilespmem:s21+$0xF10]  }
0x1d6: {  	v58 =	vld [tilespmem:s21+$0xF20]  }
0x1d7: {  	v59 =	vld [tilespmem:s21+$0xF30];
	_ =	sdelay $0x1  }
0x1d8: {  	[tilespmem:$0x1FCF0] =	vst v56  }
0x1d9: {  	[tilespmem:$0x1FD00] =	vst v57  }
0x1da: {  	[tilespmem:$0x1FD10] =	vst v58  }
0x1db: {  	[tilespmem:$0x1FD20] =	vst v59  }
0x1dc: {  	_ =	swait.ge [sflag:s31], $0x400  }
0x1dd: {  	(v2sf) =	vpush v40, $0x4;
	_ =	sdelay $0xd  }
0x1de: {  	[sflag:s31] =	ssyncset.done $0x0  }
0x1df: {  	[sflag:s31] =	ssyncadd.s32 $0xFFFFFC00;
	s22 =	spop (v2sf)  }
0x1e0: {  	v60 =	vld [tilespmem:s22+$0x1300]  }
0x1e1: {  	v61 =	vld [tilespmem:s22+$0x1310]  }
0x1e2: {  	v62 =	vld [tilespmem:s22+$0x1320]  }
0x1e3: {  	v63 =	vld [tilespmem:s22+$0x1330];
	_ =	sdelay $0x1  }
0x1e4: {  	[tilespmem:$0x1FD30] =	vst v60  }
0x1e5: {  	[tilespmem:$0x1FD40] =	vst v61  }
0x1e6: {  	[tilespmem:$0x1FD50] =	vst v62  }
0x1e7: {  	[tilespmem:$0x1FD60] =	vst v63  }
0x1e8: {  	_ =	swait.ge [sflag:s0], $0x400  }
0x1e9: {  	(v2sf) =	vpush v40, $0x5;
	_ =	sdelay $0xd  }
0x1ea: {  	[sflag:s0] =	ssyncset.done $0x0  }
0x1eb: {  	[sflag:s0] =	ssyncadd.s32 $0xFFFFFC00;
	s23 =	spop (v2sf)  }
0x1ec: {  	v48 =	vld [tilespmem:s23+$0x1700]  }
0x1ed: {  	v49 =	vld [tilespmem:s23+$0x1710]  }
0x1ee: {  	v50 =	vld [tilespmem:s23+$0x1720]  }
0x1ef: {  	v51 =	vld [tilespmem:s23+$0x1730];
	_ =	sdelay $0x1  }
0x1f0: {  	[tilespmem:$0x1FD70] =	vst v48  }
0x1f1: {  	[tilespmem:$0x1FD80] =	vst v49  }
0x1f2: {  	[tilespmem:$0x1FD90] =	vst v50  }
0x1f3: {  	[tilespmem:$0x1FDA0] =	vst v51  }
0x1f4: {  	_ =	swait.ge [sflag:s2], $0x400  }
0x1f5: {  	(v2sf) =	vpush v40, $0x6;
	_ =	sdelay $0xd  }
0x1f6: {  	[sflag:s2] =	ssyncset.done $0x0  }
0x1f7: {  	[sflag:s2] =	ssyncadd.s32 $0xFFFFFC00;
	s30 =	spop (v2sf)  }
0x1f8: {  	v52 =	vld [tilespmem:s30+$0x1B00]  }
0x1f9: {  	v53 =	vld [tilespmem:s30+$0x1B10]  }
0x1fa: {  	v54 =	vld [tilespmem:s30+$0x1B20]  }
0x1fb: {  	v55 =	vld [tilespmem:s30+$0x1B30];
	_ =	sdelay $0x1  }
0x1fc: {  	[tilespmem:$0x1FDB0] =	vst v52  }
0x1fd: {  	[tilespmem:$0x1FDC0] =	vst v53  }
0x1fe: {  	[tilespmem:$0x1FDD0] =	vst v54  }
0x1ff: {  	[tilespmem:$0x1FDE0] =	vst v55  }
0x200: {  	_ =	swait.ge [sflag:s9], $0x400  }
0x201: {  	(v2sf) =	vpush v40, $0x7;
	_ =	sdelay $0xd  }
0x202: {  	[sflag:s9] =	ssyncset.done $0x0  }
0x203: {  	[sflag:s9] =	ssyncadd.s32 $0xFFFFFC00;
	s14 =	spop (v2sf)  }
0x204: {  	v56 =	vld [tilespmem:s14+$0x1F00]  }
0x205: {  	v57 =	vld [tilespmem:s14+$0x1F10]  }
0x206: {  	v58 =	vld [tilespmem:s14+$0x1F20]  }
0x207: {  	v59 =	vld [tilespmem:s14+$0x1F30];
	_ =	sdelay $0x1  }
0x208: {  	[tilespmem:$0x1FDF0] =	vst v56  }
0x209: {  	[tilespmem:$0x1FE00] =	vst v57  }
0x20a: {  	[tilespmem:$0x1FE10] =	vst v58  }
0x20b: {  	[tilespmem:$0x1FE20] =	vst v59  }
0x20c: {  	_ =	swait.ge [sflag:s3], $0x400  }
0x20d: {  	(v2sf) =	vpush v40, $0x8;
	_ =	sdelay $0xd  }
0x20e: {  	[sflag:s3] =	ssyncset.done $0x0  }
0x20f: {  	[sflag:s3] =	ssyncadd.s32 $0xFFFFFC00;
	s21 =	spop (v2sf)  }
0x210: {  	v60 =	vld [tilespmem:s21+$0x2300]  }
0x211: {  	v61 =	vld [tilespmem:s21+$0x2310]  }
0x212: {  	v62 =	vld [tilespmem:s21+$0x2320]  }
0x213: {  	v63 =	vld [tilespmem:s21+$0x2330];
	_ =	sdelay $0x1  }
0x214: {  	[tilespmem:$0x1FE30] =	vst v60  }
0x215: {  	[tilespmem:$0x1FE40] =	vst v61  }
0x216: {  	[tilespmem:$0x1FE50] =	vst v62  }
0x217: {  	[tilespmem:$0x1FE60] =	vst v63  }
0x218: {  	_ =	swait.ge [sflag:s1], $0x400  }
0x219: {  	(v2sf) =	vpush v40, $0x9;
	_ =	sdelay $0xd  }
0x21a: {  	[sflag:s1] =	ssyncset.done $0x0  }
0x21b: {  	[sflag:s1] =	ssyncadd.s32 $0xFFFFFC00;
	s22 =	spop (v2sf)  }
0x21c: {  	v48 =	vld [tilespmem:s22+$0x2700]  }
0x21d: {  	v49 =	vld [tilespmem:s22+$0x2710]  }
0x21e: {  	v50 =	vld [tilespmem:s22+$0x2720]  }
0x21f: {  	v51 =	vld [tilespmem:s22+$0x2730];
	_ =	sdelay $0x1  }
0x220: {  	[tilespmem:$0x1FE70] =	vst v48  }
0x221: {  	[tilespmem:$0x1FE80] =	vst v49  }
0x222: {  	[tilespmem:$0x1FE90] =	vst v50  }
0x223: {  	[tilespmem:$0x1FEA0] =	vst v51  }
0x224: {  	_ =	swait.ge [sflag:s6], $0x400  }
0x225: {  	(v2sf) =	vpush v40, $0xA;
	_ =	sdelay $0xd  }
0x226: {  	[sflag:s6] =	ssyncset.done $0x0  }
0x227: {  	[sflag:s6] =	ssyncadd.s32 $0xFFFFFC00;
	s23 =	spop (v2sf)  }
0x228: {  	v52 =	vld [tilespmem:s23+$0x2B00]  }
0x229: {  	v53 =	vld [tilespmem:s23+$0x2B10]  }
0x22a: {  	v54 =	vld [tilespmem:s23+$0x2B20]  }
0x22b: {  	v55 =	vld [tilespmem:s23+$0x2B30];
	_ =	sdelay $0x1  }
0x22c: {  	[tilespmem:$0x1FEB0] =	vst v52  }
0x22d: {  	[tilespmem:$0x1FEC0] =	vst v53  }
0x22e: {  	[tilespmem:$0x1FED0] =	vst v54  }
0x22f: {  	[tilespmem:$0x1FEE0] =	vst v55  }
0x230: {  	_ =	swait.ge [sflag:s7], $0x400  }
0x231: {  	(v2sf) =	vpush v40, $0xB;
	_ =	sdelay $0xd  }
0x232: {  	[sflag:s7] =	ssyncset.done $0x0  }
0x233: {  	[sflag:s7] =	ssyncadd.s32 $0xFFFFFC00;
	s30 =	spop (v2sf)  }
0x234: {  	v56 =	vld [tilespmem:s30+$0x2F00]  }
0x235: {  	v57 =	vld [tilespmem:s30+$0x2F10]  }
0x236: {  	v58 =	vld [tilespmem:s30+$0x2F20]  }
0x237: {  	v59 =	vld [tilespmem:s30+$0x2F30];
	_ =	sdelay $0x1  }
0x238: {  	[tilespmem:$0x1FEF0] =	vst v56  }
0x239: {  	[tilespmem:$0x1FF00] =	vst v57  }
0x23a: {  	[tilespmem:$0x1FF10] =	vst v58  }
0x23b: {  	[tilespmem:$0x1FF20] =	vst v59  }
0x23c: {  	_ =	swait.ge [sflag:s8], $0x400  }
0x23d: {  	(v2sf) =	vpush v40, $0xC;
	_ =	sdelay $0xd  }
0x23e: {  	[sflag:s8] =	ssyncset.done $0x0  }
0x23f: {  	[sflag:s8] =	ssyncadd.s32 $0xFFFFFC00;
	s14 =	spop (v2sf)  }
0x240: {  	v60 =	vld [tilespmem:s14+$0x3300]  }
0x241: {  	v61 =	vld [tilespmem:s14+$0x3310]  }
0x242: {  	v62 =	vld [tilespmem:s14+$0x3320]  }
0x243: {  	v63 =	vld [tilespmem:s14+$0x3330];
	_ =	sdelay $0x1  }
0x244: {  	[tilespmem:$0x1FF30] =	vst v60  }
0x245: {  	[tilespmem:$0x1FF40] =	vst v61  }
0x246: {  	[tilespmem:$0x1FF50] =	vst v62  }
0x247: {  	[tilespmem:$0x1FF70] =	vst v63  }
0x248: {  	_ =	swait.ge [sflag:s10], $0x400  }
0x249: {  	(v2sf) =	vpush v40, $0xD;
	_ =	sdelay $0xd  }
0x24a: {  	[sflag:s10] =	ssyncset.done $0x0  }
0x24b: {  	[sflag:s10] =	ssyncadd.s32 $0xFFFFFC00;
	s21 =	spop (v2sf)  }
0x24c: {  	v48 =	vld [tilespmem:s21+$0x3700]  }
0x24d: {  	v49 =	vld [tilespmem:s21+$0x3710]  }
0x24e: {  	v50 =	vld [tilespmem:s21+$0x3720]  }
0x24f: {  	v51 =	vld [tilespmem:s21+$0x3730];
	_ =	sdelay $0x1  }
0x250: {  	[tilespmem:$0x1FF60] =	vst v48  }
0x251: {  	[tilespmem:$0x1FF80] =	vst v49  }
0x252: {  	[tilespmem:$0x1FF90] =	vst v50  }
0x253: {  	[tilespmem:$0x1FFB0] =	vst v51  }
0x254: {  	_ =	swait.ge [sflag:s11], $0x400  }
0x255: {  	(v2sf) =	vpush v40, $0xE;
	_ =	sdelay $0xd  }
0x256: {  	[sflag:s11] =	ssyncset.done $0x0  }
0x257: {  	[sflag:s11] =	ssyncadd.s32 $0xFFFFFC00;
	s22 =	spop (v2sf)  }
0x258: {  	v52 =	vld [tilespmem:s22+$0x3B00]  }
0x259: {  	v53 =	vld [tilespmem:s22+$0x3B10]  }
0x25a: {  	v54 =	vld [tilespmem:s22+$0x3B20]  }
0x25b: {  	v55 =	vld [tilespmem:s22+$0x3B30];
	_ =	sdelay $0x1  }
0x25c: {  	[tilespmem:$0x1FFA0] =	vst v52  }
0x25d: {  	[tilespmem:$0x1FFC0] =	vst v53  }
0x25e: {  	[tilespmem:$0x1FFD0] =	vst v54  }
0x25f: {  	[tilespmem:$0x1FFE0] =	vst v55  }
0x260: {  	_ =	swait.ge [sflag:s12], $0x400  }
0x261: {  	[sflag:s12] =	ssyncset.done $0x0  }
0x262: {  	[sflag:s12] =	ssyncadd.s32 $0xFFFFFC00  }
0x263: {  	v56 =	vld [tilespmem:$0x1B8]  }
0x264: {  	(v2sf) =	vpush v40, $0xF;
	_ =	sdelay $0x3  }
0x265: {  	v57 =	vshll.u32 v56, $0x4  }
0x266: {  	(v2sf) =	vpush v57, $0x8;
	_ =	sdelay $0x1  }
0x267: {  	(v2sf) =	vpush v57, $0x9;
	_ =	sdelay $0x2  }
0x268: {  	(v2sf) =	vpush v57, $0xA;
	_ =	sdelay $0x4  }
0x269: {  	s23 =	spop (v2sf);
	(v2sf) =	vpush v57, $0xB;
	_ =	sdelay $0x4  }
0x26a: {  	s30 =	spop (v2sf);
	(v2sf) =	vpush v57, $0xC;
	_ =	sdelay $0x1  }
0x26b: {  	v59 =	vld [tilespmem:$0x2B8];
	s22 =	spop (v2sf);
	(v2sf) =	vpush v57, $0xD  }
0x26c: {  	v62 =	vld [tilespmem:s23+$0x3F00]  }
0x26d: {  	s21 =	simm.s32 $0x2300;
	v58 =	vld [tilespmem:s23+$0x3F10];
	s14 =	sand.u32 $0xFFFFF80, s30  }
0x26e: {  	v63 =	vld [tilespmem:s23+$0x3F20];
	s14 =	sadd.s32 s5, s14;
	s13 =	sand.u32 $0xFFFFF80, s22;
	s30 =	spop (v2sf);
	(v2sf) =	vpush v57, $0xE  }
0x26f: {  	v61 =	vld [tilespmem:s23+$0x3F30];
	[tilespmem:s21], [sflag:$0x9] =	stream.linear.gather [hbm4b:s14+s4], $0x400, $0x38  }
0x270: {  	s23 =	simm.s32 $0x2700;
	s13 =	sadd.s32 s5, s13  }
0x271: {  	[tilespmem:s23], [sflag:$0xA] =	stream.linear.gather [hbm4b:s13+s4], $0x400, $0x38;
	[tilespmem:$0x4380] =	vst v63  }
0x272: {  	s13 =	sand.u32 $0xFFFFF80, s30  }
0x273: {  	s13 =	sadd.s32 s5, s13;
	s14 =	spop (v2sf);
	(v2sf) =	vpush v57, $0xF  }
0x274: {  	[tilespmem:s20], [sflag:$0xB] =	stream.linear.gather [hbm4b:s13+s4], $0x400, $0x38;
	[tilespmem:$0x4380] =	vst v63  }
0x275: {  	s13 =	sand.u32 $0xFFFFF80, s14  }
0x276: {  	s13 =	sadd.s32 s5, s13  }
0x277: {  	[tilespmem:s19], [sflag:$0xC] =	stream.linear.gather [hbm4b:s13+s4], $0x400, $0x38;
	[tilespmem:$0x4380] =	vst v63  }
0x278: {  	s20 =	spop (v2sf)  }
0x279: {  	s13 =	sand.u32 $0xFFFFF80, s20  }
0x27a: {  	s21 =	spop (v2sf);
	s13 =	sadd.s32 s5, s13  }
0x27b: {  	[tilespmem:s18], [sflag:$0xD] =	stream.linear.gather [hbm4b:s13+s4], $0x400, $0x38;
	[tilespmem:$0x4380] =	vst v63  }
0x27c: {  	s13 =	sand.u32 $0xFFFFF80, s21  }
0x27d: {  	s22 =	spop (v2sf);
	s13 =	sadd.s32 s5, s13  }
0x27e: {  	[tilespmem:s17], [sflag:$0xE] =	stream.linear.gather [hbm4b:s13+s4], $0x400, $0x38;
	[tilespmem:$0x4380] =	vst v63  }
0x27f: {  	s13 =	sand.u32 $0xFFFFF80, s22  }
0x280: {  	s13 =	sadd.s32 s5, s13  }
0x281: {  	[tilespmem:s16], [sflag:$0xF] =	stream.linear.gather [hbm4b:s13+s4], $0x400, $0x38;
	[tilespmem:$0x4380] =	vst v63  }
0x282: {  	s23 =	spop (v2sf)  }
0x283: {  	s13 =	sand.u32 $0xFFFFF80, s23  }
0x284: {  	[tilespmem:$0x1FFF0] =	vst v58;
	s13 =	sadd.s32 s5, s13  }
0x285: {  	v60 =	vshll.u32 v59, $0x9;
	[tilespmem:s15], [sflag:$0x10] =	stream.linear.gather [hbm4b:s13+s4], $0x400, $0x38;
	[tilespmem:$0x4380] =	vst v63  }
0x286: {  	v40 =	vshra.s32 v60, $0x2;
	_ =	swait.ge [sflag:s3], $0x400  }
0x287: {  	(v2sf) =	vpush v40, $0x8;
	_ =	sdelay $0xd  }
0x288: {  	[sflag:s3] =	ssyncset.done $0x0  }
0x289: {  	[sflag:s3] =	ssyncadd.s32 $0xFFFFFC00;
	s30 =	spop (v2sf)  }
0x28a: {  	v57 =	vld [tilespmem:s30+$0x2300]  }
0x28b: {  	v58 =	vld [tilespmem:s30+$0x2310]  }
0x28c: {  	v59 =	vld [tilespmem:s30+$0x2320]  }
0x28d: {  	v60 =	vld [tilespmem:s30+$0x2330];
	_ =	swait.ge [sflag:s1], $0x400  }
0x28e: {  	(v2sf) =	vpush v40, $0x9;
	_ =	sdelay $0xd  }
0x28f: {  	[sflag:s1] =	ssyncset.done $0x0  }
0x290: {  	[sflag:s1] =	ssyncadd.s32 $0xFFFFFC00;
	s14 =	spop (v2sf)  }
0x291: {  	v53 =	vld [tilespmem:s14+$0x2700]  }
0x292: {  	v54 =	vld [tilespmem:s14+$0x2710]  }
0x293: {  	v55 =	vld [tilespmem:s14+$0x2720]  }
0x294: {  	v56 =	vld [tilespmem:s14+$0x2730];
	_ =	swait.ge [sflag:s6], $0x400  }
0x295: {  	(v2sf) =	vpush v40, $0xA;
	_ =	sdelay $0xd  }
0x296: {  	[sflag:s6] =	ssyncset.done $0x0  }
0x297: {  	[sflag:s6] =	ssyncadd.s32 $0xFFFFFC00;
	s15 =	spop (v2sf)  }
0x298: {  	v49 =	vld [tilespmem:s15+$0x2B00]  }
0x299: {  	v51 =	vld [tilespmem:s15+$0x2B10]  }
0x29a: {  	v50 =	vld [tilespmem:s15+$0x2B20]  }
0x29b: {  	v52 =	vld [tilespmem:s15+$0x2B30];
	_ =	swait.ge [sflag:s7], $0x400  }
0x29c: {  	(v2sf) =	vpush v40, $0xB;
	_ =	sdelay $0xd  }
0x29d: {  	[sflag:s7] =	ssyncset.done $0x0  }
0x29e: {  	[sflag:s7] =	ssyncadd.s32 $0xFFFFFC00;
	s16 =	spop (v2sf)  }
0x29f: {  	v45 =	vld [tilespmem:s16+$0x2F00]  }
0x2a0: {  	v46 =	vld [tilespmem:s16+$0x2F10]  }
0x2a1: {  	v47 =	vld [tilespmem:s16+$0x2F20]  }
0x2a2: {  	v48 =	vld [tilespmem:s16+$0x2F30];
	_ =	swait.ge [sflag:s8], $0x400  }
0x2a3: {  	(v2sf) =	vpush v40, $0xC;
	_ =	sdelay $0x5  }
0x2a4: {  	v2 =	vadd.f32 v2, v12  }
0x2a5: {  	v0 =	vadd.f32 v0, v15;
	v3 =	vadd.f32 v3, v13  }
0x2a6: {  	v1 =	vadd.f32 v1, v14;
	v2 =	vadd.f32 v5, v2  }
0x2a7: {  	v0 =	vadd.f32 v7, v0;
	v3 =	vadd.f32 v4, v3  }
0x2a8: {  	v1 =	vadd.f32 v6, v1;
	v2 =	vadd.f32 v8, v2  }
0x2a9: {  	v0 =	vadd.f32 v9, v0;
	v3 =	vadd.f32 v10, v3  }
0x2aa: {  	v1 =	vadd.f32 v11, v1;
	v2 =	vadd.f32 v19, v2  }
0x2ab: {  	v0 =	vadd.f32 v17, v0;
	v3 =	vadd.f32 v18, v3  }
0x2ac: {  	v1 =	vadd.f32 v16, v1;
	v2 =	vadd.f32 v21, v2;
	[sflag:s8] =	ssyncset.done $0x0  }
0x2ad: {  	v0 =	vadd.f32 v22, v0;
	v3 =	vadd.f32 v23, v3;
	[sflag:s8] =	ssyncadd.s32 $0xFFFFFC00;
	s17 =	spop (v2sf)  }
0x2ae: {  	v8 =	vadd.f32 v20, v1;
	v2 =	vadd.f32 v25, v2;
	v1 =	vld [tilespmem:s17+$0x3300]  }
0x2af: {  	v9 =	vadd.f32 v26, v0;
	v3 =	vadd.f32 v28, v3;
	v0 =	vld [tilespmem:s17+$0x3310]  }
0x2b0: {  	v10 =	vadd.f32 v32, v2;
	v2 =	vld [tilespmem:s17+$0x3320]  }
0x2b1: {  	v11 =	vadd.f32 v31, v3;
	v3 =	vld [tilespmem:s17+$0x3330];
	_ =	swait.ge [sflag:s10], $0x400  }
0x2b2: {  	v12 =	vld [tilespmem:$0x1FAB0]  }
0x2b3: {  	v13 =	vld [tilespmem:$0x1FAC0]  }
0x2b4: {  	v14 =	vld [tilespmem:$0x1FAD0]  }
0x2b5: {  	v15 =	vld [tilespmem:$0x1FAE0]  }
0x2b6: {  	v16 =	vld [tilespmem:$0x1FAF0]  }
0x2b7: {  	v17 =	vld [tilespmem:$0x1FB00]  }
0x2b8: {  	v18 =	vld [tilespmem:$0x1FB10]  }
0x2b9: {  	v19 =	vld [tilespmem:$0x1FB20]  }
0x2ba: {  	v20 =	vld [tilespmem:$0x1FB30]  }
0x2bb: {  	v21 =	vld [tilespmem:$0x1FB40]  }
0x2bc: {  	v22 =	vld [tilespmem:$0x1FB50]  }
0x2bd: {  	v23 =	vld [tilespmem:$0x1FB60]  }
0x2be: {  	v4 =	vadd.f32 v24, v8;
	v24 =	vld [tilespmem:$0x1FB70]  }
0x2bf: {  	v25 =	vld [tilespmem:$0x1FB80]  }
0x2c0: {  	v26 =	vld [tilespmem:$0x1FB90]  }
0x2c1: {  	v4 =	vadd.f32 v27, v4;
	v27 =	vld [tilespmem:$0x1FBA0]  }
0x2c2: {  	(v2sf) =	vpush v40, $0xD;
	v28 =	vld [tilespmem:$0x1FBB0]  }
0x2c3: {  	v5 =	vadd.f32 v29, v9;
	v29 =	vld [tilespmem:$0x1FBC0]  }
0x2c4: {  	v4 =	vadd.f32 v30, v4;
	v30 =	vld [tilespmem:$0x1FBD0]  }
0x2c5: {  	v31 =	vld [tilespmem:$0x1FBE0]  }
0x2c6: {  	v32 =	vld [tilespmem:$0x1FBF0]  }
0x2c7: {  	v7 =	vadd.f32 v33, v11;
	v33 =	vld [tilespmem:$0x1FC00]  }
0x2c8: {  	v6 =	vadd.f32 v34, v10;
	v34 =	vld [tilespmem:$0x1FC10]  }
0x2c9: {  	v5 =	vadd.f32 v35, v5;
	v35 =	vld [tilespmem:$0x1FC20]  }
0x2ca: {  	v4 =	vadd.f32 v36, v4;
	v36 =	vld [tilespmem:$0x1FC30]  }
0x2cb: {  	v6 =	vadd.f32 v37, v6;
	v37 =	vld [tilespmem:$0x1FC40]  }
0x2cc: {  	v7 =	vadd.f32 v39, v7;
	v5 =	vadd.f32 v38, v5;
	v38 =	vld [tilespmem:$0x1FC50]  }
0x2cd: {  	v39 =	vld [tilespmem:$0x1FC60]  }
0x2ce: {  	v7 =	vadd.f32 v41, v7;
	v41 =	vld [tilespmem:$0x1FC70]  }
0x2cf: {  	v4 =	vadd.f32 v42, v4;
	v42 =	vld [tilespmem:$0x1FC80]  }
0x2d0: {  	v5 =	vadd.f32 v43, v5;
	[sflag:s10] =	ssyncset.done $0x0;
	v43 =	vld [tilespmem:$0x1FC90]  }
0x2d1: {  	v6 =	vadd.f32 v44, v6;
	v44 =	vld [tilespmem:$0x1FCA0];
	[sflag:s10] =	ssyncadd.s32 $0xFFFFFC00;
	s18 =	spop (v2sf)  }
0x2d2: {  	v8 =	vld [tilespmem:s18+$0x3700]  }
0x2d3: {  	v9 =	vld [tilespmem:s18+$0x3710]  }
0x2d4: {  	v6 =	vadd.f32 v12, v6;
	v10 =	vld [tilespmem:s18+$0x3720]  }
0x2d5: {  	v7 =	vadd.f32 v13, v7;
	v11 =	vld [tilespmem:s18+$0x3730];
	_ =	swait.ge [sflag:s11], $0x400  }
0x2d6: {  	v5 =	vadd.f32 v14, v5;
	v6 =	vadd.f32 v16, v6;
	v16 =	vld [tilespmem:$0x1FCB0]  }
0x2d7: {  	v4 =	vadd.f32 v15, v4;
	v7 =	vadd.f32 v17, v7;
	v17 =	vld [tilespmem:$0x1FCC0]  }
0x2d8: {  	v5 =	vadd.f32 v18, v5;
	v18 =	vld [tilespmem:$0x1FCD0]  }
0x2d9: {  	v4 =	vadd.f32 v19, v4;
	v19 =	vld [tilespmem:$0x1FCE0]  }
0x2da: {  	v6 =	vadd.f32 v20, v6;
	v20 =	vld [tilespmem:$0x1FCF0]  }
0x2db: {  	v7 =	vadd.f32 v21, v7;
	v21 =	vld [tilespmem:$0x1FD00]  }
0x2dc: {  	v5 =	vadd.f32 v22, v5;
	v22 =	vld [tilespmem:$0x1FD10]  }
0x2dd: {  	v4 =	vadd.f32 v23, v4;
	v23 =	vld [tilespmem:$0x1FD20]  }
0x2de: {  	v6 =	vadd.f32 v24, v6;
	v24 =	vld [tilespmem:$0x1FD30]  }
0x2df: {  	v7 =	vadd.f32 v25, v7;
	v25 =	vld [tilespmem:$0x1FD40]  }
0x2e0: {  	v5 =	vadd.f32 v26, v5;
	v26 =	vld [tilespmem:$0x1FD50]  }
0x2e1: {  	v4 =	vadd.f32 v27, v4;
	v27 =	vld [tilespmem:$0x1FD60]  }
0x2e2: {  	v6 =	vadd.f32 v28, v6;
	v28 =	vld [tilespmem:$0x1FD70]  }
0x2e3: {  	v7 =	vadd.f32 v29, v7;
	v29 =	vld [tilespmem:$0x1FD80]  }
0x2e4: {  	v5 =	vadd.f32 v30, v5;
	v30 =	vld [tilespmem:$0x1FD90]  }
0x2e5: {  	v4 =	vadd.f32 v31, v4;
	v31 =	vld [tilespmem:$0x1FDA0]  }
0x2e6: {  	v6 =	vadd.f32 v32, v6;
	v32 =	vld [tilespmem:$0x1FDB0]  }
0x2e7: {  	v7 =	vadd.f32 v33, v7;
	v33 =	vld [tilespmem:$0x1FDC0]  }
0x2e8: {  	v5 =	vadd.f32 v34, v5;
	v34 =	vld [tilespmem:$0x1FDD0]  }
0x2e9: {  	v4 =	vadd.f32 v35, v4;
	v35 =	vld [tilespmem:$0x1FDE0]  }
0x2ea: {  	v6 =	vadd.f32 v36, v6;
	v36 =	vld [tilespmem:$0x1FDF0]  }
0x2eb: {  	v7 =	vadd.f32 v37, v7;
	v37 =	vld [tilespmem:$0x1FE00]  }
0x2ec: {  	v4 =	vadd.f32 v38, v4;
	v38 =	vld [tilespmem:$0x1FE10]  }
0x2ed: {  	v5 =	vadd.f32 v39, v5;
	v39 =	vld [tilespmem:$0x1FE20]  }
0x2ee: {  	v6 =	vadd.f32 v41, v6;
	v41 =	vld [tilespmem:$0x1FE30]  }
0x2ef: {  	(v2sf) =	vpush v40, $0xE;
	v7 =	vadd.f32 v42, v7;
	v42 =	vld [tilespmem:$0x1FE40]  }
0x2f0: {  	v4 =	vadd.f32 v43, v4;
	v43 =	vld [tilespmem:$0x1FE50]  }
0x2f1: {  	v5 =	vadd.f32 v44, v5;
	v44 =	vld [tilespmem:$0x1FE60]  }
0x2f2: {  	v6 =	vadd.f32 v16, v6;
	v16 =	vld [tilespmem:$0x1FE70]  }
0x2f3: {  	v7 =	vadd.f32 v17, v7;
	v17 =	vld [tilespmem:$0x1FE80]  }
0x2f4: {  	v4 =	vadd.f32 v18, v4;
	v18 =	vld [tilespmem:$0x1FE90]  }
0x2f5: {  	v5 =	vadd.f32 v19, v5;
	v19 =	vld [tilespmem:$0x1FEA0]  }
0x2f6: {  	v6 =	vadd.f32 v20, v6;
	v20 =	vld [tilespmem:$0x1FEB0]  }
0x2f7: {  	v7 =	vadd.f32 v21, v7;
	v4 =	vadd.f32 v22, v4;
	v22 =	vld [tilespmem:$0x1FEC0]  }
0x2f8: {  	v5 =	vadd.f32 v23, v5;
	v23 =	vld [tilespmem:$0x1FED0]  }
0x2f9: {  	v6 =	vadd.f32 v24, v6;
	v7 =	vadd.f32 v25, v7;
	v25 =	vld [tilespmem:$0x1FEE0]  }
0x2fa: {  	v4 =	vadd.f32 v26, v4;
	v26 =	vld [tilespmem:$0x1FEF0]  }
0x2fb: {  	v5 =	vadd.f32 v27, v5;
	v6 =	vadd.f32 v28, v6;
	v28 =	vld [tilespmem:$0x1FF00]  }
0x2fc: {  	v7 =	vadd.f32 v29, v7;
	v29 =	vld [tilespmem:$0x1FF10]  }
0x2fd: {  	[sflag:s11] =	ssyncset.done $0x0;
	v5 =	vadd.f32 v31, v5;
	v31 =	vld [tilespmem:$0x1FF20]  }
0x2fe: {  	[sflag:s11] =	ssyncadd.s32 $0xFFFFFC00;
	v6 =	vadd.f32 v32, v6;
	v32 =	vld [tilespmem:$0x1FF30];
	s19 =	spop (v2sf)  }
0x2ff: {  	v4 =	vadd.f32 v30, v4;
	v21 =	vld [tilespmem:s19+$0x3B00]  }
0x300: {  	v24 =	vld [tilespmem:s19+$0x3B10]  }
0x301: {  	v7 =	vadd.f32 v33, v7;
	v4 =	vadd.f32 v34, v4;
	v27 =	vld [tilespmem:s19+$0x3B20]  }
0x302: {  	v5 =	vadd.f32 v35, v5;
	v6 =	vadd.f32 v36, v6;
	v30 =	vld [tilespmem:s19+$0x3B30];
	_ =	swait.ge [sflag:s12], $0x400  }
0x303: {  	v7 =	vadd.f32 v37, v7;
	v4 =	vadd.f32 v38, v4;
	v33 =	vld [tilespmem:$0x1FF40]  }
0x304: {  	v5 =	vadd.f32 v39, v5;
	v6 =	vadd.f32 v41, v6;
	v34 =	vld [tilespmem:$0x1FF50]  }
0x305: {  	v7 =	vadd.f32 v42, v7;
	v4 =	vadd.f32 v43, v4;
	v35 =	vld [tilespmem:$0x1FF60]  }
0x306: {  	v5 =	vadd.f32 v44, v5;
	v36 =	vld [tilespmem:$0x1FF70];
	v6 =	vadd.f32 v16, v6  }
0x307: {  	(v2sf) =	vpush v40, $0xF;
	v37 =	vld [tilespmem:$0x1FF80];
	v7 =	vadd.f32 v17, v7  }
0x308: {  	v38 =	vld [tilespmem:$0x1FF90];
	v4 =	vadd.f32 v18, v4;
	v6 =	vadd.f32 v20, v6  }
0x309: {  	v39 =	vld [tilespmem:$0x1FFA0];
	v5 =	vadd.f32 v19, v5;
	v7 =	vadd.f32 v22, v7  }
0x30a: {  	v40 =	vld [tilespmem:$0x1FFB0];
	v4 =	vadd.f32 v23, v4;
	v6 =	vadd.f32 v26, v6  }
0x30b: {  	v41 =	vld [tilespmem:$0x1FFC0];
	v5 =	vadd.f32 v25, v5;
	v7 =	vadd.f32 v28, v7  }
0x30c: {  	v42 =	vld [tilespmem:$0x1FFD0];
	v4 =	vadd.f32 v29, v4;
	v6 =	vadd.f32 v32, v6  }
0x30d: {  	v43 =	vld [tilespmem:$0x1FFE0];
	v5 =	vadd.f32 v31, v5;
	v7 =	vadd.f32 v33, v7  }
0x30e: {  	v44 =	vld [tilespmem:$0x1FFF0];
	v4 =	vadd.f32 v34, v4;
	v6 =	vadd.f32 v35, v6  }
0x30f: {  	v5 =	vadd.f32 v36, v5;
	v7 =	vadd.f32 v37, v7  }
0x310: {  	v4 =	vadd.f32 v38, v4;
	v6 =	vadd.f32 v39, v6  }
0x311: {  	v5 =	vadd.f32 v40, v5;
	v7 =	vadd.f32 v41, v7  }
0x312: {  	v4 =	vadd.f32 v42, v4;
	v6 =	vadd.f32 v62, v6  }
0x313: {  	v5 =	vadd.f32 v43, v5;
	v7 =	vadd.f32 v44, v7  }
0x314: {  	v4 =	vadd.f32 v63, v4;
	v6 =	vadd.f32 v57, v6  }
0x315: {  	v5 =	vadd.f32 v61, v5;
	v7 =	vadd.f32 v58, v7  }
0x316: {  	v4 =	vadd.f32 v59, v4;
	v6 =	vadd.f32 v53, v6  }
0x317: {  	v5 =	vadd.f32 v60, v5;
	v7 =	vadd.f32 v54, v7  }
0x318: {  	v4 =	vadd.f32 v55, v4;
	v6 =	vadd.f32 v49, v6  }
0x319: {  	v5 =	vadd.f32 v56, v5;
	v7 =	vadd.f32 v51, v7  }
0x31a: {  	v4 =	vadd.f32 v50, v4;
	v6 =	vadd.f32 v45, v6  }
0x31b: {  	[sflag:s12] =	ssyncset.done $0x0;
	v5 =	vadd.f32 v52, v5;
	v7 =	vadd.f32 v46, v7  }
0x31c: {  	[sflag:s12] =	ssyncadd.s32 $0xFFFFFC00;
	s20 =	spop (v2sf);
	v4 =	vadd.f32 v47, v4;
	v1 =	vadd.f32 v1, v6  }
0x31d: {  	v59 =	vld [tilespmem:s20+$0x3F00];
	v5 =	vadd.f32 v48, v5;
	v0 =	vadd.f32 v0, v7  }
0x31e: {  	v60 =	vld [tilespmem:s20+$0x3F10];
	v2 =	vadd.f32 v2, v4;
	v1 =	vadd.f32 v8, v1  }
0x31f: {  	v61 =	vld [tilespmem:s20+$0x3F20];
	v3 =	vadd.f32 v3, v5;
	v0 =	vadd.f32 v9, v0  }
0x320: {  	v62 =	vld [tilespmem:s20+$0x3F30];
	v2 =	vadd.f32 v10, v2;
	v1 =	vadd.f32 v21, v1  }
0x321: {  	v3 =	vadd.f32 v11, v3;
	v0 =	vadd.f32 v24, v0  }
0x322: {  	v2 =	vadd.f32 v27, v2;
	v1 =	vadd.f32 v59, v1  }
0x323: {  	v3 =	vadd.f32 v30, v3;
	v0 =	vadd.f32 v60, v0  }
0x324: {  	v2 =	vadd.f32 v61, v2;
	[tilespmem:$0x4300] =	vst v1  }
0x325: {  	v63 =	vadd.f32 v62, v3;
	[tilespmem:$0x4310] =	vst v0  }
0x326: {  	[tilespmem:$0x4320] =	vst v2  }
0x327: {  	s22 =	simm.s32 $0x4300;
	s15 =	simm.s32 $0x11;
	s21 =	rddreg [dreg:$0x2];
	[tilespmem:$0x4330] =	vst v63  }
0x328: {  	[hbm4b:s21+s4] =	stream.linear.scatter [tilespmem:s22], [sflag:$0x11], $0x80, $0x38;
	[tilespmem:$0x4380] =	vst v63  }
0x329: {  	_ =	swait.ge [sflag:s15], $0x80  }
0x32a: {  	s23 =	rddreg [dreg:$0x6]  }
0x32b: {  	s30 =	rddreg [dreg:$0x4];
	s14 =	sadd.s32 $0x1, s23  }
0x32c: {  	p0 =	sne.s32 s14, s30  }
.Ltmp2:
0x32d: {  	_ = 	snop;
	(pc) =	sbr.rel @p0 .LBB2_2-.Ltmp2, $3  }
0x32e: {  	_ =	sdelay $0x1  }
0x32f: {  	s28 =	simm.s32 $0xB00;
	s17 =	simm.s32 $0x700;
	[sflag:s15] =	ssyncset.done $0x0  }
0x330: {  	s18 =	simm.s32 $0xF00;
	s19 =	simm.s32 $0x1300;
	[sflag:s15] =	ssyncadd.s32 $0xFFFFFF80  }
.LBB2_5:
0x331: {  	_ =	sfence.sel $0x180000  }
0x332: {  	[bflag:$0x0] =	sbarrier.arrive $0xFFFF  }
0x333: {  	_ =	strace $0x90000047  }
0x334: {  	s0 =	stileid.u32;
	[bflag:$0x2] =	sbarrier.arrive $0xFFFF  }
0x335: {  	p0 =	sne.s32 s0, $0x0;
	s0 =	rddreg [dreg:$0x3]  }
0x336: {  	s0 =	sadd.s32 @!p0 $0x100000, s0  }
0x337: {  	[sflag:s0] =	ssyncadd.tile.s32 @!p0 $0x1;
	_ =	shalt  }
.Lfunc_end2:
_tile_overlayer_lowered:
.L_overlay_start_2:
0x338: {  	(tag) =	ssettag $0x2  }
0x339: {  	s0 =	rddreg [dreg:$0x0];
	s2 =	stileid.u32  }
0x33a: {  	s1 =	rddreg [dreg:$0x1];
	p0 =	sne.s32 s2, $0x0  }
0x33b: {  	s3 =	rddreg [dreg:$0x2];
	[bflag:$0x3] =	sbarrier.arrive $0xFFFF;
	s2 =	simm.s32 @!p0 $0x1C11  }
0x33c: {  	[timem:s3], [sflag:s2] =	dma.local @!p0 [hbm:s0], s1  }
0x33d: {  	s0 =	simm.s32 @!p0 $0x11  }
0x33e: {  	_ =	swait.ge @!p0 [sflag:s0], s1  }
0x33f: {  	s1 =	ssub.s32 @!p0 $0x0, s1;
	[sflag:s0] =	ssyncset.done @!p0 $0x0  }
0x340: {  	[sflag:s0] =	ssyncadd.s32 @!p0 s1  }
0x341: {  	[bflag:$0x3] =	sbarrier.arrive $0xFFFF  }
0x342: {  	_ =	shalt  }

</sc_bundles>
